<compile_context>
chip_gen: v7x
topology: tpu7x:2x2x1
jax: 0.10.2.dev20260603
libtpu: 0.0.44.dev20260713+nightly
codegen_flags: <defaults>
</compile_context>

<pallas_src>
import jax
import jax.numpy as jnp
from jax import lax
from jax.experimental import pallas as pl
from jax.experimental.pallas import tpu as pltpu
from jax.experimental.pallas import tpu_sc as plsc

NC = 2
NS = 16
L = 16
NW = NC * NS
N_BINS = 10
N_TOTAL = 64 * 1 * 512 * 512
PER_W = N_TOTAL // NW
CHUNK = 16384
N_CHUNKS = PER_W // CHUNK
UNROLL = 8


def _sc_body(t_hbm, o_hbm, edges_hbm, p1_hbm, p2_hbm, p3_hbm,
             buf_t0, buf_o0, buf_t1, buf_o1, edges_v, hist, cnt, esv,
             sem_t0, sem_o0, sem_t1, sem_o1):
    wid = lax.axis_index("s") * NC + lax.axis_index("c")
    base = wid * PER_W
    pltpu.sync_copy(edges_hbm, edges_v)
    zero = jnp.zeros((L,), jnp.float32)
    ones = jnp.full((L,), 1.0, jnp.float32)
    lane = lax.iota(jnp.int32, L)
    for r in range(L):
        hist[r, pl.ds(0, L)] = zero
        hist[r, pl.ds(L, L)] = zero
        cnt[r, pl.ds(0, L)] = zero
        cnt[r, pl.ds(L, L)] = zero

    bufs = ((buf_t0, buf_o0, sem_t0, sem_o0),
            (buf_t1, buf_o1, sem_t1, sem_o1))

    def start(ci, slot):
        bt, bo, st, so = bufs[slot]
        off = base + ci * CHUNK
        pltpu.async_copy(t_hbm.at[pl.ds(off, CHUNK)], bt, st)
        pltpu.async_copy(o_hbm.at[pl.ds(off, CHUNK)], bo, so)

    def wait(slot):
        bt, bo, st, so = bufs[slot]
        pltpu.make_async_copy(t_hbm.at[pl.ds(0, CHUNK)], bt, st).wait()
        pltpu.make_async_copy(o_hbm.at[pl.ds(0, CHUNK)], bo, so).wait()

    def process(slot, es0):
        bt, bo, _, _ = bufs[slot]

        def one(s, es, bank):
            t = bt[pl.ds(s, L)]
            o = bo[pl.ds(s, L)]
            d = t - o
            err = d * d
            es = es + err
            lo = jnp.zeros((L,), jnp.int32)
            for k in (8, 4, 2, 1):
                probe = lo + k
                e = plsc.load_gather(edges_v, [probe])
                lo = jnp.where(t > e, probe, lo)
            col = lo + bank if bank else lo
            plsc.addupdate_scatter(hist, [lane, col], err)
            plsc.addupdate_scatter(cnt, [lane, col], ones)
            return es

        def vec_body(s, es):
            ea, eb = es
            ea = one(s, ea, 0)
            eb = one(s + L, eb, L)
            return (ea, eb)

        return plsc.parallel_loop(0, CHUNK, step=2 * L, unroll=UNROLL,
                                  carry=es0)(vec_body)

    n_pairs = N_CHUNKS // 2
    start(0, 0)

    def pair_body(pi, es):
        ci0 = pi * 2
        start(ci0 + 1, 1)
        wait(0)
        es = process(0, es)

        @pl.when(pi < n_pairs - 1)
        def _():
            start(ci0 + 2, 0)

        wait(1)
        es = process(1, es)
        return es

    ea, eb = lax.fori_loop(0, n_pairs, pair_body, (zero, zero))
    esv[...] = ea + eb
    pltpu.sync_copy(hist, p1_hbm.at[pl.ds(wid * L, L)])
    pltpu.sync_copy(cnt, p2_hbm.at[pl.ds(wid * L, L)])
    pltpu.sync_copy(esv, p3_hbm.at[wid])


def _finalize_body(p1_ref, p2_ref, p3_ref, o_ref):
    s1 = jnp.sum(p1_ref[...], axis=0, keepdims=True)
    s2 = jnp.sum(p2_ref[...], axis=0, keepdims=True)
    sum_sq = s1[:, 0:L] + s1[:, L:2 * L]
    count = s2[:, 0:L] + s2[:, L:2 * L]
    safe = jnp.where(count > 0, count, 1.0)
    terms = sum_sq / (safe * safe)
    valid = (count > 0).astype(jnp.float32)
    n_valid = jnp.sum(valid)
    qmse = jnp.where(
        n_valid > 0,
        jnp.sum(jnp.where(count > 0, terms, 0.0)) / jnp.maximum(n_valid, 1.0),
        0.0,
    )
    mse = jnp.sum(p3_ref[...]) * (1.0 / N_TOTAL)
    o_ref[...] = jnp.full((1, 1), mse + qmse, jnp.float32)


def kernel(target, output, bin_edges):
    tf = target.reshape(-1)
    of = output.reshape(-1)
    table = jnp.concatenate([
        jnp.full((1,), -jnp.inf, jnp.float32),
        bin_edges[1:N_BINS].astype(jnp.float32),
        jnp.full((L - N_BINS,), jnp.inf, jnp.float32),
    ])

    mesh = plsc.VectorSubcoreMesh(
        core_axis_name="c", subcore_axis_name="s",
        num_cores=NC, num_subcores=NS)
    p1, p2, p3 = pl.kernel(
        _sc_body,
        out_type=[
            jax.ShapeDtypeStruct((NW * L, 2 * L), jnp.float32),
            jax.ShapeDtypeStruct((NW * L, 2 * L), jnp.float32),
            jax.ShapeDtypeStruct((NW, L), jnp.float32),
        ],
        mesh=mesh,
        compiler_params=pltpu.CompilerParams(needs_layout_passes=False),
        scratch_types=[
            pltpu.VMEM((CHUNK,), jnp.float32),
            pltpu.VMEM((CHUNK,), jnp.float32),
            pltpu.VMEM((CHUNK,), jnp.float32),
            pltpu.VMEM((CHUNK,), jnp.float32),
            pltpu.VMEM((L,), jnp.float32),
            pltpu.VMEM((L, 2 * L), jnp.float32),
            pltpu.VMEM((L, 2 * L), jnp.float32),
            pltpu.VMEM((L,), jnp.float32),
            pltpu.SemaphoreType.DMA,
            pltpu.SemaphoreType.DMA,
            pltpu.SemaphoreType.DMA,
            pltpu.SemaphoreType.DMA,
        ],
    )(tf, of, table)

    res = pl.pallas_call(
        _finalize_body,
        out_shape=jax.ShapeDtypeStruct((1, 1), jnp.float32),
    )(p1, p2, p3)
    return res[0, 0]

# --- scband reference (transcript-rebuilt; emitter-appended) ---
"""Pipeline reference for scband-quantised-mseloss-27728308863147 (READ-ONLY COPY).

The authoritative reference and input builder live on the scoring server;
editing this copy changes nothing except your own understanding.
"""

import jax, jax.numpy as jnp
import numpy as np

N_QUANTILES = 10
ALPHA = 1.0

def setup_inputs(seed: int = 0) -> dict:
    key = jax.random.key(seed)
    k1, k2 = jax.random.split(key)
    target = jax.random.normal(k1, (64, 1, 512, 512), dtype=jnp.float32)
    output = jax.random.normal(k2, (64, 1, 512, 512), dtype=jnp.float32)
    # bin_edges: quantiles of the (stand-in for zarr) target-variable distribution
    rng = np.random.default_rng(0)
    data = rng.standard_normal(1_000_000).astype(np.float32)
    bin_edges = jnp.asarray(np.quantile(data, np.linspace(0.0, 1.0, N_QUANTILES + 1)), dtype=jnp.float32)
    return {"target": target, "output": output, "bin_edges": bin_edges}

def reference(target, output, bin_edges):
    # ndim==4 path: reshape (B, C, H, W) -> (B, C, H*W)
    B, C = target.shape[0], target.shape[1]
    t3 = target.reshape(B, C, -1)
    o3 = output.reshape(output.shape[0], output.shape[1], -1)
    # standard MSE (ignore_nans=False path)
    mse_val = jnp.mean((t3 - o3) ** 2)
    # QMSE
    tf = t3.reshape(-1)
    of = o3.reshape(-1)
    # torch.bucketize(x, edges, right=False) == searchsorted side='left'
    bin_idx = jnp.searchsorted(bin_edges, tf, side='left') - 1
    bin_idx = jnp.clip(bin_idx, 0, N_QUANTILES - 1)
    err = (tf - of) ** 2
    sum_sq = jax.ops.segment_sum(err, bin_idx, num_segments=N_QUANTILES)
    cnt = jax.ops.segment_sum(jnp.ones_like(err), bin_idx, num_segments=N_QUANTILES)
    safe_cnt = jnp.where(cnt > 0, cnt, 1.0)
    mse_k = sum_sq / safe_cnt          # per-bin mean squared error
    terms = mse_k / safe_cnt           # weight_k = 1/freq_k
    valid = cnt > 0
    n_valid = jnp.sum(valid.astype(jnp.float32))
    qmse_val = jnp.where(
        n_valid > 0,
        jnp.sum(jnp.where(valid, terms, 0.0)) / jnp.maximum(n_valid, 1.0),
        0.0,
    )
    return mse_val + ALPHA * qmse_val

if __name__ == "__main__":
    import jax
    _d = setup_inputs()
    print(jax.jit(kernel)(*tuple(_d.values())))

</pallas_src>

<mosaic_0001>
#map = affine_map<(d0, d1) -> (0)>
#map1 = affine_map<(d0, d1) -> (0, 0)>
module attributes {stable_mosaic.version = 14 : i64} {
  func.func @_sc_body(%arg0: i32, %arg1: i32, %arg2: memref<16777216xf32, #tpu.memory_space<hbm>>, %arg3: memref<16777216xf32, #tpu.memory_space<hbm>>, %arg4: memref<16xf32, #tpu.memory_space<hbm>>, %arg5: memref<512x32xf32, #tpu.memory_space<hbm>>, %arg6: memref<512x32xf32, #tpu.memory_space<hbm>>, %arg7: memref<32x16xf32, #tpu.memory_space<hbm>>, %arg8: memref<16384xf32, #tpu.memory_space<vmem>>, %arg9: memref<16384xf32, #tpu.memory_space<vmem>>, %arg10: memref<16384xf32, #tpu.memory_space<vmem>>, %arg11: memref<16384xf32, #tpu.memory_space<vmem>>, %arg12: memref<16xf32, #tpu.memory_space<vmem>>, %arg13: memref<16x32xf32, #tpu.memory_space<vmem>>, %arg14: memref<16x32xf32, #tpu.memory_space<vmem>>, %arg15: memref<16xf32, #tpu.memory_space<vmem>>, %arg16: memref<!tpu.dma_semaphore, #tpu.memory_space<semaphore_mem>>, %arg17: memref<!tpu.dma_semaphore, #tpu.memory_space<semaphore_mem>>, %arg18: memref<!tpu.dma_semaphore, #tpu.memory_space<semaphore_mem>>, %arg19: memref<!tpu.dma_semaphore, #tpu.memory_space<semaphore_mem>>) attributes {dimension_semantics = [#tpu.dimension_semantics<core_parallel>, #tpu.dimension_semantics<subcore_parallel>], iteration_bounds = array<i64: 2, 16>, scalar_prefetch = 0 : i64, scratch_operands = 12 : i64, tpu.core_type = #tpu.core_type<sc_vector_subcore>, window_params = [{transform_indices = #map}, {transform_indices = #map}, {transform_indices = #map}, {transform_indices = #map1}, {transform_indices = #map1}, {transform_indices = #map1}]} {
    %mul3A = arith.constant 2 : i32
    %mul3A_0 = arith.muli %arg1, %mul3A : i32
    %add3A = arith.addi %mul3A_0, %arg0 : i32
    %mul3A_1 = arith.constant 524288 : i32
    %mul3A_2 = arith.muli %add3A, %mul3A_1 : i32
    "tpu.region"() ({
      %run_scoped3A = tpu.sem_alloc : memref<!tpu.dma_semaphore, #tpu.memory_space<semaphore_mem>>
      tpu.enqueue_dma source(%arg4 : memref<16xf32, #tpu.memory_space<hbm>>) target(%arg12 : memref<16xf32, #tpu.memory_space<vmem>>) target_semaphore(%run_scoped3A : memref<!tpu.dma_semaphore, #tpu.memory_space<semaphore_mem>>)
      tpu.wait_dma2 semaphore(%run_scoped3A : memref<!tpu.dma_semaphore, #tpu.memory_space<semaphore_mem>>) src(%arg4 : memref<16xf32, #tpu.memory_space<hbm>>) dst(%arg12 : memref<16xf32, #tpu.memory_space<vmem>>)
      tpu.yield
    }) : () -> ()
    %broadcast_in_dim3A = arith.constant 0.000000e+00 : f32
    %broadcast_in_dim3A_3 = vector.broadcast %broadcast_in_dim3A : f32 to vector<16xf32>
    %broadcast_in_dim3A_4 = arith.constant 1.000000e+00 : f32
    %broadcast_in_dim3A_5 = vector.broadcast %broadcast_in_dim3A_4 : f32 to vector<16xf32>
    %iota3A = tpu.iota {dimensions = array<i32: 0>} : vector<16xi32>
    %swap3A = arith.constant 0 : i32
    %swap3A_6 = arith.index_cast %swap3A : i32 to index
    %swap3A_7 = arith.constant 0 : index
    %swap3A_8 = tpu.vector_load %arg13[%swap3A_6, %swap3A_7] {strides = array<i32>} : memref<16x32xf32, #tpu.memory_space<vmem>>, vector<16xf32>,
    tpu.vector_store %arg13[%swap3A_6, %swap3A_7], %broadcast_in_dim3A_3 {strides = array<i32>} : memref<16x32xf32, #tpu.memory_space<vmem>>, vector<16xf32>,
    %swap3A_9 = arith.constant 0 : i32
    %swap3A_10 = arith.index_cast %swap3A_9 : i32 to index
    %swap3A_11 = arith.constant 16 : index
    %swap3A_12 = tpu.vector_load %arg13[%swap3A_10, %swap3A_11] {strides = array<i32>} : memref<16x32xf32, #tpu.memory_space<vmem>>, vector<16xf32>,
    tpu.vector_store %arg13[%swap3A_10, %swap3A_11], %broadcast_in_dim3A_3 {strides = array<i32>} : memref<16x32xf32, #tpu.memory_space<vmem>>, vector<16xf32>,
    %swap3A_13 = arith.constant 0 : i32
    %swap3A_14 = arith.index_cast %swap3A_13 : i32 to index
    %swap3A_15 = arith.constant 0 : index
    %swap3A_16 = tpu.vector_load %arg14[%swap3A_14, %swap3A_15] {strides = array<i32>} : memref<16x32xf32, #tpu.memory_space<vmem>>, vector<16xf32>,
    tpu.vector_store %arg14[%swap3A_14, %swap3A_15], %broadcast_in_dim3A_3 {strides = array<i32>} : memref<16x32xf32, #tpu.memory_space<vmem>>, vector<16xf32>,
    %swap3A_17 = arith.constant 0 : i32
    %swap3A_18 = arith.index_cast %swap3A_17 : i32 to index
    %swap3A_19 = arith.constant 16 : index
    %swap3A_20 = tpu.vector_load %arg14[%swap3A_18, %swap3A_19] {strides = array<i32>} : memref<16x32xf32, #tpu.memory_space<vmem>>, vector<16xf32>,
    tpu.vector_store %arg14[%swap3A_18, %swap3A_19], %broadcast_in_dim3A_3 {strides = array<i32>} : memref<16x32xf32, #tpu.memory_space<vmem>>, vector<16xf32>,
    %swap3A_21 = arith.constant 1 : i32
    %swap3A_22 = arith.index_cast %swap3A_21 : i32 to index
    %swap3A_23 = arith.constant 0 : index
    %swap3A_24 = tpu.vector_load %arg13[%swap3A_22, %swap3A_23] {strides = array<i32>} : memref<16x32xf32, #tpu.memory_space<vmem>>, vector<16xf32>,
    tpu.vector_store %arg13[%swap3A_22, %swap3A_23], %broadcast_in_dim3A_3 {strides = array<i32>} : memref<16x32xf32, #tpu.memory_space<vmem>>, vector<16xf32>,
    %swap3A_25 = arith.constant 1 : i32
    %swap3A_26 = arith.index_cast %swap3A_25 : i32 to index
    %swap3A_27 = arith.constant 16 : index
    %swap3A_28 = tpu.vector_load %arg13[%swap3A_26, %swap3A_27] {strides = array<i32>} : memref<16x32xf32, #tpu.memory_space<vmem>>, vector<16xf32>,
    tpu.vector_store %arg13[%swap3A_26, %swap3A_27], %broadcast_in_dim3A_3 {strides = array<i32>} : memref<16x32xf32, #tpu.memory_space<vmem>>, vector<16xf32>,
    %swap3A_29 = arith.constant 1 : i32
    %swap3A_30 = arith.index_cast %swap3A_29 : i32 to index
    %swap3A_31 = arith.constant 0 : index
    %swap3A_32 = tpu.vector_load %arg14[%swap3A_30, %swap3A_31] {strides = array<i32>} : memref<16x32xf32, #tpu.memory_space<vmem>>, vector<16xf32>,
    tpu.vector_store %arg14[%swap3A_30, %swap3A_31], %broadcast_in_dim3A_3 {strides = array<i32>} : memref<16x32xf32, #tpu.memory_space<vmem>>, vector<16xf32>,
    %swap3A_33 = arith.constant 1 : i32
    %swap3A_34 = arith.index_cast %swap3A_33 : i32 to index
    %swap3A_35 = arith.constant 16 : index
    %swap3A_36 = tpu.vector_load %arg14[%swap3A_34, %swap3A_35] {strides = array<i32>} : memref<16x32xf32, #tpu.memory_space<vmem>>, vector<16xf32>,
    tpu.vector_store %arg14[%swap3A_34, %swap3A_35], %broadcast_in_dim3A_3 {strides = array<i32>} : memref<16x32xf32, #tpu.memory_space<vmem>>, vector<16xf32>,
    %swap3A_37 = arith.constant 2 : i32
    %swap3A_38 = arith.index_cast %swap3A_37 : i32 to index
    %swap3A_39 = arith.constant 0 : index
    %swap3A_40 = tpu.vector_load %arg13[%swap3A_38, %swap3A_39] {strides = array<i32>} : memref<16x32xf32, #tpu.memory_space<vmem>>, vector<16xf32>,
    tpu.vector_store %arg13[%swap3A_38, %swap3A_39], %broadcast_in_dim3A_3 {strides = array<i32>} : memref<16x32xf32, #tpu.memory_space<vmem>>, vector<16xf32>,
    %swap3A_41 = arith.constant 2 : i32
    %swap3A_42 = arith.index_cast %swap3A_41 : i32 to index
    %swap3A_43 = arith.constant 16 : index
    %swap3A_44 = tpu.vector_load %arg13[%swap3A_42, %swap3A_43] {strides = array<i32>} : memref<16x32xf32, #tpu.memory_space<vmem>>, vector<16xf32>,
    tpu.vector_store %arg13[%swap3A_42, %swap3A_43], %broadcast_in_dim3A_3 {strides = array<i32>} : memref<16x32xf32, #tpu.memory_space<vmem>>, vector<16xf32>,
    %swap3A_45 = arith.constant 2 : i32
    %swap3A_46 = arith.index_cast %swap3A_45 : i32 to index
    %swap3A_47 = arith.constant 0 : index
    %swap3A_48 = tpu.vector_load %arg14[%swap3A_46, %swap3A_47] {strides = array<i32>} : memref<16x32xf32, #tpu.memory_space<vmem>>, vector<16xf32>,
    tpu.vector_store %arg14[%swap3A_46, %swap3A_47], %broadcast_in_dim3A_3 {strides = array<i32>} : memref<16x32xf32, #tpu.memory_space<vmem>>, vector<16xf32>,
    %swap3A_49 = arith.constant 2 : i32
    %swap3A_50 = arith.index_cast %swap3A_49 : i32 to index
    %swap3A_51 = arith.constant 16 : index
    %swap3A_52 = tpu.vector_load %arg14[%swap3A_50, %swap3A_51] {strides = array<i32>} : memref<16x32xf32, #tpu.memory_space<vmem>>, vector<16xf32>,
    tpu.vector_store %arg14[%swap3A_50, %swap3A_51], %broadcast_in_dim3A_3 {strides = array<i32>} : memref<16x32xf32, #tpu.memory_space<vmem>>, vector<16xf32>,
    %swap3A_53 = arith.constant 3 : i32
    %swap3A_54 = arith.index_cast %swap3A_53 : i32 to index
    %swap3A_55 = arith.constant 0 : index
    %swap3A_56 = tpu.vector_load %arg13[%swap3A_54, %swap3A_55] {strides = array<i32>} : memref<16x32xf32, #tpu.memory_space<vmem>>, vector<16xf32>,
    tpu.vector_store %arg13[%swap3A_54, %swap3A_55], %broadcast_in_dim3A_3 {strides = array<i32>} : memref<16x32xf32, #tpu.memory_space<vmem>>, vector<16xf32>,
    %swap3A_57 = arith.constant 3 : i32
    %swap3A_58 = arith.index_cast %swap3A_57 : i32 to index
    %swap3A_59 = arith.constant 16 : index
    %swap3A_60 = tpu.vector_load %arg13[%swap3A_58, %swap3A_59] {strides = array<i32>} : memref<16x32xf32, #tpu.memory_space<vmem>>, vector<16xf32>,
    tpu.vector_store %arg13[%swap3A_58, %swap3A_59], %broadcast_in_dim3A_3 {strides = array<i32>} : memref<16x32xf32, #tpu.memory_space<vmem>>, vector<16xf32>,
    %swap3A_61 = arith.constant 3 : i32
    %swap3A_62 = arith.index_cast %swap3A_61 : i32 to index
    %swap3A_63 = arith.constant 0 : index
    %swap3A_64 = tpu.vector_load %arg14[%swap3A_62, %swap3A_63] {strides = array<i32>} : memref<16x32xf32, #tpu.memory_space<vmem>>, vector<16xf32>,
    tpu.vector_store %arg14[%swap3A_62, %swap3A_63], %broadcast_in_dim3A_3 {strides = array<i32>} : memref<16x32xf32, #tpu.memory_space<vmem>>, vector<16xf32>,
    %swap3A_65 = arith.constant 3 : i32
    %swap3A_66 = arith.index_cast %swap3A_65 : i32 to index
    %swap3A_67 = arith.constant 16 : index
    %swap3A_68 = tpu.vector_load %arg14[%swap3A_66, %swap3A_67] {strides = array<i32>} : memref<16x32xf32, #tpu.memory_space<vmem>>, vector<16xf32>,
    tpu.vector_store %arg14[%swap3A_66, %swap3A_67], %broadcast_in_dim3A_3 {strides = array<i32>} : memref<16x32xf32, #tpu.memory_space<vmem>>, vector<16xf32>,
    %swap3A_69 = arith.constant 4 : i32
    %swap3A_70 = arith.index_cast %swap3A_69 : i32 to index
    %swap3A_71 = arith.constant 0 : index
    %swap3A_72 = tpu.vector_load %arg13[%swap3A_70, %swap3A_71] {strides = array<i32>} : memref<16x32xf32, #tpu.memory_space<vmem>>, vector<16xf32>,
    tpu.vector_store %arg13[%swap3A_70, %swap3A_71], %broadcast_in_dim3A_3 {strides = array<i32>} : memref<16x32xf32, #tpu.memory_space<vmem>>, vector<16xf32>,
    %swap3A_73 = arith.constant 4 : i32
    %swap3A_74 = arith.index_cast %swap3A_73 : i32 to index
    %swap3A_75 = arith.constant 16 : index
    %swap3A_76 = tpu.vector_load %arg13[%swap3A_74, %swap3A_75] {strides = array<i32>} : memref<16x32xf32, #tpu.memory_space<vmem>>, vector<16xf32>,
    tpu.vector_store %arg13[%swap3A_74, %swap3A_75], %broadcast_in_dim3A_3 {strides = array<i32>} : memref<16x32xf32, #tpu.memory_space<vmem>>, vector<16xf32>,
    %swap3A_77 = arith.constant 4 : i32
    %swap3A_78 = arith.index_cast %swap3A_77 : i32 to index
    %swap3A_79 = arith.constant 0 : index
    %swap3A_80 = tpu.vector_load %arg14[%swap3A_78, %swap3A_79] {strides = array<i32>} : memref<16x32xf32, #tpu.memory_space<vmem>>, vector<16xf32>,
    tpu.vector_store %arg14[%swap3A_78, %swap3A_79], %broadcast_in_dim3A_3 {strides = array<i32>} : memref<16x32xf32, #tpu.memory_space<vmem>>, vector<16xf32>,
    %swap3A_81 = arith.constant 4 : i32
    %swap3A_82 = arith.index_cast %swap3A_81 : i32 to index
    %swap3A_83 = arith.constant 16 : index
    %swap3A_84 = tpu.vector_load %arg14[%swap3A_82, %swap3A_83] {strides = array<i32>} : memref<16x32xf32, #tpu.memory_space<vmem>>, vector<16xf32>,
    tpu.vector_store %arg14[%swap3A_82, %swap3A_83], %broadcast_in_dim3A_3 {strides = array<i32>} : memref<16x32xf32, #tpu.memory_space<vmem>>, vector<16xf32>,
    %swap3A_85 = arith.constant 5 : i32
    %swap3A_86 = arith.index_cast %swap3A_85 : i32 to index
    %swap3A_87 = arith.constant 0 : index
    %swap3A_88 = tpu.vector_load %arg13[%swap3A_86, %swap3A_87] {strides = array<i32>} : memref<16x32xf32, #tpu.memory_space<vmem>>, vector<16xf32>,
    tpu.vector_store %arg13[%swap3A_86, %swap3A_87], %broadcast_in_dim3A_3 {strides = array<i32>} : memref<16x32xf32, #tpu.memory_space<vmem>>, vector<16xf32>,
    %swap3A_89 = arith.constant 5 : i32
    %swap3A_90 = arith.index_cast %swap3A_89 : i32 to index
    %swap3A_91 = arith.constant 16 : index
    %swap3A_92 = tpu.vector_load %arg13[%swap3A_90, %swap3A_91] {strides = array<i32>} : memref<16x32xf32, #tpu.memory_space<vmem>>, vector<16xf32>,
    tpu.vector_store %arg13[%swap3A_90, %swap3A_91], %broadcast_in_dim3A_3 {strides = array<i32>} : memref<16x32xf32, #tpu.memory_space<vmem>>, vector<16xf32>,
    %swap3A_93 = arith.constant 5 : i32
    %swap3A_94 = arith.index_cast %swap3A_93 : i32 to index
    %swap3A_95 = arith.constant 0 : index
    %swap3A_96 = tpu.vector_load %arg14[%swap3A_94, %swap3A_95] {strides = array<i32>} : memref<16x32xf32, #tpu.memory_space<vmem>>, vector<16xf32>,
    tpu.vector_store %arg14[%swap3A_94, %swap3A_95], %broadcast_in_dim3A_3 {strides = array<i32>} : memref<16x32xf32, #tpu.memory_space<vmem>>, vector<16xf32>,
    %swap3A_97 = arith.constant 5 : i32
    %swap3A_98 = arith.index_cast %swap3A_97 : i32 to index
    %swap3A_99 = arith.constant 16 : index
    %swap3A_100 = tpu.vector_load %arg14[%swap3A_98, %swap3A_99] {strides = array<i32>} : memref<16x32xf32, #tpu.memory_space<vmem>>, vector<16xf32>,
    tpu.vector_store %arg14[%swap3A_98, %swap3A_99], %broadcast_in_dim3A_3 {strides = array<i32>} : memref<16x32xf32, #tpu.memory_space<vmem>>, vector<16xf32>,
    %swap3A_101 = arith.constant 6 : i32
    %swap3A_102 = arith.index_cast %swap3A_101 : i32 to index
    %swap3A_103 = arith.constant 0 : index
    %swap3A_104 = tpu.vector_load %arg13[%swap3A_102, %swap3A_103] {strides = array<i32>} : memref<16x32xf32, #tpu.memory_space<vmem>>, vector<16xf32>,
    tpu.vector_store %arg13[%swap3A_102, %swap3A_103], %broadcast_in_dim3A_3 {strides = array<i32>} : memref<16x32xf32, #tpu.memory_space<vmem>>, vector<16xf32>,
    %swap3A_105 = arith.constant 6 : i32
    %swap3A_106 = arith.index_cast %swap3A_105 : i32 to index
    %swap3A_107 = arith.constant 16 : index
    %swap3A_108 = tpu.vector_load %arg13[%swap3A_106, %swap3A_107] {strides = array<i32>} : memref<16x32xf32, #tpu.memory_space<vmem>>, vector<16xf32>,
    tpu.vector_store %arg13[%swap3A_106, %swap3A_107], %broadcast_in_dim3A_3 {strides = array<i32>} : memref<16x32xf32, #tpu.memory_space<vmem>>, vector<16xf32>,
    %swap3A_109 = arith.constant 6 : i32
    %swap3A_110 = arith.index_cast %swap3A_109 : i32 to index
    %swap3A_111 = arith.constant 0 : index
    %swap3A_112 = tpu.vector_load %arg14[%swap3A_110, %swap3A_111] {strides = array<i32>} : memref<16x32xf32, #tpu.memory_space<vmem>>, vector<16xf32>,
    tpu.vector_store %arg14[%swap3A_110, %swap3A_111], %broadcast_in_dim3A_3 {strides = array<i32>} : memref<16x32xf32, #tpu.memory_space<vmem>>, vector<16xf32>,
    %swap3A_113 = arith.constant 6 : i32
    %swap3A_114 = arith.index_cast %swap3A_113 : i32 to index
    %swap3A_115 = arith.constant 16 : index
    %swap3A_116 = tpu.vector_load %arg14[%swap3A_114, %swap3A_115] {strides = array<i32>} : memref<16x32xf32, #tpu.memory_space<vmem>>, vector<16xf32>,
    tpu.vector_store %arg14[%swap3A_114, %swap3A_115], %broadcast_in_dim3A_3 {strides = array<i32>} : memref<16x32xf32, #tpu.memory_space<vmem>>, vector<16xf32>,
    %swap3A_117 = arith.constant 7 : i32
    %swap3A_118 = arith.index_cast %swap3A_117 : i32 to index
    %swap3A_119 = arith.constant 0 : index
    %swap3A_120 = tpu.vector_load %arg13[%swap3A_118, %swap3A_119] {strides = array<i32>} : memref<16x32xf32, #tpu.memory_space<vmem>>, vector<16xf32>,
    tpu.vector_store %arg13[%swap3A_118, %swap3A_119], %broadcast_in_dim3A_3 {strides = array<i32>} : memref<16x32xf32, #tpu.memory_space<vmem>>, vector<16xf32>,
    %swap3A_121 = arith.constant 7 : i32
    %swap3A_122 = arith.index_cast %swap3A_121 : i32 to index
    %swap3A_123 = arith.constant 16 : index
    %swap3A_124 = tpu.vector_load %arg13[%swap3A_122, %swap3A_123] {strides = array<i32>} : memref<16x32xf32, #tpu.memory_space<vmem>>, vector<16xf32>,
    tpu.vector_store %arg13[%swap3A_122, %swap3A_123], %broadcast_in_dim3A_3 {strides = array<i32>} : memref<16x32xf32, #tpu.memory_space<vmem>>, vector<16xf32>,
    %swap3A_125 = arith.constant 7 : i32
    %swap3A_126 = arith.index_cast %swap3A_125 : i32 to index
    %swap3A_127 = arith.constant 0 : index
    %swap3A_128 = tpu.vector_load %arg14[%swap3A_126, %swap3A_127] {strides = array<i32>} : memref<16x32xf32, #tpu.memory_space<vmem>>, vector<16xf32>,
    tpu.vector_store %arg14[%swap3A_126, %swap3A_127], %broadcast_in_dim3A_3 {strides = array<i32>} : memref<16x32xf32, #tpu.memory_space<vmem>>, vector<16xf32>,
    %swap3A_129 = arith.constant 7 : i32
    %swap3A_130 = arith.index_cast %swap3A_129 : i32 to index
    %swap3A_131 = arith.constant 16 : index
    %swap3A_132 = tpu.vector_load %arg14[%swap3A_130, %swap3A_131] {strides = array<i32>} : memref<16x32xf32, #tpu.memory_space<vmem>>, vector<16xf32>,
    tpu.vector_store %arg14[%swap3A_130, %swap3A_131], %broadcast_in_dim3A_3 {strides = array<i32>} : memref<16x32xf32, #tpu.memory_space<vmem>>, vector<16xf32>,
    %swap3A_133 = arith.constant 8 : i32
    %swap3A_134 = arith.index_cast %swap3A_133 : i32 to index
    %swap3A_135 = arith.constant 0 : index
    %swap3A_136 = tpu.vector_load %arg13[%swap3A_134, %swap3A_135] {strides = array<i32>} : memref<16x32xf32, #tpu.memory_space<vmem>>, vector<16xf32>,
    tpu.vector_store %arg13[%swap3A_134, %swap3A_135], %broadcast_in_dim3A_3 {strides = array<i32>} : memref<16x32xf32, #tpu.memory_space<vmem>>, vector<16xf32>,
    %swap3A_137 = arith.constant 8 : i32
    %swap3A_138 = arith.index_cast %swap3A_137 : i32 to index
    %swap3A_139 = arith.constant 16 : index
    %swap3A_140 = tpu.vector_load %arg13[%swap3A_138, %swap3A_139] {strides = array<i32>} : memref<16x32xf32, #tpu.memory_space<vmem>>, vector<16xf32>,
    tpu.vector_store %arg13[%swap3A_138, %swap3A_139], %broadcast_in_dim3A_3 {strides = array<i32>} : memref<16x32xf32, #tpu.memory_space<vmem>>, vector<16xf32>,
    %swap3A_141 = arith.constant 8 : i32
    %swap3A_142 = arith.index_cast %swap3A_141 : i32 to index
    %swap3A_143 = arith.constant 0 : index
    %swap3A_144 = tpu.vector_load %arg14[%swap3A_142, %swap3A_143] {strides = array<i32>} : memref<16x32xf32, #tpu.memory_space<vmem>>, vector<16xf32>,
    tpu.vector_store %arg14[%swap3A_142, %swap3A_143], %broadcast_in_dim3A_3 {strides = array<i32>} : memref<16x32xf32, #tpu.memory_space<vmem>>, vector<16xf32>,
    %swap3A_145 = arith.constant 8 : i32
    %swap3A_146 = arith.index_cast %swap3A_145 : i32 to index
    %swap3A_147 = arith.constant 16 : index
    %swap3A_148 = tpu.vector_load %arg14[%swap3A_146, %swap3A_147] {strides = array<i32>} : memref<16x32xf32, #tpu.memory_space<vmem>>, vector<16xf32>,
    tpu.vector_store %arg14[%swap3A_146, %swap3A_147], %broadcast_in_dim3A_3 {strides = array<i32>} : memref<16x32xf32, #tpu.memory_space<vmem>>, vector<16xf32>,
    %swap3A_149 = arith.constant 9 : i32
    %swap3A_150 = arith.index_cast %swap3A_149 : i32 to index
    %swap3A_151 = arith.constant 0 : index
    %swap3A_152 = tpu.vector_load %arg13[%swap3A_150, %swap3A_151] {strides = array<i32>} : memref<16x32xf32, #tpu.memory_space<vmem>>, vector<16xf32>,
    tpu.vector_store %arg13[%swap3A_150, %swap3A_151], %broadcast_in_dim3A_3 {strides = array<i32>} : memref<16x32xf32, #tpu.memory_space<vmem>>, vector<16xf32>,
    %swap3A_153 = arith.constant 9 : i32
    %swap3A_154 = arith.index_cast %swap3A_153 : i32 to index
    %swap3A_155 = arith.constant 16 : index
    %swap3A_156 = tpu.vector_load %arg13[%swap3A_154, %swap3A_155] {strides = array<i32>} : memref<16x32xf32, #tpu.memory_space<vmem>>, vector<16xf32>,
    tpu.vector_store %arg13[%swap3A_154, %swap3A_155], %broadcast_in_dim3A_3 {strides = array<i32>} : memref<16x32xf32, #tpu.memory_space<vmem>>, vector<16xf32>,
    %swap3A_157 = arith.constant 9 : i32
    %swap3A_158 = arith.index_cast %swap3A_157 : i32 to index
    %swap3A_159 = arith.constant 0 : index
    %swap3A_160 = tpu.vector_load %arg14[%swap3A_158, %swap3A_159] {strides = array<i32>} : memref<16x32xf32, #tpu.memory_space<vmem>>, vector<16xf32>,
    tpu.vector_store %arg14[%swap3A_158, %swap3A_159], %broadcast_in_dim3A_3 {strides = array<i32>} : memref<16x32xf32, #tpu.memory_space<vmem>>, vector<16xf32>,
    %swap3A_161 = arith.constant 9 : i32
    %swap3A_162 = arith.index_cast %swap3A_161 : i32 to index
    %swap3A_163 = arith.constant 16 : index
    %swap3A_164 = tpu.vector_load %arg14[%swap3A_162, %swap3A_163] {strides = array<i32>} : memref<16x32xf32, #tpu.memory_space<vmem>>, vector<16xf32>,
    tpu.vector_store %arg14[%swap3A_162, %swap3A_163], %broadcast_in_dim3A_3 {strides = array<i32>} : memref<16x32xf32, #tpu.memory_space<vmem>>, vector<16xf32>,
    %swap3A_165 = arith.constant 10 : i32
    %swap3A_166 = arith.index_cast %swap3A_165 : i32 to index
    %swap3A_167 = arith.constant 0 : index
    %swap3A_168 = tpu.vector_load %arg13[%swap3A_166, %swap3A_167] {strides = array<i32>} : memref<16x32xf32, #tpu.memory_space<vmem>>, vector<16xf32>,
    tpu.vector_store %arg13[%swap3A_166, %swap3A_167], %broadcast_in_dim3A_3 {strides = array<i32>} : memref<16x32xf32, #tpu.memory_space<vmem>>, vector<16xf32>,
    %swap3A_169 = arith.constant 10 : i32
    %swap3A_170 = arith.index_cast %swap3A_169 : i32 to index
    %swap3A_171 = arith.constant 16 : index
    %swap3A_172 = tpu.vector_load %arg13[%swap3A_170, %swap3A_171] {strides = array<i32>} : memref<16x32xf32, #tpu.memory_space<vmem>>, vector<16xf32>,
    tpu.vector_store %arg13[%swap3A_170, %swap3A_171], %broadcast_in_dim3A_3 {strides = array<i32>} : memref<16x32xf32, #tpu.memory_space<vmem>>, vector<16xf32>,
    %swap3A_173 = arith.constant 10 : i32
    %swap3A_174 = arith.index_cast %swap3A_173 : i32 to index
    %swap3A_175 = arith.constant 0 : index
    %swap3A_176 = tpu.vector_load %arg14[%swap3A_174, %swap3A_175] {strides = array<i32>} : memref<16x32xf32, #tpu.memory_space<vmem>>, vector<16xf32>,
    tpu.vector_store %arg14[%swap3A_174, %swap3A_175], %broadcast_in_dim3A_3 {strides = array<i32>} : memref<16x32xf32, #tpu.memory_space<vmem>>, vector<16xf32>,
    %swap3A_177 = arith.constant 10 : i32
    %swap3A_178 = arith.index_cast %swap3A_177 : i32 to index
    %swap3A_179 = arith.constant 16 : index
    %swap3A_180 = tpu.vector_load %arg14[%swap3A_178, %swap3A_179] {strides = array<i32>} : memref<16x32xf32, #tpu.memory_space<vmem>>, vector<16xf32>,
    tpu.vector_store %arg14[%swap3A_178, %swap3A_179], %broadcast_in_dim3A_3 {strides = array<i32>} : memref<16x32xf32, #tpu.memory_space<vmem>>, vector<16xf32>,
    %swap3A_181 = arith.constant 11 : i32
    %swap3A_182 = arith.index_cast %swap3A_181 : i32 to index
    %swap3A_183 = arith.constant 0 : index
    %swap3A_184 = tpu.vector_load %arg13[%swap3A_182, %swap3A_183] {strides = array<i32>} : memref<16x32xf32, #tpu.memory_space<vmem>>, vector<16xf32>,
    tpu.vector_store %arg13[%swap3A_182, %swap3A_183], %broadcast_in_dim3A_3 {strides = array<i32>} : memref<16x32xf32, #tpu.memory_space<vmem>>, vector<16xf32>,
    %swap3A_185 = arith.constant 11 : i32
    %swap3A_186 = arith.index_cast %swap3A_185 : i32 to index
    %swap3A_187 = arith.constant 16 : index
    %swap3A_188 = tpu.vector_load %arg13[%swap3A_186, %swap3A_187] {strides = array<i32>} : memref<16x32xf32, #tpu.memory_space<vmem>>, vector<16xf32>,
    tpu.vector_store %arg13[%swap3A_186, %swap3A_187], %broadcast_in_dim3A_3 {strides = array<i32>} : memref<16x32xf32, #tpu.memory_space<vmem>>, vector<16xf32>,
    %swap3A_189 = arith.constant 11 : i32
    %swap3A_190 = arith.index_cast %swap3A_189 : i32 to index
    %swap3A_191 = arith.constant 0 : index
    %swap3A_192 = tpu.vector_load %arg14[%swap3A_190, %swap3A_191] {strides = array<i32>} : memref<16x32xf32, #tpu.memory_space<vmem>>, vector<16xf32>,
    tpu.vector_store %arg14[%swap3A_190, %swap3A_191], %broadcast_in_dim3A_3 {strides = array<i32>} : memref<16x32xf32, #tpu.memory_space<vmem>>, vector<16xf32>,
    %swap3A_193 = arith.constant 11 : i32
    %swap3A_194 = arith.index_cast %swap3A_193 : i32 to index
    %swap3A_195 = arith.constant 16 : index
    %swap3A_196 = tpu.vector_load %arg14[%swap3A_194, %swap3A_195] {strides = array<i32>} : memref<16x32xf32, #tpu.memory_space<vmem>>, vector<16xf32>,
    tpu.vector_store %arg14[%swap3A_194, %swap3A_195], %broadcast_in_dim3A_3 {strides = array<i32>} : memref<16x32xf32, #tpu.memory_space<vmem>>, vector<16xf32>,
    %swap3A_197 = arith.constant 12 : i32
    %swap3A_198 = arith.index_cast %swap3A_197 : i32 to index
    %swap3A_199 = arith.constant 0 : index
    %swap3A_200 = tpu.vector_load %arg13[%swap3A_198, %swap3A_199] {strides = array<i32>} : memref<16x32xf32, #tpu.memory_space<vmem>>, vector<16xf32>,
    tpu.vector_store %arg13[%swap3A_198, %swap3A_199], %broadcast_in_dim3A_3 {strides = array<i32>} : memref<16x32xf32, #tpu.memory_space<vmem>>, vector<16xf32>,
    %swap3A_201 = arith.constant 12 : i32
    %swap3A_202 = arith.index_cast %swap3A_201 : i32 to index
    %swap3A_203 = arith.constant 16 : index
    %swap3A_204 = tpu.vector_load %arg13[%swap3A_202, %swap3A_203] {strides = array<i32>} : memref<16x32xf32, #tpu.memory_space<vmem>>, vector<16xf32>,
    tpu.vector_store %arg13[%swap3A_202, %swap3A_203], %broadcast_in_dim3A_3 {strides = array<i32>} : memref<16x32xf32, #tpu.memory_space<vmem>>, vector<16xf32>,
    %swap3A_205 = arith.constant 12 : i32
    %swap3A_206 = arith.index_cast %swap3A_205 : i32 to index
    %swap3A_207 = arith.constant 0 : index
    %swap3A_208 = tpu.vector_load %arg14[%swap3A_206, %swap3A_207] {strides = array<i32>} : memref<16x32xf32, #tpu.memory_space<vmem>>, vector<16xf32>,
    tpu.vector_store %arg14[%swap3A_206, %swap3A_207], %broadcast_in_dim3A_3 {strides = array<i32>} : memref<16x32xf32, #tpu.memory_space<vmem>>, vector<16xf32>,
    %swap3A_209 = arith.constant 12 : i32
    %swap3A_210 = arith.index_cast %swap3A_209 : i32 to index
    %swap3A_211 = arith.constant 16 : index
    %swap3A_212 = tpu.vector_load %arg14[%swap3A_210, %swap3A_211] {strides = array<i32>} : memref<16x32xf32, #tpu.memory_space<vmem>>, vector<16xf32>,
    tpu.vector_store %arg14[%swap3A_210, %swap3A_211], %broadcast_in_dim3A_3 {strides = array<i32>} : memref<16x32xf32, #tpu.memory_space<vmem>>, vector<16xf32>,
    %swap3A_213 = arith.constant 13 : i32
    %swap3A_214 = arith.index_cast %swap3A_213 : i32 to index
    %swap3A_215 = arith.constant 0 : index
    %swap3A_216 = tpu.vector_load %arg13[%swap3A_214, %swap3A_215] {strides = array<i32>} : memref<16x32xf32, #tpu.memory_space<vmem>>, vector<16xf32>,
    tpu.vector_store %arg13[%swap3A_214, %swap3A_215], %broadcast_in_dim3A_3 {strides = array<i32>} : memref<16x32xf32, #tpu.memory_space<vmem>>, vector<16xf32>,
    %swap3A_217 = arith.constant 13 : i32
    %swap3A_218 = arith.index_cast %swap3A_217 : i32 to index
    %swap3A_219 = arith.constant 16 : index
    %swap3A_220 = tpu.vector_load %arg13[%swap3A_218, %swap3A_219] {strides = array<i32>} : memref<16x32xf32, #tpu.memory_space<vmem>>, vector<16xf32>,
    tpu.vector_store %arg13[%swap3A_218, %swap3A_219], %broadcast_in_dim3A_3 {strides = array<i32>} : memref<16x32xf32, #tpu.memory_space<vmem>>, vector<16xf32>,
    %swap3A_221 = arith.constant 13 : i32
    %swap3A_222 = arith.index_cast %swap3A_221 : i32 to index
    %swap3A_223 = arith.constant 0 : index
    %swap3A_224 = tpu.vector_load %arg14[%swap3A_222, %swap3A_223] {strides = array<i32>} : memref<16x32xf32, #tpu.memory_space<vmem>>, vector<16xf32>,
    tpu.vector_store %arg14[%swap3A_222, %swap3A_223], %broadcast_in_dim3A_3 {strides = array<i32>} : memref<16x32xf32, #tpu.memory_space<vmem>>, vector<16xf32>,
    %swap3A_225 = arith.constant 13 : i32
    %swap3A_226 = arith.index_cast %swap3A_225 : i32 to index
    %swap3A_227 = arith.constant 16 : index
    %swap3A_228 = tpu.vector_load %arg14[%swap3A_226, %swap3A_227] {strides = array<i32>} : memref<16x32xf32, #tpu.memory_space<vmem>>, vector<16xf32>,
    tpu.vector_store %arg14[%swap3A_226, %swap3A_227], %broadcast_in_dim3A_3 {strides = array<i32>} : memref<16x32xf32, #tpu.memory_space<vmem>>, vector<16xf32>,
    %swap3A_229 = arith.constant 14 : i32
    %swap3A_230 = arith.index_cast %swap3A_229 : i32 to index
    %swap3A_231 = arith.constant 0 : index
    %swap3A_232 = tpu.vector_load %arg13[%swap3A_230, %swap3A_231] {strides = array<i32>} : memref<16x32xf32, #tpu.memory_space<vmem>>, vector<16xf32>,
    tpu.vector_store %arg13[%swap3A_230, %swap3A_231], %broadcast_in_dim3A_3 {strides = array<i32>} : memref<16x32xf32, #tpu.memory_space<vmem>>, vector<16xf32>,
    %swap3A_233 = arith.constant 14 : i32
    %swap3A_234 = arith.index_cast %swap3A_233 : i32 to index
    %swap3A_235 = arith.constant 16 : index
    %swap3A_236 = tpu.vector_load %arg13[%swap3A_234, %swap3A_235] {strides = array<i32>} : memref<16x32xf32, #tpu.memory_space<vmem>>, vector<16xf32>,
    tpu.vector_store %arg13[%swap3A_234, %swap3A_235], %broadcast_in_dim3A_3 {strides = array<i32>} : memref<16x32xf32, #tpu.memory_space<vmem>>, vector<16xf32>,
    %swap3A_237 = arith.constant 14 : i32
    %swap3A_238 = arith.index_cast %swap3A_237 : i32 to index
    %swap3A_239 = arith.constant 0 : index
    %swap3A_240 = tpu.vector_load %arg14[%swap3A_238, %swap3A_239] {strides = array<i32>} : memref<16x32xf32, #tpu.memory_space<vmem>>, vector<16xf32>,
    tpu.vector_store %arg14[%swap3A_238, %swap3A_239], %broadcast_in_dim3A_3 {strides = array<i32>} : memref<16x32xf32, #tpu.memory_space<vmem>>, vector<16xf32>,
    %swap3A_241 = arith.constant 14 : i32
    %swap3A_242 = arith.index_cast %swap3A_241 : i32 to index
    %swap3A_243 = arith.constant 16 : index
    %swap3A_244 = tpu.vector_load %arg14[%swap3A_242, %swap3A_243] {strides = array<i32>} : memref<16x32xf32, #tpu.memory_space<vmem>>, vector<16xf32>,
    tpu.vector_store %arg14[%swap3A_242, %swap3A_243], %broadcast_in_dim3A_3 {strides = array<i32>} : memref<16x32xf32, #tpu.memory_space<vmem>>, vector<16xf32>,
    %swap3A_245 = arith.constant 15 : i32
    %swap3A_246 = arith.index_cast %swap3A_245 : i32 to index
    %swap3A_247 = arith.constant 0 : index
    %swap3A_248 = tpu.vector_load %arg13[%swap3A_246, %swap3A_247] {strides = array<i32>} : memref<16x32xf32, #tpu.memory_space<vmem>>, vector<16xf32>,
    tpu.vector_store %arg13[%swap3A_246, %swap3A_247], %broadcast_in_dim3A_3 {strides = array<i32>} : memref<16x32xf32, #tpu.memory_space<vmem>>, vector<16xf32>,
    %swap3A_249 = arith.constant 15 : i32
    %swap3A_250 = arith.index_cast %swap3A_249 : i32 to index
    %swap3A_251 = arith.constant 16 : index
    %swap3A_252 = tpu.vector_load %arg13[%swap3A_250, %swap3A_251] {strides = array<i32>} : memref<16x32xf32, #tpu.memory_space<vmem>>, vector<16xf32>,
    tpu.vector_store %arg13[%swap3A_250, %swap3A_251], %broadcast_in_dim3A_3 {strides = array<i32>} : memref<16x32xf32, #tpu.memory_space<vmem>>, vector<16xf32>,
    %swap3A_253 = arith.constant 15 : i32
    %swap3A_254 = arith.index_cast %swap3A_253 : i32 to index
    %swap3A_255 = arith.constant 0 : index
    %swap3A_256 = tpu.vector_load %arg14[%swap3A_254, %swap3A_255] {strides = array<i32>} : memref<16x32xf32, #tpu.memory_space<vmem>>, vector<16xf32>,
    tpu.vector_store %arg14[%swap3A_254, %swap3A_255], %broadcast_in_dim3A_3 {strides = array<i32>} : memref<16x32xf32, #tpu.memory_space<vmem>>, vector<16xf32>,
    %swap3A_257 = arith.constant 15 : i32
    %swap3A_258 = arith.index_cast %swap3A_257 : i32 to index
    %swap3A_259 = arith.constant 16 : index
    %swap3A_260 = tpu.vector_load %arg14[%swap3A_258, %swap3A_259] {strides = array<i32>} : memref<16x32xf32, #tpu.memory_space<vmem>>, vector<16xf32>,
    tpu.vector_store %arg14[%swap3A_258, %swap3A_259], %broadcast_in_dim3A_3 {strides = array<i32>} : memref<16x32xf32, #tpu.memory_space<vmem>>, vector<16xf32>,
    %add3A_261 = arith.constant 0 : i32
    %add3A_262 = arith.addi %mul3A_2, %add3A_261 : i32
    %dma_start3A = tpu.memref_slice %arg2[%add3A_262] : memref<16777216xf32, #tpu.memory_space<hbm>> -> memref<16384xf32, #tpu.memory_space<hbm>>
    %dma_start3A_263 = tpu.memref_slice %arg2[%add3A_262] : memref<16777216xf32, #tpu.memory_space<hbm>> -> memref<16384xf32, #tpu.memory_space<hbm>>
    tpu.enqueue_dma source(%dma_start3A_263 : memref<16384xf32, #tpu.memory_space<hbm>>) target(%arg8 : memref<16384xf32, #tpu.memory_space<vmem>>) target_semaphore(%arg16 : memref<!tpu.dma_semaphore, #tpu.memory_space<semaphore_mem>>)
    %dma_start3A_264 = tpu.memref_slice %arg3[%add3A_262] : memref<16777216xf32, #tpu.memory_space<hbm>> -> memref<16384xf32, #tpu.memory_space<hbm>>
    %dma_start3A_265 = tpu.memref_slice %arg3[%add3A_262] : memref<16777216xf32, #tpu.memory_space<hbm>> -> memref<16384xf32, #tpu.memory_space<hbm>>
    tpu.enqueue_dma source(%dma_start3A_265 : memref<16384xf32, #tpu.memory_space<hbm>>) target(%arg9 : memref<16384xf32, #tpu.memory_space<vmem>>) target_semaphore(%arg17 : memref<!tpu.dma_semaphore, #tpu.memory_space<semaphore_mem>>)
    %scan3A = arith.constant 0 : i32
    %scan3A_266 = arith.constant 16 : i32
    %scan3A_267 = arith.addi %scan3A, %scan3A_266 : i32
    %scan3A_268 = arith.constant 1 : i32
    %scan3A_269:2 = scf.for %scan3A_278 = %scan3A to %scan3A_267 step %scan3A_268 iter_args(%scan3A_279 = %broadcast_in_dim3A_3, %scan3A_280 = %broadcast_in_dim3A_3) -> (vector<16xf32>, vector<16xf32>)  : i32 {
      %mul3A_281 = arith.constant 2 : i32
      %mul3A_282 = arith.muli %scan3A_278, %mul3A_281 : i32
      %add3A_283 = arith.constant 1 : i32
      %add3A_284 = arith.addi %mul3A_282, %add3A_283 : i32
      %mul3A_285 = arith.constant 16384 : i32
      %mul3A_286 = arith.muli %add3A_284, %mul3A_285 : i32
      %add3A_287 = arith.addi %mul3A_2, %mul3A_286 : i32
      %dma_start3A_288 = tpu.memref_slice %arg2[%add3A_287] : memref<16777216xf32, #tpu.memory_space<hbm>> -> memref<16384xf32, #tpu.memory_space<hbm>>
      %dma_start3A_289 = tpu.memref_slice %arg2[%add3A_287] : memref<16777216xf32, #tpu.memory_space<hbm>> -> memref<16384xf32, #tpu.memory_space<hbm>>
      tpu.enqueue_dma source(%dma_start3A_289 : memref<16384xf32, #tpu.memory_space<hbm>>) target(%arg10 : memref<16384xf32, #tpu.memory_space<vmem>>) target_semaphore(%arg18 : memref<!tpu.dma_semaphore, #tpu.memory_space<semaphore_mem>>)
      %dma_start3A_290 = tpu.memref_slice %arg3[%add3A_287] : memref<16777216xf32, #tpu.memory_space<hbm>> -> memref<16384xf32, #tpu.memory_space<hbm>>
      %dma_start3A_291 = tpu.memref_slice %arg3[%add3A_287] : memref<16777216xf32, #tpu.memory_space<hbm>> -> memref<16384xf32, #tpu.memory_space<hbm>>
      tpu.enqueue_dma source(%dma_start3A_291 : memref<16384xf32, #tpu.memory_space<hbm>>) target(%arg11 : memref<16384xf32, #tpu.memory_space<vmem>>) target_semaphore(%arg19 : memref<!tpu.dma_semaphore, #tpu.memory_space<semaphore_mem>>)
      %dma_wait3A = arith.constant 0 : i32
      %dma_wait3A_292 = tpu.memref_slice %arg2[%dma_wait3A] : memref<16777216xf32, #tpu.memory_space<hbm>> -> memref<16384xf32, #tpu.memory_space<hbm>>
      %dma_wait3A_293 = arith.constant 0 : i32
      %dma_wait3A_294 = tpu.memref_slice %arg2[%dma_wait3A_293] : memref<16777216xf32, #tpu.memory_space<hbm>> -> memref<16384xf32, #tpu.memory_space<hbm>>
      tpu.wait_dma2 semaphore(%arg16 : memref<!tpu.dma_semaphore, #tpu.memory_space<semaphore_mem>>) src(%dma_wait3A_294 : memref<16384xf32, #tpu.memory_space<hbm>>) dst(%arg8 : memref<16384xf32, #tpu.memory_space<vmem>>)
      %dma_wait3A_295 = arith.constant 0 : i32
      %dma_wait3A_296 = tpu.memref_slice %arg3[%dma_wait3A_295] : memref<16777216xf32, #tpu.memory_space<hbm>> -> memref<16384xf32, #tpu.memory_space<hbm>>
      %dma_wait3A_297 = arith.constant 0 : i32
      %dma_wait3A_298 = tpu.memref_slice %arg3[%dma_wait3A_297] : memref<16777216xf32, #tpu.memory_space<hbm>> -> memref<16384xf32, #tpu.memory_space<hbm>>
      tpu.wait_dma2 semaphore(%arg17 : memref<!tpu.dma_semaphore, #tpu.memory_space<semaphore_mem>>) src(%dma_wait3A_298 : memref<16384xf32, #tpu.memory_space<hbm>>) dst(%arg9 : memref<16384xf32, #tpu.memory_space<vmem>>)
      %parallel_loop3A = arith.constant 0 : i32
      %parallel_loop3A_299 = arith.constant 16384 : i32
      %parallel_loop3A_300 = arith.constant 32 : i32
      %parallel_loop3A_301:2 = scf.for %parallel_loop3A_316 = %parallel_loop3A to %parallel_loop3A_299 step %parallel_loop3A_300 iter_args(%parallel_loop3A_317 = %scan3A_279, %parallel_loop3A_318 = %scan3A_280) -> (vector<16xf32>, vector<16xf32>)  : i32 {
        %parallel_loop3A_319 = arith.index_cast %parallel_loop3A_316 : i32 to index
        %parallel_loop3A_320 = tpu.vector_load %arg8[%parallel_loop3A_319] {strides = array<i32>} : memref<16384xf32, #tpu.memory_space<vmem>>, vector<16xf32>,
        %parallel_loop3A_321 = arith.index_cast %parallel_loop3A_316 : i32 to index
        %parallel_loop3A_322 = tpu.vector_load %arg9[%parallel_loop3A_321] {strides = array<i32>} : memref<16384xf32, #tpu.memory_space<vmem>>, vector<16xf32>,
        %parallel_loop3A_323 = arith.subf %parallel_loop3A_320, %parallel_loop3A_322 : vector<16xf32>
        %parallel_loop3A_324 = arith.mulf %parallel_loop3A_323, %parallel_loop3A_323 : vector<16xf32>
        %parallel_loop3A_325 = arith.addf %parallel_loop3A_317, %parallel_loop3A_324 : vector<16xf32>
        %parallel_loop3A_326 = arith.constant 0 : i32
        %parallel_loop3A_327 = vector.broadcast %parallel_loop3A_326 : i32 to vector<16xi32>
        %parallel_loop3A_328 = arith.constant 8 : i32
        %parallel_loop3A_329 = vector.broadcast %parallel_loop3A_328 : i32 to vector<16xi32>
        %parallel_loop3A_330 = arith.addi %parallel_loop3A_327, %parallel_loop3A_329 : vector<16xi32>
        %parallel_loop3A_331 = tpu.vector_load_idx %arg12[%parallel_loop3A_330] : memref<16xf32, #tpu.memory_space<vmem>>[vector<16xi32>], vector<16xf32>,
        %parallel_loop3A_332 = arith.cmpf ogt, %parallel_loop3A_320, %parallel_loop3A_331 : vector<16xf32>
        %parallel_loop3A_333 = arith.select %parallel_loop3A_332, %parallel_loop3A_330, %parallel_loop3A_327 : vector<16xi1>, vector<16xi32>
        %parallel_loop3A_334 = arith.constant 4 : i32
        %parallel_loop3A_335 = vector.broadcast %parallel_loop3A_334 : i32 to vector<16xi32>
        %parallel_loop3A_336 = arith.addi %parallel_loop3A_333, %parallel_loop3A_335 : vector<16xi32>
        %parallel_loop3A_337 = tpu.vector_load_idx %arg12[%parallel_loop3A_336] : memref<16xf32, #tpu.memory_space<vmem>>[vector<16xi32>], vector<16xf32>,
        %parallel_loop3A_338 = arith.cmpf ogt, %parallel_loop3A_320, %parallel_loop3A_337 : vector<16xf32>
        %parallel_loop3A_339 = arith.select %parallel_loop3A_338, %parallel_loop3A_336, %parallel_loop3A_333 : vector<16xi1>, vector<16xi32>
        %parallel_loop3A_340 = arith.constant 2 : i32
        %parallel_loop3A_341 = vector.broadcast %parallel_loop3A_340 : i32 to vector<16xi32>
        %parallel_loop3A_342 = arith.addi %parallel_loop3A_339, %parallel_loop3A_341 : vector<16xi32>
        %parallel_loop3A_343 = tpu.vector_load_idx %arg12[%parallel_loop3A_342] : memref<16xf32, #tpu.memory_space<vmem>>[vector<16xi32>], vector<16xf32>,
        %parallel_loop3A_344 = arith.cmpf ogt, %parallel_loop3A_320, %parallel_loop3A_343 : vector<16xf32>
        %parallel_loop3A_345 = arith.select %parallel_loop3A_344, %parallel_loop3A_342, %parallel_loop3A_339 : vector<16xi1>, vector<16xi32>
        %parallel_loop3A_346 = arith.constant 1 : i32
        %parallel_loop3A_347 = vector.broadcast %parallel_loop3A_346 : i32 to vector<16xi32>
        %parallel_loop3A_348 = arith.addi %parallel_loop3A_345, %parallel_loop3A_347 : vector<16xi32>
        %parallel_loop3A_349 = tpu.vector_load_idx %arg12[%parallel_loop3A_348] : memref<16xf32, #tpu.memory_space<vmem>>[vector<16xi32>], vector<16xf32>,
        %parallel_loop3A_350 = arith.cmpf ogt, %parallel_loop3A_320, %parallel_loop3A_349 : vector<16xf32>
        %parallel_loop3A_351 = arith.select %parallel_loop3A_350, %parallel_loop3A_348, %parallel_loop3A_345 : vector<16xi1>, vector<16xi32>
        tpu.vector_store_idx %arg13[%iota3A, %parallel_loop3A_351], %parallel_loop3A_324 {add = true} : memref<16x32xf32, #tpu.memory_space<vmem>>[vector<16xi32>, vector<16xi32>], vector<16xf32>,
        tpu.vector_store_idx %arg14[%iota3A, %parallel_loop3A_351], %broadcast_in_dim3A_5 {add = true} : memref<16x32xf32, #tpu.memory_space<vmem>>[vector<16xi32>, vector<16xi32>], vector<16xf32>,
        %parallel_loop3A_352 = arith.constant 16 : i32
        %parallel_loop3A_353 = arith.addi %parallel_loop3A_316, %parallel_loop3A_352 : i32
        %parallel_loop3A_354 = arith.index_cast %parallel_loop3A_353 : i32 to index
        %parallel_loop3A_355 = tpu.vector_load %arg8[%parallel_loop3A_354] {strides = array<i32>} : memref<16384xf32, #tpu.memory_space<vmem>>, vector<16xf32>,
        %parallel_loop3A_356 = arith.index_cast %parallel_loop3A_353 : i32 to index
        %parallel_loop3A_357 = tpu.vector_load %arg9[%parallel_loop3A_356] {strides = array<i32>} : memref<16384xf32, #tpu.memory_space<vmem>>, vector<16xf32>,
        %parallel_loop3A_358 = arith.subf %parallel_loop3A_355, %parallel_loop3A_357 : vector<16xf32>
        %parallel_loop3A_359 = arith.mulf %parallel_loop3A_358, %parallel_loop3A_358 : vector<16xf32>
        %parallel_loop3A_360 = arith.addf %parallel_loop3A_318, %parallel_loop3A_359 : vector<16xf32>
        %parallel_loop3A_361 = arith.constant 0 : i32
        %parallel_loop3A_362 = vector.broadcast %parallel_loop3A_361 : i32 to vector<16xi32>
        %parallel_loop3A_363 = arith.constant 8 : i32
        %parallel_loop3A_364 = vector.broadcast %parallel_loop3A_363 : i32 to vector<16xi32>
        %parallel_loop3A_365 = arith.addi %parallel_loop3A_362, %parallel_loop3A_364 : vector<16xi32>
        %parallel_loop3A_366 = tpu.vector_load_idx %arg12[%parallel_loop3A_365] : memref<16xf32, #tpu.memory_space<vmem>>[vector<16xi32>], vector<16xf32>,
        %parallel_loop3A_367 = arith.cmpf ogt, %parallel_loop3A_355, %parallel_loop3A_366 : vector<16xf32>
        %parallel_loop3A_368 = arith.select %parallel_loop3A_367, %parallel_loop3A_365, %parallel_loop3A_362 : vector<16xi1>, vector<16xi32>
        %parallel_loop3A_369 = arith.constant 4 : i32
        %parallel_loop3A_370 = vector.broadcast %parallel_loop3A_369 : i32 to vector<16xi32>
        %parallel_loop3A_371 = arith.addi %parallel_loop3A_368, %parallel_loop3A_370 : vector<16xi32>
        %parallel_loop3A_372 = tpu.vector_load_idx %arg12[%parallel_loop3A_371] : memref<16xf32, #tpu.memory_space<vmem>>[vector<16xi32>], vector<16xf32>,
        %parallel_loop3A_373 = arith.cmpf ogt, %parallel_loop3A_355, %parallel_loop3A_372 : vector<16xf32>
        %parallel_loop3A_374 = arith.select %parallel_loop3A_373, %parallel_loop3A_371, %parallel_loop3A_368 : vector<16xi1>, vector<16xi32>
        %parallel_loop3A_375 = arith.constant 2 : i32
        %parallel_loop3A_376 = vector.broadcast %parallel_loop3A_375 : i32 to vector<16xi32>
        %parallel_loop3A_377 = arith.addi %parallel_loop3A_374, %parallel_loop3A_376 : vector<16xi32>
        %parallel_loop3A_378 = tpu.vector_load_idx %arg12[%parallel_loop3A_377] : memref<16xf32, #tpu.memory_space<vmem>>[vector<16xi32>], vector<16xf32>,
        %parallel_loop3A_379 = arith.cmpf ogt, %parallel_loop3A_355, %parallel_loop3A_378 : vector<16xf32>
        %parallel_loop3A_380 = arith.select %parallel_loop3A_379, %parallel_loop3A_377, %parallel_loop3A_374 : vector<16xi1>, vector<16xi32>
        %parallel_loop3A_381 = arith.constant 1 : i32
        %parallel_loop3A_382 = vector.broadcast %parallel_loop3A_381 : i32 to vector<16xi32>
        %parallel_loop3A_383 = arith.addi %parallel_loop3A_380, %parallel_loop3A_382 : vector<16xi32>
        %parallel_loop3A_384 = tpu.vector_load_idx %arg12[%parallel_loop3A_383] : memref<16xf32, #tpu.memory_space<vmem>>[vector<16xi32>], vector<16xf32>,
        %parallel_loop3A_385 = arith.cmpf ogt, %parallel_loop3A_355, %parallel_loop3A_384 : vector<16xf32>
        %parallel_loop3A_386 = arith.select %parallel_loop3A_385, %parallel_loop3A_383, %parallel_loop3A_380 : vector<16xi1>, vector<16xi32>
        %parallel_loop3A_387 = arith.constant 16 : i32
        %parallel_loop3A_388 = vector.broadcast %parallel_loop3A_387 : i32 to vector<16xi32>
        %parallel_loop3A_389 = arith.addi %parallel_loop3A_386, %parallel_loop3A_388 : vector<16xi32>
        tpu.vector_store_idx %arg13[%iota3A, %parallel_loop3A_389], %parallel_loop3A_359 {add = true} : memref<16x32xf32, #tpu.memory_space<vmem>>[vector<16xi32>, vector<16xi32>], vector<16xf32>,
        tpu.vector_store_idx %arg14[%iota3A, %parallel_loop3A_389], %broadcast_in_dim3A_5 {add = true} : memref<16x32xf32, #tpu.memory_space<vmem>>[vector<16xi32>, vector<16xi32>], vector<16xf32>,
        scf.yield %parallel_loop3A_325, %parallel_loop3A_360 : vector<16xf32>, vector<16xf32>
      } {sc.loop_unroll_factor = 8 : i64, sc.parallel_access}
      %lt3A = arith.constant 15 : i32
      %lt3A_302 = arith.cmpi slt, %scan3A_278, %lt3A : i32
      %convert_element_type3A = arith.extui %lt3A_302 : i1 to i32
      %cond3A = arith.constant 0 : i32
      %cond3A_303 = arith.cmpi ne, %convert_element_type3A, %cond3A : i32
      scf.if %cond3A_303 {
        %add3A_316 = arith.constant 2 : i32
        %add3A_317 = arith.addi %mul3A_282, %add3A_316 : i32
        %mul3A_318 = arith.constant 16384 : i32
        %mul3A_319 = arith.muli %add3A_317, %mul3A_318 : i32
        %add3A_320 = arith.addi %mul3A_2, %mul3A_319 : i32
        %dma_start3A_321 = tpu.memref_slice %arg2[%add3A_320] : memref<16777216xf32, #tpu.memory_space<hbm>> -> memref<16384xf32, #tpu.memory_space<hbm>>
        %dma_start3A_322 = tpu.memref_slice %arg2[%add3A_320] : memref<16777216xf32, #tpu.memory_space<hbm>> -> memref<16384xf32, #tpu.memory_space<hbm>>
        tpu.enqueue_dma source(%dma_start3A_322 : memref<16384xf32, #tpu.memory_space<hbm>>) target(%arg8 : memref<16384xf32, #tpu.memory_space<vmem>>) target_semaphore(%arg16 : memref<!tpu.dma_semaphore, #tpu.memory_space<semaphore_mem>>)
        %dma_start3A_323 = tpu.memref_slice %arg3[%add3A_320] : memref<16777216xf32, #tpu.memory_space<hbm>> -> memref<16384xf32, #tpu.memory_space<hbm>>
        %dma_start3A_324 = tpu.memref_slice %arg3[%add3A_320] : memref<16777216xf32, #tpu.memory_space<hbm>> -> memref<16384xf32, #tpu.memory_space<hbm>>
        tpu.enqueue_dma source(%dma_start3A_324 : memref<16384xf32, #tpu.memory_space<hbm>>) target(%arg9 : memref<16384xf32, #tpu.memory_space<vmem>>) target_semaphore(%arg17 : memref<!tpu.dma_semaphore, #tpu.memory_space<semaphore_mem>>)
      } else {
      }
      %dma_wait3A_304 = arith.constant 0 : i32
      %dma_wait3A_305 = tpu.memref_slice %arg2[%dma_wait3A_304] : memref<16777216xf32, #tpu.memory_space<hbm>> -> memref<16384xf32, #tpu.memory_space<hbm>>
      %dma_wait3A_306 = arith.constant 0 : i32
      %dma_wait3A_307 = tpu.memref_slice %arg2[%dma_wait3A_306] : memref<16777216xf32, #tpu.memory_space<hbm>> -> memref<16384xf32, #tpu.memory_space<hbm>>
      tpu.wait_dma2 semaphore(%arg18 : memref<!tpu.dma_semaphore, #tpu.memory_space<semaphore_mem>>) src(%dma_wait3A_307 : memref<16384xf32, #tpu.memory_space<hbm>>) dst(%arg10 : memref<16384xf32, #tpu.memory_space<vmem>>)
      %dma_wait3A_308 = arith.constant 0 : i32
      %dma_wait3A_309 = tpu.memref_slice %arg3[%dma_wait3A_308] : memref<16777216xf32, #tpu.memory_space<hbm>> -> memref<16384xf32, #tpu.memory_space<hbm>>
      %dma_wait3A_310 = arith.constant 0 : i32
      %dma_wait3A_311 = tpu.memref_slice %arg3[%dma_wait3A_310] : memref<16777216xf32, #tpu.memory_space<hbm>> -> memref<16384xf32, #tpu.memory_space<hbm>>
      tpu.wait_dma2 semaphore(%arg19 : memref<!tpu.dma_semaphore, #tpu.memory_space<semaphore_mem>>) src(%dma_wait3A_311 : memref<16384xf32, #tpu.memory_space<hbm>>) dst(%arg11 : memref<16384xf32, #tpu.memory_space<vmem>>)
      %parallel_loop3A_312 = arith.constant 0 : i32
      %parallel_loop3A_313 = arith.constant 16384 : i32
      %parallel_loop3A_314 = arith.constant 32 : i32
      %parallel_loop3A_315:2 = scf.for %parallel_loop3A_316 = %parallel_loop3A_312 to %parallel_loop3A_313 step %parallel_loop3A_314 iter_args(%parallel_loop3A_317 = %parallel_loop3A_301#0, %parallel_loop3A_318 = %parallel_loop3A_301#1) -> (vector<16xf32>, vector<16xf32>)  : i32 {
        %parallel_loop3A_319 = arith.index_cast %parallel_loop3A_316 : i32 to index
        %parallel_loop3A_320 = tpu.vector_load %arg10[%parallel_loop3A_319] {strides = array<i32>} : memref<16384xf32, #tpu.memory_space<vmem>>, vector<16xf32>,
        %parallel_loop3A_321 = arith.index_cast %parallel_loop3A_316 : i32 to index
        %parallel_loop3A_322 = tpu.vector_load %arg11[%parallel_loop3A_321] {strides = array<i32>} : memref<16384xf32, #tpu.memory_space<vmem>>, vector<16xf32>,
        %parallel_loop3A_323 = arith.subf %parallel_loop3A_320, %parallel_loop3A_322 : vector<16xf32>
        %parallel_loop3A_324 = arith.mulf %parallel_loop3A_323, %parallel_loop3A_323 : vector<16xf32>
        %parallel_loop3A_325 = arith.addf %parallel_loop3A_317, %parallel_loop3A_324 : vector<16xf32>
        %parallel_loop3A_326 = arith.constant 0 : i32
        %parallel_loop3A_327 = vector.broadcast %parallel_loop3A_326 : i32 to vector<16xi32>
        %parallel_loop3A_328 = arith.constant 8 : i32
        %parallel_loop3A_329 = vector.broadcast %parallel_loop3A_328 : i32 to vector<16xi32>
        %parallel_loop3A_330 = arith.addi %parallel_loop3A_327, %parallel_loop3A_329 : vector<16xi32>
        %parallel_loop3A_331 = tpu.vector_load_idx %arg12[%parallel_loop3A_330] : memref<16xf32, #tpu.memory_space<vmem>>[vector<16xi32>], vector<16xf32>,
        %parallel_loop3A_332 = arith.cmpf ogt, %parallel_loop3A_320, %parallel_loop3A_331 : vector<16xf32>
        %parallel_loop3A_333 = arith.select %parallel_loop3A_332, %parallel_loop3A_330, %parallel_loop3A_327 : vector<16xi1>, vector<16xi32>
        %parallel_loop3A_334 = arith.constant 4 : i32
        %parallel_loop3A_335 = vector.broadcast %parallel_loop3A_334 : i32 to vector<16xi32>
        %parallel_loop3A_336 = arith.addi %parallel_loop3A_333, %parallel_loop3A_335 : vector<16xi32>
        %parallel_loop3A_337 = tpu.vector_load_idx %arg12[%parallel_loop3A_336] : memref<16xf32, #tpu.memory_space<vmem>>[vector<16xi32>], vector<16xf32>,
        %parallel_loop3A_338 = arith.cmpf ogt, %parallel_loop3A_320, %parallel_loop3A_337 : vector<16xf32>
        %parallel_loop3A_339 = arith.select %parallel_loop3A_338, %parallel_loop3A_336, %parallel_loop3A_333 : vector<16xi1>, vector<16xi32>
        %parallel_loop3A_340 = arith.constant 2 : i32
        %parallel_loop3A_341 = vector.broadcast %parallel_loop3A_340 : i32 to vector<16xi32>
        %parallel_loop3A_342 = arith.addi %parallel_loop3A_339, %parallel_loop3A_341 : vector<16xi32>
        %parallel_loop3A_343 = tpu.vector_load_idx %arg12[%parallel_loop3A_342] : memref<16xf32, #tpu.memory_space<vmem>>[vector<16xi32>], vector<16xf32>,
        %parallel_loop3A_344 = arith.cmpf ogt, %parallel_loop3A_320, %parallel_loop3A_343 : vector<16xf32>
        %parallel_loop3A_345 = arith.select %parallel_loop3A_344, %parallel_loop3A_342, %parallel_loop3A_339 : vector<16xi1>, vector<16xi32>
        %parallel_loop3A_346 = arith.constant 1 : i32
        %parallel_loop3A_347 = vector.broadcast %parallel_loop3A_346 : i32 to vector<16xi32>
        %parallel_loop3A_348 = arith.addi %parallel_loop3A_345, %parallel_loop3A_347 : vector<16xi32>
        %parallel_loop3A_349 = tpu.vector_load_idx %arg12[%parallel_loop3A_348] : memref<16xf32, #tpu.memory_space<vmem>>[vector<16xi32>], vector<16xf32>,
        %parallel_loop3A_350 = arith.cmpf ogt, %parallel_loop3A_320, %parallel_loop3A_349 : vector<16xf32>
        %parallel_loop3A_351 = arith.select %parallel_loop3A_350, %parallel_loop3A_348, %parallel_loop3A_345 : vector<16xi1>, vector<16xi32>
        tpu.vector_store_idx %arg13[%iota3A, %parallel_loop3A_351], %parallel_loop3A_324 {add = true} : memref<16x32xf32, #tpu.memory_space<vmem>>[vector<16xi32>, vector<16xi32>], vector<16xf32>,
        tpu.vector_store_idx %arg14[%iota3A, %parallel_loop3A_351], %broadcast_in_dim3A_5 {add = true} : memref<16x32xf32, #tpu.memory_space<vmem>>[vector<16xi32>, vector<16xi32>], vector<16xf32>,
        %parallel_loop3A_352 = arith.constant 16 : i32
        %parallel_loop3A_353 = arith.addi %parallel_loop3A_316, %parallel_loop3A_352 : i32
        %parallel_loop3A_354 = arith.index_cast %parallel_loop3A_353 : i32 to index
        %parallel_loop3A_355 = tpu.vector_load %arg10[%parallel_loop3A_354] {strides = array<i32>} : memref<16384xf32, #tpu.memory_space<vmem>>, vector<16xf32>,
        %parallel_loop3A_356 = arith.index_cast %parallel_loop3A_353 : i32 to index
        %parallel_loop3A_357 = tpu.vector_load %arg11[%parallel_loop3A_356] {strides = array<i32>} : memref<16384xf32, #tpu.memory_space<vmem>>, vector<16xf32>,
        %parallel_loop3A_358 = arith.subf %parallel_loop3A_355, %parallel_loop3A_357 : vector<16xf32>
        %parallel_loop3A_359 = arith.mulf %parallel_loop3A_358, %parallel_loop3A_358 : vector<16xf32>
        %parallel_loop3A_360 = arith.addf %parallel_loop3A_318, %parallel_loop3A_359 : vector<16xf32>
        %parallel_loop3A_361 = arith.constant 0 : i32
        %parallel_loop3A_362 = vector.broadcast %parallel_loop3A_361 : i32 to vector<16xi32>
        %parallel_loop3A_363 = arith.constant 8 : i32
        %parallel_loop3A_364 = vector.broadcast %parallel_loop3A_363 : i32 to vector<16xi32>
        %parallel_loop3A_365 = arith.addi %parallel_loop3A_362, %parallel_loop3A_364 : vector<16xi32>
        %parallel_loop3A_366 = tpu.vector_load_idx %arg12[%parallel_loop3A_365] : memref<16xf32, #tpu.memory_space<vmem>>[vector<16xi32>], vector<16xf32>,
        %parallel_loop3A_367 = arith.cmpf ogt, %parallel_loop3A_355, %parallel_loop3A_366 : vector<16xf32>
        %parallel_loop3A_368 = arith.select %parallel_loop3A_367, %parallel_loop3A_365, %parallel_loop3A_362 : vector<16xi1>, vector<16xi32>
        %parallel_loop3A_369 = arith.constant 4 : i32
        %parallel_loop3A_370 = vector.broadcast %parallel_loop3A_369 : i32 to vector<16xi32>
        %parallel_loop3A_371 = arith.addi %parallel_loop3A_368, %parallel_loop3A_370 : vector<16xi32>
        %parallel_loop3A_372 = tpu.vector_load_idx %arg12[%parallel_loop3A_371] : memref<16xf32, #tpu.memory_space<vmem>>[vector<16xi32>], vector<16xf32>,
        %parallel_loop3A_373 = arith.cmpf ogt, %parallel_loop3A_355, %parallel_loop3A_372 : vector<16xf32>
        %parallel_loop3A_374 = arith.select %parallel_loop3A_373, %parallel_loop3A_371, %parallel_loop3A_368 : vector<16xi1>, vector<16xi32>
        %parallel_loop3A_375 = arith.constant 2 : i32
        %parallel_loop3A_376 = vector.broadcast %parallel_loop3A_375 : i32 to vector<16xi32>
        %parallel_loop3A_377 = arith.addi %parallel_loop3A_374, %parallel_loop3A_376 : vector<16xi32>
        %parallel_loop3A_378 = tpu.vector_load_idx %arg12[%parallel_loop3A_377] : memref<16xf32, #tpu.memory_space<vmem>>[vector<16xi32>], vector<16xf32>,
        %parallel_loop3A_379 = arith.cmpf ogt, %parallel_loop3A_355, %parallel_loop3A_378 : vector<16xf32>
        %parallel_loop3A_380 = arith.select %parallel_loop3A_379, %parallel_loop3A_377, %parallel_loop3A_374 : vector<16xi1>, vector<16xi32>
        %parallel_loop3A_381 = arith.constant 1 : i32
        %parallel_loop3A_382 = vector.broadcast %parallel_loop3A_381 : i32 to vector<16xi32>
        %parallel_loop3A_383 = arith.addi %parallel_loop3A_380, %parallel_loop3A_382 : vector<16xi32>
        %parallel_loop3A_384 = tpu.vector_load_idx %arg12[%parallel_loop3A_383] : memref<16xf32, #tpu.memory_space<vmem>>[vector<16xi32>], vector<16xf32>,
        %parallel_loop3A_385 = arith.cmpf ogt, %parallel_loop3A_355, %parallel_loop3A_384 : vector<16xf32>
        %parallel_loop3A_386 = arith.select %parallel_loop3A_385, %parallel_loop3A_383, %parallel_loop3A_380 : vector<16xi1>, vector<16xi32>
        %parallel_loop3A_387 = arith.constant 16 : i32
        %parallel_loop3A_388 = vector.broadcast %parallel_loop3A_387 : i32 to vector<16xi32>
        %parallel_loop3A_389 = arith.addi %parallel_loop3A_386, %parallel_loop3A_388 : vector<16xi32>
        tpu.vector_store_idx %arg13[%iota3A, %parallel_loop3A_389], %parallel_loop3A_359 {add = true} : memref<16x32xf32, #tpu.memory_space<vmem>>[vector<16xi32>, vector<16xi32>], vector<16xf32>,
        tpu.vector_store_idx %arg14[%iota3A, %parallel_loop3A_389], %broadcast_in_dim3A_5 {add = true} : memref<16x32xf32, #tpu.memory_space<vmem>>[vector<16xi32>, vector<16xi32>], vector<16xf32>,
        scf.yield %parallel_loop3A_325, %parallel_loop3A_360 : vector<16xf32>, vector<16xf32>
      } {sc.loop_unroll_factor = 8 : i64, sc.parallel_access}
      scf.yield %parallel_loop3A_315#0, %parallel_loop3A_315#1 : vector<16xf32>, vector<16xf32>
    }
    %scan3A_270 = arith.constant 16 : i32
    %add3A_271 = arith.addf %scan3A_269#0, %scan3A_269#1 : vector<16xf32>
    %swap3A_272 = arith.constant 0 : index
    %swap3A_273 = tpu.vector_load %arg15[%swap3A_272] {strides = array<i32>} : memref<16xf32, #tpu.memory_space<vmem>>, vector<16xf32>,
    tpu.vector_store %arg15[%swap3A_272], %add3A_271 {strides = array<i32>} : memref<16xf32, #tpu.memory_space<vmem>>, vector<16xf32>,
    %mul3A_274 = arith.constant 16 : i32
    %mul3A_275 = arith.muli %add3A, %mul3A_274 : i32
    "tpu.region"() ({
      %run_scoped3A = tpu.sem_alloc : memref<!tpu.dma_semaphore, #tpu.memory_space<semaphore_mem>>
      %dma_start3A_278 = arith.constant 0 : i32
      %dma_start3A_279 = tpu.memref_slice %arg5[%mul3A_275, %dma_start3A_278] : memref<512x32xf32, #tpu.memory_space<hbm>> -> memref<16x32xf32, #tpu.memory_space<hbm>>
      %dma_start3A_280 = arith.constant 0 : i32
      %dma_start3A_281 = tpu.memref_slice %arg5[%mul3A_275, %dma_start3A_280] : memref<512x32xf32, #tpu.memory_space<hbm>> -> memref<16x32xf32, #tpu.memory_space<hbm>>
      tpu.enqueue_dma source(%arg13 : memref<16x32xf32, #tpu.memory_space<vmem>>) target(%dma_start3A_281 : memref<16x32xf32, #tpu.memory_space<hbm>>) target_semaphore(%run_scoped3A : memref<!tpu.dma_semaphore, #tpu.memory_space<semaphore_mem>>)
      %dma_wait3A = arith.constant 0 : i32
      %dma_wait3A_282 = tpu.memref_slice %arg5[%mul3A_275, %dma_wait3A] : memref<512x32xf32, #tpu.memory_space<hbm>> -> memref<16x32xf32, #tpu.memory_space<hbm>>
      %dma_wait3A_283 = arith.constant 0 : i32
      %dma_wait3A_284 = tpu.memref_slice %arg5[%mul3A_275, %dma_wait3A_283] : memref<512x32xf32, #tpu.memory_space<hbm>> -> memref<16x32xf32, #tpu.memory_space<hbm>>
      tpu.wait_dma2 semaphore(%run_scoped3A : memref<!tpu.dma_semaphore, #tpu.memory_space<semaphore_mem>>) src(%arg13 : memref<16x32xf32, #tpu.memory_space<vmem>>) dst(%dma_wait3A_284 : memref<16x32xf32, #tpu.memory_space<hbm>>)
      tpu.yield
    }) : () -> ()
    %mul3A_276 = arith.constant 16 : i32
    %mul3A_277 = arith.muli %add3A, %mul3A_276 : i32
    "tpu.region"() ({
      %run_scoped3A = tpu.sem_alloc : memref<!tpu.dma_semaphore, #tpu.memory_space<semaphore_mem>>
      %dma_start3A_278 = arith.constant 0 : i32
      %dma_start3A_279 = tpu.memref_slice %arg6[%mul3A_277, %dma_start3A_278] : memref<512x32xf32, #tpu.memory_space<hbm>> -> memref<16x32xf32, #tpu.memory_space<hbm>>
      %dma_start3A_280 = arith.constant 0 : i32
      %dma_start3A_281 = tpu.memref_slice %arg6[%mul3A_277, %dma_start3A_280] : memref<512x32xf32, #tpu.memory_space<hbm>> -> memref<16x32xf32, #tpu.memory_space<hbm>>
      tpu.enqueue_dma source(%arg14 : memref<16x32xf32, #tpu.memory_space<vmem>>) target(%dma_start3A_281 : memref<16x32xf32, #tpu.memory_space<hbm>>) target_semaphore(%run_scoped3A : memref<!tpu.dma_semaphore, #tpu.memory_space<semaphore_mem>>)
      %dma_wait3A = arith.constant 0 : i32
      %dma_wait3A_282 = tpu.memref_slice %arg6[%mul3A_277, %dma_wait3A] : memref<512x32xf32, #tpu.memory_space<hbm>> -> memref<16x32xf32, #tpu.memory_space<hbm>>
      %dma_wait3A_283 = arith.constant 0 : i32
      %dma_wait3A_284 = tpu.memref_slice %arg6[%mul3A_277, %dma_wait3A_283] : memref<512x32xf32, #tpu.memory_space<hbm>> -> memref<16x32xf32, #tpu.memory_space<hbm>>
      tpu.wait_dma2 semaphore(%run_scoped3A : memref<!tpu.dma_semaphore, #tpu.memory_space<semaphore_mem>>) src(%arg14 : memref<16x32xf32, #tpu.memory_space<vmem>>) dst(%dma_wait3A_284 : memref<16x32xf32, #tpu.memory_space<hbm>>)
      tpu.yield
    }) : () -> ()
    "tpu.region"() ({
      %run_scoped3A = tpu.sem_alloc : memref<!tpu.dma_semaphore, #tpu.memory_space<semaphore_mem>>
      %dma_start3A_278 = arith.constant 0 : i32
      %dma_start3A_279 = tpu.memref_slice %arg7[%add3A, %dma_start3A_278] : memref<32x16xf32, #tpu.memory_space<hbm>> -> memref<1x16xf32, #tpu.memory_space<hbm>>
      %dma_start3A_280 = tpu.memref_squeeze %dma_start3A_279 : memref<1x16xf32, #tpu.memory_space<hbm>> -> memref<16xf32, #tpu.memory_space<hbm>>
      %dma_start3A_281 = arith.constant 0 : i32
      %dma_start3A_282 = tpu.memref_slice %arg7[%add3A, %dma_start3A_281] : memref<32x16xf32, #tpu.memory_space<hbm>> -> memref<1x16xf32, #tpu.memory_space<hbm>>
      %dma_start3A_283 = tpu.memref_squeeze %dma_start3A_282 : memref<1x16xf32, #tpu.memory_space<hbm>> -> memref<16xf32, #tpu.memory_space<hbm>>
      tpu.enqueue_dma source(%arg15 : memref<16xf32, #tpu.memory_space<vmem>>) target(%dma_start3A_283 : memref<16xf32, #tpu.memory_space<hbm>>) target_semaphore(%run_scoped3A : memref<!tpu.dma_semaphore, #tpu.memory_space<semaphore_mem>>)
      %dma_wait3A = arith.constant 0 : i32
      %dma_wait3A_284 = tpu.memref_slice %arg7[%add3A, %dma_wait3A] : memref<32x16xf32, #tpu.memory_space<hbm>> -> memref<1x16xf32, #tpu.memory_space<hbm>>
      %dma_wait3A_285 = tpu.memref_squeeze %dma_wait3A_284 : memref<1x16xf32, #tpu.memory_space<hbm>> -> memref<16xf32, #tpu.memory_space<hbm>>
      %dma_wait3A_286 = arith.constant 0 : i32
      %dma_wait3A_287 = tpu.memref_slice %arg7[%add3A, %dma_wait3A_286] : memref<32x16xf32, #tpu.memory_space<hbm>> -> memref<1x16xf32, #tpu.memory_space<hbm>>
      %dma_wait3A_288 = tpu.memref_squeeze %dma_wait3A_287 : memref<1x16xf32, #tpu.memory_space<hbm>> -> memref<16xf32, #tpu.memory_space<hbm>>
      tpu.wait_dma2 semaphore(%run_scoped3A : memref<!tpu.dma_semaphore, #tpu.memory_space<semaphore_mem>>) src(%arg15 : memref<16xf32, #tpu.memory_space<vmem>>) dst(%dma_wait3A_288 : memref<16xf32, #tpu.memory_space<hbm>>)
      tpu.yield
    }) : () -> ()
    return
  }
}

module attributes {stable_mosaic.version = 14 : i64} {
  func.func @_finalize_body(%arg0: memref<512x32xf32, #tpu.memory_space<vmem>>, %arg1: memref<512x32xf32, #tpu.memory_space<vmem>>, %arg2: memref<32x16xf32, #tpu.memory_space<vmem>>, %arg3: memref<1x1xf32, #tpu.memory_space<vmem>>) attributes {dimension_semantics = [], scalar_prefetch = 0 : i64, scratch_operands = 0 : i64, tpu.core_type = #tpu.core_type<tc>} {
    %get3A = arith.constant 0 : index
    %get3A_0 = arith.constant 0 : index
    %get3A_1 = vector.load %arg0[%get3A, %get3A_0] : memref<512x32xf32, #tpu.memory_space<vmem>>, vector<512x32xf32>
    %reduce_sum3A = arith.constant dense<0.000000e+00> : vector<32xf32>
    %reduce_sum3A_2 = vector.multi_reduction <add>, %get3A_1, %reduce_sum3A [0] : vector<512x32xf32> to vector<32xf32>
    %broadcast_in_dim3A = vector.shape_cast %reduce_sum3A_2 : vector<32xf32> to vector<1x32xf32>
    %get3A_3 = arith.constant 0 : index
    %get3A_4 = arith.constant 0 : index
    %get3A_5 = vector.load %arg1[%get3A_3, %get3A_4] : memref<512x32xf32, #tpu.memory_space<vmem>>, vector<512x32xf32>
    %reduce_sum3A_6 = arith.constant dense<0.000000e+00> : vector<32xf32>
    %reduce_sum3A_7 = vector.multi_reduction <add>, %get3A_5, %reduce_sum3A_6 [0] : vector<512x32xf32> to vector<32xf32>
    %broadcast_in_dim3A_8 = vector.shape_cast %reduce_sum3A_7 : vector<32xf32> to vector<1x32xf32>
    %slice3A = vector.extract_strided_slice %broadcast_in_dim3A {offsets = [0, 0], sizes = [1, 16], strides = [1, 1]} : vector<1x32xf32> to vector<1x16xf32>
    %slice3A_9 = vector.extract_strided_slice %broadcast_in_dim3A {offsets = [0, 16], sizes = [1, 16], strides = [1, 1]} : vector<1x32xf32> to vector<1x16xf32>
    %add3A = arith.addf %slice3A, %slice3A_9 : vector<1x16xf32>
    %slice3A_10 = vector.extract_strided_slice %broadcast_in_dim3A_8 {offsets = [0, 0], sizes = [1, 16], strides = [1, 1]} : vector<1x32xf32> to vector<1x16xf32>
    %slice3A_11 = vector.extract_strided_slice %broadcast_in_dim3A_8 {offsets = [0, 16], sizes = [1, 16], strides = [1, 1]} : vector<1x32xf32> to vector<1x16xf32>
    %add3A_12 = arith.addf %slice3A_10, %slice3A_11 : vector<1x16xf32>
    %gt3A = arith.constant 0.000000e+00 : f32
    %gt3A_13 = vector.broadcast %gt3A : f32 to vector<1x16xf32>
    %gt3A_14 = arith.cmpf ogt, %add3A_12, %gt3A_13 : vector<1x16xf32>
    %jit3A = arith.constant 1.000000e+00 : f32
    %broadcast_in_dim3A_15 = vector.broadcast %jit3A : f32 to vector<1x16xf32>
    %select_n3A = arith.select %gt3A_14, %add3A_12, %broadcast_in_dim3A_15 : vector<1x16xi1>, vector<1x16xf32>
    %mul3A = arith.mulf %select_n3A, %select_n3A : vector<1x16xf32>
    %div3A = arith.divf %add3A, %mul3A : vector<1x16xf32>
    %gt3A_16 = arith.constant 0.000000e+00 : f32
    %gt3A_17 = vector.broadcast %gt3A_16 : f32 to vector<1x16xf32>
    %gt3A_18 = arith.cmpf ogt, %add3A_12, %gt3A_17 : vector<1x16xf32>
    %convert_element_type3A = arith.extui %gt3A_18 : vector<1x16xi1> to vector<1x16xi32>
    %convert_element_type3A_19 = arith.sitofp %convert_element_type3A : vector<1x16xi32> to vector<1x16xf32>
    %reduce_sum3A_20 = vector.shape_cast %convert_element_type3A_19 : vector<1x16xf32> to vector<1x1x16xf32>
    %reduce_sum3A_21 = arith.constant dense<0.000000e+00> : vector<1xf32>
    %reduce_sum3A_22 = vector.multi_reduction <add>, %reduce_sum3A_20, %reduce_sum3A_21 [1, 2] : vector<1x1x16xf32> to vector<1xf32>
    %reduce_sum3A_23 = vector.shape_cast %reduce_sum3A_22 : vector<1xf32> to vector<1x1x1xf32>
    %reduce_sum3A_24 = vector.extract %reduce_sum3A_23[0, 0, 0] : f32 from vector<1x1x1xf32>
    %gt3A_25 = arith.constant 0.000000e+00 : f32
    %gt3A_26 = arith.cmpf ogt, %reduce_sum3A_24, %gt3A_25 : f32
    %gt3A_27 = arith.constant 0.000000e+00 : f32
    %gt3A_28 = vector.broadcast %gt3A_27 : f32 to vector<1x16xf32>
    %gt3A_29 = arith.cmpf ogt, %add3A_12, %gt3A_28 : vector<1x16xf32>
    %jit3A_30 = arith.constant 0.000000e+00 : f32
    %broadcast_in_dim3A_31 = vector.broadcast %jit3A_30 : f32 to vector<1x16xf32>
    %select_n3A_32 = arith.select %gt3A_29, %div3A, %broadcast_in_dim3A_31 : vector<1x16xi1>, vector<1x16xf32>
    %reduce_sum3A_33 = vector.shape_cast %select_n3A_32 : vector<1x16xf32> to vector<1x1x16xf32>
    %reduce_sum3A_34 = arith.constant dense<0.000000e+00> : vector<1xf32>
    %reduce_sum3A_35 = vector.multi_reduction <add>, %reduce_sum3A_33, %reduce_sum3A_34 [1, 2] : vector<1x1x16xf32> to vector<1xf32>
    %reduce_sum3A_36 = vector.shape_cast %reduce_sum3A_35 : vector<1xf32> to vector<1x1x1xf32>
    %reduce_sum3A_37 = vector.extract %reduce_sum3A_36[0, 0, 0] : f32 from vector<1x1x1xf32>
    %max3A = arith.constant 1.000000e+00 : f32
    %max3A_38 = arith.maximumf %reduce_sum3A_24, %max3A : f32
    %div3A_39 = arith.divf %reduce_sum3A_37, %max3A_38 : f32
    %jit3A_40 = arith.constant 0.000000e+00 : f32
    %select_n3A_41 = arith.select %gt3A_26, %div3A_39, %jit3A_40 : f32
    %get3A_42 = arith.constant 0 : index
    %get3A_43 = arith.constant 0 : index
    %get3A_44 = vector.load %arg2[%get3A_42, %get3A_43] : memref<32x16xf32, #tpu.memory_space<vmem>>, vector<32x16xf32>
    %reduce_sum3A_45 = vector.shape_cast %get3A_44 : vector<32x16xf32> to vector<1x32x16xf32>
    %reduce_sum3A_46 = arith.constant dense<0.000000e+00> : vector<1xf32>
    %reduce_sum3A_47 = vector.multi_reduction <add>, %reduce_sum3A_45, %reduce_sum3A_46 [1, 2] : vector<1x32x16xf32> to vector<1xf32>
    %reduce_sum3A_48 = vector.shape_cast %reduce_sum3A_47 : vector<1xf32> to vector<1x1x1xf32>
    %reduce_sum3A_49 = vector.extract %reduce_sum3A_48[0, 0, 0] : f32 from vector<1x1x1xf32>
    %mul3A_50 = arith.constant 5.96046448E-8 : f32
    %mul3A_51 = arith.mulf %reduce_sum3A_49, %mul3A_50 : f32
    %add3A_52 = arith.addf %mul3A_51, %select_n3A_41 : f32
    %broadcast_in_dim3A_53 = vector.broadcast %add3A_52 : f32 to vector<1x1xf32>
    %swap3A = arith.constant 0 : index
    %swap3A_54 = arith.constant 0 : index
    %swap3A_55 = vector.load %arg3[%swap3A, %swap3A_54] : memref<1x1xf32, #tpu.memory_space<vmem>>, vector<1x1xf32>
    tpu.vector_store %arg3[%swap3A, %swap3A_54], %broadcast_in_dim3A_53 {strides = array<i32>} : memref<1x1xf32, #tpu.memory_space<vmem>>, vector<1x1xf32>,
    return
  }
}

</mosaic_0001>

<sc_bundles>
// kernel: kernel.4.cloned.1.call-start
scs
__scs_entry_jumppad:
0x0: {  	(pc) =	sbr.rel $0x88, $3  }
0x1: {  	(tag) =	ssettag $0x0;
	lr =	simm.s32 $0x1  }
0x2: {  	[smem:$0x3F9E] =	sst lr;
	_ =	strace $0xD0000000  }
0x3: {  	_ = 	snop  }
0x4: {  	_ = 	snop  }
0x5: {  	_ = 	snop  }
0x6: {  	_ = 	snop  }
0x7: {  	_ = 	snop  }
__scs_overlays_trampoline_lowered:
0x8: {  	[smem:$0x3FAD] =	sst s0  }
0x9: {  	[smem:$0x3FAE] =	sst s1  }
0xa: {  	[smem:$0x3FAF] =	sst s2  }
0xb: {  	[smem:$0x3FB0] =	sst s3  }
0xc: {  	[smem:$0x3FB1] =	sst s4  }
0xd: {  	[smem:$0x3FB2] =	sst s5  }
0xe: {  	[smem:$0x3FB3] =	sst s6  }
0xf: {  	[smem:$0x3FB4] =	sst s7  }
0x10: {  	[smem:$0x3FB5] =	sst s8  }
0x11: {  	[smem:$0x3FB6] =	sst s9;
	s0 =	simm.s32 @!p0 $0x0  }
0x12: {  	s1 =	sld [smem:$0x3F9C];
	s0 =	simm.s32 @p0 $0x1  }
0x13: {  	[smem:$0x3FB7] =	sst s0;
	s0 =	simm.s32 @!p1 $0x0  }
0x14: {  	s2 =	sld [smem:$0x3F9B];
	s0 =	simm.s32 @p1 $0x1  }
0x15: {  	[smem:$0x3FB8] =	sst s0;
	s0 =	simm.s32 @!p2 $0x0  }
0x16: {  	s3 =	sld [smem:$0x3FDB];
	s0 =	simm.s32 @p2 $0x1  }
0x17: {  	s4 =	simm.s32 $0x1BF5;
	[smem:$0x3FBA] =	sst s0  }
0x18: {  	s0 =	sld [smem:$0x3F9D];
	_ =	swait.ge [sflag:s4], $0x0  }
0x19: {  	s7 =	sld [smem:$0x3F9E]  }
0x1a: {  	s8 =	sadd.s32 $0xFFFFE003, lr  }
0x1b: {  	s9 =	sadd.s32 $0xFFFFFEF7, lr;
	s5 =	simm.s32 $0xFFFFFFFF;
	p2 =	slt.u32 s8, $0xFFFFF086  }
0x1c: {  	p1 =	slt.u32 s9, $0xF7A;
	s5 =	simm.s32 @!p2 $0x0  }
0x1d: {  	s5 =	simm.s32 @p1 $0x1;
	p0 =	seq.s32 s7, s2  }
0x1e: {  	s7 =	smul.u32 @!p0 $0xF7A, s2;
	p2 =	seq.s32 @!p0 s5, $0x0  }
0x1f: {  	s9 =	smul.u32 $0xF7A, s1;
	s8 =	simm.s32 @!p0 $0x1BF5;
	p2 =	por !p2, p0  }
0x20: {  	[sflag:s8] =	ssyncset.s32 @!p0 $0xFFFFF086;
	s6 =	sadd.s32 @!p0 s3, s7;
	s7 =	simm.s32 @!p0 $0x108  }
0x21: {  	s3 =	sadd.s32 s3, s9;
	s6 =	sadd.s32 @!p0 $0x88, s6;
	s7 =	simm.s32 @p2 $0x1082  }
0x22: {  	[simem:s7], [sflag:s8] =	dma.local @!p0 [hbm:s6], $0xF7A  }
0x23: {  	s9 =	sor.u32 $0xD0000000, s2;
	s6 =	simm.s32 $0x108;
	_ =	swait.ge @!p0 [sflag:s8], $0x0  }
0x24: {  	s3 =	sadd.s32 $0x88, s3;
	s6 =	simm.s32 @!p1 $0x1082;
	[sflag:s4] =	ssyncset.s32 $0xFFFFF086  }
0x25: {  	[simem:s6], [sflag:s4] =	dma.local [hbm:s3], $0xF7A  }
0x26: {  	[smem:$0x3F9E] =	sst s1;
	(tag) =	ssettag s2;
	_ =	strace s9  }
0x27: {  	s1 =	sld [smem:$0x3FAE]  }
0x28: {  	s2 =	sld [smem:$0x3FAF]  }
0x29: {  	s4 =	sld [smem:$0x3FB1]  }
0x2a: {  	p0 =	seq.s32 s5, $0x0;
	s5 =	sld [smem:$0x3FB2]  }
0x2b: {  	s6 =	sld [smem:$0x3FB3]  }
0x2c: {  	s7 =	sld [smem:$0x3FB4]  }
0x2d: {  	s3 =	simm.s32 $0x108;
	s8 =	sld [smem:$0x3FB5]  }
0x2e: {  	s3 =	simm.s32 @!p0 $0x1082;
	s9 =	sld [smem:$0x3FB6]  }
0x2f: {  	lr =	sadd.s32 s0, s3;
	s0 =	sld [smem:$0x3FAD]  }
0x30: {  	s3 =	sld [smem:$0x3FB0]  }
0x31: {  	[smem:$0x3FB9] =	sst s10  }
0x32: {  	s10 =	sld [smem:$0x3FB7];
	_ =	sdelay $0x3  }
0x33: {  	p0 =	seq.s32 s10, $0x1;
	s10 =	sld [smem:$0x3FB9];
	_ =	sdelay $0x3  }
0x34: {  	[smem:$0x3FB9] =	sst s10  }
0x35: {  	s10 =	sld [smem:$0x3FB8];
	_ =	sdelay $0x3  }
0x36: {  	p1 =	seq.s32 s10, $0x1;
	s10 =	sld [smem:$0x3FB9];
	_ =	sdelay $0x3  }
0x37: {  	[smem:$0x3FB9] =	sst s10  }
0x38: {  	s10 =	sld [smem:$0x3FBA]  }
0x39: {  	_ = 	snop;
	(pc) =	sbr.ind lr, $3  }
0x3a: {  	_ = 	snop  }
0x3b: {  	_ = 	snop  }
0x3c: {  	p2 =	seq.s32 s10, $0x1;
	s10 =	sld [smem:$0x3FB9]  }
0x3d: {  	_ =	shalt  }
0x3e: {  	_ =	shalt  }
0x3f: {  	_ =	shalt  }
0x40: {  	_ =	shalt  }
0x41: {  	_ =	shalt  }
0x42: {  	_ =	shalt  }
0x43: {  	_ =	shalt  }
0x44: {  	_ =	shalt  }
0x45: {  	_ =	shalt  }
0x46: {  	_ =	shalt  }
0x47: {  	_ =	shalt  }
0x48: {  	_ =	shalt  }
0x49: {  	_ =	shalt  }
0x4a: {  	_ =	shalt  }
0x4b: {  	_ =	shalt  }
0x4c: {  	_ =	shalt  }
0x4d: {  	_ =	shalt  }
0x4e: {  	_ =	shalt  }
0x4f: {  	_ =	shalt  }
0x50: {  	_ =	shalt  }
0x51: {  	_ =	shalt  }
0x52: {  	_ =	shalt  }
0x53: {  	_ =	shalt  }
0x54: {  	_ =	shalt  }
0x55: {  	_ =	shalt  }
0x56: {  	_ =	shalt  }
0x57: {  	_ =	shalt  }
0x58: {  	_ =	shalt  }
0x59: {  	_ =	shalt  }
0x5a: {  	_ =	shalt  }
0x5b: {  	_ =	shalt  }
0x5c: {  	_ =	shalt  }
0x5d: {  	_ =	shalt  }
0x5e: {  	_ =	shalt  }
0x5f: {  	_ =	shalt  }
0x60: {  	_ =	shalt  }
0x61: {  	_ =	shalt  }
0x62: {  	_ =	shalt  }
0x63: {  	_ =	shalt  }
0x64: {  	_ =	shalt  }
0x65: {  	_ =	shalt  }
0x66: {  	_ =	shalt  }
0x67: {  	_ =	shalt  }
0x68: {  	_ =	shalt  }
0x69: {  	_ =	shalt  }
0x6a: {  	_ =	shalt  }
0x6b: {  	_ =	shalt  }
0x6c: {  	_ =	shalt  }
0x6d: {  	_ =	shalt  }
0x6e: {  	_ =	shalt  }
0x6f: {  	_ =	shalt  }
0x70: {  	_ =	shalt  }
0x71: {  	_ =	shalt  }
0x72: {  	_ =	shalt  }
0x73: {  	_ =	shalt  }
0x74: {  	_ =	shalt  }
0x75: {  	_ =	shalt  }
0x76: {  	_ =	shalt  }
0x77: {  	_ =	shalt  }
0x78: {  	_ =	shalt  }
0x79: {  	_ =	shalt  }
0x7a: {  	_ =	shalt  }
0x7b: {  	_ =	shalt  }
0x7c: {  	_ =	shalt  }
0x7d: {  	_ =	shalt  }
0x7e: {  	_ =	shalt  }
0x7f: {  	_ =	shalt  }
0x80: {  	_ =	shalt  }
0x81: {  	_ =	shalt  }
0x82: {  	_ =	shalt  }
0x83: {  	_ =	shalt  }
0x84: {  	_ =	shalt  }
0x85: {  	_ =	shalt  }
0x86: {  	_ =	shalt  }
0x87: {  	_ =	shalt  }
.Lfunc_end0:
.L_simem_size_0:
called_computation.2_lowered:
.L_overlay_start_0:
0x88: {  	s2 =	sld [smem:$0x3FD9]  }
0x89: {  	s3 =	sld [smem:$0x3FFE];
	_ =	sdelay $0x1  }
0x8a: {  	s1 =	srdreg.scid  }
0x8b: {  	s0 =	sand.u32 $0x1, s1  }
0x8c: {  	s17 =	sshll.u32 s0, $0xA;
	s2 =	sadd.s32 s3, s2  }
0x8d: {  	s2 =	sadd.s32 s2, s17  }
0x8e: {  	[smem:$0x3FC5] =	sst s2  }
0x8f: {  	_ = 	snop  }
0x90: {  	s2 =	sld [smem:$0x3FD0];
	(tm) =	ssettm $0x1  }
0x91: {  	s18 =	sld [smem:$0x3FFB];
	_ =	sdelay $0x3  }
0x92: {  	_ =	strace s18  }
0x93: {  	s3 =	sld [smem:$0x3FFC];
	_ =	sdelay $0x3  }
0x94: {  	_ =	strace s3  }
0x95: {  	s3 =	sld [smem:$0x3FFD];
	_ =	sdelay $0x3  }
0x96: {  	_ =	strace s3  }
0x97: {  	_ =	strace $0x8FFFFFFF  }
0x98: {  	s19 =	sld [smem:$0x3FDB];
	_ =	sdelay $0x1  }
0x99: {  	s4 =	simm.s32 $_scs_section_size  }
0x9a: {  	s5 =	simm.s32 $_size__tile_overlayer_lowered;
	s6 =	simm.s32 $_tile_overlayer_lowered  }
0x9b: {  	s22 =	simm.s32 $0x1BFF;
	s21 =	sshll.u32 s6, $0x1;
	s3 =	sadd.s32 s4, s19  }
0x9c: {  	s7 =	simm.s32 $0x0;
	s20 =	sshll.u32 s5, $0x1;
	s5 =	sadd.s32 s21, s3  }
0x9d: {  	[timem:s7], [sflag:s22] =	dma.local [hbm:s5], s20  }
0x9e: {  	_ =	swait.ge [sflag:s22], s20  }
0x9f: {  	s4 =	ssub.s32 $0x0, s20;
	[sflag:s22] =	ssyncset.done $0x0  }
0xa0: {  	[sflag:s22] =	ssyncadd.s32 s4;
	_ =	sdelay $0x1  }
0xa1: {  	s23 =	simm.s32 $0x1B8B  }
0xa2: {  	_ =	swait.ge [sflag:s23], $0x1  }
0xa3: {  	[sflag:s23] =	ssyncset.done $0x0  }
0xa4: {  	s25 =	simm.s32 $0x1B8E;
	s24 =	sld [smem:$0x3FFE];
	[sflag:s23] =	ssyncadd.s32 $0xFFFFFFFF  }
0xa5: {  	s26 =	simm.s32 $execute0_lowered;
	[smem:$0x3FD2] =	sst s25  }
0xa6: {  	s5 =	sshll.u32 s26, $0x1;
	_ =	strace $0x8000004C;
	[dreg:$0x1] =	wrdreg $0xFFFFFFFF  }
0xa7: {  	s28 =	simm.s32 $_size_execute0_lowered;
	s3 =	sadd.s32 s3, s5;
	[dreg:$0x0] =	wrdreg $0x0  }
0xa8: {  	s5 =	sshll.u32 s28, $0x1;
	[dreg:$0x2] =	wrdreg s3  }
0xa9: {  	[dreg:$0x3] =	wrdreg s5  }
0xaa: {  	[dreg:$0x4] =	wrdreg $0xC0  }
0xab: {  	_ =	task [dreg:s7], $0x5FFFF  }
0xac: {  	[dreg:$0x1] =	wrdreg $0xFFFFFFFF  }
0xad: {  	[dreg:$0x0] =	wrdreg $0x60  }
0xae: {  	[dreg:$0x2] =	wrdreg s24  }
0xaf: {  	[dreg:$0x3] =	wrdreg s2  }
0xb0: {  	[dreg:$0x4] =	wrdreg $0x9  }
0xb1: {  	_ =	task.clear_ibuf [dreg:s7], $0x5FFFF;
	_ =	strace $0x9000004C  }
0xb2: {  	s29 =	simm.s32 $0x9;
	_ =	strace $0x8000004E  }
0xb3: {  	_ =	swait.ge [sflag:s29], $0x1  }
0xb4: {  	[sflag:s29] =	ssyncadd.s32 $0xFFFFFFFF  }
0xb5: {  	_ =	strace $0x9000004E  }
0xb6: {  	_ =	sfence  }
0xb7: {  	s30 =	sld [smem:$0x0];
	_ =	sdelay $0x2  }
0xb8: {  	s31 =	sshll.u32 s1, $0xD;
	s1 =	sshrl.u32 s1, $0x2  }
0xb9: {  	s3 =	sand.u32 $0x4000, s31;
	s1 =	sadd.s32 s1, s30  }
0xba: {  	s0 =	sor.u32 s3, s0;
	s1 =	sshll.u32 s1, $0x11  }
0xbb: {  	s0 =	sor.u32 s1, s0  }
0xbc: {  	s0 =	sadd.s32 $0x8F2B, s0  }
0xbd: {  	[sflag:s0] =	ssyncadd.remote.s32 $0x1  }
0xbe: {  	_ =	sfence.sel $0xFFFF  }
0xbf: {  	[dreg:$0x0] =	wrdreg $0xFFFFFFFF;
	(pc) =	sbr.abs _section_cstart, $3  }
0xc0: {  	[dreg:$0x1] =	wrdreg $0xFFFFFFFF  }
0xc1: {  	_ =	task.clear_ibuf [dreg:s7], $0x2FFFF;
	_ =	strace $0x9FFFFFFF  }
0xc2: {  	(tm) =	ssettm $0x7FFFFFFF  }
0xc3: {  	_ =	shalt  }
tec
execute0_lowered:
.L_overlay_start_1:
0x0: {  	(tag) =	ssettag $0x1  }
0x1: {  	s0 =	rddreg [dreg:$0x0];
	s3 =	simm.s32 $0x0  }
0x2: {  	s1 =	srdreg.scid;
	s2 =	stileid.u32;
	s14 =	simm.s32 $0x10000  }
0x3: {  	s15 =	simm.s32 $0x5;
	s17 =	simm.s32 $0x8000;
	s18 =	simm.s32 $0xC000  }
0x4: {  	s19 =	simm.s32 $0x1;
	s20 =	simm.s32 $0x2;
	s21 =	simm.s32 $0x10080  }
0x5: {  	s22 =	simm.s32 $0x10880;
	s23 =	simm.s32 $0x3;
	s24 =	simm.s32 $0x4  }
0x6: {  	s26 =	simm.s32 $0x0;
	[smem:$0x7FF] =	sst s3;
	s1 =	sand.u32 $0x1, s1  }
0x7: {  	s2 =	sshll.u32 s2, $0x1;
	s4 =	sadd.s32 $0x1800, s0;
	s5 =	sadd.s32 $0x201800, s0  }
0x8: {  	_ =	strace $0x8000004D;
	s2 =	sor.u32 s1, s2;
	s1 =	ssub.s32 $0x2, s1  }
0x9: {  	s6 =	sshll.u32 s2, $0x8;
	s7 =	sshll.u32 s2, $0x4;
	s29 =	sshrl.u32 s1, $0x1  }
0xa: {  	s9 =	sadd.s32 s6, s0;
	s6 =	sshll.u32 s2, $0x13;
	s2 =	sshll.u32 s2, $0x10  }
0xb: {  	v0 =	vlaneseq.u32;
	s0 =	sadd.s32 s7, s0;
	s1 =	ssub.s32 s1, s29;
	s30 =	sadd.s32 s4, s2  }
0xc: {  	v0 =	vmul.u32 $0x80, v0;
	s8 =	sor.u32 $0x8000, s6;
	s2 =	sadd.s32 s5, s2;
	[dreg:$0x3] =	wrdreg s30  }
0xd: {  	v1 =	vimm.s32 $0x8;
	s31 =	sadd.s32 $0x401800, s9;
	s11 =	sadd.s32 $0x403800, s9;
	[dreg:$0x4] =	wrdreg s2  }
0xe: {  	v2 =	vimm.s32 $0x0;
	v3 =	vimm.f32 $1.000000000e+00;
	v4 =	vor.u32 $0x10, v0;
	s12 =	sadd.s32 $0x405800, s0;
	s13 =	smax.u32 s1, $0x1;
	[dreg:$0x5] =	wrdreg s31  }
.LBB2_1:
0xf: {  	s0 =	rddreg [dreg:$0x1]  }
0x10: {  	[tilespmem:s14], [sflag:$0x5] =	stream.linear.gather [hbm4b:s0+s3], $0x80, $0x38;
	[tilespmem:$0x11100] =	vst v63  }
0x11: {  	_ =	swait.ge [sflag:s15], $0x80  }
0x12: {  	[sflag:s15] =	ssyncset.done $0x0  }
0x13: {  	v5 =	vimm.f32 $0.0e+00;
	[sflag:s15] =	ssyncadd.s32 $0xFFFFFF80  }
0x14: {  	[tilespmem:$0x10080] =	vst v5  }
0x15: {  	[tilespmem:$0x10090] =	vst v5  }
0x16: {  	[tilespmem:$0x10880] =	vst v5  }
0x17: {  	[tilespmem:$0x10890] =	vst v5  }
0x18: {  	[tilespmem:$0x10100] =	vst v5  }
0x19: {  	[tilespmem:$0x10110] =	vst v5  }
0x1a: {  	[tilespmem:$0x10900] =	vst v5  }
0x1b: {  	[tilespmem:$0x10910] =	vst v5  }
0x1c: {  	[tilespmem:$0x10180] =	vst v5  }
0x1d: {  	[tilespmem:$0x10190] =	vst v5  }
0x1e: {  	[tilespmem:$0x10980] =	vst v5  }
0x1f: {  	[tilespmem:$0x10990] =	vst v5  }
0x20: {  	[tilespmem:$0x10200] =	vst v5  }
0x21: {  	[tilespmem:$0x10210] =	vst v5  }
0x22: {  	[tilespmem:$0x10A00] =	vst v5  }
0x23: {  	[tilespmem:$0x10A10] =	vst v5  }
0x24: {  	[tilespmem:$0x10280] =	vst v5  }
0x25: {  	[tilespmem:$0x10290] =	vst v5  }
0x26: {  	[tilespmem:$0x10A80] =	vst v5  }
0x27: {  	[tilespmem:$0x10A90] =	vst v5  }
0x28: {  	[tilespmem:$0x10300] =	vst v5  }
0x29: {  	[tilespmem:$0x10310] =	vst v5  }
0x2a: {  	[tilespmem:$0x10B00] =	vst v5  }
0x2b: {  	[tilespmem:$0x10B10] =	vst v5  }
0x2c: {  	[tilespmem:$0x10380] =	vst v5  }
0x2d: {  	[tilespmem:$0x10390] =	vst v5  }
0x2e: {  	[tilespmem:$0x10B80] =	vst v5  }
0x2f: {  	[tilespmem:$0x10B90] =	vst v5  }
0x30: {  	[tilespmem:$0x10400] =	vst v5  }
0x31: {  	[tilespmem:$0x10410] =	vst v5  }
0x32: {  	[tilespmem:$0x10C00] =	vst v5  }
0x33: {  	[tilespmem:$0x10C10] =	vst v5  }
0x34: {  	[tilespmem:$0x10480] =	vst v5  }
0x35: {  	[tilespmem:$0x10490] =	vst v5  }
0x36: {  	[tilespmem:$0x10C80] =	vst v5  }
0x37: {  	[tilespmem:$0x10C90] =	vst v5  }
0x38: {  	[tilespmem:$0x10500] =	vst v5  }
0x39: {  	[tilespmem:$0x10510] =	vst v5  }
0x3a: {  	[tilespmem:$0x10D00] =	vst v5  }
0x3b: {  	[tilespmem:$0x10D10] =	vst v5  }
0x3c: {  	[tilespmem:$0x10580] =	vst v5  }
0x3d: {  	[tilespmem:$0x10590] =	vst v5  }
0x3e: {  	[tilespmem:$0x10D80] =	vst v5  }
0x3f: {  	[tilespmem:$0x10D90] =	vst v5  }
0x40: {  	[tilespmem:$0x10600] =	vst v5  }
0x41: {  	[tilespmem:$0x10610] =	vst v5  }
0x42: {  	[tilespmem:$0x10E00] =	vst v5  }
0x43: {  	[tilespmem:$0x10E10] =	vst v5  }
0x44: {  	[tilespmem:$0x10680] =	vst v5  }
0x45: {  	[tilespmem:$0x10690] =	vst v5  }
0x46: {  	[tilespmem:$0x10E80] =	vst v5  }
0x47: {  	[tilespmem:$0x10E90] =	vst v5  }
0x48: {  	[tilespmem:$0x10700] =	vst v5  }
0x49: {  	[tilespmem:$0x10710] =	vst v5  }
0x4a: {  	[tilespmem:$0x10F00] =	vst v5  }
0x4b: {  	[tilespmem:$0x10F10] =	vst v5  }
0x4c: {  	[tilespmem:$0x10780] =	vst v5  }
0x4d: {  	[tilespmem:$0x10790] =	vst v5  }
0x4e: {  	[tilespmem:$0x10F80] =	vst v5  }
0x4f: {  	[tilespmem:$0x10F90] =	vst v5  }
0x50: {  	[tilespmem:$0x10800] =	vst v5  }
0x51: {  	[tilespmem:$0x10810] =	vst v5  }
0x52: {  	[tilespmem:$0x11000] =	vst v5  }
0x53: {  	s30 =	rddreg [dreg:$0x3];
	[tilespmem:$0x11010] =	vst v5  }
0x54: {  	[tilespmem:s3], [sflag:$0x1] =	stream.linear.gather [hbm4b:s30+s3], $0x4000, $0x38;
	[tilespmem:$0x11100] =	vst v63  }
0x55: {  	s1 =	simm.s32 $0x4000;
	s28 =	simm.s32 $0x0;
	s31 =	rddreg [dreg:$0x4]  }
0x56: {  	v7 =	vimm.f32 $0.0e+00;
	[tilespmem:s1], [sflag:$0x2] =	stream.linear.gather [hbm4b:s31+s3], $0x4000, $0x38;
	[tilespmem:$0x11100] =	vst v63  }
.LBB2_2:
0x57: {  	s29 =	sshll.u32 s28, $0xF  }
0x58: {  	s0 =	sor.u32 s29, s6  }
0x59: {  	s0 =	sshrl.u32 s0, $0x3  }
0x5a: {  	s0 =	sor.u32 $0x800, s0  }
0x5b: {  	[tilespmem:$0x1FFB0] =	vst v7;
	s1 =	sadd.s32 s4, s0  }
0x5c: {  	[tilespmem:s17], [sflag:$0x3] =	stream.linear.gather [hbm4b:s1+s3], $0x4000, $0x38;
	[tilespmem:$0x11100] =	vst v63  }
0x5d: {  	[tilespmem:$0x1FFF0] =	vst v5;
	s0 =	sadd.s32 s5, s0  }
0x5e: {  	[tilespmem:s18], [sflag:$0x4] =	stream.linear.gather [hbm4b:s0+s3], $0x4000, $0x38;
	[tilespmem:$0x11100] =	vst v63  }
0x5f: {  	_ =	swait.ge [sflag:s19], $0x4000  }
0x60: {  	[sflag:s19] =	ssyncset.done $0x0  }
0x61: {  	[sflag:s19] =	ssyncadd.s32 $0xFFFFC000  }
0x62: {  	_ =	swait.ge [sflag:s20], $0x4000  }
0x63: {  	[sflag:s20] =	ssyncset.done $0x0  }
0x64: {  	s9 =	simm.s32 $0x80;
	[sflag:s20] =	ssyncadd.s32 $0xFFFFC000  }
0x65: {  	v5 =	vld [tilespmem:s9+$0xFFFFFF80]  }
0x66: {  	v6 =	vld.idx.msk [tilespmem:v1+s14+$0x0], $0xffff;
	_ =	sdelay $0x4  }
0x67: {  	vm0 =	vgt.f32 v5, v6  }
0x68: {  	v6 =	vsel vm0, $0x8, v2  }
0x69: {  	v7 =	vor.u32 $0x4, v6;
	_ =	sdelay $0x4  }
0x6a: {  	v8 =	vld.idx.msk [tilespmem:v7+s14+$0x0], $0xffff;
	_ =	sdelay $0x4  }
0x6b: {  	vm6 =	vgt.f32 v5, v8  }
0x6c: {  	v6 =	vsel vm6, v7, v6  }
0x6d: {  	v7 =	vor.u32 $0x2, v6;
	_ =	sdelay $0x4  }
0x6e: {  	v8 =	vld.idx.msk [tilespmem:v7+s14+$0x0], $0xffff;
	_ =	sdelay $0x4  }
0x6f: {  	vm7 =	vgt.f32 v5, v8  }
0x70: {  	v6 =	vsel vm7, v7, v6  }
0x71: {  	v7 =	vor.u32 $0x1, v6;
	_ =	sdelay $0x4  }
0x72: {  	v8 =	vld.idx.msk [tilespmem:v7+s14+$0x0], $0xffff  }
0x73: {  	s25 =	simm.s32 $0x4080  }
0x74: {  	v9 =	vld [tilespmem:s25+$0xFFFFFF80];
	_ =	sdelay $0x2  }
0x75: {  	vm8 =	vgt.f32 v5, v8  }
0x76: {  	v6 =	vsel vm8, v7, v6  }
0x77: {  	v5 =	vsub.f32 v5, v9;
	v6 =	vadd.s32 v0, v6;
	_ =	sdelay $0x1  }
0x78: {  	v5 =	vmul.f32 v5, v5;
	_ =	sdelay $0x1  }
0x79: {  	[tilespmem:$0x1FFC0] =	vst v5  }
0x7a: {  	[tilespmem:v6+s21+$0x0] =	vst.idx.add.f32.msk $0xffff, v5  }
0x7b: {  	[tilespmem:v6+s22+$0x0] =	vst.idx.add.f32.msk $0xffff, v3  }
0x7c: {  	v6 =	vld [tilespmem:s9+$0xFFFFFFA0]  }
0x7d: {  	v5 =	vld.idx.msk [tilespmem:v1+s14+$0x0], $0xffff;
	_ =	sdelay $0x4  }
0x7e: {  	vm9 =	vgt.f32 v6, v5  }
0x7f: {  	v7 =	vsel vm9, $0x8, v2  }
0x80: {  	v8 =	vor.u32 $0x4, v7;
	_ =	sdelay $0x4  }
0x81: {  	v9 =	vld.idx.msk [tilespmem:v8+s14+$0x0], $0xffff;
	_ =	sdelay $0x4  }
0x82: {  	vm10 =	vgt.f32 v6, v9  }
0x83: {  	v7 =	vsel vm10, v8, v7  }
0x84: {  	v8 =	vor.u32 $0x2, v7;
	_ =	sdelay $0x4  }
0x85: {  	v9 =	vld.idx.msk [tilespmem:v8+s14+$0x0], $0xffff;
	_ =	sdelay $0x4  }
0x86: {  	vm11 =	vgt.f32 v6, v9  }
0x87: {  	v7 =	vsel vm11, v8, v7  }
0x88: {  	v8 =	vor.u32 $0x1, v7;
	_ =	sdelay $0x4  }
0x89: {  	v9 =	vld.idx.msk [tilespmem:v8+s14+$0x0], $0xffff  }
0x8a: {  	v10 =	vld [tilespmem:s25+$0xFFFFFFA0];
	_ =	sdelay $0x3  }
0x8b: {  	vm12 =	vgt.f32 v6, v9  }
0x8c: {  	v6 =	vsub.f32 v6, v10;
	v7 =	vsel vm12, v8, v7  }
0x8d: {  	v7 =	vadd.s32 v0, v7  }
0x8e: {  	v8 =	vmul.f32 v6, v6;
	_ =	sdelay $0x1  }
0x8f: {  	[tilespmem:$0x1FFD0] =	vst v8  }
0x90: {  	v6 =	vld [tilespmem:s9+$0xFFFFFFC0]  }
0x91: {  	[tilespmem:v7+s21+$0x0] =	vst.idx.add.f32.msk $0xffff, v8  }
0x92: {  	[tilespmem:v7+s22+$0x0] =	vst.idx.add.f32.msk $0xffff, v3  }
0x93: {  	v7 =	vld.idx.msk [tilespmem:v1+s14+$0x0], $0xffff;
	_ =	sdelay $0x4  }
0x94: {  	vm13 =	vgt.f32 v6, v7  }
0x95: {  	v8 =	vsel vm13, $0x8, v2  }
0x96: {  	v9 =	vor.u32 $0x4, v8;
	_ =	sdelay $0x1  }
0x97: {  	s16 =	simm.s32 $0x180  }
0x98: {  	v10 =	vld [tilespmem:s16+$0xFFFFFF80]  }
0x99: {  	v13 =	vld.idx.msk [tilespmem:v1+s14+$0x0], $0xffff  }
0x9a: {  	v14 =	vld.idx.msk [tilespmem:v9+s14+$0x0], $0xffff;
	_ =	sdelay $0x3  }
0x9b: {  	vm14 =	vgt.f32 v10, v13  }
0x9c: {  	v13 =	vsel vm14, $0x8, v2;
	vm1 =	vgt.f32 v6, v14  }
0x9d: {  	v8 =	vsel vm1, v9, v8;
	v9 =	vor.u32 $0x4, v13  }
0x9e: {  	v14 =	vor.u32 $0x2, v8;
	_ =	sdelay $0x3  }
0x9f: {  	v16 =	vld.idx.msk [tilespmem:v9+s14+$0x0], $0xffff  }
0xa0: {  	v18 =	vld.idx.msk [tilespmem:v14+s14+$0x0], $0xffff;
	_ =	sdelay $0x3  }
0xa1: {  	vm15 =	vgt.f32 v10, v16  }
0xa2: {  	v9 =	vsel vm15, v9, v13;
	vm4 =	vgt.f32 v6, v18  }
0xa3: {  	v13 =	vor.u32 $0x2, v9;
	v8 =	vsel vm4, v14, v8  }
0xa4: {  	v14 =	vor.u32 $0x1, v8;
	_ =	sdelay $0x3  }
0xa5: {  	v16 =	vld.idx.msk [tilespmem:v13+s14+$0x0], $0xffff  }
0xa6: {  	v18 =	vld.idx.msk [tilespmem:v14+s14+$0x0], $0xffff;
	_ =	sdelay $0x2  }
0xa7: {  	v19 =	vld [tilespmem:s25+$0xFFFFFFC0]  }
0xa8: {  	vm5 =	vgt.f32 v10, v16  }
0xa9: {  	v9 =	vsel vm5, v13, v9;
	vm6 =	vgt.f32 v6, v18  }
0xaa: {  	v13 =	vor.u32 $0x1, v9;
	v8 =	vsel vm6, v14, v8  }
0xab: {  	v8 =	vadd.s32 v0, v8  }
0xac: {  	v6 =	vsub.f32 v6, v19;
	_ =	sdelay $0x1  }
0xad: {  	v18 =	vmul.f32 v6, v6;
	v6 =	vld [tilespmem:s9+$0xFFFFFFE0]  }
0xae: {  	v14 =	vld.idx.msk [tilespmem:v13+s14+$0x0], $0xffff  }
0xaf: {  	[tilespmem:v8+s21+$0x0] =	vst.idx.add.f32.msk $0xffff, v18  }
0xb0: {  	[tilespmem:v8+s22+$0x0] =	vst.idx.add.f32.msk $0xffff, v3  }
0xb1: {  	s2 =	simm.s32 $0x4180;
	v8 =	vld.idx.msk [tilespmem:v1+s14+$0x0], $0xffff  }
0xb2: {  	v16 =	vld [tilespmem:s2+$0xFFFFFF80];
	_ =	sdelay $0x2  }
0xb3: {  	vm7 =	vgt.f32 v10, v14  }
0xb4: {  	v9 =	vsel vm7, v13, v9;
	vm8 =	vgt.f32 v6, v8  }
0xb5: {  	v10 =	vsub.f32 v10, v16;
	v9 =	vadd.s32 v0, v9;
	v13 =	vsel vm8, $0x8, v2  }
0xb6: {  	v14 =	vor.u32 $0x4, v13  }
0xb7: {  	v10 =	vmul.f32 v10, v10;
	_ =	sdelay $0x1  }
0xb8: {  	[tilespmem:$0x1FFE0] =	vst v10  }
0xb9: {  	[tilespmem:v9+s21+$0x0] =	vst.idx.add.f32.msk $0xffff, v10  }
0xba: {  	v10 =	vld.idx.msk [tilespmem:v14+s14+$0x0], $0xffff  }
0xbb: {  	v16 =	vld [tilespmem:s16+$0xFFFFFFA0]  }
0xbc: {  	[tilespmem:v9+s22+$0x0] =	vst.idx.add.f32.msk $0xffff, v3  }
0xbd: {  	v9 =	vld.idx.msk [tilespmem:v1+s14+$0x0], $0xffff;
	_ =	sdelay $0x1  }
0xbe: {  	vm9 =	vgt.f32 v6, v10  }
0xbf: {  	v10 =	vsel vm9, v14, v13  }
0xc0: {  	v13 =	vor.u32 $0x2, v10  }
0xc1: {  	vm10 =	vgt.f32 v16, v9  }
0xc2: {  	v19 =	vsel vm10, $0x8, v2;
	v14 =	vld [tilespmem:s9+$0xFFFFFFB0]  }
0xc3: {  	v21 =	vor.u32 $0x4, v19;
	_ =	sdelay $0x1  }
0xc4: {  	v22 =	vld.idx.msk [tilespmem:v13+s14+$0x0], $0xffff;
	_ =	sdelay $0x1  }
0xc5: {  	vm11 =	vgt.f32 v14, v7  }
0xc6: {  	v23 =	vld.idx.msk [tilespmem:v21+s14+$0x0], $0xffff;
	v7 =	vsel vm11, $0x8, v2  }
0xc7: {  	v24 =	vor.u32 $0x4, v7  }
0xc8: {  	vm12 =	vgt.f32 v6, v22  }
0xc9: {  	v10 =	vsel vm12, v13, v10  }
0xca: {  	v13 =	vor.u32 $0x1, v10  }
0xcb: {  	vm13 =	vgt.f32 v16, v23;
	v22 =	vld [tilespmem:s9+$0xFFFFFF90]  }
0xcc: {  	v19 =	vsel vm13, v21, v19;
	v23 =	vld.idx.msk [tilespmem:v24+s14+$0x0], $0xffff  }
0xcd: {  	v21 =	vor.u32 $0x2, v19;
	_ =	sdelay $0x1  }
0xce: {  	v25 =	vld.idx.msk [tilespmem:v13+s14+$0x0], $0xffff  }
0xcf: {  	vm14 =	vgt.f32 v22, v5  }
0xd0: {  	v5 =	vsel vm14, $0x8, v2;
	vm15 =	vgt.f32 v14, v23;
	v23 =	vld [tilespmem:s25+$0xFFFFFFE0]  }
0xd1: {  	v26 =	vor.u32 $0x4, v5;
	v7 =	vsel vm15, v24, v7;
	v24 =	vld.idx.msk [tilespmem:v21+s14+$0x0], $0xffff;
	_ =	sdelay $0x1  }
0xd2: {  	vm4 =	vgt.f32 v6, v25  }
0xd3: {  	v27 =	vor.u32 $0x2, v7;
	v10 =	vsel vm4, v13, v10  }
0xd4: {  	v10 =	vadd.s32 v0, v10  }
0xd5: {  	v6 =	vsub.f32 v6, v23;
	vm5 =	vgt.f32 v16, v24;
	v13 =	vld.idx.msk [tilespmem:v26+s14+$0x0], $0xffff  }
0xd6: {  	v28 =	vld [tilespmem:s9+$0xFFFFFFD0];
	v19 =	vsel vm5, v21, v19  }
0xd7: {  	v29 =	vld [tilespmem:s9+$0x0];
	v21 =	vor.u32 $0x1, v19;
	v25 =	vmul.f32 v6, v6  }
0xd8: {  	v23 =	vld.idx.msk [tilespmem:v27+s14+$0x0], $0xffff  }
0xd9: {  	[tilespmem:v10+s21+$0x0] =	vst.idx.add.f32.msk $0xffff, v25  }
0xda: {  	vm6 =	vgt.f32 v22, v13;
	[tilespmem:v10+s22+$0x0] =	vst.idx.add.f32.msk $0xffff, v3  }
0xdb: {  	v5 =	vsel vm6, v26, v5;
	v10 =	vld.idx.msk [tilespmem:v1+s14+$0x0], $0xffff  }
0xdc: {  	v13 =	vld.idx.msk [tilespmem:v21+s14+$0x0], $0xffff;
	v6 =	vor.u32 $0x2, v5;
	_ =	sdelay $0x1  }
0xdd: {  	vm8 =	vgt.f32 v28, v8  }
0xde: {  	v24 =	vsel vm8, $0x8, v2;
	vm7 =	vgt.f32 v14, v23;
	v23 =	vld [tilespmem:s2+$0xFFFFFFA0]  }
0xdf: {  	v7 =	vsel vm7, v27, v7;
	v26 =	vor.u32 $0x4, v24;
	vm9 =	vgt.f32 v29, v10  }
0xe0: {  	v8 =	vor.u32 $0x1, v7;
	vm10 =	vgt.f32 v16, v13;
	v27 =	vld.idx.msk [tilespmem:v6+s14+$0x0], $0xffff;
	v13 =	vsel vm9, $0x8, v2  }
0xe1: {  	v19 =	vsel vm10, v21, v19;
	v21 =	vor.u32 $0x4, v13  }
0xe2: {  	v30 =	vld [tilespmem:s25+$0xFFFFFFB0];
	v19 =	vadd.s32 v0, v19  }
0xe3: {  	v33 =	vld [tilespmem:s16+$0xFFFFFFC0];
	v16 =	vsub.f32 v16, v23  }
0xe4: {  	v32 =	vld.idx.msk [tilespmem:v26+s14+$0x0], $0xffff  }
0xe5: {  	v31 =	vld.idx.msk [tilespmem:v8+s14+$0x0], $0xffff;
	v23 =	vmul.f32 v16, v16;
	vm11 =	vgt.f32 v22, v27  }
0xe6: {  	v5 =	vsel vm11, v6, v5;
	v6 =	vld.idx.msk [tilespmem:v21+s14+$0x0], $0xffff  }
0xe7: {  	[tilespmem:v19+s21+$0x0] =	vst.idx.add.f32.msk $0xffff, v23;
	v16 =	vor.u32 $0x1, v5  }
0xe8: {  	[tilespmem:v19+s22+$0x0] =	vst.idx.add.f32.msk $0xffff, v3  }
0xe9: {  	v19 =	vld.idx.msk [tilespmem:v1+s14+$0x0], $0xffff;
	_ =	sdelay $0x1  }
0xea: {  	vm12 =	vgt.f32 v14, v31;
	vm13 =	vgt.f32 v29, v6  }
0xeb: {  	s30 =	simm.s32 $0x280;
	vm14 =	vgt.f32 v28, v32;
	v7 =	vsel vm12, v8, v7;
	v6 =	vld.idx.msk [tilespmem:v16+s14+$0x0], $0xffff;
	v8 =	vsel vm13, v21, v13  }
0xec: {  	v49 =	vld [tilespmem:s30+$0xFFFFFF80];
	v14 =	vsub.f32 v14, v30;
	v24 =	vsel vm14, v26, v24;
	v26 =	vor.u32 $0x2, v8  }
0xed: {  	v30 =	vld.idx.msk [tilespmem:v1+s14+$0x0], $0xffff;
	v27 =	vor.u32 $0x2, v24;
	vm15 =	vgt.f32 v33, v19  }
0xee: {  	v13 =	vld [tilespmem:s25+$0xFFFFFF90];
	v21 =	vmul.f32 v14, v14;
	v14 =	vsel vm15, $0x8, v2  }
0xef: {  	v31 =	vor.u32 $0x4, v14  }
0xf0: {  	vm4 =	vgt.f32 v22, v6  }
0xf1: {  	v5 =	vsel vm4, v16, v5;
	v16 =	vld.idx.msk [tilespmem:v26+s14+$0x0], $0xffff  }
0xf2: {  	v35 =	vld.idx.msk [tilespmem:v27+s14+$0x0], $0xffff  }
0xf3: {  	v34 =	vld [tilespmem:s25+$0xFFFFFFD0];
	vm5 =	vgt.f32 v49, v30;
	v13 =	vsub.f32 v22, v13;
	v5 =	vadd.s32 v4, v5  }
0xf4: {  	v36 =	vsel vm5, $0x8, v2;
	v30 =	vld.idx.msk [tilespmem:v31+s14+$0x0], $0xffff  }
0xf5: {  	v6 =	vld [tilespmem:s16+$0xFFFFFF90];
	v22 =	vmul.f32 v13, v13;
	v13 =	vor.u32 $0x4, v36  }
0xf6: {  	v38 =	vld [tilespmem:s25+$0x0];
	vm6 =	vgt.f32 v29, v16  }
0xf7: {  	vm7 =	vgt.f32 v28, v35;
	v35 =	vld [tilespmem:s9+$0xFFFFFFF0];
	v8 =	vsel vm6, v26, v8  }
0xf8: {  	[tilespmem:v5+s21+$0x0] =	vst.idx.add.f32.msk $0xffff, v22;
	v26 =	vor.u32 $0x1, v8  }
0xf9: {  	vm8 =	vgt.f32 v33, v30;
	[tilespmem:v5+s22+$0x0] =	vst.idx.add.f32.msk $0xffff, v3  }
0xfa: {  	vm9 =	vgt.f32 v6, v9;
	v9 =	vsel vm8, v31, v14;
	v14 =	vld.idx.msk [tilespmem:v13+s14+$0x0], $0xffff  }
0xfb: {  	v16 =	vsel vm7, v27, v24;
	v5 =	vld [tilespmem:s16+$0xFFFFFFB0];
	v37 =	vor.u32 $0x2, v9  }
0xfc: {  	v54 =	vld [tilespmem:s2+$0xFFFFFFC0];
	v27 =	vor.u32 $0x1, v16  }
0xfd: {  	s0 =	simm.s32 $0x4280;
	v7 =	vadd.s32 v4, v7;
	vm10 =	vgt.f32 v35, v10;
	v10 =	vld.idx.msk [tilespmem:v26+s14+$0x0], $0xffff  }
0xfe: {  	v61 =	vld [tilespmem:s0+$0xFFFFFF80];
	v30 =	vsel vm9, $0x8, v2  }
0xff: {  	v42 =	vld [tilespmem:s25+$0xFFFFFFF0];
	v41 =	vsel vm10, $0x8, v2;
	v39 =	vor.u32 $0x4, v30;
	vm11 =	vgt.f32 v49, v14  }
0x100: {  	v43 =	vor.u32 $0x4, v41;
	vm12 =	vgt.f32 v5, v19;
	v14 =	vld.idx.msk [tilespmem:v37+s14+$0x0], $0xffff;
	v13 =	vsel vm11, v13, v36  }
0x101: {  	v40 =	vld.idx.msk [tilespmem:v27+s14+$0x0], $0xffff;
	v50 =	vsel vm12, $0x8, v2;
	v44 =	vor.u32 $0x2, v13  }
0x102: {  	[tilespmem:v7+s21+$0x0] =	vst.idx.add.f32.msk $0xffff, v21;
	v45 =	vor.u32 $0x4, v50;
	vm13 =	vgt.f32 v29, v10  }
0x103: {  	[tilespmem:v7+s22+$0x0] =	vst.idx.add.f32.msk $0xffff, v3;
	v8 =	vsel vm13, v26, v8  }
0x104: {  	v19 =	vld.idx.msk [tilespmem:v39+s14+$0x0], $0xffff;
	v8 =	vadd.s32 v0, v8  }
0x105: {  	v10 =	vld.idx.msk [tilespmem:v43+s14+$0x0], $0xffff;
	vm14 =	vgt.f32 v33, v14;
	v26 =	vsub.f32 v29, v38  }
0x106: {  	vm15 =	vgt.f32 v28, v40;
	v9 =	vsel vm14, v37, v9;
	v14 =	vld.idx.msk [tilespmem:v44+s14+$0x0], $0xffff  }
0x107: {  	v16 =	vsel vm15, v27, v16;
	v29 =	vld.idx.msk [tilespmem:v45+s14+$0x0], $0xffff;
	v37 =	vor.u32 $0x1, v9;
	v27 =	vmul.f32 v26, v26  }
0x108: {  	v51 =	vadd.s32 v4, v16;
	v16 =	vld [tilespmem:s9+$0x20]  }
0x109: {  	[tilespmem:v8+s21+$0x0] =	vst.idx.add.f32.msk $0xffff, v27  }
0x10a: {  	[tilespmem:v8+s22+$0x0] =	vst.idx.add.f32.msk $0xffff, v3  }
0x10b: {  	vm4 =	vgt.f32 v35, v10;
	v52 =	vld.idx.msk [tilespmem:v1+s14+$0x0], $0xffff  }
0x10c: {  	v10 =	vsel vm4, v43, v41;
	vm5 =	vgt.f32 v49, v14;
	v8 =	vld.idx.msk [tilespmem:v37+s14+$0x0], $0xffff  }
0x10d: {  	v7 =	vld [tilespmem:s2+$0xFFFFFF90];
	v26 =	vsub.f32 v28, v34;
	v28 =	vor.u32 $0x2, v10;
	v13 =	vsel vm5, v44, v13  }
0x10e: {  	v24 =	vld [tilespmem:s25+$0x60];
	vm6 =	vgt.f32 v5, v29;
	v29 =	vor.u32 $0x1, v13  }
0x10f: {  	v31 =	vld [tilespmem:s9+$0x60];
	vm9 =	vgt.f32 v6, v19;
	v36 =	vsel vm6, v45, v50  }
0x110: {  	v19 =	vsel vm9, v39, v30;
	v39 =	vld [tilespmem:s25+$0x20];
	v53 =	vor.u32 $0x2, v36;
	vm7 =	vgt.f32 v16, v52  }
0x111: {  	v14 =	vld [tilespmem:s9+$0x10];
	vm8 =	vgt.f32 v33, v8;
	v56 =	vsel vm7, $0x8, v2  }
0x112: {  	v55 =	vld.idx.msk [tilespmem:v28+s14+$0x0], $0xffff;
	v9 =	vsel vm8, v37, v9;
	v58 =	vor.u32 $0x4, v56  }
0x113: {  	v57 =	vld.idx.msk [tilespmem:v29+s14+$0x0], $0xffff;
	v9 =	vadd.s32 v0, v9  }
0x114: {  	v30 =	vsub.f32 v33, v54;
	v38 =	vld [tilespmem:s2+$0xFFFFFFB0]  }
0x115: {  	v59 =	vld.idx.msk [tilespmem:v53+s14+$0x0], $0xffff  }
0x116: {  	v30 =	vmul.f32 v30, v30;
	v33 =	vld [tilespmem:s16+$0xFFFFFFE0];
	vm11 =	vgt.f32 v14, v52  }
0x117: {  	v60 =	vor.u32 $0x2, v19;
	v46 =	vsel vm11, $0x8, v2;
	vm10 =	vgt.f32 v35, v55;
	v47 =	vld.idx.msk [tilespmem:v58+s14+$0x0], $0xffff  }
0x118: {  	v63 =	vor.u32 $0x4, v46;
	v10 =	vsel vm10, v28, v10;
	vm12 =	vgt.f32 v49, v57;
	[tilespmem:v9+s21+$0x0] =	vst.idx.add.f32.msk $0xffff, v30  }
0x119: {  	v62 =	vor.u32 $0x1, v10;
	v13 =	vsel vm12, v29, v13;
	[tilespmem:v9+s22+$0x0] =	vst.idx.add.f32.msk $0xffff, v3  }
0x11a: {  	v9 =	vadd.s32 v0, v13;
	v13 =	vld.idx.msk [tilespmem:v1+s14+$0x0], $0xffff  }
0x11b: {  	v28 =	vsub.f32 v49, v61;
	v49 =	vld [tilespmem:s30+$0xFFFFFFA0]  }
0x11c: {  	v29 =	vld.idx.msk [tilespmem:v60+s14+$0x0], $0xffff;
	vm13 =	vgt.f32 v16, v47  }
0x11d: {  	v28 =	vmul.f32 v28, v28;
	v55 =	vld.idx.msk [tilespmem:v63+s14+$0x0], $0xffff;
	v43 =	vsel vm13, v58, v56  }
0x11e: {  	v54 =	vld.idx.msk [tilespmem:v62+s14+$0x0], $0xffff;
	v56 =	vor.u32 $0x2, v43  }
0x11f: {  	[tilespmem:v9+s21+$0x0] =	vst.idx.add.f32.msk $0xffff, v28;
	vm15 =	vgt.f32 v33, v13  }
0x120: {  	v26 =	vmul.f32 v26, v26;
	vm14 =	vgt.f32 v5, v59;
	[tilespmem:v9+s22+$0x0] =	vst.idx.add.f32.msk $0xffff, v3;
	v58 =	vsel vm15, $0x8, v2  }
0x121: {  	v36 =	vsel vm14, v53, v36;
	v47 =	vld.idx.msk [tilespmem:v1+s14+$0x0], $0xffff;
	v48 =	vor.u32 $0x4, v58  }
0x122: {  	[tilespmem:v51+s21+$0x0] =	vst.idx.add.f32.msk $0xffff, v26;
	v57 =	vor.u32 $0x1, v36  }
0x123: {  	vm4 =	vgt.f32 v6, v29;
	vm5 =	vgt.f32 v35, v54;
	v59 =	vld.idx.msk [tilespmem:v56+s14+$0x0], $0xffff  }
0x124: {  	s31 =	simm.s32 $0x380;
	[tilespmem:v51+s22+$0x0] =	vst.idx.add.f32.msk $0xffff, v3;
	v41 =	vsel vm4, v60, v19;
	v19 =	vsel vm5, v62, v10  }
0x125: {  	v8 =	vld [tilespmem:s31+$0xFFFFFF80];
	v50 =	vor.u32 $0x1, v41;
	vm6 =	vgt.f32 v14, v55;
	v51 =	vadd.s32 v4, v19  }
0x126: {  	v19 =	vsub.f32 v35, v42;
	v35 =	vsel vm6, v63, v46;
	vm7 =	vgt.f32 v49, v47;
	v61 =	vld.idx.msk [tilespmem:v48+s14+$0x0], $0xffff  }
0x127: {  	v60 =	vld.idx.msk [tilespmem:v57+s14+$0x0], $0xffff;
	v62 =	vor.u32 $0x2, v35;
	v63 =	vsel vm7, $0x8, v2  }
0x128: {  	v29 =	vmul.f32 v19, v19;
	v19 =	vld [tilespmem:s16+$0xFFFFFFD0];
	v52 =	vor.u32 $0x4, v63;
	vm8 =	vgt.f32 v16, v59  }
0x129: {  	v37 =	vld [tilespmem:s2+$0x60];
	v34 =	vsel vm8, v56, v43  }
0x12a: {  	v53 =	vld.idx.msk [tilespmem:v50+s14+$0x0], $0xffff;
	v40 =	vor.u32 $0x1, v34  }
0x12b: {  	v44 =	vld [tilespmem:s2+$0xFFFFFFD0];
	vm10 =	vgt.f32 v33, v61  }
0x12c: {  	v54 =	vld.idx.msk [tilespmem:v62+s14+$0x0], $0xffff;
	v55 =	vsel vm10, v48, v58  }
0x12d: {  	vm9 =	vgt.f32 v5, v60;
	vm11 =	vgt.f32 v19, v13;
	v13 =	vld.idx.msk [tilespmem:v52+s14+$0x0], $0xffff;
	v56 =	vor.u32 $0x2, v55  }
0x12e: {  	v9 =	vld [tilespmem:s25+$0x40];
	v36 =	vsel vm9, v57, v36;
	v57 =	vsel vm11, $0x8, v2  }
0x12f: {  	vm12 =	vgt.f32 v6, v53;
	v58 =	vor.u32 $0x4, v57;
	v59 =	vld.idx.msk [tilespmem:v40+s14+$0x0], $0xffff  }
0x130: {  	v10 =	vld [tilespmem:s9+$0x40];
	v41 =	vsel vm12, v50, v41  }
0x131: {  	v42 =	vld [tilespmem:s16+$0x0];
	v60 =	vadd.s32 v4, v41;
	vm13 =	vgt.f32 v14, v54  }
0x132: {  	v6 =	vsub.f32 v6, v7;
	v7 =	vsel vm13, v62, v35;
	vm14 =	vgt.f32 v49, v13;
	v61 =	vld.idx.msk [tilespmem:v56+s14+$0x0], $0xffff  }
0x133: {  	[tilespmem:v51+s21+$0x0] =	vst.idx.add.f32.msk $0xffff, v29;
	v62 =	vor.u32 $0x1, v7;
	v63 =	vsel vm14, v52, v63  }
0x134: {  	v6 =	vmul.f32 v6, v6;
	v52 =	vld.idx.msk [tilespmem:v58+s14+$0x0], $0xffff;
	v53 =	vor.u32 $0x2, v63;
	vm15 =	vgt.f32 v16, v59  }
0x135: {  	[tilespmem:v51+s22+$0x0] =	vst.idx.add.f32.msk $0xffff, v3;
	v34 =	vsel vm15, v40, v34  }
0x136: {  	[tilespmem:v60+s21+$0x0] =	vst.idx.add.f32.msk $0xffff, v6;
	v40 =	vadd.s32 v0, v34  }
0x137: {  	[tilespmem:v60+s22+$0x0] =	vst.idx.add.f32.msk $0xffff, v3;
	v16 =	vsub.f32 v16, v39;
	vm4 =	vgt.f32 v33, v61  }
0x138: {  	v54 =	vsel vm4, v56, v55;
	v55 =	vld.idx.msk [tilespmem:v62+s14+$0x0], $0xffff  }
0x139: {  	v36 =	vadd.s32 v4, v36;
	vm5 =	vgt.f32 v19, v52;
	v34 =	vmul.f32 v16, v16;
	v16 =	vld.idx.msk [tilespmem:v53+s14+$0x0], $0xffff  }
0x13a: {  	v5 =	vsub.f32 v5, v38;
	v56 =	vsel vm5, v58, v57;
	v58 =	vld [tilespmem:s25+$0x10];
	v38 =	vor.u32 $0x1, v54  }
0x13b: {  	[tilespmem:v40+s21+$0x0] =	vst.idx.add.f32.msk $0xffff, v34  }
0x13c: {  	v5 =	vmul.f32 v5, v5;
	v59 =	vor.u32 $0x2, v56;
	[tilespmem:v40+s22+$0x0] =	vst.idx.add.f32.msk $0xffff, v3  }
0x13d: {  	v60 =	vld.idx.msk [tilespmem:v1+s14+$0x0], $0xffff  }
0x13e: {  	[tilespmem:v36+s21+$0x0] =	vst.idx.add.f32.msk $0xffff, v5;
	vm6 =	vgt.f32 v14, v55  }
0x13f: {  	v61 =	vld.idx.msk [tilespmem:v38+s14+$0x0], $0xffff;
	v7 =	vsel vm6, v62, v7  }
0x140: {  	[tilespmem:v36+s22+$0x0] =	vst.idx.add.f32.msk $0xffff, v3;
	vm7 =	vgt.f32 v49, v16;
	v7 =	vadd.s32 v4, v7  }
0x141: {  	v14 =	vsub.f32 v14, v58;
	v62 =	vld.idx.msk [tilespmem:v59+s14+$0x0], $0xffff;
	v41 =	vsel vm7, v53, v63  }
0x142: {  	v16 =	vld [tilespmem:s2+$0xFFFFFFE0];
	v63 =	vor.u32 $0x1, v41;
	vm8 =	vgt.f32 v10, v60  }
0x143: {  	v51 =	vld [tilespmem:s9+$0x30];
	v32 =	vmul.f32 v14, v14;
	v14 =	vsel vm8, $0x8, v2  }
0x144: {  	v43 =	vld [tilespmem:s30+$0xFFFFFFC0];
	vm9 =	vgt.f32 v33, v61;
	v57 =	vor.u32 $0x4, v14  }
0x145: {  	v36 =	vsel vm9, v38, v54;
	[tilespmem:v7+s21+$0x0] =	vst.idx.add.f32.msk $0xffff, v32  }
0x146: {  	vm10 =	vgt.f32 v19, v62;
	v58 =	vadd.s32 v0, v36;
	[tilespmem:v7+s22+$0x0] =	vst.idx.add.f32.msk $0xffff, v3  }
0x147: {  	v16 =	vsub.f32 v33, v16;
	v7 =	vsel vm10, v59, v56;
	v59 =	vld.idx.msk [tilespmem:v63+s14+$0x0], $0xffff  }
0x148: {  	v13 =	vld [tilespmem:s30+$0xFFFFFF90];
	vm11 =	vgt.f32 v51, v60  }
0x149: {  	v36 =	vmul.f32 v16, v16;
	v60 =	vsel vm11, $0x8, v2;
	v62 =	vld.idx.msk [tilespmem:v57+s14+$0x0], $0xffff  }
0x14a: {  	v16 =	vld [tilespmem:s0+$0xFFFFFFA0];
	v61 =	vor.u32 $0x4, v60  }
0x14b: {  	v39 =	vor.u32 $0x1, v7;
	[tilespmem:v58+s21+$0x0] =	vst.idx.add.f32.msk $0xffff, v36  }
0x14c: {  	vm13 =	vgt.f32 v49, v59;
	[tilespmem:v58+s22+$0x0] =	vst.idx.add.f32.msk $0xffff, v3  }
0x14d: {  	v33 =	vsel vm13, v63, v41;
	v50 =	vld.idx.msk [tilespmem:v1+s14+$0x0], $0xffff  }
0x14e: {  	v35 =	vld [tilespmem:s0+$0xFFFFFF90];
	v48 =	vadd.s32 v0, v33;
	vm14 =	vgt.f32 v10, v62  }
0x14f: {  	v16 =	vsub.f32 v49, v16;
	v63 =	vld.idx.msk [tilespmem:v61+s14+$0x0], $0xffff;
	v38 =	vsel vm14, v57, v14  }
0x150: {  	vm12 =	vgt.f32 v13, v47;
	v54 =	vld.idx.msk [tilespmem:v39+s14+$0x0], $0xffff;
	v49 =	vor.u32 $0x2, v38  }
0x151: {  	v47 =	vsel vm12, $0x8, v2;
	v45 =	vld [tilespmem:s16+$0xFFFFFFF0];
	v33 =	vmul.f32 v16, v16  }
0x152: {  	v40 =	vld [tilespmem:s2+$0x0];
	v53 =	vor.u32 $0x4, v47;
	vm15 =	vgt.f32 v42, v50  }
0x153: {  	[tilespmem:v48+s21+$0x0] =	vst.idx.add.f32.msk $0xffff, v33;
	v16 =	vsel vm15, $0x8, v2  }
0x154: {  	vm4 =	vgt.f32 v51, v63;
	[tilespmem:v48+s22+$0x0] =	vst.idx.add.f32.msk $0xffff, v3;
	v57 =	vor.u32 $0x4, v16  }
0x155: {  	vm6 =	vgt.f32 v19, v54;
	v41 =	vsel vm4, v61, v60;
	v48 =	vld.idx.msk [tilespmem:v49+s14+$0x0], $0xffff  }
0x156: {  	v46 =	vld [tilespmem:s25+$0x30];
	vm5 =	vgt.f32 v45, v50;
	v7 =	vsel vm6, v39, v7;
	v58 =	vor.u32 $0x2, v41  }
0x157: {  	v56 =	vld.idx.msk [tilespmem:v53+s14+$0x0], $0xffff;
	v52 =	vsel vm5, $0x8, v2;
	v54 =	vadd.s32 v4, v7  }
0x158: {  	v7 =	vsub.f32 v19, v44;
	v59 =	vld.idx.msk [tilespmem:v1+s14+$0x0], $0xffff;
	v60 =	vor.u32 $0x4, v52  }
0x159: {  	v39 =	vld.idx.msk [tilespmem:v57+s14+$0x0], $0xffff  }
0x15a: {  	v55 =	vld [tilespmem:s2+$0xFFFFFFF0];
	v7 =	vmul.f32 v7, v7;
	vm7 =	vgt.f32 v10, v48  }
0x15b: {  	v19 =	vld.idx.msk [tilespmem:v58+s14+$0x0], $0xffff;
	v38 =	vsel vm7, v49, v38  }
0x15c: {  	[tilespmem:v54+s21+$0x0] =	vst.idx.add.f32.msk $0xffff, v7;
	v61 =	vor.u32 $0x1, v38  }
0x15d: {  	vm8 =	vgt.f32 v43, v59;
	v44 =	vld.idx.msk [tilespmem:v60+s14+$0x0], $0xffff  }
0x15e: {  	[tilespmem:v54+s22+$0x0] =	vst.idx.add.f32.msk $0xffff, v3;
	v49 =	vsel vm8, $0x8, v2;
	vm9 =	vgt.f32 v42, v39  }
0x15f: {  	vm10 =	vgt.f32 v13, v56;
	v48 =	vld [tilespmem:s30+$0xFFFFFFB0];
	v62 =	vor.u32 $0x4, v49;
	v56 =	vsel vm9, v57, v16  }
0x160: {  	v47 =	vsel vm10, v53, v47;
	vm11 =	vgt.f32 v51, v19;
	v39 =	vld.idx.msk [tilespmem:v1+s14+$0x0], $0xffff;
	v53 =	vor.u32 $0x2, v56  }
0x161: {  	v54 =	vor.u32 $0x2, v47;
	v57 =	vsel vm11, v58, v41;
	v19 =	vld.idx.msk [tilespmem:v61+s14+$0x0], $0xffff  }
0x162: {  	v14 =	vld [tilespmem:s16+$0x60];
	v58 =	vor.u32 $0x1, v57  }
0x163: {  	v50 =	vld [tilespmem:s0+$0xFFFFFFB0];
	vm12 =	vgt.f32 v45, v44  }
0x164: {  	v52 =	vsel vm12, v60, v52;
	vm13 =	vgt.f32 v48, v59;
	v41 =	vld.idx.msk [tilespmem:v62+s14+$0x0], $0xffff  }
0x165: {  	v60 =	vor.u32 $0x2, v52;
	v59 =	vsel vm13, $0x8, v2;
	vm14 =	vgt.f32 v8, v39;
	v44 =	vld.idx.msk [tilespmem:v53+s14+$0x0], $0xffff  }
0x166: {  	v11 =	vld.idx.msk [tilespmem:v54+s14+$0x0], $0xffff;
	v63 =	vor.u32 $0x4, v59;
	v15 =	vsel vm14, $0x8, v2;
	vm15 =	vgt.f32 v10, v19  }
0x167: {  	s1 =	simm.s32 $0x480;
	v17 =	vld.idx.msk [tilespmem:v58+s14+$0x0], $0xffff;
	v20 =	vor.u32 $0x4, v15;
	v19 =	vsel vm15, v61, v38  }
0x168: {  	v16 =	vld [tilespmem:s1+$0xFFFFFF80];
	v61 =	vadd.s32 v0, v19  }
0x169: {  	v9 =	vsub.f32 v10, v9;
	v39 =	vld [tilespmem:s2+$0x40];
	vm4 =	vgt.f32 v43, v41  }
0x16a: {  	v38 =	vld.idx.msk [tilespmem:v60+s14+$0x0], $0xffff;
	v62 =	vsel vm4, v62, v49;
	vm5 =	vgt.f32 v42, v44  }
0x16b: {  	v10 =	vld.idx.msk [tilespmem:v63+s14+$0x0], $0xffff;
	v41 =	vmul.f32 v9, v9;
	v9 =	vor.u32 $0x2, v62;
	v53 =	vsel vm5, v53, v56  }
0x16c: {  	vm6 =	vgt.f32 v51, v17;
	v17 =	vld.idx.msk [tilespmem:v20+s14+$0x0], $0xffff;
	v56 =	vor.u32 $0x1, v53  }
0x16d: {  	[tilespmem:v61+s21+$0x0] =	vst.idx.add.f32.msk $0xffff, v41  }
0x16e: {  	v58 =	vsel vm6, v58, v57;
	[tilespmem:v61+s22+$0x0] =	vst.idx.add.f32.msk $0xffff, v3  }
0x16f: {  	v57 =	vadd.s32 v4, v58;
	vm7 =	vgt.f32 v45, v38;
	v38 =	vsub.f32 v51, v46;
	v46 =	vld.idx.msk [tilespmem:v1+s14+$0x0], $0xffff  }
0x170: {  	vm9 =	vgt.f32 v13, v11;
	vm8 =	vgt.f32 v48, v10;
	v10 =	vsel vm7, v60, v52;
	v11 =	vld.idx.msk [tilespmem:v9+s14+$0x0], $0xffff  }
0x171: {  	v54 =	vsel vm9, v54, v47;
	v51 =	vsel vm8, v63, v59;
	v52 =	vor.u32 $0x1, v10;
	v61 =	vld.idx.msk [tilespmem:v56+s14+$0x0], $0xffff  }
0x172: {  	v47 =	vld [tilespmem:s16+$0x20];
	vm10 =	vgt.f32 v8, v17;
	v59 =	vor.u32 $0x2, v51;
	v38 =	vmul.f32 v38, v38  }
0x173: {  	v17 =	vor.u32 $0x1, v54;
	v15 =	vsel vm10, v20, v15;
	v49 =	vld [tilespmem:s9+$0x50]  }
0x174: {  	v20 =	vor.u32 $0x2, v15;
	[tilespmem:v57+s21+$0x0] =	vst.idx.add.f32.msk $0xffff, v38;
	vm11 =	vgt.f32 v31, v46  }
0x175: {  	[tilespmem:v57+s22+$0x0] =	vst.idx.add.f32.msk $0xffff, v3;
	vm12 =	vgt.f32 v43, v11;
	v57 =	vsel vm11, $0x8, v2  }
0x176: {  	v11 =	vld.idx.msk [tilespmem:v52+s14+$0x0], $0xffff;
	vm13 =	vgt.f32 v42, v61;
	v58 =	vsel vm12, v9, v62;
	v60 =	vor.u32 $0x4, v57  }
0x177: {  	v9 =	vld.idx.msk [tilespmem:v59+s14+$0x0], $0xffff;
	v63 =	vsel vm13, v56, v53;
	v53 =	vor.u32 $0x1, v58  }
0x178: {  	v56 =	vld.idx.msk [tilespmem:v17+s14+$0x0], $0xffff;
	v61 =	vadd.s32 v0, v63  }
0x179: {  	v40 =	vsub.f32 v42, v40;
	vm14 =	vgt.f32 v49, v46;
	v46 =	vld.idx.msk [tilespmem:v20+s14+$0x0], $0xffff  }
0x17a: {  	v63 =	vld [tilespmem:s0+$0xFFFFFFC0]  }
0x17b: {  	v42 =	vmul.f32 v40, v40;
	v62 =	vsel vm14, $0x8, v2;
	vm15 =	vgt.f32 v45, v11;
	v40 =	vld.idx.msk [tilespmem:v60+s14+$0x0], $0xffff  }
0x17c: {  	v11 =	vor.u32 $0x4, v62;
	v45 =	vsub.f32 v45, v55;
	v55 =	vld.idx.msk [tilespmem:v53+s14+$0x0], $0xffff;
	v10 =	vsel vm15, v52, v10  }
0x17d: {  	vm4 =	vgt.f32 v48, v9;
	[tilespmem:v61+s21+$0x0] =	vst.idx.add.f32.msk $0xffff, v42;
	v10 =	vadd.s32 v4, v10  }
0x17e: {  	v51 =	vsel vm4, v59, v51;
	[tilespmem:v61+s22+$0x0] =	vst.idx.add.f32.msk $0xffff, v3  }
0x17f: {  	vm5 =	vgt.f32 v8, v46;
	v59 =	vor.u32 $0x1, v51;
	v52 =	vld.idx.msk [tilespmem:v1+s14+$0x0], $0xffff  }
0x180: {  	v15 =	vsel vm5, v20, v15;
	v9 =	vmul.f32 v45, v45;
	v45 =	vld [tilespmem:s16+$0x10];
	vm6 =	vgt.f32 v31, v40  }
0x181: {  	v61 =	vor.u32 $0x1, v15;
	v20 =	vld.idx.msk [tilespmem:v11+s14+$0x0], $0xffff;
	v57 =	vsel vm6, v60, v57  }
0x182: {  	vm7 =	vgt.f32 v43, v55;
	[tilespmem:v10+s21+$0x0] =	vst.idx.add.f32.msk $0xffff, v9;
	v55 =	vor.u32 $0x2, v57  }
0x183: {  	[tilespmem:v10+s22+$0x0] =	vst.idx.add.f32.msk $0xffff, v3;
	v60 =	vsel vm7, v53, v58  }
0x184: {  	v53 =	vld.idx.msk [tilespmem:v59+s14+$0x0], $0xffff;
	vm8 =	vgt.f32 v47, v52;
	v10 =	vadd.s32 v0, v60  }
0x185: {  	v44 =	vld [tilespmem:s2+$0x20];
	v40 =	vsub.f32 v43, v63;
	v58 =	vsel vm8, $0x8, v2  }
0x186: {  	v43 =	vld.idx.msk [tilespmem:v61+s14+$0x0], $0xffff;
	vm9 =	vgt.f32 v45, v52;
	vm7 =	vgt.f32 v13, v56;
	v60 =	vor.u32 $0x4, v58  }
0x187: {  	s7 =	simm.s32 $0x4380;
	v13 =	vsub.f32 v13, v35;
	v40 =	vmul.f32 v40, v40;
	v52 =	vsel vm9, $0x8, v2;
	v63 =	vld.idx.msk [tilespmem:v55+s14+$0x0], $0xffff  }
0x188: {  	vm10 =	vgt.f32 v49, v20;
	v20 =	vld [tilespmem:s7+$0xFFFFFF80];
	v17 =	vsel vm7, v17, v54;
	v12 =	vor.u32 $0x4, v52  }
0x189: {  	v17 =	vadd.s32 v4, v17;
	vm11 =	vgt.f32 v48, v53;
	[tilespmem:v10+s21+$0x0] =	vst.idx.add.f32.msk $0xffff, v40  }
0x18a: {  	v11 =	vsel vm10, v11, v62;
	[tilespmem:v10+s22+$0x0] =	vst.idx.add.f32.msk $0xffff, v3;
	v10 =	vsel vm11, v59, v51  }
0x18b: {  	v13 =	vmul.f32 v13, v13;
	vm12 =	vgt.f32 v8, v43;
	v62 =	vld.idx.msk [tilespmem:v60+s14+$0x0], $0xffff;
	v59 =	vadd.s32 v4, v10  }
0x18c: {  	v46 =	vld [tilespmem:s30+$0xFFFFFFE0];
	v10 =	vsel vm12, v61, v15;
	v15 =	vsub.f32 v48, v50;
	vm13 =	vgt.f32 v31, v63  }
0x18d: {  	v53 =	vor.u32 $0x2, v11;
	v8 =	vsub.f32 v8, v20;
	v20 =	vld.idx.msk [tilespmem:v12+s14+$0x0], $0xffff;
	v55 =	vsel vm13, v55, v57  }
0x18e: {  	[tilespmem:v17+s21+$0x0] =	vst.idx.add.f32.msk $0xffff, v13;
	v50 =	vadd.s32 v0, v10;
	v10 =	vmul.f32 v15, v15;
	v15 =	vor.u32 $0x1, v55  }
0x18f: {  	v48 =	vld.idx.msk [tilespmem:v1+s14+$0x0], $0xffff  }
0x190: {  	v43 =	vld [tilespmem:s30+$0xFFFFFFD0];
	vm14 =	vgt.f32 v47, v62  }
0x191: {  	[tilespmem:v17+s22+$0x0] =	vst.idx.add.f32.msk $0xffff, v3;
	v51 =	vsel vm14, v60, v58  }
0x192: {  	v57 =	vld.idx.msk [tilespmem:v53+s14+$0x0], $0xffff;
	vm4 =	vgt.f32 v45, v20;
	v60 =	vor.u32 $0x2, v51  }
0x193: {  	v12 =	vsel vm4, v12, v52;
	v52 =	vld.idx.msk [tilespmem:v15+s14+$0x0], $0xffff  }
0x194: {  	v8 =	vmul.f32 v8, v8;
	v17 =	vld [tilespmem:s25+$0x50]  }
0x195: {  	vm15 =	vgt.f32 v46, v48;
	vm5 =	vgt.f32 v43, v48;
	v48 =	vld [tilespmem:s31+$0xFFFFFFA0]  }
0x196: {  	[tilespmem:v50+s21+$0x0] =	vst.idx.add.f32.msk $0xffff, v8;
	v58 =	vsel vm15, $0x8, v2  }
0x197: {  	v20 =	vor.u32 $0x4, v58;
	vm6 =	vgt.f32 v49, v57;
	v63 =	vld.idx.msk [tilespmem:v60+s14+$0x0], $0xffff  }
0x198: {  	v61 =	vor.u32 $0x2, v12;
	[tilespmem:v50+s22+$0x0] =	vst.idx.add.f32.msk $0xffff, v3;
	v11 =	vsel vm6, v53, v11;
	vm8 =	vgt.f32 v31, v52  }
0x199: {  	v50 =	vld.idx.msk [tilespmem:v1+s14+$0x0], $0xffff;
	v54 =	vor.u32 $0x1, v11;
	v15 =	vsel vm8, v15, v55  }
0x19a: {  	[tilespmem:v59+s21+$0x0] =	vst.idx.add.f32.msk $0xffff, v10;
	v15 =	vadd.s32 v0, v15  }
0x19b: {  	v24 =	vsub.f32 v31, v24;
	[tilespmem:v59+s22+$0x0] =	vst.idx.add.f32.msk $0xffff, v3  }
0x19c: {  	v35 =	vld.idx.msk [tilespmem:v20+s14+$0x0], $0xffff;
	vm10 =	vgt.f32 v47, v63  }
0x19d: {  	v57 =	vsel vm5, $0x8, v2;
	v52 =	vld.idx.msk [tilespmem:v61+s14+$0x0], $0xffff;
	v51 =	vsel vm10, v60, v51;
	v60 =	vmul.f32 v24, v24  }
0x19e: {  	v53 =	vor.u32 $0x4, v57;
	vm9 =	vgt.f32 v48, v50;
	v59 =	vld.idx.msk [tilespmem:v54+s14+$0x0], $0xffff  }
0x19f: {  	v31 =	vsel vm9, $0x8, v2;
	[tilespmem:v15+s21+$0x0] =	vst.idx.add.f32.msk $0xffff, v60  }
0x1a0: {  	v56 =	vor.u32 $0x4, v31;
	[tilespmem:v15+s22+$0x0] =	vst.idx.add.f32.msk $0xffff, v3  }
0x1a1: {  	vm11 =	vgt.f32 v46, v35;
	v35 =	vor.u32 $0x1, v51;
	v15 =	vld [tilespmem:$0x1FFB0]  }
0x1a2: {  	v20 =	vsel vm11, v20, v58;
	v24 =	vld [tilespmem:$0x1FFC0]  }
0x1a3: {  	v55 =	vld.idx.msk [tilespmem:v53+s14+$0x0], $0xffff;
	v58 =	vor.u32 $0x2, v20  }
0x1a4: {  	vm12 =	vgt.f32 v49, v59;
	v62 =	vld [tilespmem:$0x1FFD0]  }
0x1a5: {  	v11 =	vsel vm12, v54, v11;
	v54 =	vld.idx.msk [tilespmem:v56+s14+$0x0], $0xffff  }
0x1a6: {  	v17 =	vsub.f32 v49, v17;
	v11 =	vadd.s32 v4, v11;
	v49 =	vld.idx.msk [tilespmem:v35+s14+$0x0], $0xffff  }
0x1a7: {  	v19 =	vld [tilespmem:s16+$0x40];
	v24 =	vadd.f32 v24, v15  }
0x1a8: {  	v17 =	vmul.f32 v17, v17;
	vm13 =	vgt.f32 v45, v52;
	v63 =	vld.idx.msk [tilespmem:v58+s14+$0x0], $0xffff  }
0x1a9: {  	v12 =	vsel vm13, v61, v12;
	vm14 =	vgt.f32 v43, v55;
	v61 =	vld.idx.msk [tilespmem:v1+s14+$0x0], $0xffff;
	v59 =	vadd.f32 v62, v24  }
0x1aa: {  	v53 =	vsel vm14, v53, v57;
	vm15 =	vgt.f32 v48, v54;
	v54 =	vld [tilespmem:s0+$0x0]  }
0x1ab: {  	v55 =	vor.u32 $0x1, v12;
	[tilespmem:v11+s21+$0x0] =	vst.idx.add.f32.msk $0xffff, v17;
	vm4 =	vgt.f32 v47, v49;
	v18 =	vadd.f32 v18, v59  }
0x1ac: {  	v57 =	vor.u32 $0x2, v53;
	v56 =	vsel vm15, v56, v31;
	v31 =	vld [tilespmem:s9+$0x70];
	v35 =	vsel vm4, v35, v51  }
0x1ad: {  	v49 =	vld [tilespmem:s7+$0xFFFFFF90];
	v18 =	vadd.f32 v25, v18;
	v25 =	vadd.s32 v0, v35  }
0x1ae: {  	v15 =	vld [tilespmem:s0+$0xFFFFFFD0];
	v62 =	vsub.f32 v47, v44  }
0x1af: {  	[tilespmem:v11+s22+$0x0] =	vst.idx.add.f32.msk $0xffff, v3  }
0x1b0: {  	v11 =	vor.u32 $0x2, v56;
	vm5 =	vgt.f32 v46, v63;
	v63 =	vld.idx.msk [tilespmem:v55+s14+$0x0], $0xffff;
	v51 =	vmul.f32 v62, v62  }
0x1b1: {  	v20 =	vsel vm5, v58, v20;
	v18 =	vadd.f32 v27, v18;
	v27 =	vld.idx.msk [tilespmem:v57+s14+$0x0], $0xffff  }
0x1b2: {  	v47 =	vor.u32 $0x1, v20;
	[tilespmem:v25+s21+$0x0] =	vst.idx.add.f32.msk $0xffff, v51  }
0x1b3: {  	v18 =	vadd.f32 v34, v18;
	[tilespmem:v25+s22+$0x0] =	vst.idx.add.f32.msk $0xffff, v3  }
0x1b4: {  	vm6 =	vgt.f32 v31, v61;
	v59 =	vld [tilespmem:$0x1FFE0]  }
0x1b5: {  	v61 =	vsel vm6, $0x8, v2;
	v35 =	vld.idx.msk [tilespmem:v11+s14+$0x0], $0xffff;
	v18 =	vadd.f32 v41, v18  }
0x1b6: {  	v58 =	vld [tilespmem:s2+$0x10];
	v62 =	vor.u32 $0x4, v61  }
0x1b7: {  	v25 =	vld.idx.msk [tilespmem:v47+s14+$0x0], $0xffff;
	v18 =	vadd.f32 v60, v18  }
0x1b8: {  	v24 =	vld [tilespmem:s31+$0xFFFFFF90];
	vm7 =	vgt.f32 v45, v63  }
0x1b9: {  	v12 =	vsel vm7, v55, v12;
	vm8 =	vgt.f32 v43, v27;
	v27 =	vld.idx.msk [tilespmem:v1+s14+$0x0], $0xffff;
	v18 =	vadd.f32 v59, v18  }
0x1ba: {  	v63 =	vld [tilespmem:s0+$0xFFFFFFE0];
	v12 =	vadd.s32 v4, v12;
	vm9 =	vgt.f32 v48, v35  }
0x1bb: {  	v34 =	vsub.f32 v45, v58;
	v60 =	vld.idx.msk [tilespmem:v62+s14+$0x0], $0xffff;
	v18 =	vadd.f32 v23, v18;
	v23 =	vsel vm9, v11, v56  }
0x1bc: {  	v35 =	vld [tilespmem:s16+$0x30];
	vm10 =	vgt.f32 v46, v25;
	v56 =	vor.u32 $0x1, v23  }
0x1bd: {  	v53 =	vsel vm8, v57, v53;
	v57 =	vld [tilespmem:s2+$0x30];
	v20 =	vsel vm10, v47, v20;
	v11 =	vmul.f32 v34, v34  }
0x1be: {  	v25 =	vld [tilespmem:s30+$0x0];
	vm11 =	vgt.f32 v19, v27;
	v20 =	vadd.s32 v0, v20  }
0x1bf: {  	v18 =	vadd.f32 v30, v18;
	v30 =	vsub.f32 v46, v63;
	[tilespmem:v12+s21+$0x0] =	vst.idx.add.f32.msk $0xffff, v11  }
0x1c0: {  	vm12 =	vgt.f32 v31, v60;
	v46 =	vsel vm11, $0x8, v2;
	[tilespmem:v12+s22+$0x0] =	vst.idx.add.f32.msk $0xffff, v3  }
0x1c1: {  	v45 =	vor.u32 $0x4, v46;
	v18 =	vadd.f32 v36, v18;
	v36 =	vmul.f32 v30, v30;
	v12 =	vld.idx.msk [tilespmem:v56+s14+$0x0], $0xffff  }
0x1c2: {  	vm13 =	vgt.f32 v35, v27;
	v41 =	vsel vm12, v62, v61;
	v61 =	vld [tilespmem:s7+$0xFFFFFFA0]  }
0x1c3: {  	v52 =	vsel vm13, $0x8, v2;
	[tilespmem:v20+s21+$0x0] =	vst.idx.add.f32.msk $0xffff, v36  }
0x1c4: {  	v27 =	vsub.f32 v19, v39;
	v39 =	vor.u32 $0x4, v52;
	[tilespmem:v20+s22+$0x0] =	vst.idx.add.f32.msk $0xffff, v3  }
0x1c5: {  	vm14 =	vgt.f32 v24, v50;
	v62 =	vsub.f32 v14, v37;
	v18 =	vadd.f32 v42, v18;
	v37 =	vld.idx.msk [tilespmem:v1+s14+$0x0], $0xffff  }
0x1c6: {  	v55 =	vor.u32 $0x1, v53;
	v58 =	vor.u32 $0x2, v41;
	v63 =	vld.idx.msk [tilespmem:v45+s14+$0x0], $0xffff;
	vm15 =	vgt.f32 v48, v12  }
0x1c7: {  	v30 =	vmul.f32 v27, v27;
	v18 =	vadd.f32 v51, v18;
	v12 =	vsel vm15, v56, v23;
	v56 =	vld [tilespmem:$0x1FFF0]  }
0x1c8: {  	v20 =	vsel vm14, $0x8, v2;
	v34 =	vld [tilespmem:s30+$0xFFFFFFF0]  }
0x1c9: {  	v27 =	vmul.f32 v62, v62;
	v50 =	vor.u32 $0x4, v20;
	v18 =	vadd.f32 v30, v18;
	v23 =	vld.idx.msk [tilespmem:v39+s14+$0x0], $0xffff  }
0x1ca: {  	v60 =	vld [tilespmem:s0+$0x60]  }
0x1cb: {  	v51 =	vld.idx.msk [tilespmem:v58+s14+$0x0], $0xffff;
	v18 =	vadd.f32 v27, v18;
	vm4 =	vgt.f32 v25, v37  }
0x1cc: {  	v44 =	vld.idx.msk [tilespmem:v55+s14+$0x0], $0xffff;
	vm5 =	vgt.f32 v19, v63;
	v22 =	vadd.f32 v22, v56;
	v56 =	vadd.s32 v0, v12  }
0x1cd: {  	v47 =	vld [tilespmem:s0+$0xFFFFFFF0];
	vm7 =	vgt.f32 v34, v37;
	v59 =	vsel vm4, $0x8, v2;
	v12 =	vsub.f32 v48, v61  }
0x1ce: {  	v46 =	vsel vm5, v45, v46;
	v48 =	vld.idx.msk [tilespmem:v50+s14+$0x0], $0xffff;
	vm6 =	vgt.f32 v35, v23;
	v21 =	vadd.f32 v21, v22  }
0x1cf: {  	v45 =	vor.u32 $0x4, v59;
	v37 =	vsel vm6, v39, v52;
	v39 =	vld [tilespmem:s25+$0x70];
	v12 =	vmul.f32 v12, v12  }
0x1d0: {  	vm8 =	vgt.f32 v31, v51;
	v26 =	vadd.f32 v26, v21;
	v21 =	vld [tilespmem:s31+$0xFFFFFFC0]  }
0x1d1: {  	v18 =	vadd.f32 v28, v18;
	v51 =	vsel vm7, $0x8, v2;
	v23 =	vor.u32 $0x2, v46;
	[tilespmem:v56+s21+$0x0] =	vst.idx.add.f32.msk $0xffff, v12  }
0x1d2: {  	v22 =	vsel vm8, v58, v41;
	v58 =	vor.u32 $0x4, v51;
	[tilespmem:v56+s22+$0x0] =	vst.idx.add.f32.msk $0xffff, v3  }
0x1d3: {  	v18 =	vadd.f32 v33, v18;
	v41 =	vor.u32 $0x1, v22;
	v42 =	vld.idx.msk [tilespmem:v1+s14+$0x0], $0xffff  }
0x1d4: {  	v62 =	vsub.f32 v43, v15;
	vm9 =	vgt.f32 v43, v44;
	v61 =	vld.idx.msk [tilespmem:v45+s14+$0x0], $0xffff;
	v56 =	vor.u32 $0x2, v37  }
0x1d5: {  	v44 =	vsel vm9, v55, v53;
	v28 =	vsub.f32 v24, v49;
	v18 =	vadd.f32 v40, v18;
	v40 =	vld [tilespmem:s30+$0x60]  }
0x1d6: {  	v49 =	vadd.s32 v4, v44;
	v33 =	vsub.f32 v35, v57;
	v43 =	vld.idx.msk [tilespmem:v23+s14+$0x0], $0xffff;
	v26 =	vadd.f32 v29, v26  }
0x1d7: {  	v15 =	vadd.f32 v36, v18;
	vm10 =	vgt.f32 v24, v48;
	v29 =	vsub.f32 v25, v54;
	v63 =	vld.idx.msk [tilespmem:v58+s14+$0x0], $0xffff  }
0x1d8: {  	v36 =	vsel vm10, v50, v20;
	v18 =	vadd.f32 v32, v26;
	v52 =	vld.idx.msk [tilespmem:v41+s14+$0x0], $0xffff;
	vm11 =	vgt.f32 v21, v42  }
0x1d9: {  	v32 =	vsub.f32 v34, v47;
	vm12 =	vgt.f32 v25, v61;
	v57 =	vld.idx.msk [tilespmem:v56+s14+$0x0], $0xffff;
	v44 =	vsel vm11, $0x8, v2  }
0x1da: {  	v26 =	vld [tilespmem:s31+$0xFFFFFFB0];
	v20 =	vadd.f32 v38, v18;
	v18 =	vmul.f32 v62, v62;
	v47 =	vor.u32 $0x4, v44  }
0x1db: {  	v39 =	vsub.f32 v31, v39;
	v45 =	vsel vm12, v45, v59;
	v38 =	vld [tilespmem:s7+$0xFFFFFFB0];
	vm13 =	vgt.f32 v19, v43  }
0x1dc: {  	v50 =	vor.u32 $0x2, v45;
	v46 =	vsel vm13, v23, v46;
	v20 =	vadd.f32 v17, v20;
	[tilespmem:v49+s21+$0x0] =	vst.idx.add.f32.msk $0xffff, v18  }
0x1dd: {  	v17 =	vsub.f32 v40, v60;
	v48 =	vor.u32 $0x1, v46;
	[tilespmem:v49+s22+$0x0] =	vst.idx.add.f32.msk $0xffff, v3;
	v49 =	vmul.f32 v39, v39  }
0x1de: {  	v53 =	vld.idx.msk [tilespmem:v1+s14+$0x0], $0xffff;
	vm14 =	vgt.f32 v34, v63;
	v39 =	vor.u32 $0x2, v36;
	vm15 =	vgt.f32 v35, v57  }
0x1df: {  	s10 =	simm.s32 $0x580;
	s9 =	simm.s32 $0x400;
	s25 =	simm.s32 $0x4380;
	v43 =	vsel vm14, v58, v51;
	v20 =	vadd.f32 v49, v20;
	v51 =	vsel vm15, v56, v37;
	v54 =	vld.idx.msk [tilespmem:v47+s14+$0x0], $0xffff  }
.LBB2_3:
0x1e0: {  	v37 =	vld [tilespmem:s10+$0xFFFFFF80];
	s9 =	sadd.s32 $0x100, s9;
	v23 =	vsub.f32 v26, v38;
	vm0 =	vgt.f32 v26, v42;
	v38 =	vor.u32 $0x1, v51  }
0x1e1: {  	v55 =	vor.u32 $0x2, v43;
	p0 =	slt.u32 s9, $0x3F00;
	v42 =	vsel vm0, $0x8, v2;
	v56 =	vld.idx.msk [tilespmem:v50+s14+$0x0], $0xffff;
	v20 =	vadd.f32 v6, v20;
	v6 =	vmovc v13  }
0x1e2: {  	vm0 =	vgt.f32 v31, v52;
	v13 =	vor.u32 $0x4, v42;
	v57 =	vld.idx.msk [tilespmem:v48+s14+$0x0], $0xffff  }
0x1e3: {  	v22 =	vsel vm0, v41, v22;
	v31 =	vld.idx.msk [tilespmem:v39+s14+$0x0], $0xffff;
	v20 =	vadd.f32 v5, v20;
	v5 =	vmov v10  }
0x1e4: {  	v22 =	vadd.s32 v4, v22;
	v10 =	vld [tilespmem:s0+$0x40]  }
0x1e5: {  	vm0 =	vgt.f32 v16, v53;
	vm1 =	vgt.f32 v21, v54;
	v20 =	vadd.f32 v7, v20;
	v41 =	vld.idx.msk [tilespmem:v38+s14+$0x0], $0xffff  }
0x1e6: {  	v52 =	vsel vm0, $0x8, v2;
	v44 =	vsel vm1, v47, v44;
	v7 =	vmov v18;
	v47 =	vld.idx.msk [tilespmem:v55+s14+$0x0], $0xffff  }
0x1e7: {  	v53 =	vor.u32 $0x4, v52;
	v58 =	vor.u32 $0x2, v44;
	vm0 =	vgt.f32 v25, v56;
	v54 =	vld.idx.msk [tilespmem:v13+s14+$0x0], $0xffff  }
0x1e8: {  	v45 =	vsel vm0, v50, v45;
	v18 =	vadd.f32 v9, v20;
	vm0 =	vgt.f32 v19, v57;
	v19 =	vld [tilespmem:s30+$0x40]  }
0x1e9: {  	vm1 =	vgt.f32 v24, v31;
	v9 =	vor.u32 $0x1, v45;
	v20 =	vsel vm0, v48, v46;
	[tilespmem:v22+s21+$0x0] =	vst.idx.add.f32.msk $0xffff, v49  }
0x1ea: {  	v20 =	vadd.s32 v0, v20;
	[tilespmem:v22+s22+$0x0] =	vst.idx.add.f32.msk $0xffff, v3  }
0x1eb: {  	vm0 =	vgt.f32 v35, v41;
	v46 =	vld [tilespmem:s0+$0x20]  }
0x1ec: {  	vm2 =	vgt.f32 v34, v47;
	v35 =	vsel vm0, v38, v51;
	v31 =	vld.idx.msk [tilespmem:v53+s14+$0x0], $0xffff  }
0x1ed: {  	vm0 =	vgt.f32 v26, v54;
	v38 =	vld.idx.msk [tilespmem:v58+s14+$0x0], $0xffff;
	v22 =	vsub.f32 v19, v10  }
0x1ee: {  	v35 =	vadd.s32 v4, v35;
	v10 =	vsel vm0, v13, v42;
	v13 =	vld.idx.msk [tilespmem:v9+s14+$0x0], $0xffff  }
0x1ef: {  	v41 =	vsel vm2, v55, v43;
	[tilespmem:v20+s21+$0x0] =	vst.idx.add.f32.msk $0xffff, v30  }
0x1f0: {  	v42 =	vor.u32 $0x1, v41;
	[tilespmem:v20+s22+$0x0] =	vst.idx.add.f32.msk $0xffff, v3  }
0x1f1: {  	v36 =	vsel vm1, v39, v36;
	v39 =	vor.u32 $0x2, v10;
	v20 =	vmul.f32 v33, v33;
	v30 =	vld.idx.msk [tilespmem:v1+s14+$0x0], $0xffff  }
0x1f2: {  	v33 =	vor.u32 $0x1, v36;
	vm0 =	vgt.f32 v16, v31;
	v31 =	vld [tilespmem:s16+$0x50]  }
0x1f3: {  	v43 =	vsel vm0, v53, v52;
	[tilespmem:v35+s21+$0x0] =	vst.idx.add.f32.msk $0xffff, v20  }
0x1f4: {  	vm0 =	vgt.f32 v21, v38;
	v47 =	vor.u32 $0x2, v43;
	vm1 =	vgt.f32 v25, v13;
	[tilespmem:v35+s22+$0x0] =	vst.idx.add.f32.msk $0xffff, v3  }
0x1f5: {  	v13 =	vsel vm0, v58, v44;
	v9 =	vsel vm1, v9, v45;
	v25 =	vld.idx.msk [tilespmem:v42+s14+$0x0], $0xffff  }
0x1f6: {  	v38 =	vor.u32 $0x1, v13;
	v9 =	vadd.s32 v0, v9;
	v35 =	vld.idx.msk [tilespmem:v39+s14+$0x0], $0xffff  }
0x1f7: {  	vm1 =	vgt.f32 v14, v30;
	v44 =	vld.idx.msk [tilespmem:v33+s14+$0x0], $0xffff;
	vm0 =	vgt.f32 v31, v30  }
0x1f8: {  	v48 =	vsel vm1, $0x8, v2;
	v30 =	vld [tilespmem:s30+$0x20];
	v45 =	vsel vm0, $0x8, v2  }
0x1f9: {  	v29 =	vmul.f32 v29, v29;
	v50 =	vor.u32 $0x4, v48;
	v49 =	vld.idx.msk [tilespmem:v47+s14+$0x0], $0xffff  }
0x1fa: {  	v51 =	vld [tilespmem:s7+$0xFFFFFFC0]  }
0x1fb: {  	vm0 =	vgt.f32 v34, v25;
	v25 =	vadd.f32 v29, v15;
	v34 =	vor.u32 $0x4, v45;
	v52 =	vld.idx.msk [tilespmem:v38+s14+$0x0], $0xffff  }
0x1fc: {  	vm1 =	vgt.f32 v26, v35;
	v15 =	vsel vm0, v42, v41;
	[tilespmem:v9+s21+$0x0] =	vst.idx.add.f32.msk $0xffff, v29  }
0x1fd: {  	vm0 =	vgt.f32 v24, v44;
	v15 =	vadd.s32 v4, v15;
	[tilespmem:v9+s22+$0x0] =	vst.idx.add.f32.msk $0xffff, v3  }
0x1fe: {  	v10 =	vsel vm1, v39, v10;
	v35 =	vsel vm0, v33, v36;
	v33 =	vsub.f32 v30, v46;
	v24 =	vld.idx.msk [tilespmem:v1+s14+$0x0], $0xffff  }
0x1ff: {  	v36 =	vor.u32 $0x1, v10;
	vm0 =	vgt.f32 v16, v49;
	v29 =	vsub.f32 v21, v51;
	v39 =	vld.idx.msk [tilespmem:v50+s14+$0x0], $0xffff  }
0x200: {  	v9 =	vmul.f32 v32, v32;
	v41 =	vsel vm0, v47, v43;
	v32 =	vld.idx.msk [tilespmem:v34+s14+$0x0], $0xffff  }
0x201: {  	v42 =	vor.u32 $0x1, v41;
	vm0 =	vgt.f32 v21, v52;
	v21 =	vld [tilespmem:s30+$0x10]  }
0x202: {  	v13 =	vsel vm0, v38, v13;
	[tilespmem:v15+s21+$0x0] =	vst.idx.add.f32.msk $0xffff, v9  }
0x203: {  	v13 =	vadd.s32 v0, v13;
	[tilespmem:v15+s22+$0x0] =	vst.idx.add.f32.msk $0xffff, v3  }
0x204: {  	vm0 =	vgt.f32 v30, v24;
	v38 =	vld.idx.msk [tilespmem:v36+s14+$0x0], $0xffff  }
0x205: {  	v15 =	vmul.f32 v29, v29;
	v43 =	vsel vm0, $0x8, v2;
	vm0 =	vgt.f32 v14, v39;
	v29 =	vld [tilespmem:s31+$0xFFFFFFE0]  }
0x206: {  	s7 =	sadd.s32 $0x100, s7;
	v44 =	vor.u32 $0x4, v43;
	vm1 =	vgt.f32 v31, v32;
	v32 =	vsel vm0, v50, v48;
	v39 =	vld.idx.msk [tilespmem:v42+s14+$0x0], $0xffff  }
0x207: {  	vm0 =	vgt.f32 v21, v24;
	v24 =	vsel vm1, v34, v45;
	v45 =	vor.u32 $0x2, v32;
	v46 =	vld [tilespmem:s7+$0xFFFFFF80]  }
0x208: {  	v47 =	vsel vm0, $0x8, v2;
	v48 =	vor.u32 $0x2, v24;
	[tilespmem:v13+s21+$0x0] =	vst.idx.add.f32.msk $0xffff, v15  }
0x209: {  	[tilespmem:v13+s22+$0x0] =	vst.idx.add.f32.msk $0xffff, v3;
	v13 =	vor.u32 $0x4, v47  }
0x20a: {  	vm0 =	vgt.f32 v26, v38;
	v38 =	vld.idx.msk [tilespmem:v1+s14+$0x0], $0xffff  }
0x20b: {  	v10 =	vsel vm0, v36, v10;
	v36 =	vld.idx.msk [tilespmem:v44+s14+$0x0], $0xffff  }
0x20c: {  	vm0 =	vgt.f32 v16, v39;
	v39 =	vadd.s32 v4, v10;
	v34 =	vsub.f32 v16, v46;
	v46 =	vld.idx.msk [tilespmem:v45+s14+$0x0], $0xffff  }
0x20d: {  	v10 =	vsel vm0, v42, v41;
	v16 =	vmov v37;
	v41 =	vld.idx.msk [tilespmem:v48+s14+$0x0], $0xffff  }
0x20e: {  	v37 =	vadd.s32 v0, v10;
	v42 =	vld.idx.msk [tilespmem:v13+s14+$0x0], $0xffff  }
0x20f: {  	v10 =	vmul.f32 v23, v23;
	v26 =	vld [tilespmem:s31+$0xFFFFFFD0]  }
0x210: {  	vm0 =	vgt.f32 v29, v38;
	v23 =	vld [tilespmem:s25+$0xFFFFFFD0]  }
0x211: {  	v34 =	vmul.f32 v34, v34;
	v49 =	vsel vm0, $0x8, v2;
	vm0 =	vgt.f32 v30, v36;
	[tilespmem:v39+s21+$0x0] =	vst.idx.add.f32.msk $0xffff, v10  }
0x212: {  	v36 =	vor.u32 $0x4, v49;
	[tilespmem:v39+s22+$0x0] =	vst.idx.add.f32.msk $0xffff, v3;
	v39 =	vsel vm0, v44, v43;
	vm0 =	vgt.f32 v14, v46  }
0x213: {  	vm1 =	vgt.f32 v31, v41;
	[tilespmem:v37+s21+$0x0] =	vst.idx.add.f32.msk $0xffff, v34;
	v43 =	vor.u32 $0x2, v39;
	v41 =	vsel vm0, v45, v32  }
0x214: {  	vm2 =	vgt.f32 v21, v42;
	[tilespmem:v37+s22+$0x0] =	vst.idx.add.f32.msk $0xffff, v3;
	vm0 =	vgt.f32 v26, v38;
	v37 =	vor.u32 $0x1, v41  }
0x215: {  	v44 =	vsel vm1, v48, v24;
	v42 =	vsel vm2, v13, v47;
	v38 =	vld.idx.msk [tilespmem:v1+s14+$0x0], $0xffff;
	v23 =	vsub.f32 v26, v23  }
0x216: {  	v45 =	vsel vm0, $0x8, v2;
	v46 =	vor.u32 $0x2, v42;
	v32 =	vld [tilespmem:s1+$0xFFFFFFA0]  }
0x217: {  	v47 =	vor.u32 $0x4, v45;
	v48 =	vld.idx.msk [tilespmem:v36+s14+$0x0], $0xffff  }
0x218: {  	v51 =	vor.u32 $0x1, v44;
	v50 =	vld.idx.msk [tilespmem:v43+s14+$0x0], $0xffff  }
0x219: {  	v52 =	vld.idx.msk [tilespmem:v37+s14+$0x0], $0xffff  }
0x21a: {  	v35 =	vadd.s32 v4, v35;
	v24 =	vld [tilespmem:s1+$0xFFFFFF90]  }
0x21b: {  	vm0 =	vgt.f32 v32, v38;
	v53 =	vld.idx.msk [tilespmem:v46+s14+$0x0], $0xffff  }
0x21c: {  	v54 =	vsel vm0, $0x8, v2;
	v55 =	vld.idx.msk [tilespmem:v47+s14+$0x0], $0xffff  }
0x21d: {  	v13 =	vmul.f32 v28, v28;
	vm0 =	vgt.f32 v29, v48;
	v56 =	vor.u32 $0x4, v54;
	v48 =	vld.idx.msk [tilespmem:v51+s14+$0x0], $0xffff  }
0x21e: {  	v49 =	vsel vm0, v36, v49;
	vm0 =	vgt.f32 v30, v50;
	v28 =	vld [tilespmem:s7+$0xFFFFFF90]  }
0x21f: {  	v50 =	vor.u32 $0x2, v49;
	v39 =	vsel vm0, v43, v39;
	vm0 =	vgt.f32 v14, v52;
	[tilespmem:v35+s21+$0x0] =	vst.idx.add.f32.msk $0xffff, v13  }
0x220: {  	vm1 =	vgt.f32 v24, v38;
	v41 =	vsel vm0, v37, v41;
	[tilespmem:v35+s22+$0x0] =	vst.idx.add.f32.msk $0xffff, v3;
	v35 =	vor.u32 $0x1, v39  }
0x221: {  	v14 =	vmovc v40;
	v36 =	vsel vm1, $0x8, v2;
	vm0 =	vgt.f32 v21, v53;
	v38 =	vadd.s32 v0, v41;
	v37 =	vld [tilespmem:s2+$0x50]  }
0x222: {  	vm1 =	vgt.f32 v26, v55;
	v41 =	vsel vm0, v46, v42;
	v40 =	vld.idx.msk [tilespmem:v56+s14+$0x0], $0xffff  }
0x223: {  	v42 =	vsel vm1, v47, v45;
	vm0 =	vgt.f32 v31, v48;
	v28 =	vsub.f32 v24, v28;
	v43 =	vld [tilespmem:s25+$0x0]  }
0x224: {  	v44 =	vsel vm0, v51, v44;
	v45 =	vld.idx.msk [tilespmem:v50+s14+$0x0], $0xffff  }
0x225: {  	v44 =	vadd.s32 v4, v44;
	v46 =	vld.idx.msk [tilespmem:v35+s14+$0x0], $0xffff  }
0x226: {  	v31 =	vsub.f32 v31, v37;
	[tilespmem:v38+s21+$0x0] =	vst.idx.add.f32.msk $0xffff, v27  }
0x227: {  	v47 =	vor.u32 $0x1, v41;
	[tilespmem:v38+s22+$0x0] =	vst.idx.add.f32.msk $0xffff, v3  }
0x228: {  	vm0 =	vgt.f32 v32, v40;
	v38 =	vor.u32 $0x2, v42;
	v37 =	vmul.f32 v31, v31;
	v27 =	vld.idx.msk [tilespmem:v1+s14+$0x0], $0xffff  }
0x229: {  	v40 =	vsel vm0, v56, v54;
	v31 =	vld [tilespmem:s16+$0x70];
	s16 =	smov.u32 s30;
	s30 =	smov.u32 s31;
	s31 =	smov.u32 s1  }
0x22a: {  	v48 =	vor.u32 $0x2, v40;
	vm0 =	vgt.f32 v29, v45;
	s1 =	smov.u32 s10;
	[tilespmem:v44+s21+$0x0] =	vst.idx.add.f32.msk $0xffff, v37  }
0x22b: {  	v45 =	vsel vm0, v50, v49;
	vm0 =	vgt.f32 v30, v46;
	[tilespmem:v44+s22+$0x0] =	vst.idx.add.f32.msk $0xffff, v3  }
0x22c: {  	v44 =	vor.u32 $0x1, v45;
	v30 =	vsel vm0, v35, v39;
	v46 =	vld.idx.msk [tilespmem:v47+s14+$0x0], $0xffff  }
0x22d: {  	v33 =	vmul.f32 v33, v33;
	v39 =	vadd.s32 v0, v30;
	v35 =	vld.idx.msk [tilespmem:v38+s14+$0x0], $0xffff  }
0x22e: {  	v49 =	vld [tilespmem:s25+$0xFFFFFFE0];
	vm0 =	vgt.f32 v31, v27  }
0x22f: {  	v25 =	vadd.f32 v33, v25;
	v50 =	vld.idx.msk [tilespmem:v48+s14+$0x0], $0xffff;
	v51 =	vsel vm0, $0x8, v2  }
0x230: {  	v30 =	vmul.f32 v22, v22;
	v52 =	vld [tilespmem:s0+$0x10];
	v22 =	vor.u32 $0x4, v51  }
0x231: {  	v27 =	vmul.f32 v17, v17;
	v53 =	vld.idx.msk [tilespmem:v44+s14+$0x0], $0xffff  }
0x232: {  	v17 =	vadd.f32 v30, v25;
	vm0 =	vgt.f32 v21, v46;
	[tilespmem:v39+s21+$0x0] =	vst.idx.add.f32.msk $0xffff, v33  }
0x233: {  	v25 =	vsel vm0, v47, v41;
	v33 =	vsub.f32 v29, v49;
	[tilespmem:v39+s22+$0x0] =	vst.idx.add.f32.msk $0xffff, v3  }
0x234: {  	v17 =	vadd.f32 v27, v17;
	vm0 =	vgt.f32 v26, v35;
	v39 =	vadd.s32 v4, v25;
	v41 =	vld.idx.msk [tilespmem:v1+s14+$0x0], $0xffff  }
0x235: {  	v38 =	vsel vm0, v38, v42;
	vm1 =	vgt.f32 v32, v50;
	v21 =	vsub.f32 v21, v52;
	v42 =	vld.idx.msk [tilespmem:v22+s14+$0x0], $0xffff  }
0x236: {  	v17 =	vadd.f32 v8, v17;
	v8 =	vmovc v34;
	v46 =	vor.u32 $0x1, v38;
	v40 =	vsel vm1, v48, v40;
	v35 =	vld [tilespmem:s16+$0x30]  }
0x237: {  	v34 =	vor.u32 $0x1, v40;
	vm0 =	vgt.f32 v29, v53;
	v47 =	vmul.f32 v21, v21;
	v21 =	vld [tilespmem:s0+$0x30]  }
0x238: {  	v12 =	vadd.f32 v12, v17;
	v17 =	vsel vm0, v44, v45;
	v25 =	vld [tilespmem:s30+$0x0]  }
0x239: {  	v17 =	vadd.s32 v0, v17;
	[tilespmem:v39+s21+$0x0] =	vst.idx.add.f32.msk $0xffff, v47  }
0x23a: {  	v44 =	vmul.f32 v33, v33;
	vm0 =	vgt.f32 v19, v41;
	[tilespmem:v39+s22+$0x0] =	vst.idx.add.f32.msk $0xffff, v3  }
0x23b: {  	v39 =	vld.idx.msk [tilespmem:v46+s14+$0x0], $0xffff;
	vm1 =	vgt.f32 v35, v41;
	v41 =	vsel vm0, $0x8, v2;
	vm0 =	vgt.f32 v31, v42  }
0x23c: {  	v42 =	vld.idx.msk [tilespmem:v34+s14+$0x0], $0xffff;
	v33 =	vsub.f32 v35, v21;
	v45 =	vor.u32 $0x4, v41;
	v22 =	vsel vm0, v22, v51  }
0x23d: {  	v21 =	vld [tilespmem:s7+$0xFFFFFFA0];
	v29 =	vsub.f32 v25, v43;
	v43 =	vsel vm1, $0x8, v2;
	v48 =	vor.u32 $0x2, v22  }
0x23e: {  	v12 =	vadd.f32 v15, v12;
	[tilespmem:v17+s21+$0x0] =	vst.idx.add.f32.msk $0xffff, v44;
	v49 =	vor.u32 $0x4, v43  }
0x23f: {  	[tilespmem:v17+s22+$0x0] =	vst.idx.add.f32.msk $0xffff, v3  }
0x240: {  	v15 =	vadd.f32 v44, v12;
	v17 =	vld.idx.msk [tilespmem:v1+s14+$0x0], $0xffff  }
0x241: {  	v44 =	vor.u32 $0x4, v36;
	vm0 =	vgt.f32 v26, v39;
	v26 =	vld.idx.msk [tilespmem:v45+s14+$0x0], $0xffff  }
0x242: {  	vm1 =	vgt.f32 v32, v42;
	v38 =	vsel vm0, v46, v38;
	v12 =	vsub.f32 v32, v21;
	v32 =	vld.idx.msk [tilespmem:v48+s14+$0x0], $0xffff  }
0x243: {  	v21 =	vsel vm1, v34, v40;
	v39 =	vld.idx.msk [tilespmem:v49+s14+$0x0], $0xffff  }
0x244: {  	v40 =	vadd.s32 v0, v21;
	v34 =	vld [tilespmem:s30+$0xFFFFFFF0]  }
0x245: {  	v42 =	vld [tilespmem:s25+$0xFFFFFFF0]  }
0x246: {  	vm0 =	vgt.f32 v25, v17;
	v46 =	vld.idx.msk [tilespmem:v44+s14+$0x0], $0xffff  }
0x247: {  	v12 =	vmul.f32 v12, v12;
	v50 =	vsel vm0, $0x8, v2;
	vm0 =	vgt.f32 v19, v26;
	v51 =	vld [tilespmem:s25+$0x60]  }
0x248: {  	v53 =	vor.u32 $0x4, v50;
	v54 =	vsel vm0, v45, v41;
	vm0 =	vgt.f32 v31, v32;
	v21 =	vld [tilespmem:s31+$0xFFFFFFC0]  }
0x249: {  	vm2 =	vgt.f32 v35, v39;
	v39 =	vor.u32 $0x2, v54;
	[tilespmem:v40+s21+$0x0] =	vst.idx.add.f32.msk $0xffff, v12;
	vm1 =	vgt.f32 v34, v17  }
0x24a: {  	v55 =	vsel vm2, v49, v43;
	[tilespmem:v40+s22+$0x0] =	vst.idx.add.f32.msk $0xffff, v3;
	v32 =	vsub.f32 v34, v42  }
0x24b: {  	v22 =	vsel vm0, v48, v22;
	v43 =	vsel vm1, $0x8, v2;
	v56 =	vor.u32 $0x2, v55;
	v42 =	vld.idx.msk [tilespmem:v1+s14+$0x0], $0xffff  }
0x24c: {  	v41 =	vor.u32 $0x1, v22;
	vm0 =	vgt.f32 v24, v46;
	v57 =	vor.u32 $0x4, v43;
	v17 =	vld [tilespmem:s2+$0x70];
	s2 =	smov.u32 s0;
	s0 =	smov.u32 s25;
	s25 =	smov.u32 s7  }
0x24d: {  	v36 =	vsel vm0, v44, v36;
	v45 =	vld.idx.msk [tilespmem:v53+s14+$0x0], $0xffff  }
0x24e: {  	v46 =	vld.idx.msk [tilespmem:v39+s14+$0x0], $0xffff  }
0x24f: {  	v40 =	vld [tilespmem:s30+$0x60]  }
0x250: {  	v18 =	vadd.f32 v11, v18;
	v11 =	vmov v47;
	v48 =	vadd.s32 v4, v38;
	v58 =	vld.idx.msk [tilespmem:v56+s14+$0x0], $0xffff  }
0x251: {  	vm0 =	vgt.f32 v21, v42;
	v59 =	vld.idx.msk [tilespmem:v57+s14+$0x0], $0xffff;
	v49 =	vsub.f32 v31, v17  }
0x252: {  	v44 =	vsel vm0, $0x8, v2;
	v17 =	vadd.f32 v20, v18;
	v52 =	vld.idx.msk [tilespmem:v41+s14+$0x0], $0xffff  }
0x253: {  	v18 =	vmul.f32 v23, v23;
	v47 =	vor.u32 $0x4, v44;
	vm0 =	vgt.f32 v25, v45;
	v26 =	vld [tilespmem:s31+$0xFFFFFFB0]  }
.Ltmp0:
0x254: {  	v45 =	vsel vm0, v53, v50;
	vm0 =	vgt.f32 v19, v46;
	v20 =	vadd.f32 v37, v17;
	v38 =	vld [tilespmem:s7+$0xFFFFFFB0];
	(pc) =	sbr.rel @p0 .LBB2_3-.Ltmp0, $4  }
0x255: {  	v50 =	vor.u32 $0x2, v45;
	v17 =	vsub.f32 v40, v51;
	v46 =	vsel vm0, v39, v54;
	[tilespmem:v48+s21+$0x0] =	vst.idx.add.f32.msk $0xffff, v18  }
0x256: {  	v49 =	vmul.f32 v49, v49;
	[tilespmem:v48+s22+$0x0] =	vst.idx.add.f32.msk $0xffff, v3;
	v48 =	vor.u32 $0x1, v46  }
0x257: {  	v39 =	vor.u32 $0x2, v36;
	vm1 =	vgt.f32 v35, v58;
	vm0 =	vgt.f32 v34, v59;
	v53 =	vld.idx.msk [tilespmem:v1+s14+$0x0], $0xffff  }
0x258: {  	s10 =	sadd.s32 $0x100, s10;
	v20 =	vadd.f32 v49, v20;
	v51 =	vsel vm1, v56, v55;
	v43 =	vsel vm0, v57, v43;
	v54 =	vld.idx.msk [tilespmem:v47+s14+$0x0], $0xffff  }
0x259: {  	_ =	sdelay $0x2  }
0x25a: {  	v37 =	vor.u32 $0x1, v51  }
0x25b: {  	vm0 =	vgt.f32 v26, v42;
	v55 =	vor.u32 $0x2, v43;
	v23 =	vld.idx.msk [tilespmem:v50+s14+$0x0], $0xffff  }
0x25c: {  	v57 =	vld.idx.msk [tilespmem:v48+s14+$0x0], $0xffff;
	vm11 =	vgt.f32 v31, v52;
	v42 =	vsel vm0, $0x8, v2  }
0x25d: {  	v52 =	vld.idx.msk [tilespmem:v39+s14+$0x0], $0xffff;
	v31 =	vsel vm11, v41, v22;
	v56 =	vor.u32 $0x4, v42  }
0x25e: {  	v22 =	vld [tilespmem:s0+$0x40];
	v31 =	vadd.s32 v4, v31  }
0x25f: {  	vm12 =	vgt.f32 v16, v53;
	vm1 =	vgt.f32 v21, v54;
	v61 =	vld.idx.msk [tilespmem:v37+s14+$0x0], $0xffff  }
0x260: {  	v53 =	vsel vm12, $0x8, v2;
	v62 =	vld.idx.msk [tilespmem:v55+s14+$0x0], $0xffff;
	v44 =	vsel vm1, v47, v44  }
0x261: {  	v63 =	vor.u32 $0x4, v53;
	vm13 =	vgt.f32 v25, v23;
	v23 =	vld [tilespmem:s30+$0x40];
	vm14 =	vgt.f32 v19, v57  }
0x262: {  	v59 =	vor.u32 $0x2, v44;
	v46 =	vsel vm14, v48, v46;
	v58 =	vld.idx.msk [tilespmem:v56+s14+$0x0], $0xffff  }
0x263: {  	[tilespmem:v31+s21+$0x0] =	vst.idx.add.f32.msk $0xffff, v49;
	v46 =	vadd.s32 v0, v46  }
0x264: {  	v45 =	vsel vm13, v50, v45;
	[tilespmem:v31+s22+$0x0] =	vst.idx.add.f32.msk $0xffff, v3  }
0x265: {  	v19 =	vor.u32 $0x1, v45;
	v31 =	vld [tilespmem:s0+$0x20]  }
0x266: {  	vm4 =	vgt.f32 v24, v52;
	v57 =	vld.idx.msk [tilespmem:v63+s14+$0x0], $0xffff  }
0x267: {  	v36 =	vsel vm4, v39, v36;
	vm15 =	vgt.f32 v35, v61;
	vm5 =	vgt.f32 v34, v62;
	v60 =	vld.idx.msk [tilespmem:v59+s14+$0x0], $0xffff  }
0x268: {  	v62 =	vmul.f32 v33, v33;
	v35 =	vor.u32 $0x1, v36;
	v37 =	vsel vm15, v37, v51;
	[tilespmem:v46+s21+$0x0] =	vst.idx.add.f32.msk $0xffff, v30  }
0x269: {  	v37 =	vadd.s32 v4, v37;
	[tilespmem:v46+s22+$0x0] =	vst.idx.add.f32.msk $0xffff, v3  }
0x26a: {  	v43 =	vsel vm5, v55, v43;
	v61 =	vld.idx.msk [tilespmem:v19+s14+$0x0], $0xffff;
	vm2 =	vgt.f32 v26, v58;
	[tilespmem:$0x1FD10] =	vst v62  }
0x26b: {  	v30 =	vsel vm2, v56, v42;
	v42 =	vor.u32 $0x1, v43;
	v46 =	vld.idx.msk [tilespmem:v1+s14+$0x0], $0xffff  }
0x26c: {  	vm6 =	vgt.f32 v16, v57;
	v33 =	vld [tilespmem:s16+$0x50]  }
0x26d: {  	v39 =	vor.u32 $0x2, v30;
	v48 =	vld.idx.msk [tilespmem:v35+s14+$0x0], $0xffff;
	v47 =	vsel vm6, v63, v53  }
0x26e: {  	vm7 =	vgt.f32 v21, v60;
	[tilespmem:v37+s21+$0x0] =	vst.idx.add.f32.msk $0xffff, v62;
	v49 =	vor.u32 $0x2, v47  }
0x26f: {  	vm8 =	vgt.f32 v25, v61;
	[tilespmem:v37+s22+$0x0] =	vst.idx.add.f32.msk $0xffff, v3;
	v37 =	vsel vm7, v59, v44  }
0x270: {  	v63 =	vld.idx.msk [tilespmem:v42+s14+$0x0], $0xffff;
	v19 =	vsel vm8, v19, v45;
	v58 =	vor.u32 $0x1, v37  }
0x271: {  	v60 =	vmul.f32 v29, v29;
	v25 =	vld [tilespmem:s30+$0x20];
	v19 =	vadd.s32 v0, v19  }
0x272: {  	v57 =	vld.idx.msk [tilespmem:v39+s14+$0x0], $0xffff;
	vm9 =	vgt.f32 v14, v46  }
0x273: {  	vm10 =	vgt.f32 v33, v46;
	v46 =	vsel vm9, $0x8, v2;
	v59 =	vld.idx.msk [tilespmem:v49+s14+$0x0], $0xffff;
	[tilespmem:$0x1FCD0] =	vst v60  }
0x274: {  	v51 =	vsel vm10, $0x8, v2;
	v29 =	vor.u32 $0x4, v46;
	v61 =	vld [tilespmem:s7+$0xFFFFFFC0]  }
0x275: {  	vm11 =	vgt.f32 v34, v63;
	v63 =	vor.u32 $0x4, v51;
	v62 =	vld.idx.msk [tilespmem:v58+s14+$0x0], $0xffff  }
0x276: {  	v56 =	vmul.f32 v32, v32;
	v34 =	vsel vm11, v42, v43;
	[tilespmem:v19+s21+$0x0] =	vst.idx.add.f32.msk $0xffff, v60  }
0x277: {  	vm13 =	vgt.f32 v26, v57;
	v34 =	vadd.s32 v4, v34;
	[tilespmem:v19+s22+$0x0] =	vst.idx.add.f32.msk $0xffff, v3  }
0x278: {  	v30 =	vsel vm13, v39, v30;
	v19 =	vld.idx.msk [tilespmem:v1+s14+$0x0], $0xffff;
	vm12 =	vgt.f32 v16, v59  }
0x279: {  	v44 =	vor.u32 $0x1, v30;
	v54 =	vld.idx.msk [tilespmem:v29+s14+$0x0], $0xffff;
	[tilespmem:$0x1FD90] =	vst v56;
	v42 =	vsel vm12, v49, v47  }
0x27a: {  	v57 =	vld.idx.msk [tilespmem:v63+s14+$0x0], $0xffff;
	v55 =	vor.u32 $0x1, v42;
	vm14 =	vgt.f32 v21, v62  }
0x27b: {  	v32 =	vld [tilespmem:s30+$0x10];
	v21 =	vsub.f32 v21, v61;
	v37 =	vsel vm14, v58, v37  }
0x27c: {  	[tilespmem:v34+s21+$0x0] =	vst.idx.add.f32.msk $0xffff, v56;
	v37 =	vadd.s32 v0, v37  }
0x27d: {  	[tilespmem:v34+s22+$0x0] =	vst.idx.add.f32.msk $0xffff, v3;
	vm15 =	vgt.f32 v25, v19;
	v60 =	vmul.f32 v21, v21  }
0x27e: {  	v59 =	vld.idx.msk [tilespmem:v44+s14+$0x0], $0xffff;
	v21 =	vsel vm15, $0x8, v2  }
0x27f: {  	s10 =	sadd.s32 $0x100, s7;
	vm4 =	vgt.f32 v14, v54;
	v61 =	vor.u32 $0x4, v21;
	v58 =	vld.idx.msk [tilespmem:v55+s14+$0x0], $0xffff;
	[tilespmem:$0x1FD30] =	vst v60  }
0x280: {  	vm5 =	vgt.f32 v33, v57;
	v46 =	vsel vm4, v29, v46;
	v29 =	vld [tilespmem:s10+$0xFFFFFF80]  }
0x281: {  	vm6 =	vgt.f32 v32, v19;
	v19 =	vsel vm5, v63, v51;
	v62 =	vor.u32 $0x2, v46;
	v34 =	vld [tilespmem:s31+$0xFFFFFFE0]  }
0x282: {  	v47 =	vsel vm6, $0x8, v2;
	v50 =	vor.u32 $0x2, v19;
	[tilespmem:v37+s21+$0x0] =	vst.idx.add.f32.msk $0xffff, v60  }
0x283: {  	[tilespmem:v37+s22+$0x0] =	vst.idx.add.f32.msk $0xffff, v3;
	v37 =	vor.u32 $0x4, v47  }
0x284: {  	v56 =	vld.idx.msk [tilespmem:v61+s14+$0x0], $0xffff;
	vm7 =	vgt.f32 v16, v58  }
0x285: {  	v63 =	vld.idx.msk [tilespmem:v1+s14+$0x0], $0xffff;
	v42 =	vsel vm7, v55, v42;
	v16 =	vsub.f32 v16, v29  }
0x286: {  	v57 =	vld.idx.msk [tilespmem:v62+s14+$0x0], $0xffff;
	v42 =	vadd.s32 v0, v42  }
0x287: {  	v58 =	vld.idx.msk [tilespmem:v50+s14+$0x0], $0xffff;
	v60 =	vmul.f32 v16, v16  }
0x288: {  	vm8 =	vgt.f32 v26, v59;
	v59 =	vld.idx.msk [tilespmem:v37+s14+$0x0], $0xffff  }
0x289: {  	v16 =	vsel vm8, v44, v30;
	v30 =	vsub.f32 v26, v38;
	vm10 =	vgt.f32 v25, v56;
	[tilespmem:$0x1FDC0] =	vst v60  }
0x28a: {  	v16 =	vadd.s32 v4, v16;
	v21 =	vsel vm10, v61, v21;
	v29 =	vld [tilespmem:s31+$0xFFFFFFD0]  }
0x28b: {  	vm11 =	vgt.f32 v14, v57;
	v61 =	vmul.f32 v30, v30;
	[tilespmem:v42+s21+$0x0] =	vst.idx.add.f32.msk $0xffff, v60  }
0x28c: {  	vm9 =	vgt.f32 v34, v63;
	v39 =	vor.u32 $0x2, v21;
	v41 =	vsel vm11, v62, v46;
	[tilespmem:v42+s22+$0x0] =	vst.idx.add.f32.msk $0xffff, v3  }
0x28d: {  	v38 =	vsel vm9, $0x8, v2;
	v62 =	vor.u32 $0x1, v41;
	v26 =	vld.idx.msk [tilespmem:v1+s14+$0x0], $0xffff;
	[tilespmem:$0x1FE50] =	vst v61  }
0x28e: {  	v42 =	vor.u32 $0x4, v38;
	v43 =	vld [tilespmem:s1+$0xFFFFFFA0]  }
0x28f: {  	vm12 =	vgt.f32 v32, v59;
	v30 =	vld [tilespmem:s25+$0xFFFFFFD0]  }
0x290: {  	vm14 =	vgt.f32 v33, v58;
	v37 =	vsel vm12, v37, v47;
	[tilespmem:v16+s21+$0x0] =	vst.idx.add.f32.msk $0xffff, v61  }
0x291: {  	v47 =	vsel vm14, v50, v19;
	v46 =	vor.u32 $0x2, v37;
	vm13 =	vgt.f32 v29, v63;
	v63 =	vld.idx.msk [tilespmem:v39+s14+$0x0], $0xffff  }
0x292: {  	vm4 =	vgt.f32 v24, v48;
	v51 =	vor.u32 $0x1, v47;
	v45 =	vsel vm13, $0x8, v2;
	v24 =	vld.idx.msk [tilespmem:v62+s14+$0x0], $0xffff  }
0x293: {  	v49 =	vor.u32 $0x4, v45;
	v19 =	vld.idx.msk [tilespmem:v42+s14+$0x0], $0xffff  }
0x294: {  	v35 =	vsel vm4, v35, v36;
	[tilespmem:v16+s22+$0x0] =	vst.idx.add.f32.msk $0xffff, v3  }
0x295: {  	v35 =	vadd.s32 v4, v35;
	v16 =	vld [tilespmem:s1+$0xFFFFFF90];
	vm15 =	vgt.f32 v43, v26  }
0x296: {  	v60 =	vmul.f32 v28, v28;
	v57 =	vld.idx.msk [tilespmem:v46+s14+$0x0], $0xffff;
	v48 =	vsel vm15, $0x8, v2;
	vm6 =	vgt.f32 v25, v63  }
0x297: {  	v59 =	vld.idx.msk [tilespmem:v51+s14+$0x0], $0xffff;
	v36 =	vor.u32 $0x4, v48;
	v39 =	vsel vm6, v39, v21;
	vm7 =	vgt.f32 v14, v24  }
0x298: {  	v58 =	vld.idx.msk [tilespmem:v49+s14+$0x0], $0xffff;
	vm5 =	vgt.f32 v34, v19;
	[tilespmem:$0x1FE30] =	vst v60;
	v21 =	vsel vm7, v62, v41  }
0x299: {  	v28 =	vsel vm5, v42, v38;
	v61 =	vld [tilespmem:s2+$0x50];
	v62 =	vadd.s32 v0, v21  }
0x29a: {  	v19 =	vld [tilespmem:s10+$0xFFFFFF90];
	v38 =	vor.u32 $0x2, v28  }
0x29b: {  	[tilespmem:v35+s21+$0x0] =	vst.idx.add.f32.msk $0xffff, v60  }
0x29c: {  	v24 =	vor.u32 $0x1, v39;
	v14 =	vld.idx.msk [tilespmem:v36+s14+$0x0], $0xffff  }
0x29d: {  	[tilespmem:v35+s22+$0x0] =	vst.idx.add.f32.msk $0xffff, v3  }
0x29e: {  	vm8 =	vgt.f32 v33, v59;
	v33 =	vsub.f32 v33, v61;
	[tilespmem:v62+s21+$0x0] =	vst.idx.add.f32.msk $0xffff, v27  }
0x29f: {  	v47 =	vsel vm8, v51, v47;
	v63 =	vld.idx.msk [tilespmem:v38+s14+$0x0], $0xffff  }
0x2a0: {  	v47 =	vadd.s32 v4, v47;
	[tilespmem:v62+s22+$0x0] =	vst.idx.add.f32.msk $0xffff, v3;
	v51 =	vmul.f32 v33, v33  }
0x2a1: {  	vm9 =	vgt.f32 v43, v14;
	v14 =	vld.idx.msk [tilespmem:v24+s14+$0x0], $0xffff  }
0x2a2: {  	v21 =	vld [tilespmem:s25+$0x0];
	vm10 =	vgt.f32 v32, v57;
	v36 =	vsel vm9, v36, v48;
	[tilespmem:$0x1FD20] =	vst v51  }
0x2a3: {  	v37 =	vsel vm10, v46, v37;
	vm11 =	vgt.f32 v29, v58;
	v27 =	vor.u32 $0x2, v36;
	v52 =	vld.idx.msk [tilespmem:v1+s14+$0x0], $0xffff  }
0x2a4: {  	v50 =	vor.u32 $0x1, v37;
	v41 =	vsel vm11, v49, v45;
	v35 =	vld [tilespmem:s16+$0x70]  }
0x2a5: {  	v45 =	vor.u32 $0x2, v41;
	[tilespmem:v47+s21+$0x0] =	vst.idx.add.f32.msk $0xffff, v51;
	vm12 =	vgt.f32 v34, v63  }
0x2a6: {  	v54 =	vld [tilespmem:s25+$0xFFFFFFE0];
	v38 =	vsel vm12, v38, v28;
	vm13 =	vgt.f32 v25, v14;
	v25 =	vsub.f32 v25, v31  }
0x2a7: {  	[tilespmem:v47+s22+$0x0] =	vst.idx.add.f32.msk $0xffff, v3;
	v53 =	vor.u32 $0x1, v38;
	v24 =	vsel vm13, v24, v39  }
0x2a8: {  	v14 =	vld.idx.msk [tilespmem:v27+s14+$0x0], $0xffff;
	v24 =	vadd.s32 v0, v24;
	v55 =	vmul.f32 v25, v25  }
0x2a9: {  	v28 =	vld.idx.msk [tilespmem:v50+s14+$0x0], $0xffff  }
0x2aa: {  	v31 =	vld.idx.msk [tilespmem:v45+s14+$0x0], $0xffff;
	[tilespmem:$0x1FCE0] =	vst v55  }
0x2ab: {  	v56 =	vld [tilespmem:s0+$0x10]  }
0x2ac: {  	vm14 =	vgt.f32 v35, v52;
	v57 =	vld.idx.msk [tilespmem:v53+s14+$0x0], $0xffff  }
0x2ad: {  	v25 =	vsel vm14, $0x8, v2;
	vm15 =	vgt.f32 v43, v14;
	[tilespmem:v24+s21+$0x0] =	vst.idx.add.f32.msk $0xffff, v55  }
0x2ae: {  	v14 =	vor.u32 $0x4, v25;
	v27 =	vsel vm15, v27, v36;
	[tilespmem:v24+s22+$0x0] =	vst.idx.add.f32.msk $0xffff, v3  }
0x2af: {  	v36 =	vor.u32 $0x1, v27;
	v24 =	vld.idx.msk [tilespmem:v1+s14+$0x0], $0xffff  }
0x2b0: {  	vm4 =	vgt.f32 v32, v28;
	v28 =	vld [tilespmem:s30+$0x30];
	v33 =	vsub.f32 v32, v56  }
0x2b1: {  	v37 =	vsel vm4, v50, v37  }
0x2b2: {  	v37 =	vadd.s32 v4, v37;
	v32 =	vld [tilespmem:s0+$0x30];
	v62 =	vmul.f32 v33, v33  }
0x2b3: {  	vm5 =	vgt.f32 v34, v57;
	v58 =	vld.idx.msk [tilespmem:v14+s14+$0x0], $0xffff  }
0x2b4: {  	v34 =	vsub.f32 v34, v54;
	v38 =	vsel vm5, v53, v38;
	v59 =	vld.idx.msk [tilespmem:v36+s14+$0x0], $0xffff;
	[tilespmem:$0x1FDB0] =	vst v62  }
0x2b5: {  	v38 =	vadd.s32 v0, v38;
	vm6 =	vgt.f32 v23, v24;
	vm7 =	vgt.f32 v28, v24;
	v24 =	vld [tilespmem:s10+$0xFFFFFFA0]  }
0x2b6: {  	v34 =	vmul.f32 v34, v34  }
0x2b7: {  	v33 =	vsel vm6, $0x8, v2;
	[tilespmem:v37+s21+$0x0] =	vst.idx.add.f32.msk $0xffff, v62  }
0x2b8: {  	v39 =	vld [tilespmem:s31+$0x0];
	v60 =	vsel vm7, $0x8, v2;
	[tilespmem:$0x1FD50] =	vst v34;
	v63 =	vor.u32 $0x4, v33  }
0x2b9: {  	vm9 =	vgt.f32 v29, v31;
	v61 =	vor.u32 $0x4, v60;
	[tilespmem:v37+s22+$0x0] =	vst.idx.add.f32.msk $0xffff, v3;
	vm8 =	vgt.f32 v43, v59  }
0x2ba: {  	[tilespmem:v38+s21+$0x0] =	vst.idx.add.f32.msk $0xffff, v34;
	v27 =	vsel vm8, v36, v27;
	v31 =	vsub.f32 v43, v24  }
0x2bb: {  	vm10 =	vgt.f32 v35, v58;
	[tilespmem:v38+s22+$0x0] =	vst.idx.add.f32.msk $0xffff, v3;
	v27 =	vadd.s32 v0, v27  }
0x2bc: {  	v49 =	vsel vm10, v14, v25;
	v48 =	vld.idx.msk [tilespmem:v1+s14+$0x0], $0xffff;
	v25 =	vmul.f32 v31, v31  }
0x2bd: {  	v62 =	vld.idx.msk [tilespmem:v63+s14+$0x0], $0xffff  }
0x2be: {  	v14 =	vld.idx.msk [tilespmem:v61+s14+$0x0], $0xffff;
	[tilespmem:$0x1FDE0] =	vst v25  }
0x2bf: {  	v31 =	vld [tilespmem:s1+$0xFFFFFFC0]  }
0x2c0: {  	[tilespmem:v27+s21+$0x0] =	vst.idx.add.f32.msk $0xffff, v25  }
0x2c1: {  	[tilespmem:v27+s22+$0x0] =	vst.idx.add.f32.msk $0xffff, v3  }
0x2c2: {  	v50 =	vld.idx.msk [tilespmem:v1+s14+$0x0], $0xffff;
	_ =	sdelay $0x4  }
0x2c3: {  	vm15 =	vgt.f32 v31, v50  }
0x2c4: {  	vm13 =	vgt.f32 v23, v62;
	v27 =	vsel vm15, $0x8, v2  }
0x2c5: {  	v44 =	vsel vm13, v63, v33;
	v63 =	vor.u32 $0x4, v27;
	_ =	sdelay $0x3  }
0x2c6: {  	vm14 =	vgt.f32 v28, v14  }
0x2c7: {  	v24 =	vsel vm9, v45, v41;
	v41 =	vsel vm14, v61, v60;
	v60 =	vld.idx.msk [tilespmem:v63+s14+$0x0], $0xffff;
	_ =	sdelay $0x4  }
0x2c8: {  	vm4 =	vgt.f32 v31, v60  }
0x2c9: {  	v27 =	vsel vm4, v63, v27  }
0x2ca: {  	v33 =	vor.u32 $0x2, v27;
	_ =	sdelay $0x4  }
0x2cb: {  	v61 =	vld.idx.msk [tilespmem:v33+s14+$0x0], $0xffff;
	_ =	sdelay $0x4  }
0x2cc: {  	vm5 =	vgt.f32 v31, v61  }
0x2cd: {  	v51 =	vor.u32 $0x2, v49;
	v27 =	vsel vm5, v33, v27  }
0x2ce: {  	v33 =	vor.u32 $0x1, v27;
	_ =	sdelay $0x1  }
0x2cf: {  	vm11 =	vgt.f32 v16, v26  }
0x2d0: {  	v37 =	vsel vm11, $0x8, v2  }
0x2d1: {  	v38 =	vor.u32 $0x4, v37;
	v53 =	vld.idx.msk [tilespmem:v51+s14+$0x0], $0xffff  }
0x2d2: {  	v62 =	vld.idx.msk [tilespmem:v33+s14+$0x0], $0xffff  }
0x2d3: {  	v45 =	vor.u32 $0x1, v24;
	v34 =	vld [tilespmem:s31+$0xFFFFFFF0]  }
0x2d4: {  	vm12 =	vgt.f32 v39, v48;
	v63 =	vld [tilespmem:s10+$0xFFFFFFC0]  }
0x2d5: {  	v26 =	vsel vm12, $0x8, v2;
	v36 =	vld [tilespmem:s25+$0xFFFFFFF0]  }
0x2d6: {  	v42 =	vld.idx.msk [tilespmem:v38+s14+$0x0], $0xffff;
	v56 =	vor.u32 $0x4, v26  }
0x2d7: {  	v47 =	vld [tilespmem:s2+$0x70];
	v54 =	vor.u32 $0x2, v44;
	vm6 =	vgt.f32 v31, v62  }
0x2d8: {  	v52 =	vld.idx.msk [tilespmem:v45+s14+$0x0], $0xffff;
	v43 =	vor.u32 $0x2, v41;
	v27 =	vsel vm6, v33, v27  }
0x2d9: {  	v14 =	vld [tilespmem:s25+$0x60];
	v31 =	vsub.f32 v31, v63;
	v27 =	vadd.s32 v0, v27  }
0x2da: {  	v25 =	vld [tilespmem:s31+$0x60]  }
0x2db: {  	v55 =	vld.idx.msk [tilespmem:v56+s14+$0x0], $0xffff;
	v31 =	vmul.f32 v31, v31  }
0x2dc: {  	v57 =	vld.idx.msk [tilespmem:v54+s14+$0x0], $0xffff  }
0x2dd: {  	v46 =	vld.idx.msk [tilespmem:v43+s14+$0x0], $0xffff;
	[tilespmem:$0x1FE00] =	vst v31  }
0x2de: {  	[tilespmem:v27+s21+$0x0] =	vst.idx.add.f32.msk $0xffff, v31  }
0x2df: {  	[tilespmem:v27+s22+$0x0] =	vst.idx.add.f32.msk $0xffff, v3  }
0x2e0: {  	v27 =	vld [tilespmem:s1+$0xFFFFFFE0]  }
0x2e1: {  	v33 =	vld.idx.msk [tilespmem:v1+s14+$0x0], $0xffff;
	_ =	sdelay $0x4  }
0x2e2: {  	vm7 =	vgt.f32 v27, v33  }
0x2e3: {  	v31 =	vsel vm7, $0x8, v2  }
0x2e4: {  	v60 =	vor.u32 $0x4, v31;
	_ =	sdelay $0x4  }
0x2e5: {  	v61 =	vld.idx.msk [tilespmem:v60+s14+$0x0], $0xffff;
	_ =	sdelay $0x4  }
0x2e6: {  	vm8 =	vgt.f32 v27, v61  }
0x2e7: {  	v31 =	vsel vm8, v60, v31  }
0x2e8: {  	v58 =	vor.u32 $0x2, v31;
	_ =	sdelay $0x4  }
0x2e9: {  	v62 =	vld.idx.msk [tilespmem:v58+s14+$0x0], $0xffff;
	_ =	sdelay $0x4  }
0x2ea: {  	vm9 =	vgt.f32 v27, v62  }
0x2eb: {  	v31 =	vsel vm9, v58, v31  }
0x2ec: {  	v58 =	vor.u32 $0x1, v31;
	_ =	sdelay $0x4  }
0x2ed: {  	v59 =	vld.idx.msk [tilespmem:v58+s14+$0x0], $0xffff;
	_ =	sdelay $0x1  }
0x2ee: {  	v60 =	vld [tilespmem:s10+$0xFFFFFFE0];
	_ =	sdelay $0x2  }
0x2ef: {  	vm10 =	vgt.f32 v27, v59  }
0x2f0: {  	v31 =	vsel vm10, v58, v31  }
0x2f1: {  	v27 =	vsub.f32 v27, v60;
	v31 =	vadd.s32 v0, v31;
	_ =	sdelay $0x1  }
0x2f2: {  	v27 =	vmul.f32 v27, v27;
	_ =	sdelay $0x1  }
0x2f3: {  	[tilespmem:$0x1FE20] =	vst v27  }
0x2f4: {  	[tilespmem:v31+s21+$0x0] =	vst.idx.add.f32.msk $0xffff, v27  }
0x2f5: {  	[tilespmem:v31+s22+$0x0] =	vst.idx.add.f32.msk $0xffff, v3  }
0x2f6: {  	v31 =	vld [tilespmem:s1+$0x0]  }
0x2f7: {  	v27 =	vld.idx.msk [tilespmem:v1+s14+$0x0], $0xffff;
	_ =	sdelay $0x4  }
0x2f8: {  	vm11 =	vgt.f32 v31, v27  }
0x2f9: {  	v58 =	vsel vm11, $0x8, v2  }
0x2fa: {  	v59 =	vor.u32 $0x4, v58;
	_ =	sdelay $0x4  }
0x2fb: {  	vm12 =	vgt.f32 v39, v55;
	v60 =	vld.idx.msk [tilespmem:v59+s14+$0x0], $0xffff  }
0x2fc: {  	v26 =	vsel vm12, v56, v26  }
0x2fd: {  	v55 =	vor.u32 $0x2, v26;
	_ =	sdelay $0x2  }
0x2fe: {  	vm13 =	vgt.f32 v31, v60  }
0x2ff: {  	v56 =	vsel vm13, v59, v58  }
0x300: {  	v59 =	vld.idx.msk [tilespmem:v55+s14+$0x0], $0xffff;
	v58 =	vor.u32 $0x2, v56;
	_ =	sdelay $0x4  }
0x301: {  	vm14 =	vgt.f32 v39, v59;
	v60 =	vld.idx.msk [tilespmem:v58+s14+$0x0], $0xffff  }
0x302: {  	v26 =	vsel vm14, v55, v26  }
0x303: {  	v55 =	vor.u32 $0x1, v26;
	_ =	sdelay $0x2  }
0x304: {  	vm15 =	vgt.f32 v31, v60  }
0x305: {  	v56 =	vsel vm15, v58, v56  }
0x306: {  	v59 =	vld.idx.msk [tilespmem:v55+s14+$0x0], $0xffff;
	v58 =	vor.u32 $0x1, v56;
	_ =	sdelay $0x3  }
0x307: {  	v63 =	vld [tilespmem:s10+$0x0]  }
0x308: {  	vm4 =	vgt.f32 v39, v59;
	v60 =	vld.idx.msk [tilespmem:v58+s14+$0x0], $0xffff  }
0x309: {  	v26 =	vsel vm4, v55, v26  }
0x30a: {  	v21 =	vsub.f32 v39, v21;
	v26 =	vadd.s32 v0, v26;
	_ =	sdelay $0x1  }
0x30b: {  	v21 =	vmul.f32 v21, v21  }
0x30c: {  	vm5 =	vgt.f32 v31, v60;
	v31 =	vsub.f32 v31, v63  }
0x30d: {  	[tilespmem:$0x1FD60] =	vst v21;
	v61 =	vsel vm5, v58, v56  }
0x30e: {  	[tilespmem:v26+s21+$0x0] =	vst.idx.add.f32.msk $0xffff, v21;
	v39 =	vadd.s32 v0, v61;
	v21 =	vmul.f32 v31, v31;
	_ =	sdelay $0x1  }
0x30f: {  	[tilespmem:$0x1FE40] =	vst v21  }
0x310: {  	[tilespmem:v26+s22+$0x0] =	vst.idx.add.f32.msk $0xffff, v3  }
0x311: {  	v31 =	vld [tilespmem:s31+$0x20]  }
0x312: {  	[tilespmem:v39+s21+$0x0] =	vst.idx.add.f32.msk $0xffff, v21  }
0x313: {  	v21 =	vld.idx.msk [tilespmem:v1+s14+$0x0], $0xffff;
	_ =	sdelay $0x1  }
0x314: {  	[tilespmem:v39+s22+$0x0] =	vst.idx.add.f32.msk $0xffff, v3  }
0x315: {  	v39 =	vld [tilespmem:s1+$0x20]  }
0x316: {  	v26 =	vld.idx.msk [tilespmem:v1+s14+$0x0], $0xffff  }
0x317: {  	vm6 =	vgt.f32 v31, v21  }
0x318: {  	v55 =	vsel vm6, $0x8, v2  }
0x319: {  	v56 =	vor.u32 $0x4, v55;
	_ =	sdelay $0x1  }
0x31a: {  	vm7 =	vgt.f32 v39, v26  }
0x31b: {  	v58 =	vsel vm7, $0x8, v2  }
0x31c: {  	v59 =	vor.u32 $0x4, v58  }
0x31d: {  	v60 =	vld.idx.msk [tilespmem:v56+s14+$0x0], $0xffff;
	_ =	sdelay $0x3  }
0x31e: {  	v61 =	vld.idx.msk [tilespmem:v59+s14+$0x0], $0xffff  }
0x31f: {  	vm8 =	vgt.f32 v31, v60  }
0x320: {  	v55 =	vsel vm8, v56, v55  }
0x321: {  	v56 =	vor.u32 $0x2, v55;
	_ =	sdelay $0x1  }
0x322: {  	vm9 =	vgt.f32 v39, v61  }
0x323: {  	v58 =	vsel vm9, v59, v58  }
0x324: {  	v59 =	vor.u32 $0x2, v58  }
0x325: {  	v60 =	vld.idx.msk [tilespmem:v56+s14+$0x0], $0xffff;
	_ =	sdelay $0x3  }
0x326: {  	v61 =	vld.idx.msk [tilespmem:v59+s14+$0x0], $0xffff  }
0x327: {  	vm10 =	vgt.f32 v31, v60  }
0x328: {  	v55 =	vsel vm10, v56, v55  }
0x329: {  	v56 =	vor.u32 $0x1, v55;
	_ =	sdelay $0x1  }
0x32a: {  	vm11 =	vgt.f32 v39, v61  }
0x32b: {  	v58 =	vsel vm11, v59, v58  }
0x32c: {  	v59 =	vor.u32 $0x1, v58  }
0x32d: {  	v60 =	vld.idx.msk [tilespmem:v56+s14+$0x0], $0xffff;
	_ =	sdelay $0x1  }
0x32e: {  	v62 =	vld [tilespmem:s25+$0x20];
	_ =	sdelay $0x1  }
0x32f: {  	v61 =	vld.idx.msk [tilespmem:v59+s14+$0x0], $0xffff  }
0x330: {  	vm12 =	vgt.f32 v31, v60;
	v60 =	vld [tilespmem:s10+$0x20]  }
0x331: {  	v55 =	vsel vm12, v56, v55  }
0x332: {  	v31 =	vsub.f32 v31, v62;
	v55 =	vadd.s32 v0, v55;
	_ =	sdelay $0x1  }
0x333: {  	vm13 =	vgt.f32 v39, v61;
	v31 =	vmul.f32 v31, v31  }
0x334: {  	v62 =	vsel vm13, v59, v58;
	v39 =	vsub.f32 v39, v60  }
0x335: {  	v56 =	vadd.s32 v0, v62;
	[tilespmem:$0x1FD70] =	vst v31  }
0x336: {  	[tilespmem:v55+s21+$0x0] =	vst.idx.add.f32.msk $0xffff, v31;
	v31 =	vmul.f32 v39, v39;
	_ =	sdelay $0x1  }
0x337: {  	[tilespmem:$0x1FE60] =	vst v31  }
0x338: {  	[tilespmem:v55+s22+$0x0] =	vst.idx.add.f32.msk $0xffff, v3  }
0x339: {  	[tilespmem:v56+s21+$0x0] =	vst.idx.add.f32.msk $0xffff, v31  }
0x33a: {  	v55 =	vld [tilespmem:s31+$0x40]  }
0x33b: {  	[tilespmem:v56+s22+$0x0] =	vst.idx.add.f32.msk $0xffff, v3  }
0x33c: {  	v39 =	vld.idx.msk [tilespmem:v1+s14+$0x0], $0xffff  }
0x33d: {  	v56 =	vld [tilespmem:s1+$0x40]  }
0x33e: {  	v31 =	vld.idx.msk [tilespmem:v1+s14+$0x0], $0xffff;
	_ =	sdelay $0x2  }
0x33f: {  	vm14 =	vgt.f32 v55, v39  }
0x340: {  	vm15 =	vgt.f32 v23, v57;
	v57 =	vsel vm14, $0x8, v2  }
0x341: {  	v44 =	vsel vm15, v54, v44;
	vm4 =	vgt.f32 v56, v31;
	v54 =	vor.u32 $0x4, v57  }
0x342: {  	v58 =	vor.u32 $0x1, v44;
	v59 =	vsel vm4, $0x8, v2  }
0x343: {  	v60 =	vor.u32 $0x4, v59;
	_ =	sdelay $0x2  }
0x344: {  	v61 =	vld.idx.msk [tilespmem:v54+s14+$0x0], $0xffff  }
0x345: {  	v62 =	vld.idx.msk [tilespmem:v58+s14+$0x0], $0xffff  }
0x346: {  	v63 =	vld.idx.msk [tilespmem:v60+s14+$0x0], $0xffff;
	_ =	sdelay $0x2  }
0x347: {  	vm5 =	vgt.f32 v55, v61  }
0x348: {  	v22 =	vsub.f32 v23, v22;
	vm6 =	vgt.f32 v23, v62;
	v57 =	vsel vm5, v54, v57  }
0x349: {  	v44 =	vsel vm6, v58, v44;
	vm7 =	vgt.f32 v56, v63;
	v58 =	vor.u32 $0x2, v57  }
0x34a: {  	v63 =	vmul.f32 v22, v22;
	v59 =	vsel vm7, v60, v59  }
0x34b: {  	v23 =	vor.u32 $0x2, v59  }
0x34c: {  	v60 =	vadd.s32 v0, v44;
	[tilespmem:$0x1FCF0] =	vst v63  }
0x34d: {  	vm8 =	vgt.f32 v35, v53;
	v54 =	vld [tilespmem:s1+$0xFFFFFFB0]  }
0x34e: {  	v49 =	vsel vm8, v51, v49;
	v22 =	vld.idx.msk [tilespmem:v58+s14+$0x0], $0xffff  }
0x34f: {  	vm9 =	vgt.f32 v34, v48;
	v48 =	vor.u32 $0x1, v49  }
0x350: {  	vm10 =	vgt.f32 v29, v52;
	v52 =	vsel vm9, $0x8, v2;
	v29 =	vsub.f32 v29, v30;
	v61 =	vld.idx.msk [tilespmem:v23+s14+$0x0], $0xffff  }
0x351: {  	v24 =	vsel vm10, v45, v24;
	v45 =	vor.u32 $0x4, v52;
	[tilespmem:v60+s21+$0x0] =	vst.idx.add.f32.msk $0xffff, v63  }
0x352: {  	v62 =	vmul.f32 v29, v29;
	[tilespmem:v60+s22+$0x0] =	vst.idx.add.f32.msk $0xffff, v3;
	vm11 =	vgt.f32 v54, v50  }
0x353: {  	v50 =	vld.idx.msk [tilespmem:v1+s14+$0x0], $0xffff;
	vm12 =	vgt.f32 v55, v22;
	v22 =	vadd.s32 v4, v24;
	v24 =	vsel vm11, $0x8, v2  }
0x354: {  	v53 =	vor.u32 $0x4, v24  }
0x355: {  	v51 =	vld.idx.msk [tilespmem:v48+s14+$0x0], $0xffff;
	[tilespmem:$0x1FE70] =	vst v62;
	v30 =	vsel vm12, v58, v57;
	vm13 =	vgt.f32 v56, v61  }
0x356: {  	v57 =	vor.u32 $0x1, v30;
	v58 =	vsel vm13, v23, v59;
	v23 =	vld.idx.msk [tilespmem:v45+s14+$0x0], $0xffff;
	_ =	sdelay $0x1  }
0x357: {  	vm14 =	vgt.f32 v40, v50;
	[tilespmem:v22+s21+$0x0] =	vst.idx.add.f32.msk $0xffff, v62  }
0x358: {  	v29 =	vor.u32 $0x1, v58;
	v59 =	vsel vm14, $0x8, v2;
	v60 =	vld.idx.msk [tilespmem:v53+s14+$0x0], $0xffff  }
0x359: {  	vm15 =	vgt.f32 v35, v51;
	v61 =	vor.u32 $0x4, v59;
	[tilespmem:v22+s22+$0x0] =	vst.idx.add.f32.msk $0xffff, v3  }
0x35a: {  	v22 =	vsel vm15, v48, v49;
	v63 =	vld.idx.msk [tilespmem:v57+s14+$0x0], $0xffff;
	vm4 =	vgt.f32 v34, v23;
	v23 =	vsub.f32 v35, v47  }
0x35b: {  	v22 =	vadd.s32 v4, v22  }
0x35c: {  	v47 =	vld [tilespmem:s25+$0x40];
	v62 =	vmul.f32 v23, v23  }
0x35d: {  	v48 =	vld.idx.msk [tilespmem:v29+s14+$0x0], $0xffff  }
0x35e: {  	vm5 =	vgt.f32 v54, v60;
	v60 =	vld.idx.msk [tilespmem:v61+s14+$0x0], $0xffff;
	[tilespmem:$0x1FD40] =	vst v62  }
0x35f: {  	v35 =	vsel vm4, v45, v52;
	vm6 =	vgt.f32 v55, v63;
	v63 =	vld [tilespmem:s10+$0x40]  }
0x360: {  	vm7 =	vgt.f32 v28, v46;
	v49 =	vor.u32 $0x2, v35;
	v24 =	vsel vm5, v53, v24;
	[tilespmem:v22+s21+$0x0] =	vst.idx.add.f32.msk $0xffff, v62  }
0x361: {  	v30 =	vsel vm6, v57, v30;
	v46 =	vor.u32 $0x2, v24;
	[tilespmem:v22+s22+$0x0] =	vst.idx.add.f32.msk $0xffff, v3;
	v22 =	vsub.f32 v55, v47  }
0x362: {  	v23 =	vld [tilespmem:s30+$0x50];
	v30 =	vadd.s32 v0, v30  }
0x363: {  	vm8 =	vgt.f32 v56, v48;
	v62 =	vmul.f32 v22, v22  }
0x364: {  	v29 =	vsel vm8, v29, v58;
	vm9 =	vgt.f32 v40, v60;
	v60 =	vsub.f32 v56, v63  }
0x365: {  	v41 =	vsel vm7, v43, v41;
	v43 =	vadd.s32 v0, v29;
	v29 =	vld.idx.msk [tilespmem:v49+s14+$0x0], $0xffff;
	[tilespmem:$0x1FD80] =	vst v62  }
0x366: {  	v63 =	vor.u32 $0x1, v41;
	v55 =	vld.idx.msk [tilespmem:v46+s14+$0x0], $0xffff;
	v56 =	vmul.f32 v60, v60  }
0x367: {  	vm10 =	vgt.f32 v23, v50;
	v22 =	vsel vm9, v61, v59;
	[tilespmem:v30+s21+$0x0] =	vst.idx.add.f32.msk $0xffff, v62  }
0x368: {  	v47 =	vsel vm10, $0x8, v2;
	v57 =	vor.u32 $0x2, v22;
	[tilespmem:$0x1FE80] =	vst v56  }
0x369: {  	[tilespmem:v30+s22+$0x0] =	vst.idx.add.f32.msk $0xffff, v3;
	v30 =	vor.u32 $0x4, v47  }
0x36a: {  	vm11 =	vgt.f32 v34, v29;
	v29 =	vld [tilespmem:s31+$0x10]  }
0x36b: {  	vm12 =	vgt.f32 v16, v42;
	v35 =	vsel vm11, v49, v35;
	v58 =	vld.idx.msk [tilespmem:v63+s14+$0x0], $0xffff  }
0x36c: {  	v37 =	vsel vm12, v38, v37;
	[tilespmem:v43+s21+$0x0] =	vst.idx.add.f32.msk $0xffff, v56;
	v59 =	vor.u32 $0x1, v35;
	vm13 =	vgt.f32 v54, v55  }
0x36d: {  	v50 =	vor.u32 $0x2, v37;
	v49 =	vsel vm13, v46, v24;
	v24 =	vld.idx.msk [tilespmem:v57+s14+$0x0], $0xffff  }
0x36e: {  	v61 =	vld.idx.msk [tilespmem:v30+s14+$0x0], $0xffff  }
0x36f: {  	[tilespmem:v43+s22+$0x0] =	vst.idx.add.f32.msk $0xffff, v3;
	v52 =	vor.u32 $0x1, v49  }
0x370: {  	vm14 =	vgt.f32 v29, v21;
	v21 =	vld.idx.msk [tilespmem:v1+s14+$0x0], $0xffff;
	vm15 =	vgt.f32 v28, v58  }
0x371: {  	v62 =	vld.idx.msk [tilespmem:v59+s14+$0x0], $0xffff;
	v28 =	vsub.f32 v28, v32;
	v43 =	vsel vm14, $0x8, v2;
	v41 =	vsel vm15, v63, v41  }
0x372: {  	v63 =	vld.idx.msk [tilespmem:v50+s14+$0x0], $0xffff;
	vm4 =	vgt.f32 v40, v24;
	v53 =	vor.u32 $0x4, v43;
	v41 =	vadd.s32 v4, v41  }
0x373: {  	v24 =	vld [tilespmem:s1+$0x60];
	v51 =	vsel vm4, v57, v22;
	vm5 =	vgt.f32 v23, v61;
	v61 =	vmul.f32 v28, v28  }
0x374: {  	v60 =	vld.idx.msk [tilespmem:v52+s14+$0x0], $0xffff;
	v32 =	vor.u32 $0x1, v51  }
0x375: {  	v22 =	vld.idx.msk [tilespmem:v1+s14+$0x0], $0xffff;
	vm6 =	vgt.f32 v25, v21;
	v30 =	vsel vm5, v30, v47;
	[tilespmem:$0x1FDD0] =	vst v61  }
0x376: {  	vm7 =	vgt.f32 v34, v62;
	v38 =	vsel vm6, $0x8, v2;
	v47 =	vor.u32 $0x2, v30;
	v28 =	vld [tilespmem:s10+$0xFFFFFFB0]  }
0x377: {  	v34 =	vsub.f32 v34, v36;
	v35 =	vsel vm7, v59, v35;
	v56 =	vor.u32 $0x4, v38;
	v62 =	vld.idx.msk [tilespmem:v53+s14+$0x0], $0xffff  }
0x378: {  	vm8 =	vgt.f32 v16, v63;
	v35 =	vadd.s32 v4, v35;
	[tilespmem:v41+s21+$0x0] =	vst.idx.add.f32.msk $0xffff, v61  }
0x379: {  	v36 =	vsel vm8, v50, v37;
	v57 =	vmul.f32 v34, v34;
	v63 =	vld.idx.msk [tilespmem:v32+s14+$0x0], $0xffff  }
0x37a: {  	vm9 =	vgt.f32 v54, v60;
	vm10 =	vgt.f32 v24, v22;
	[tilespmem:v41+s22+$0x0] =	vst.idx.add.f32.msk $0xffff, v3  }
0x37b: {  	v52 =	vsel vm9, v52, v49;
	v49 =	vor.u32 $0x1, v36;
	v55 =	vld.idx.msk [tilespmem:v47+s14+$0x0], $0xffff;
	[tilespmem:$0x1FE90] =	vst v57;
	v28 =	vsub.f32 v54, v28  }
0x37c: {  	v59 =	vsel vm10, $0x8, v2;
	v58 =	vadd.s32 v4, v52;
	v60 =	vld.idx.msk [tilespmem:v56+s14+$0x0], $0xffff  }
0x37d: {  	v61 =	vor.u32 $0x4, v59;
	vm11 =	vgt.f32 v29, v62;
	[tilespmem:v35+s21+$0x0] =	vst.idx.add.f32.msk $0xffff, v57;
	v62 =	vmul.f32 v28, v28  }
0x37e: {  	v43 =	vsel vm11, v53, v43;
	[tilespmem:v35+s22+$0x0] =	vst.idx.add.f32.msk $0xffff, v3  }
0x37f: {  	vm12 =	vgt.f32 v40, v63;
	v28 =	vor.u32 $0x2, v43;
	[tilespmem:$0x1FF30] =	vst v62  }
0x380: {  	v32 =	vsel vm12, v32, v51;
	v63 =	vld.idx.msk [tilespmem:v49+s14+$0x0], $0xffff  }
0x381: {  	v52 =	vmul.f32 v17, v17;
	v32 =	vadd.s32 v0, v32;
	[tilespmem:v58+s21+$0x0] =	vst.idx.add.f32.msk $0xffff, v62  }
0x382: {  	vm13 =	vgt.f32 v23, v55;
	v51 =	vld.idx.msk [tilespmem:v61+s14+$0x0], $0xffff  }
0x383: {  	v30 =	vsel vm13, v47, v30;
	vm14 =	vgt.f32 v25, v60;
	v42 =	vld [tilespmem:s1+$0xFFFFFFD0];
	[tilespmem:$0x1FD00] =	vst v52  }
0x384: {  	v50 =	vor.u32 $0x1, v30;
	v38 =	vsel vm14, v56, v38;
	v17 =	vld.idx.msk [tilespmem:v28+s14+$0x0], $0xffff  }
0x385: {  	v53 =	vor.u32 $0x2, v38;
	[tilespmem:v58+s22+$0x0] =	vst.idx.add.f32.msk $0xffff, v3  }
0x386: {  	[tilespmem:v32+s21+$0x0] =	vst.idx.add.f32.msk $0xffff, v52;
	vm15 =	vgt.f32 v16, v63;
	v16 =	vsub.f32 v16, v19  }
0x387: {  	[tilespmem:v32+s22+$0x0] =	vst.idx.add.f32.msk $0xffff, v3;
	vm4 =	vgt.f32 v24, v51  }
0x388: {  	v54 =	vsel vm15, v49, v36;
	v56 =	vsel vm4, v61, v59;
	v59 =	vmul.f32 v16, v16  }
0x389: {  	vm5 =	vgt.f32 v42, v33;
	v55 =	vld.idx.msk [tilespmem:v50+s14+$0x0], $0xffff;
	v19 =	vadd.s32 v4, v54  }
0x38a: {  	v33 =	vsel vm5, $0x8, v2;
	vm6 =	vgt.f32 v29, v17;
	v17 =	vld.idx.msk [tilespmem:v53+s14+$0x0], $0xffff;
	v57 =	vor.u32 $0x2, v56;
	[tilespmem:$0x1FF20] =	vst v59  }
0x38b: {  	v58 =	vor.u32 $0x4, v33;
	v16 =	vld.idx.msk [tilespmem:v1+s14+$0x0], $0xffff  }
0x38c: {  	v41 =	vld [tilespmem:s30+$0x70]  }
0x38d: {  	v28 =	vsel vm6, v28, v43;
	v61 =	vld [tilespmem:s0+$0x50]  }
0x38e: {  	v60 =	vor.u32 $0x1, v28;
	[tilespmem:v19+s21+$0x0] =	vst.idx.add.f32.msk $0xffff, v59  }
0x38f: {  	vm7 =	vgt.f32 v25, v17;
	v17 =	vld.idx.msk [tilespmem:v57+s14+$0x0], $0xffff  }
0x390: {  	vm8 =	vgt.f32 v23, v55;
	v63 =	vld.idx.msk [tilespmem:v58+s14+$0x0], $0xffff  }
0x391: {  	v30 =	vsel vm8, v50, v30;
	[tilespmem:v19+s22+$0x0] =	vst.idx.add.f32.msk $0xffff, v3  }
0x392: {  	v46 =	vld [tilespmem:s25+$0x10];
	v19 =	vadd.s32 v4, v30;
	vm9 =	vgt.f32 v41, v16;
	v23 =	vsub.f32 v23, v61  }
0x393: {  	v16 =	vld.idx.msk [tilespmem:v60+s14+$0x0], $0xffff;
	v30 =	vsel vm9, $0x8, v2  }
0x394: {  	v62 =	vsel vm7, v53, v38;
	v47 =	vor.u32 $0x4, v30;
	v50 =	vmul.f32 v23, v23  }
0x395: {  	v45 =	vor.u32 $0x1, v62  }
0x396: {  	v53 =	vld [tilespmem:s31+$0x30];
	vm10 =	vgt.f32 v24, v17;
	vm11 =	vgt.f32 v42, v63;
	[tilespmem:$0x1FDF0] =	vst v50  }
0x397: {  	v17 =	vsel vm10, v57, v56;
	v23 =	vsel vm11, v58, v33;
	[tilespmem:v19+s21+$0x0] =	vst.idx.add.f32.msk $0xffff, v50  }
0x398: {  	v52 =	vor.u32 $0x1, v17;
	vm12 =	vgt.f32 v29, v16;
	[tilespmem:v19+s22+$0x0] =	vst.idx.add.f32.msk $0xffff, v3;
	v19 =	vsub.f32 v29, v46  }
0x399: {  	v16 =	vsel vm12, v60, v28;
	v28 =	vor.u32 $0x2, v23;
	v55 =	vld.idx.msk [tilespmem:v47+s14+$0x0], $0xffff  }
0x39a: {  	v51 =	vld.idx.msk [tilespmem:v45+s14+$0x0], $0xffff;
	v56 =	vmul.f32 v19, v19  }
0x39b: {  	v54 =	vadd.s32 v4, v16  }
0x39c: {  	vm13 =	vgt.f32 v53, v39;
	v16 =	vld [tilespmem:s1+$0xFFFFFFF0];
	[tilespmem:$0x1FEB0] =	vst v56  }
0x39d: {  	v29 =	vsel vm13, $0x8, v2;
	v57 =	vld.idx.msk [tilespmem:v52+s14+$0x0], $0xffff  }
0x39e: {  	v14 =	vsub.f32 v25, v14;
	v19 =	vor.u32 $0x4, v29;
	v58 =	vld.idx.msk [tilespmem:v28+s14+$0x0], $0xffff;
	vm15 =	vgt.f32 v41, v55  }
0x39f: {  	vm14 =	vgt.f32 v25, v51;
	v25 =	vsel vm15, v47, v30;
	v30 =	vld [tilespmem:s10+$0x60]  }
0x3a0: {  	v59 =	vmul.f32 v14, v14;
	v34 =	vsel vm14, v45, v62;
	[tilespmem:v54+s21+$0x0] =	vst.idx.add.f32.msk $0xffff, v56  }
0x3a1: {  	v34 =	vadd.s32 v0, v34;
	vm4 =	vgt.f32 v16, v27;
	[tilespmem:v54+s22+$0x0] =	vst.idx.add.f32.msk $0xffff, v3  }
0x3a2: {  	v61 =	vsel vm4, $0x8, v2;
	[tilespmem:$0x1FDA0] =	vst v59  }
0x3a3: {  	v27 =	vor.u32 $0x2, v25;
	v62 =	vor.u32 $0x4, v61;
	v60 =	vld.idx.msk [tilespmem:v19+s14+$0x0], $0xffff;
	vm5 =	vgt.f32 v24, v57  }
0x3a4: {  	v14 =	vld [tilespmem:s31+$0x50];
	vm6 =	vgt.f32 v42, v58;
	v17 =	vsel vm5, v52, v17;
	v24 =	vsub.f32 v24, v30  }
0x3a5: {  	v63 =	vld [tilespmem:s10+$0xFFFFFFD0];
	v23 =	vsel vm6, v28, v23;
	v17 =	vadd.s32 v0, v17  }
0x3a6: {  	[tilespmem:v34+s21+$0x0] =	vst.idx.add.f32.msk $0xffff, v59;
	v28 =	vor.u32 $0x1, v23;
	v43 =	vmul.f32 v24, v24  }
0x3a7: {  	[tilespmem:v34+s22+$0x0] =	vst.idx.add.f32.msk $0xffff, v3  }
0x3a8: {  	v30 =	vld.idx.msk [tilespmem:v27+s14+$0x0], $0xffff;
	vm7 =	vgt.f32 v53, v60;
	[tilespmem:$0x1FEA0] =	vst v43  }
0x3a9: {  	v19 =	vsel vm7, v19, v29;
	v24 =	vld.idx.msk [tilespmem:v62+s14+$0x0], $0xffff  }
0x3aa: {  	v29 =	vor.u32 $0x2, v19;
	[tilespmem:v17+s21+$0x0] =	vst.idx.add.f32.msk $0xffff, v43  }
0x3ab: {  	v44 =	vld.idx.msk [tilespmem:v28+s14+$0x0], $0xffff  }
0x3ac: {  	vm8 =	vgt.f32 v14, v21;
	v47 =	vld.idx.msk [tilespmem:v1+s14+$0x0], $0xffff  }
0x3ad: {  	v21 =	vld [tilespmem:s31+$0x70];
	vm9 =	vgt.f32 v41, v30;
	v30 =	vsel vm8, $0x8, v2  }
0x3ae: {  	[tilespmem:v17+s22+$0x0] =	vst.idx.add.f32.msk $0xffff, v3;
	v45 =	vor.u32 $0x4, v30  }
0x3af: {  	v25 =	vsel vm9, v27, v25;
	v17 =	vld.idx.msk [tilespmem:v29+s14+$0x0], $0xffff  }
0x3b0: {  	v46 =	vor.u32 $0x1, v25;
	vm10 =	vgt.f32 v16, v24;
	v24 =	vld [tilespmem:s1+$0x10]  }
0x3b1: {  	vm11 =	vgt.f32 v42, v44;
	v33 =	vsel vm10, v62, v61  }
0x3b2: {  	v27 =	vld [tilespmem:s0+$0x70];
	v23 =	vsel vm11, v28, v23;
	v35 =	vor.u32 $0x2, v33  }
0x3b3: {  	v48 =	vld.idx.msk [tilespmem:v45+s14+$0x0], $0xffff;
	v28 =	vadd.s32 v4, v23;
	v23 =	vsub.f32 v42, v63  }
0x3b4: {  	vm13 =	vgt.f32 v53, v17;
	v17 =	vld [tilespmem:s1+$0x30]  }
0x3b5: {  	vm14 =	vgt.f32 v21, v47;
	v50 =	vmul.f32 v23, v23;
	vm12 =	vgt.f32 v24, v26;
	v26 =	vld.idx.msk [tilespmem:v46+s14+$0x0], $0xffff  }
0x3b6: {  	v34 =	vsel vm14, $0x8, v2;
	v29 =	vsel vm13, v29, v19;
	v19 =	vld [tilespmem:s1+$0x50]  }
0x3b7: {  	v36 =	vor.u32 $0x4, v34;
	v39 =	vsel vm12, $0x8, v2;
	v49 =	vld.idx.msk [tilespmem:v35+s14+$0x0], $0xffff;
	[tilespmem:$0x1FF40] =	vst v50  }
0x3b8: {  	v40 =	vor.u32 $0x4, v39;
	v51 =	vld.idx.msk [tilespmem:v1+s14+$0x0], $0xffff  }
0x3b9: {  	v38 =	vor.u32 $0x1, v29;
	vm15 =	vgt.f32 v14, v48;
	v23 =	vld [tilespmem:s1+$0x70]  }
0x3ba: {  	v30 =	vsel vm15, v45, v30;
	[tilespmem:v28+s21+$0x0] =	vst.idx.add.f32.msk $0xffff, v50  }
0x3bb: {  	v59 =	vld [tilespmem:s25+$0x30];
	vm4 =	vgt.f32 v17, v31;
	v31 =	vor.u32 $0x2, v30  }
0x3bc: {  	v61 =	vld.idx.msk [tilespmem:v36+s14+$0x0], $0xffff;
	vm5 =	vgt.f32 v41, v26;
	v57 =	vsel vm4, $0x8, v2  }
0x3bd: {  	v27 =	vsub.f32 v41, v27;
	v25 =	vsel vm5, v46, v25;
	v58 =	vor.u32 $0x4, v57;
	v26 =	vld.idx.msk [tilespmem:v40+s14+$0x0], $0xffff  }
0x3be: {  	vm6 =	vgt.f32 v19, v22;
	v22 =	vld.idx.msk [tilespmem:v38+s14+$0x0], $0xffff;
	v25 =	vadd.s32 v4, v25  }
0x3bf: {  	[tilespmem:v28+s22+$0x0] =	vst.idx.add.f32.msk $0xffff, v3;
	v60 =	vsel vm6, $0x8, v2;
	vm7 =	vgt.f32 v16, v49;
	v49 =	vmul.f32 v27, v27  }
0x3c0: {  	v62 =	vor.u32 $0x4, v60;
	vm8 =	vgt.f32 v23, v51;
	v63 =	vld.idx.msk [tilespmem:v31+s14+$0x0], $0xffff  }
0x3c1: {  	v33 =	vsel vm7, v35, v33;
	v48 =	vsel vm8, $0x8, v2;
	[tilespmem:$0x1FE10] =	vst v49  }
0x3c2: {  	v51 =	vsub.f32 v53, v59;
	v28 =	vld.idx.msk [tilespmem:v58+s14+$0x0], $0xffff;
	vm9 =	vgt.f32 v24, v26;
	v26 =	vor.u32 $0x4, v48  }
0x3c3: {  	vm11 =	vgt.f32 v21, v61;
	v27 =	vor.u32 $0x1, v33;
	vm10 =	vgt.f32 v53, v22;
	[tilespmem:v25+s21+$0x0] =	vst.idx.add.f32.msk $0xffff, v49  }
0x3c4: {  	v22 =	vsel vm9, v40, v39;
	[tilespmem:v25+s22+$0x0] =	vst.idx.add.f32.msk $0xffff, v3;
	v25 =	vsel vm11, v36, v34  }
0x3c5: {  	v52 =	vld.idx.msk [tilespmem:v62+s14+$0x0], $0xffff;
	v39 =	vmul.f32 v51, v51;
	v50 =	vor.u32 $0x2, v22;
	vm12 =	vgt.f32 v14, v63  }
0x3c6: {  	v29 =	vsel vm10, v38, v29;
	v30 =	vsel vm12, v31, v30;
	v31 =	vor.u32 $0x2, v25  }
0x3c7: {  	v29 =	vadd.s32 v4, v29;
	v53 =	vld.idx.msk [tilespmem:v26+s14+$0x0], $0xffff;
	[tilespmem:$0x1FED0] =	vst v39  }
0x3c8: {  	vm13 =	vgt.f32 v17, v28;
	v28 =	vld.idx.msk [tilespmem:v27+s14+$0x0], $0xffff  }
0x3c9: {  	v56 =	vor.u32 $0x1, v30;
	v61 =	vld [tilespmem:s10+$0xFFFFFFF0]  }
0x3ca: {  	v57 =	vsel vm13, v58, v57;
	vm14 =	vgt.f32 v19, v52;
	v58 =	vld.idx.msk [tilespmem:v50+s14+$0x0], $0xffff  }
0x3cb: {  	v60 =	vsel vm14, v62, v60;
	v62 =	vld.idx.msk [tilespmem:v31+s14+$0x0], $0xffff  }
0x3cc: {  	[tilespmem:v29+s21+$0x0] =	vst.idx.add.f32.msk $0xffff, v39  }
0x3cd: {  	v59 =	vor.u32 $0x2, v57;
	v44 =	vld [tilespmem:s25+$0x50];
	vm15 =	vgt.f32 v23, v53  }
0x3ce: {  	v63 =	vor.u32 $0x2, v60;
	vm4 =	vgt.f32 v16, v28;
	v26 =	vsel vm15, v26, v48;
	v28 =	vld.idx.msk [tilespmem:v56+s14+$0x0], $0xffff  }
0x3cf: {  	[tilespmem:v29+s22+$0x0] =	vst.idx.add.f32.msk $0xffff, v3;
	v16 =	vsub.f32 v16, v61;
	v27 =	vsel vm4, v27, v33;
	v29 =	vor.u32 $0x2, v26  }
0x3d0: {  	vm5 =	vgt.f32 v24, v58;
	v27 =	vadd.s32 v4, v27;
	vm6 =	vgt.f32 v21, v62  }
0x3d1: {  	v22 =	vsel vm5, v50, v22;
	v25 =	vsel vm6, v31, v25;
	v31 =	vmul.f32 v16, v16  }
0x3d2: {  	v43 =	vld.idx.msk [tilespmem:v59+s14+$0x0], $0xffff;
	v38 =	vor.u32 $0x1, v22  }
0x3d3: {  	v45 =	vld.idx.msk [tilespmem:v63+s14+$0x0], $0xffff;
	vm7 =	vgt.f32 v14, v28;
	[tilespmem:$0x1FF50] =	vst v31;
	v14 =	vsub.f32 v14, v44  }
0x3d4: {  	v16 =	vsel vm7, v56, v30;
	v30 =	vld.idx.msk [tilespmem:v29+s14+$0x0], $0xffff  }
0x3d5: {  	v28 =	vor.u32 $0x1, v25;
	[tilespmem:v27+s21+$0x0] =	vst.idx.add.f32.msk $0xffff, v31;
	v48 =	vmul.f32 v14, v14  }
0x3d6: {  	[tilespmem:v27+s22+$0x0] =	vst.idx.add.f32.msk $0xffff, v3  }
0x3d7: {  	v46 =	vld.idx.msk [tilespmem:v38+s14+$0x0], $0xffff;
	[tilespmem:$0x1FEF0] =	vst v48  }
0x3d8: {  	vm8 =	vgt.f32 v17, v43;
	v16 =	vadd.s32 v4, v16;
	v14 =	vld [tilespmem:s10+$0x10]  }
0x3d9: {  	vm9 =	vgt.f32 v19, v45;
	v31 =	vsel vm8, v59, v57  }
0x3da: {  	v47 =	vsel vm9, v63, v60;
	v27 =	vor.u32 $0x1, v31;
	vm10 =	vgt.f32 v23, v30;
	v30 =	vld.idx.msk [tilespmem:v28+s14+$0x0], $0xffff  }
0x3db: {  	v49 =	vor.u32 $0x1, v47  }
0x3dc: {  	v26 =	vsel vm10, v29, v26;
	v29 =	vld [tilespmem:s25+$0x70]  }
0x3dd: {  	[tilespmem:v16+s21+$0x0] =	vst.idx.add.f32.msk $0xffff, v48;
	vm11 =	vgt.f32 v24, v46;
	v50 =	vor.u32 $0x1, v26;
	v14 =	vsub.f32 v24, v14  }
0x3de: {  	[tilespmem:v16+s22+$0x0] =	vst.idx.add.f32.msk $0xffff, v3;
	v22 =	vsel vm11, v38, v22  }
0x3df: {  	v51 =	vld.idx.msk [tilespmem:v27+s14+$0x0], $0xffff;
	v16 =	vadd.s32 v4, v22;
	vm12 =	vgt.f32 v21, v30;
	v30 =	vmul.f32 v14, v14  }
0x3e0: {  	v22 =	vld.idx.msk [tilespmem:v49+s14+$0x0], $0xffff  }
0x3e1: {  	v24 =	vsel vm12, v28, v25;
	v25 =	vld [tilespmem:s10+$0x30];
	v21 =	vsub.f32 v21, v29;
	[tilespmem:$0x1FF60] =	vst v30  }
0x3e2: {  	v14 =	vadd.s32 v4, v24;
	v24 =	vld.idx.msk [tilespmem:v50+s14+$0x0], $0xffff  }
0x3e3: {  	v29 =	vmul.f32 v21, v21;
	v28 =	vld [tilespmem:s10+$0x50]  }
0x3e4: {  	[tilespmem:v16+s21+$0x0] =	vst.idx.add.f32.msk $0xffff, v30  }
0x3e5: {  	vm13 =	vgt.f32 v17, v51;
	[tilespmem:$0x1FF10] =	vst v29  }
0x3e6: {  	v27 =	vsel vm13, v27, v31;
	[tilespmem:v16+s22+$0x0] =	vst.idx.add.f32.msk $0xffff, v3;
	v16 =	vsub.f32 v17, v25  }
0x3e7: {  	vm14 =	vgt.f32 v19, v22;
	v21 =	vadd.s32 v4, v27;
	v22 =	vld [tilespmem:s10+$0x70]  }
0x3e8: {  	vm15 =	vgt.f32 v23, v24;
	v24 =	vmul.f32 v16, v16  }
0x3e9: {  	v17 =	vsel vm14, v49, v47;
	[tilespmem:v14+s21+$0x0] =	vst.idx.add.f32.msk $0xffff, v29;
	v16 =	vsub.f32 v19, v28  }
0x3ea: {  	v17 =	vadd.s32 v4, v17;
	v19 =	vsel vm15, v50, v26;
	[tilespmem:$0x1FF80] =	vst v24  }
0x3eb: {  	[tilespmem:v14+s22+$0x0] =	vst.idx.add.f32.msk $0xffff, v3;
	v14 =	vadd.s32 v4, v19;
	v19 =	vmul.f32 v16, v16  }
0x3ec: {  	[tilespmem:v21+s21+$0x0] =	vst.idx.add.f32.msk $0xffff, v24;
	v16 =	vsub.f32 v23, v22  }
0x3ed: {  	[tilespmem:$0x1FF90] =	vst v19  }
0x3ee: {  	v16 =	vmul.f32 v16, v16;
	[tilespmem:v21+s22+$0x0] =	vst.idx.add.f32.msk $0xffff, v3  }
0x3ef: {  	[tilespmem:v17+s21+$0x0] =	vst.idx.add.f32.msk $0xffff, v19  }
0x3f0: {  	p0 =	seq.s32 s28, $0xF;
	[tilespmem:$0x1FFA0] =	vst v16  }
0x3f1: {  	s0 =	sadd.s32 @!p0 s29, s8;
	[tilespmem:v17+s22+$0x0] =	vst.idx.add.f32.msk $0xffff, v3  }
0x3f2: {  	s0 =	sshrl.u32 @!p0 s0, $0x3;
	[tilespmem:v14+s21+$0x0] =	vst.idx.add.f32.msk $0xffff, v16  }
0x3f3: {  	s2 =	simm.s32 @!p0 $0x0;
	s1 =	sadd.s32 @!p0 s4, s0;
	[tilespmem:v14+s22+$0x0] =	vst.idx.add.f32.msk $0xffff, v3  }
0x3f4: {  	[tilespmem:s2], [sflag:$0x1] =	stream.linear.gather @!p0 [hbm4b:s1+s2], $0x4000, $0x38;
	[tilespmem:$0x11100] =	vst v63  }
0x3f5: {  	s0 =	sadd.s32 @!p0 s5, s0;
	s1 =	simm.s32 @!p0 $0x4000  }
0x3f6: {  	[tilespmem:s1], [sflag:$0x2] =	stream.linear.gather @!p0 [hbm4b:s0+s2], $0x4000, $0x38;
	[tilespmem:$0x11100] =	vst v63  }
0x3f7: {  	_ =	swait.ge [sflag:s23], $0x4000  }
0x3f8: {  	[sflag:s23] =	ssyncset.done $0x0  }
0x3f9: {  	[sflag:s23] =	ssyncadd.s32 $0xFFFFC000  }
0x3fa: {  	_ =	swait.ge [sflag:s24], $0x4000  }
0x3fb: {  	[sflag:s24] =	ssyncset.done $0x0  }
0x3fc: {  	s9 =	simm.s32 $0x8080;
	[sflag:s24] =	ssyncadd.s32 $0xFFFFC000  }
0x3fd: {  	v14 =	vld [tilespmem:s9+$0xFFFFFF80]  }
0x3fe: {  	v16 =	vld.idx.msk [tilespmem:v1+s14+$0x0], $0xffff;
	_ =	sdelay $0x4  }
0x3ff: {  	vm4 =	vgt.f32 v14, v16  }
0x400: {  	v16 =	vsel vm4, $0x8, v2  }
0x401: {  	v17 =	vor.u32 $0x4, v16;
	_ =	sdelay $0x4  }
0x402: {  	v19 =	vld.idx.msk [tilespmem:v17+s14+$0x0], $0xffff;
	_ =	sdelay $0x4  }
0x403: {  	vm5 =	vgt.f32 v14, v19  }
0x404: {  	v16 =	vsel vm5, v17, v16  }
0x405: {  	v17 =	vor.u32 $0x2, v16;
	_ =	sdelay $0x4  }
0x406: {  	v19 =	vld.idx.msk [tilespmem:v17+s14+$0x0], $0xffff;
	_ =	sdelay $0x4  }
0x407: {  	vm6 =	vgt.f32 v14, v19  }
0x408: {  	v16 =	vsel vm6, v17, v16  }
0x409: {  	v17 =	vor.u32 $0x1, v16;
	_ =	sdelay $0x4  }
0x40a: {  	v19 =	vld.idx.msk [tilespmem:v17+s14+$0x0], $0xffff  }
0x40b: {  	s10 =	simm.s32 $0xC080  }
0x40c: {  	v21 =	vld [tilespmem:s10+$0xFFFFFF80];
	_ =	sdelay $0x2  }
0x40d: {  	vm7 =	vgt.f32 v14, v19  }
0x40e: {  	v16 =	vsel vm7, v17, v16  }
0x40f: {  	v14 =	vsub.f32 v14, v21;
	v16 =	vadd.s32 v0, v16;
	_ =	sdelay $0x1  }
0x410: {  	v14 =	vmul.f32 v14, v14;
	_ =	sdelay $0x1  }
0x411: {  	[tilespmem:$0x1FEC0] =	vst v14  }
0x412: {  	[tilespmem:v16+s21+$0x0] =	vst.idx.add.f32.msk $0xffff, v14  }
0x413: {  	v14 =	vld [tilespmem:s9+$0xFFFFFFA0]  }
0x414: {  	[tilespmem:v16+s22+$0x0] =	vst.idx.add.f32.msk $0xffff, v3  }
0x415: {  	v16 =	vld.idx.msk [tilespmem:v1+s14+$0x0], $0xffff;
	_ =	sdelay $0x4  }
0x416: {  	vm8 =	vgt.f32 v14, v16  }
0x417: {  	v17 =	vsel vm8, $0x8, v2  }
0x418: {  	v19 =	vor.u32 $0x4, v17;
	_ =	sdelay $0x4  }
0x419: {  	v21 =	vld.idx.msk [tilespmem:v19+s14+$0x0], $0xffff;
	_ =	sdelay $0x4  }
0x41a: {  	vm9 =	vgt.f32 v14, v21  }
0x41b: {  	v17 =	vsel vm9, v19, v17  }
0x41c: {  	v19 =	vor.u32 $0x2, v17;
	_ =	sdelay $0x4  }
0x41d: {  	v21 =	vld.idx.msk [tilespmem:v19+s14+$0x0], $0xffff;
	_ =	sdelay $0x4  }
0x41e: {  	vm10 =	vgt.f32 v14, v21  }
0x41f: {  	v17 =	vsel vm10, v19, v17  }
0x420: {  	v19 =	vor.u32 $0x1, v17;
	_ =	sdelay $0x4  }
0x421: {  	v21 =	vld.idx.msk [tilespmem:v19+s14+$0x0], $0xffff  }
0x422: {  	v22 =	vld [tilespmem:s10+$0xFFFFFFA0];
	_ =	sdelay $0x3  }
0x423: {  	vm11 =	vgt.f32 v14, v21  }
0x424: {  	v14 =	vsub.f32 v14, v22;
	v17 =	vsel vm11, v19, v17  }
0x425: {  	v17 =	vadd.s32 v0, v17  }
0x426: {  	v19 =	vmul.f32 v14, v14;
	_ =	sdelay $0x1  }
0x427: {  	[tilespmem:$0x1FEE0] =	vst v19  }
0x428: {  	v14 =	vld [tilespmem:s9+$0xFFFFFFC0]  }
0x429: {  	[tilespmem:v17+s21+$0x0] =	vst.idx.add.f32.msk $0xffff, v19  }
0x42a: {  	[tilespmem:v17+s22+$0x0] =	vst.idx.add.f32.msk $0xffff, v3  }
0x42b: {  	v19 =	vld.idx.msk [tilespmem:v1+s14+$0x0], $0xffff;
	_ =	sdelay $0x4  }
0x42c: {  	vm12 =	vgt.f32 v14, v19  }
0x42d: {  	v17 =	vsel vm12, $0x8, v2  }
0x42e: {  	v21 =	vor.u32 $0x4, v17;
	_ =	sdelay $0x4  }
0x42f: {  	v22 =	vld.idx.msk [tilespmem:v21+s14+$0x0], $0xffff;
	_ =	sdelay $0x4  }
0x430: {  	vm13 =	vgt.f32 v14, v22  }
0x431: {  	v17 =	vsel vm13, v21, v17  }
0x432: {  	v21 =	vor.u32 $0x2, v17;
	_ =	sdelay $0x2  }
0x433: {  	s31 =	simm.s32 $0x8180;
	v23 =	vld.idx.msk [tilespmem:v1+s14+$0x0], $0xffff  }
0x434: {  	v22 =	vld [tilespmem:s31+$0xFFFFFF80]  }
0x435: {  	v24 =	vld.idx.msk [tilespmem:v21+s14+$0x0], $0xffff;
	_ =	sdelay $0x3  }
0x436: {  	vm14 =	vgt.f32 v22, v23  }
0x437: {  	v23 =	vsel vm14, $0x8, v2;
	vm15 =	vgt.f32 v14, v24  }
0x438: {  	v24 =	vor.u32 $0x4, v23;
	v17 =	vsel vm15, v21, v17  }
0x439: {  	v21 =	vor.u32 $0x1, v17;
	_ =	sdelay $0x3  }
0x43a: {  	v25 =	vld.idx.msk [tilespmem:v24+s14+$0x0], $0xffff  }
0x43b: {  	v26 =	vld.idx.msk [tilespmem:v21+s14+$0x0], $0xffff  }
0x43c: {  	v27 =	vld [tilespmem:s10+$0xFFFFFFC0];
	_ =	sdelay $0x2  }
0x43d: {  	vm4 =	vgt.f32 v22, v25  }
0x43e: {  	v23 =	vsel vm4, v24, v23;
	vm5 =	vgt.f32 v14, v26  }
0x43f: {  	v14 =	vsub.f32 v14, v27;
	v17 =	vsel vm5, v21, v17;
	v21 =	vor.u32 $0x2, v23  }
0x440: {  	v17 =	vadd.s32 v0, v17  }
0x441: {  	v24 =	vmul.f32 v14, v14;
	_ =	sdelay $0x1  }
0x442: {  	[tilespmem:$0x1FF00] =	vst v24  }
0x443: {  	v14 =	vld.idx.msk [tilespmem:v21+s14+$0x0], $0xffff  }
0x444: {  	[tilespmem:v17+s21+$0x0] =	vst.idx.add.f32.msk $0xffff, v24  }
0x445: {  	v24 =	vld [tilespmem:s9+$0xFFFFFFE0]  }
0x446: {  	[tilespmem:v17+s22+$0x0] =	vst.idx.add.f32.msk $0xffff, v3  }
0x447: {  	v17 =	vld.idx.msk [tilespmem:v1+s14+$0x0], $0xffff;
	_ =	sdelay $0x1  }
0x448: {  	vm6 =	vgt.f32 v22, v14  }
0x449: {  	v14 =	vsel vm6, v21, v23  }
0x44a: {  	v21 =	vor.u32 $0x1, v14  }
0x44b: {  	vm7 =	vgt.f32 v24, v17  }
0x44c: {  	v23 =	vsel vm7, $0x8, v2  }
0x44d: {  	v25 =	vor.u32 $0x4, v23;
	_ =	sdelay $0x1  }
0x44e: {  	v26 =	vld.idx.msk [tilespmem:v21+s14+$0x0], $0xffff  }
0x44f: {  	s0 =	simm.s32 $0xC180  }
0x450: {  	v27 =	vld [tilespmem:s0+$0xFFFFFF80]  }
0x451: {  	v28 =	vld.idx.msk [tilespmem:v25+s14+$0x0], $0xffff;
	_ =	sdelay $0x1  }
0x452: {  	vm8 =	vgt.f32 v22, v26  }
0x453: {  	v14 =	vsel vm8, v21, v14  }
0x454: {  	v21 =	vsub.f32 v22, v27;
	v14 =	vadd.s32 v0, v14  }
0x455: {  	vm9 =	vgt.f32 v24, v28  }
0x456: {  	v22 =	vsel vm9, v25, v23;
	v23 =	vmul.f32 v21, v21  }
0x457: {  	v21 =	vor.u32 $0x2, v22  }
0x458: {  	[tilespmem:$0x1FF70] =	vst v23  }
0x459: {  	[tilespmem:v14+s21+$0x0] =	vst.idx.add.f32.msk $0xffff, v23  }
0x45a: {  	v25 =	vld [tilespmem:s31+$0xFFFFFFA0]  }
0x45b: {  	[tilespmem:v14+s22+$0x0] =	vst.idx.add.f32.msk $0xffff, v3  }
0x45c: {  	v23 =	vld.idx.msk [tilespmem:v21+s14+$0x0], $0xffff  }
0x45d: {  	v42 =	vld.idx.msk [tilespmem:v1+s14+$0x0], $0xffff;
	_ =	sdelay $0x3  }
0x45e: {  	vm10 =	vgt.f32 v24, v23  }
0x45f: {  	vm11 =	vgt.f32 v25, v42;
	v21 =	vsel vm10, v21, v22  }
0x460: {  	v22 =	vsel vm11, $0x8, v2;
	v23 =	vor.u32 $0x1, v21  }
0x461: {  	v26 =	vor.u32 $0x4, v22;
	_ =	sdelay $0x3  }
0x462: {  	v27 =	vld.idx.msk [tilespmem:v23+s14+$0x0], $0xffff  }
0x463: {  	v28 =	vld.idx.msk [tilespmem:v26+s14+$0x0], $0xffff;
	_ =	sdelay $0x1  }
0x464: {  	v30 =	vld [tilespmem:s10+$0xFFFFFFE0];
	_ =	sdelay $0x1  }
0x465: {  	vm12 =	vgt.f32 v24, v27  }
0x466: {  	vm13 =	vgt.f32 v25, v28;
	v21 =	vsel vm12, v23, v21  }
0x467: {  	v22 =	vsel vm13, v26, v22;
	v21 =	vadd.s32 v0, v21  }
0x468: {  	v23 =	vsub.f32 v24, v30;
	v24 =	vor.u32 $0x2, v22;
	_ =	sdelay $0x1  }
0x469: {  	v62 =	vmul.f32 v23, v23;
	_ =	sdelay $0x1  }
0x46a: {  	[tilespmem:v21+s21+$0x0] =	vst.idx.add.f32.msk $0xffff, v62  }
0x46b: {  	v23 =	vld.idx.msk [tilespmem:v24+s14+$0x0], $0xffff  }
0x46c: {  	[tilespmem:v21+s22+$0x0] =	vst.idx.add.f32.msk $0xffff, v3  }
0x46d: {  	v21 =	vld [tilespmem:s9+$0x0]  }
0x46e: {  	v37 =	vld.idx.msk [tilespmem:v1+s14+$0x0], $0xffff;
	_ =	sdelay $0x1  }
0x46f: {  	vm14 =	vgt.f32 v25, v23  }
0x470: {  	v22 =	vsel vm14, v24, v22  }
0x471: {  	v23 =	vor.u32 $0x1, v22  }
0x472: {  	vm15 =	vgt.f32 v21, v37  }
0x473: {  	v24 =	vsel vm15, $0x8, v2  }
0x474: {  	v27 =	vor.u32 $0x4, v24;
	_ =	sdelay $0x1  }
0x475: {  	v28 =	vld.idx.msk [tilespmem:v23+s14+$0x0], $0xffff;
	_ =	sdelay $0x1  }
0x476: {  	v30 =	vld [tilespmem:s0+$0xFFFFFFA0]  }
0x477: {  	v31 =	vld.idx.msk [tilespmem:v27+s14+$0x0], $0xffff;
	_ =	sdelay $0x1  }
0x478: {  	vm4 =	vgt.f32 v25, v28  }
0x479: {  	v22 =	vsel vm4, v23, v22  }
0x47a: {  	v22 =	vadd.s32 v0, v22  }
0x47b: {  	v23 =	vsub.f32 v25, v30;
	vm5 =	vgt.f32 v21, v31  }
0x47c: {  	v24 =	vsel vm5, v27, v24  }
0x47d: {  	v63 =	vmul.f32 v23, v23;
	v23 =	vor.u32 $0x2, v24;
	_ =	sdelay $0x1  }
0x47e: {  	[tilespmem:v22+s21+$0x0] =	vst.idx.add.f32.msk $0xffff, v63  }
0x47f: {  	[tilespmem:v22+s22+$0x0] =	vst.idx.add.f32.msk $0xffff, v3  }
0x480: {  	v22 =	vld [tilespmem:s31+$0xFFFFFFC0]  }
0x481: {  	v25 =	vld.idx.msk [tilespmem:v23+s14+$0x0], $0xffff  }
0x482: {  	v41 =	vld.idx.msk [tilespmem:v1+s14+$0x0], $0xffff;
	_ =	sdelay $0x3  }
0x483: {  	vm6 =	vgt.f32 v21, v25  }
0x484: {  	vm7 =	vgt.f32 v22, v41;
	v23 =	vsel vm6, v23, v24  }
0x485: {  	v24 =	vsel vm7, $0x8, v2;
	v25 =	vor.u32 $0x1, v23  }
0x486: {  	v28 =	vor.u32 $0x4, v24;
	_ =	sdelay $0x3  }
0x487: {  	v30 =	vld.idx.msk [tilespmem:v25+s14+$0x0], $0xffff  }
0x488: {  	v31 =	vld.idx.msk [tilespmem:v28+s14+$0x0], $0xffff  }
0x489: {  	v32 =	vld [tilespmem:s9+$0xFFFFFFB0]  }
0x48a: {  	v52 =	vld [tilespmem:s10+$0x0];
	_ =	sdelay $0x1  }
0x48b: {  	vm8 =	vgt.f32 v21, v30  }
0x48c: {  	vm9 =	vgt.f32 v22, v31;
	v23 =	vsel vm8, v25, v23  }
0x48d: {  	v24 =	vsel vm9, v28, v24;
	v23 =	vadd.s32 v0, v23  }
0x48e: {  	vm10 =	vgt.f32 v32, v19;
	v19 =	vsub.f32 v21, v52;
	v21 =	vor.u32 $0x2, v24  }
0x48f: {  	v25 =	vld [tilespmem:s9+$0xFFFFFF90];
	v28 =	vsel vm10, $0x8, v2  }
0x490: {  	s30 =	simm.s32 $0x8280;
	v53 =	vld.idx.msk [tilespmem:v1+s14+$0x0], $0xffff;
	v60 =	vmul.f32 v19, v19;
	v19 =	vor.u32 $0x4, v28  }
0x491: {  	v30 =	vld [tilespmem:s30+$0xFFFFFF80]  }
0x492: {  	[tilespmem:v23+s21+$0x0] =	vst.idx.add.f32.msk $0xffff, v60  }
0x493: {  	v54 =	vld.idx.msk [tilespmem:v21+s14+$0x0], $0xffff  }
0x494: {  	vm11 =	vgt.f32 v25, v16;
	[tilespmem:v23+s22+$0x0] =	vst.idx.add.f32.msk $0xffff, v3  }
0x495: {  	v16 =	vsel vm11, $0x8, v2;
	v23 =	vld.idx.msk [tilespmem:v19+s14+$0x0], $0xffff  }
0x496: {  	v55 =	vor.u32 $0x4, v16  }
0x497: {  	v35 =	vld [tilespmem:s9+$0x20];
	vm12 =	vgt.f32 v30, v53  }
0x498: {  	v56 =	vsel vm12, $0x8, v2;
	v48 =	vld.idx.msk [tilespmem:v1+s14+$0x0], $0xffff  }
0x499: {  	v57 =	vor.u32 $0x4, v56;
	vm13 =	vgt.f32 v22, v54  }
0x49a: {  	v21 =	vsel vm13, v21, v24;
	vm14 =	vgt.f32 v32, v23  }
0x49b: {  	v24 =	vld.idx.msk [tilespmem:v55+s14+$0x0], $0xffff;
	v23 =	vor.u32 $0x1, v21;
	v19 =	vsel vm14, v19, v28  }
0x49c: {  	v28 =	vor.u32 $0x2, v19  }
0x49d: {  	vm15 =	vgt.f32 v35, v48  }
0x49e: {  	v58 =	vld.idx.msk [tilespmem:v57+s14+$0x0], $0xffff;
	v59 =	vsel vm15, $0x8, v2  }
0x49f: {  	v61 =	vor.u32 $0x4, v59  }
0x4a0: {  	vm4 =	vgt.f32 v25, v24;
	v14 =	vld.idx.msk [tilespmem:v23+s14+$0x0], $0xffff  }
0x4a1: {  	v16 =	vsel vm4, v55, v16;
	v24 =	vld.idx.msk [tilespmem:v28+s14+$0x0], $0xffff  }
0x4a2: {  	v33 =	vor.u32 $0x2, v16  }
0x4a3: {  	v45 =	vld [tilespmem:s0+$0xFFFFFFC0];
	vm5 =	vgt.f32 v30, v58  }
0x4a4: {  	v34 =	vsel vm5, v57, v56;
	v46 =	vld.idx.msk [tilespmem:v61+s14+$0x0], $0xffff  }
0x4a5: {  	vm6 =	vgt.f32 v22, v14;
	v14 =	vor.u32 $0x2, v34  }
0x4a6: {  	vm7 =	vgt.f32 v32, v24  }
0x4a7: {  	v21 =	vsel vm6, v23, v21;
	v24 =	vld.idx.msk [tilespmem:v33+s14+$0x0], $0xffff;
	v23 =	vsel vm7, v28, v19  }
0x4a8: {  	v43 =	vld [tilespmem:s9+$0xFFFFFFD0];
	v22 =	vsub.f32 v22, v45;
	v28 =	vor.u32 $0x1, v23  }
0x4a9: {  	v49 =	vld [tilespmem:s10+$0xFFFFFFB0];
	v21 =	vadd.s32 v0, v21;
	vm8 =	vgt.f32 v35, v46  }
0x4aa: {  	v36 =	vsel vm8, v61, v59;
	v59 =	vmul.f32 v22, v22;
	v22 =	vld.idx.msk [tilespmem:v14+s14+$0x0], $0xffff  }
0x4ab: {  	v44 =	vld [tilespmem:s31+$0xFFFFFFE0];
	v47 =	vor.u32 $0x2, v36  }
0x4ac: {  	v29 =	vld [tilespmem:s9+$0xFFFFFFF0];
	vm9 =	vgt.f32 v25, v24  }
0x4ad: {  	v24 =	vsel vm9, v33, v16;
	v16 =	vld.idx.msk [tilespmem:v28+s14+$0x0], $0xffff  }
0x4ae: {  	vm10 =	vgt.f32 v43, v17;
	[tilespmem:v21+s21+$0x0] =	vst.idx.add.f32.msk $0xffff, v59  }
0x4af: {  	[tilespmem:v21+s22+$0x0] =	vst.idx.add.f32.msk $0xffff, v3;
	v21 =	vsel vm10, $0x8, v2;
	vm11 =	vgt.f32 v30, v22;
	v22 =	vor.u32 $0x1, v24  }
0x4b0: {  	v50 =	vor.u32 $0x4, v21;
	v51 =	vld.idx.msk [tilespmem:v47+s14+$0x0], $0xffff;
	v14 =	vsel vm11, v14, v34  }
0x4b1: {  	v27 =	vld [tilespmem:s10+$0xFFFFFF90];
	v17 =	vor.u32 $0x1, v14  }
0x4b2: {  	v39 =	vld [tilespmem:s31+$0xFFFFFFB0];
	vm12 =	vgt.f32 v32, v16  }
0x4b3: {  	v45 =	vld.idx.msk [tilespmem:v1+s14+$0x0], $0xffff;
	v23 =	vsel vm12, v28, v23  }
0x4b4: {  	vm14 =	vgt.f32 v29, v37;
	v28 =	vld.idx.msk [tilespmem:v22+s14+$0x0], $0xffff;
	v23 =	vadd.s32 v4, v23  }
0x4b5: {  	v19 =	vsel vm14, $0x8, v2;
	v32 =	vsub.f32 v32, v49;
	vm13 =	vgt.f32 v35, v51;
	v52 =	vld.idx.msk [tilespmem:v50+s14+$0x0], $0xffff  }
0x4b6: {  	v55 =	vor.u32 $0x4, v19;
	v36 =	vsel vm13, v47, v36;
	v53 =	vld.idx.msk [tilespmem:v17+s14+$0x0], $0xffff  }
0x4b7: {  	s29 =	simm.s32 $0xC280;
	v31 =	vld [tilespmem:s31+$0xFFFFFF90];
	vm15 =	vgt.f32 v39, v41;
	v61 =	vmul.f32 v32, v32;
	v54 =	vor.u32 $0x1, v36  }
0x4b8: {  	v16 =	vsel vm15, $0x8, v2;
	v49 =	vld [tilespmem:s29+$0xFFFFFF80]  }
0x4b9: {  	vm4 =	vgt.f32 v25, v28;
	v28 =	vor.u32 $0x4, v16;
	[tilespmem:v23+s21+$0x0] =	vst.idx.add.f32.msk $0xffff, v61  }
0x4ba: {  	vm7 =	vgt.f32 v44, v45;
	v22 =	vsel vm4, v22, v24;
	[tilespmem:v23+s22+$0x0] =	vst.idx.add.f32.msk $0xffff, v3  }
0x4bb: {  	vm6 =	vgt.f32 v43, v52;
	v24 =	vld.idx.msk [tilespmem:v55+s14+$0x0], $0xffff;
	vm5 =	vgt.f32 v30, v53;
	v22 =	vadd.s32 v4, v22  }
0x4bc: {  	v21 =	vsel vm6, v50, v21;
	v23 =	vsub.f32 v25, v27;
	v14 =	vsel vm5, v17, v14;
	v17 =	vld.idx.msk [tilespmem:v54+s14+$0x0], $0xffff  }
0x4bd: {  	v25 =	vsub.f32 v30, v49;
	v27 =	vsel vm7, $0x8, v2;
	v51 =	vor.u32 $0x2, v21;
	v30 =	vld [tilespmem:s10+$0x20]  }
0x4be: {  	v50 =	vor.u32 $0x4, v27;
	v58 =	vmul.f32 v23, v23;
	v23 =	vld.idx.msk [tilespmem:v28+s14+$0x0], $0xffff  }
0x4bf: {  	v33 =	vld [tilespmem:s9+$0x10]  }
0x4c0: {  	v14 =	vadd.s32 v0, v14;
	vm9 =	vgt.f32 v29, v24;
	[tilespmem:v22+s21+$0x0] =	vst.idx.add.f32.msk $0xffff, v58  }
0x4c1: {  	v19 =	vsel vm9, v55, v19;
	[tilespmem:v22+s22+$0x0] =	vst.idx.add.f32.msk $0xffff, v3;
	vm8 =	vgt.f32 v35, v17  }
0x4c2: {  	v22 =	vsub.f32 v35, v30;
	v30 =	vld.idx.msk [tilespmem:v51+s14+$0x0], $0xffff;
	v32 =	vor.u32 $0x2, v19;
	v17 =	vsel vm8, v54, v36  }
0x4c3: {  	v57 =	vmul.f32 v25, v25;
	v17 =	vadd.s32 v0, v17;
	vm10 =	vgt.f32 v39, v23;
	v23 =	vld.idx.msk [tilespmem:v50+s14+$0x0], $0xffff  }
0x4c4: {  	vm11 =	vgt.f32 v31, v42;
	v42 =	vld [tilespmem:s30+$0xFFFFFFA0]  }
0x4c5: {  	[tilespmem:v14+s21+$0x0] =	vst.idx.add.f32.msk $0xffff, v57;
	v16 =	vsel vm10, v28, v16  }
0x4c6: {  	vm14 =	vgt.f32 v33, v48;
	v54 =	vmul.f32 v22, v22;
	[tilespmem:v14+s22+$0x0] =	vst.idx.add.f32.msk $0xffff, v3;
	v22 =	vor.u32 $0x2, v16  }
0x4c7: {  	v37 =	vsel vm14, $0x8, v2;
	vm13 =	vgt.f32 v43, v30;
	v30 =	vld.idx.msk [tilespmem:v32+s14+$0x0], $0xffff  }
0x4c8: {  	v52 =	vor.u32 $0x4, v37;
	v14 =	vsel vm11, $0x8, v2;
	[tilespmem:v17+s21+$0x0] =	vst.idx.add.f32.msk $0xffff, v54;
	vm12 =	vgt.f32 v44, v23  }
0x4c9: {  	[tilespmem:v17+s22+$0x0] =	vst.idx.add.f32.msk $0xffff, v3;
	v17 =	vsel vm12, v50, v27;
	v27 =	vor.u32 $0x4, v14  }
0x4ca: {  	v46 =	vld.idx.msk [tilespmem:v1+s14+$0x0], $0xffff;
	v21 =	vsel vm13, v51, v21;
	v35 =	vor.u32 $0x2, v17  }
0x4cb: {  	v36 =	vor.u32 $0x1, v21;
	v56 =	vld.idx.msk [tilespmem:v22+s14+$0x0], $0xffff  }
0x4cc: {  	vm15 =	vgt.f32 v29, v30  }
0x4cd: {  	v23 =	vsel vm15, v32, v19;
	v19 =	vld.idx.msk [tilespmem:v52+s14+$0x0], $0xffff  }
0x4ce: {  	v30 =	vld.idx.msk [tilespmem:v27+s14+$0x0], $0xffff  }
0x4cf: {  	v55 =	vld.idx.msk [tilespmem:v35+s14+$0x0], $0xffff  }
0x4d0: {  	vm5 =	vgt.f32 v42, v46;
	vm4 =	vgt.f32 v39, v56;
	v56 =	vld.idx.msk [tilespmem:v36+s14+$0x0], $0xffff  }
0x4d1: {  	v38 =	vld [tilespmem:s10+$0xFFFFFFF0];
	v24 =	vsel vm5, $0x8, v2;
	v28 =	vsel vm4, v22, v16;
	v16 =	vor.u32 $0x1, v23  }
0x4d2: {  	v53 =	vld [tilespmem:s10+$0xFFFFFFD0];
	v22 =	vor.u32 $0x4, v24  }
0x4d3: {  	v40 =	vld.idx.msk [tilespmem:v1+s14+$0x0], $0xffff;
	v25 =	vor.u32 $0x1, v28  }
0x4d4: {  	vm9 =	vgt.f32 v33, v19;
	vm6 =	vgt.f32 v31, v30;
	v30 =	vld [tilespmem:s9+$0x40]  }
0x4d5: {  	v26 =	vsel vm6, v27, v14;
	vm7 =	vgt.f32 v44, v55;
	vm8 =	vgt.f32 v43, v56;
	v27 =	vld [tilespmem:s31+$0xFFFFFFD0]  }
0x4d6: {  	v32 =	vsel vm7, v35, v17;
	v34 =	vor.u32 $0x2, v26;
	v47 =	vld.idx.msk [tilespmem:v16+s14+$0x0], $0xffff;
	v17 =	vsel vm8, v36, v21  }
0x4d7: {  	v36 =	vsel vm9, v52, v37;
	v52 =	vsub.f32 v43, v53;
	v53 =	vld.idx.msk [tilespmem:v22+s14+$0x0], $0xffff;
	v21 =	vor.u32 $0x1, v32  }
0x4d8: {  	v19 =	vld.idx.msk [tilespmem:v25+s14+$0x0], $0xffff;
	v41 =	vadd.s32 v4, v17  }
0x4d9: {  	v43 =	vor.u32 $0x2, v36;
	vm10 =	vgt.f32 v30, v40  }
0x4da: {  	v14 =	vld [tilespmem:s0+$0xFFFFFFB0];
	v56 =	vmul.f32 v52, v52;
	v17 =	vsel vm10, $0x8, v2  }
0x4db: {  	vm12 =	vgt.f32 v27, v45;
	vm11 =	vgt.f32 v29, v47;
	v35 =	vld.idx.msk [tilespmem:v34+s14+$0x0], $0xffff;
	v29 =	vsub.f32 v29, v38  }
0x4dc: {  	v38 =	vor.u32 $0x4, v17;
	vm14 =	vgt.f32 v42, v53;
	v16 =	vsel vm11, v16, v23;
	v23 =	vld.idx.msk [tilespmem:v21+s14+$0x0], $0xffff  }
0x4dd: {  	[tilespmem:v41+s21+$0x0] =	vst.idx.add.f32.msk $0xffff, v56;
	vm13 =	vgt.f32 v39, v19;
	v19 =	vsel vm12, $0x8, v2;
	v16 =	vadd.s32 v4, v16  }
0x4de: {  	v37 =	vld.idx.msk [tilespmem:v43+s14+$0x0], $0xffff;
	v22 =	vsel vm14, v22, v24;
	v24 =	vor.u32 $0x4, v19  }
0x4df: {  	v14 =	vsub.f32 v39, v14;
	v39 =	vld [tilespmem:s0+$0xFFFFFFE0];
	v25 =	vsel vm13, v25, v28;
	v28 =	vor.u32 $0x2, v22  }
0x4e0: {  	[tilespmem:v41+s22+$0x0] =	vst.idx.add.f32.msk $0xffff, v3;
	v55 =	vmul.f32 v29, v29  }
0x4e1: {  	vm15 =	vgt.f32 v31, v35;
	vm4 =	vgt.f32 v44, v23;
	v23 =	vadd.s32 v4, v25;
	v25 =	vld.idx.msk [tilespmem:v38+s14+$0x0], $0xffff  }
0x4e2: {  	v26 =	vsel vm15, v34, v26;
	[tilespmem:v16+s21+$0x0] =	vst.idx.add.f32.msk $0xffff, v55  }
0x4e3: {  	v29 =	vor.u32 $0x1, v26;
	v41 =	vld.idx.msk [tilespmem:v24+s14+$0x0], $0xffff  }
0x4e4: {  	v14 =	vmul.f32 v14, v14;
	v21 =	vsel vm4, v21, v32;
	v45 =	vld.idx.msk [tilespmem:v28+s14+$0x0], $0xffff  }
0x4e5: {  	[tilespmem:v16+s22+$0x0] =	vst.idx.add.f32.msk $0xffff, v3;
	v16 =	vadd.s32 v0, v21  }
0x4e6: {  	vm5 =	vgt.f32 v33, v37;
	v21 =	vsub.f32 v44, v39;
	[tilespmem:v23+s21+$0x0] =	vst.idx.add.f32.msk $0xffff, v14  }
0x4e7: {  	v44 =	vsel vm5, v43, v36;
	[tilespmem:v23+s22+$0x0] =	vst.idx.add.f32.msk $0xffff, v3  }
0x4e8: {  	v52 =	vmul.f32 v21, v21;
	v21 =	vor.u32 $0x1, v44;
	vm6 =	vgt.f32 v30, v25;
	v25 =	vld.idx.msk [tilespmem:v29+s14+$0x0], $0xffff  }
0x4e9: {  	v17 =	vsel vm6, v38, v17;
	v38 =	vld [tilespmem:s9+$0x30]  }
0x4ea: {  	vm7 =	vgt.f32 v27, v41;
	vm8 =	vgt.f32 v42, v45;
	[tilespmem:v16+s21+$0x0] =	vst.idx.add.f32.msk $0xffff, v52;
	v23 =	vor.u32 $0x2, v17  }
0x4eb: {  	v19 =	vsel vm7, v24, v19;
	v24 =	vld [tilespmem:s0+$0xFFFFFF90];
	v22 =	vsel vm8, v28, v22  }
0x4ec: {  	v48 =	vor.u32 $0x1, v22;
	[tilespmem:v16+s22+$0x0] =	vst.idx.add.f32.msk $0xffff, v3  }
0x4ed: {  	v28 =	vor.u32 $0x2, v19;
	v47 =	vld.idx.msk [tilespmem:v21+s14+$0x0], $0xffff  }
0x4ee: {  	v50 =	vld.idx.msk [tilespmem:v1+s14+$0x0], $0xffff  }
0x4ef: {  	vm9 =	vgt.f32 v31, v25;
	v49 =	vld.idx.msk [tilespmem:v23+s14+$0x0], $0xffff  }
0x4f0: {  	v25 =	vld [tilespmem:s10+$0x10];
	v16 =	vsel vm9, v29, v26  }
0x4f1: {  	v26 =	vadd.s32 v4, v16;
	v16 =	vsub.f32 v31, v24;
	v24 =	vld.idx.msk [tilespmem:v48+s14+$0x0], $0xffff  }
0x4f2: {  	vm11 =	vgt.f32 v38, v40;
	v29 =	vld.idx.msk [tilespmem:v28+s14+$0x0], $0xffff;
	vm10 =	vgt.f32 v33, v47  }
0x4f3: {  	v32 =	vsel vm11, $0x8, v2;
	v21 =	vsel vm10, v21, v44;
	v44 =	vld [tilespmem:s31+$0xFFFFFFF0]  }
0x4f4: {  	v35 =	vld [tilespmem:s31+$0x0];
	v37 =	vor.u32 $0x4, v32;
	v16 =	vmul.f32 v16, v16;
	vm12 =	vgt.f32 v30, v49  }
0x4f5: {  	v21 =	vadd.s32 v4, v21;
	v25 =	vsub.f32 v33, v25;
	v17 =	vsel vm12, v23, v17;
	v23 =	vld [tilespmem:s29+$0xFFFFFFA0]  }
0x4f6: {  	vm13 =	vgt.f32 v42, v24  }
0x4f7: {  	[tilespmem:v26+s21+$0x0] =	vst.idx.add.f32.msk $0xffff, v16;
	v53 =	vmul.f32 v25, v25;
	vm14 =	vgt.f32 v27, v29;
	v36 =	vor.u32 $0x1, v17  }
0x4f8: {  	[tilespmem:v26+s22+$0x0] =	vst.idx.add.f32.msk $0xffff, v3;
	v22 =	vsel vm13, v48, v22;
	vm4 =	vgt.f32 v44, v50  }
0x4f9: {  	v25 =	vsel vm14, v28, v19;
	v19 =	vld.idx.msk [tilespmem:v37+s14+$0x0], $0xffff;
	v22 =	vadd.s32 v0, v22;
	v33 =	vsel vm4, $0x8, v2  }
0x4fa: {  	vm15 =	vgt.f32 v35, v50;
	[tilespmem:v21+s21+$0x0] =	vst.idx.add.f32.msk $0xffff, v53;
	v45 =	vor.u32 $0x4, v33;
	v23 =	vsub.f32 v42, v23  }
0x4fb: {  	v26 =	vsel vm15, $0x8, v2;
	[tilespmem:v21+s22+$0x0] =	vst.idx.add.f32.msk $0xffff, v3  }
0x4fc: {  	v21 =	vor.u32 $0x4, v26;
	v24 =	vld.idx.msk [tilespmem:v36+s14+$0x0], $0xffff;
	v51 =	vmul.f32 v23, v23  }
0x4fd: {  	v29 =	vor.u32 $0x1, v25;
	v23 =	vld [tilespmem:s10+$0x40]  }
0x4fe: {  	[tilespmem:v22+s21+$0x0] =	vst.idx.add.f32.msk $0xffff, v51  }
0x4ff: {  	v47 =	vld.idx.msk [tilespmem:v45+s14+$0x0], $0xffff  }
0x500: {  	vm6 =	vgt.f32 v38, v19;
	[tilespmem:v22+s22+$0x0] =	vst.idx.add.f32.msk $0xffff, v3  }
0x501: {  	v32 =	vsel vm6, v37, v32;
	vm5 =	vgt.f32 v30, v24;
	v24 =	vld.idx.msk [tilespmem:v21+s14+$0x0], $0xffff  }
0x502: {  	v19 =	vsub.f32 v30, v23;
	v23 =	vld.idx.msk [tilespmem:v29+s14+$0x0], $0xffff;
	v30 =	vor.u32 $0x2, v32  }
0x503: {  	v22 =	vld [tilespmem:s0+$0xFFFFFFD0]  }
0x504: {  	v49 =	vld.idx.msk [tilespmem:v1+s14+$0x0], $0xffff  }
0x505: {  	v37 =	vld [tilespmem:s30+$0xFFFFFFB0];
	v17 =	vsel vm5, v36, v17  }
0x506: {  	v36 =	vld [tilespmem:s30+$0xFFFFFFC0];
	v17 =	vadd.s32 v0, v17;
	vm7 =	vgt.f32 v35, v24  }
0x507: {  	vm9 =	vgt.f32 v44, v47;
	vm8 =	vgt.f32 v27, v23;
	v23 =	vsel vm7, v21, v26;
	v26 =	vld.idx.msk [tilespmem:v30+s14+$0x0], $0xffff  }
0x508: {  	s1 =	simm.s32 $0x8380;
	v33 =	vsel vm9, v45, v33;
	v24 =	vsel vm8, v29, v25;
	v29 =	vor.u32 $0x2, v23  }
0x509: {  	v39 =	vld [tilespmem:s1+$0xFFFFFF80];
	v25 =	vsub.f32 v27, v22;
	v27 =	vor.u32 $0x2, v33  }
0x50a: {  	v50 =	vmul.f32 v19, v19;
	v47 =	vld [tilespmem:s30+$0xFFFFFF90]  }
0x50b: {  	v43 =	vld.idx.msk [tilespmem:v1+s14+$0x0], $0xffff;
	vm12 =	vgt.f32 v37, v49;
	vm10 =	vgt.f32 v36, v49  }
0x50c: {  	[tilespmem:v17+s21+$0x0] =	vst.idx.add.f32.msk $0xffff, v50;
	v41 =	vsel vm10, $0x8, v2;
	v40 =	vadd.s32 v4, v24;
	vm11 =	vgt.f32 v38, v26  }
0x50d: {  	v45 =	vsel vm12, $0x8, v2;
	v26 =	vor.u32 $0x4, v41;
	v30 =	vsel vm11, v30, v32;
	v32 =	vld.idx.msk [tilespmem:v29+s14+$0x0], $0xffff  }
0x50e: {  	v48 =	vor.u32 $0x4, v45;
	v19 =	vld.idx.msk [tilespmem:v27+s14+$0x0], $0xffff  }
0x50f: {  	[tilespmem:v17+s22+$0x0] =	vst.idx.add.f32.msk $0xffff, v3;
	vm13 =	vgt.f32 v47, v46;
	v17 =	vmul.f32 v25, v25;
	v42 =	vor.u32 $0x1, v30  }
0x510: {  	v49 =	vld [tilespmem:s9+$0x60];
	v46 =	vsel vm13, $0x8, v2  }
0x511: {  	v21 =	vor.u32 $0x4, v46;
	[tilespmem:v40+s21+$0x0] =	vst.idx.add.f32.msk $0xffff, v17  }
0x512: {  	vm14 =	vgt.f32 v39, v43;
	v43 =	vld.idx.msk [tilespmem:v26+s14+$0x0], $0xffff  }
0x513: {  	v25 =	vsel vm14, $0x8, v2;
	vm15 =	vgt.f32 v35, v32;
	vm4 =	vgt.f32 v44, v19;
	v19 =	vld.idx.msk [tilespmem:v48+s14+$0x0], $0xffff  }
0x514: {  	v22 =	vor.u32 $0x4, v25;
	v29 =	vsel vm15, v29, v23;
	v23 =	vld.idx.msk [tilespmem:v42+s14+$0x0], $0xffff  }
0x515: {  	v32 =	vld [tilespmem:s10+$0x30];
	v24 =	vor.u32 $0x1, v29  }
0x516: {  	v34 =	vsel vm4, v27, v33;
	v33 =	vld.idx.msk [tilespmem:v21+s14+$0x0], $0xffff  }
0x517: {  	v27 =	vld.idx.msk [tilespmem:v1+s14+$0x0], $0xffff;
	vm5 =	vgt.f32 v36, v43;
	v43 =	vor.u32 $0x1, v34  }
0x518: {  	v31 =	vsel vm5, v26, v41;
	v41 =	vld [tilespmem:s0+$0x0]  }
0x519: {  	vm7 =	vgt.f32 v37, v19;
	vm6 =	vgt.f32 v38, v23;
	v26 =	vor.u32 $0x2, v31;
	v23 =	vld.idx.msk [tilespmem:v22+s14+$0x0], $0xffff  }
0x51a: {  	v32 =	vsub.f32 v38, v32;
	v38 =	vsel vm7, v48, v45;
	v28 =	vld.idx.msk [tilespmem:v24+s14+$0x0], $0xffff  }
0x51b: {  	vm8 =	vgt.f32 v47, v33;
	v30 =	vsel vm6, v42, v30;
	v42 =	vld [tilespmem:s0+$0xFFFFFFF0];
	v33 =	vor.u32 $0x2, v38  }
0x51c: {  	vm9 =	vgt.f32 v49, v27;
	v30 =	vadd.s32 v4, v30;
	v45 =	vld.idx.msk [tilespmem:v43+s14+$0x0], $0xffff  }
0x51d: {  	v46 =	vsel vm8, v21, v46;
	v21 =	vld [tilespmem:s9+$0x50];
	v48 =	vsel vm9, $0x8, v2  }
0x51e: {  	v32 =	vmul.f32 v32, v32;
	v19 =	vor.u32 $0x4, v48;
	vm10 =	vgt.f32 v39, v23;
	v23 =	vld.idx.msk [tilespmem:v26+s14+$0x0], $0xffff  }
0x51f: {  	[tilespmem:v40+s22+$0x0] =	vst.idx.add.f32.msk $0xffff, v3;
	v22 =	vsel vm10, v22, v25;
	vm11 =	vgt.f32 v35, v28;
	v25 =	vor.u32 $0x2, v46  }
0x520: {  	v28 =	vsub.f32 v35, v41;
	v40 =	vld.idx.msk [tilespmem:v33+s14+$0x0], $0xffff;
	v24 =	vsel vm11, v24, v29;
	v29 =	vor.u32 $0x2, v22  }
0x521: {  	[tilespmem:v30+s21+$0x0] =	vst.idx.add.f32.msk $0xffff, v32;
	vm12 =	vgt.f32 v44, v45;
	v24 =	vadd.s32 v0, v24  }
0x522: {  	vm13 =	vgt.f32 v21, v27;
	[tilespmem:v30+s22+$0x0] =	vst.idx.add.f32.msk $0xffff, v3;
	v27 =	vsel vm12, v43, v34  }
0x523: {  	v35 =	vsub.f32 v44, v42;
	v30 =	vld.idx.msk [tilespmem:v19+s14+$0x0], $0xffff;
	vm14 =	vgt.f32 v36, v23;
	v23 =	vadd.s32 v4, v27  }
0x524: {  	v27 =	vsel vm13, $0x8, v2;
	v31 =	vsel vm14, v26, v31;
	v26 =	vmul.f32 v28, v28;
	v28 =	vld.idx.msk [tilespmem:v25+s14+$0x0], $0xffff  }
0x525: {  	v34 =	vor.u32 $0x4, v27;
	v45 =	vld.idx.msk [tilespmem:v29+s14+$0x0], $0xffff  }
0x526: {  	v20 =	vadd.f32 v6, v20;
	v6 =	vmul.f32 v35, v35;
	[tilespmem:v24+s21+$0x0] =	vst.idx.add.f32.msk $0xffff, v26  }
0x527: {  	[tilespmem:v24+s22+$0x0] =	vst.idx.add.f32.msk $0xffff, v3  }
0x528: {  	[tilespmem:v23+s21+$0x0] =	vst.idx.add.f32.msk $0xffff, v6  }
0x529: {  	vm4 =	vgt.f32 v49, v30;
	v30 =	vld [tilespmem:$0x1FCD0]  }
0x52a: {  	vm5 =	vgt.f32 v47, v28;
	v28 =	vld.idx.msk [tilespmem:v34+s14+$0x0], $0xffff;
	vm6 =	vgt.f32 v39, v45  }
0x52b: {  	vm15 =	vgt.f32 v37, v40;
	v22 =	vsel vm6, v29, v22;
	v29 =	vld [tilespmem:$0x1FCE0]  }
0x52c: {  	v24 =	vsel vm15, v33, v38;
	[tilespmem:v23+s22+$0x0] =	vst.idx.add.f32.msk $0xffff, v3  }
0x52d: {  	v5 =	vadd.f32 v5, v20;
	v19 =	vsel vm4, v19, v48;
	v20 =	vor.u32 $0x1, v24;
	v48 =	vld [tilespmem:$0x1FCF0]  }
0x52e: {  	v41 =	vor.u32 $0x1, v31;
	v15 =	vadd.f32 v30, v15  }
0x52f: {  	vm7 =	vgt.f32 v21, v28;
	v28 =	vld [tilespmem:$0x1FD00]  }
0x530: {  	v15 =	vadd.f32 v29, v15  }
0x531: {  	v5 =	vadd.f32 v7, v5;
	v7 =	vld [tilespmem:s29+$0xFFFFFFC0]  }
0x532: {  	v25 =	vsel vm5, v25, v46;
	v46 =	vor.u32 $0x2, v19;
	v38 =	vld.idx.msk [tilespmem:v20+s14+$0x0], $0xffff;
	v15 =	vadd.f32 v48, v15  }
0x533: {  	v30 =	vld.idx.msk [tilespmem:v41+s14+$0x0], $0xffff  }
0x534: {  	v5 =	vadd.f32 v9, v5;
	v9 =	vld [tilespmem:s29+$0xFFFFFFB0];
	v15 =	vadd.f32 v28, v15  }
0x535: {  	v44 =	vld [tilespmem:s10+$0x50];
	v29 =	vor.u32 $0x1, v22  }
0x536: {  	v23 =	vor.u32 $0x1, v25;
	v40 =	vld [tilespmem:$0x1FD30];
	v15 =	vadd.f32 v8, v15  }
0x537: {  	v28 =	vld.idx.msk [tilespmem:v46+s14+$0x0], $0xffff  }
0x538: {  	vm9 =	vgt.f32 v37, v38;
	vm8 =	vgt.f32 v36, v30;
	v15 =	vadd.f32 v12, v15;
	v12 =	vld [tilespmem:$0x1FD10]  }
0x539: {  	v20 =	vsel vm9, v20, v24;
	v24 =	vld.idx.msk [tilespmem:v1+s14+$0x0], $0xffff;
	v30 =	vsel vm8, v41, v31  }
0x53a: {  	v5 =	vadd.f32 v11, v5;
	v11 =	vadd.s32 v0, v30;
	v30 =	vld.idx.msk [tilespmem:v29+s14+$0x0], $0xffff  }
0x53b: {  	v7 =	vsub.f32 v36, v7;
	v31 =	vld.idx.msk [tilespmem:v23+s14+$0x0], $0xffff  }
0x53c: {  	v41 =	vld [tilespmem:s29+$0xFFFFFF90]  }
0x53d: {  	vm10 =	vgt.f32 v49, v28;
	v5 =	vadd.f32 v12, v5;
	v12 =	vmul.f32 v7, v7;
	v7 =	vld [tilespmem:$0x1FD20]  }
0x53e: {  	s7 =	simm.s32 $0xC380;
	v8 =	vld [tilespmem:s31+$0x20];
	v19 =	vsel vm10, v46, v19  }
0x53f: {  	v27 =	vsel vm7, v34, v27;
	v28 =	vld [tilespmem:s7+$0xFFFFFF80];
	vm11 =	vgt.f32 v39, v30;
	v30 =	vor.u32 $0x1, v19  }
0x540: {  	v34 =	vor.u32 $0x2, v27;
	v15 =	vadd.f32 v40, v15;
	v40 =	vld [tilespmem:s0+$0x40]  }
0x541: {  	v20 =	vadd.s32 v4, v20;
	[tilespmem:v11+s21+$0x0] =	vst.idx.add.f32.msk $0xffff, v12  }
0x542: {  	v22 =	vsel vm11, v29, v22;
	v29 =	vld [tilespmem:$0x1FD40];
	v5 =	vadd.f32 v7, v5;
	v7 =	vsub.f32 v37, v9  }
0x543: {  	vm12 =	vgt.f32 v47, v31;
	[tilespmem:v11+s22+$0x0] =	vst.idx.add.f32.msk $0xffff, v3  }
0x544: {  	v11 =	vadd.s32 v0, v22;
	v22 =	vsel vm12, v23, v25;
	v25 =	vld.idx.msk [tilespmem:v30+s14+$0x0], $0xffff;
	v7 =	vmul.f32 v7, v7  }
0x545: {  	v9 =	vld.idx.msk [tilespmem:v34+s14+$0x0], $0xffff  }
0x546: {  	[tilespmem:v20+s21+$0x0] =	vst.idx.add.f32.msk $0xffff, v7  }
0x547: {  	v29 =	vadd.f32 v29, v5;
	v5 =	vsub.f32 v39, v28;
	[tilespmem:v20+s22+$0x0] =	vst.idx.add.f32.msk $0xffff, v3  }
0x548: {  	v20 =	vld [tilespmem:s31+$0x10]  }
0x549: {  	v22 =	vadd.s32 v4, v22;
	v5 =	vmul.f32 v5, v5;
	v13 =	vadd.f32 v13, v29;
	v29 =	vld [tilespmem:s10+$0x60]  }
0x54a: {  	vm13 =	vgt.f32 v21, v9;
	v9 =	vsub.f32 v47, v41;
	v31 =	vld [tilespmem:$0x1FD50]  }
0x54b: {  	[tilespmem:v11+s21+$0x0] =	vst.idx.add.f32.msk $0xffff, v5  }
0x54c: {  	v9 =	vmul.f32 v9, v9;
	v42 =	vld [tilespmem:$0x1FD60]  }
0x54d: {  	vm14 =	vgt.f32 v8, v24;
	[tilespmem:v11+s22+$0x0] =	vst.idx.add.f32.msk $0xffff, v3  }
0x54e: {  	v23 =	vsel vm14, $0x8, v2;
	[tilespmem:v22+s21+$0x0] =	vst.idx.add.f32.msk $0xffff, v9  }
0x54f: {  	v28 =	vor.u32 $0x4, v23;
	vm15 =	vgt.f32 v49, v25;
	v10 =	vadd.f32 v10, v13;
	v13 =	vld [tilespmem:$0x1FD70]  }
0x550: {  	v11 =	vsel vm15, v30, v19;
	v19 =	vld [tilespmem:$0x1FD80];
	v15 =	vadd.f32 v31, v15  }
0x551: {  	v11 =	vadd.s32 v0, v11;
	v30 =	vld [tilespmem:$0x1FD90]  }
0x552: {  	v27 =	vsel vm13, v34, v27;
	v25 =	vsub.f32 v49, v29;
	v43 =	vld [tilespmem:$0x1FDA0];
	v15 =	vadd.f32 v42, v15  }
0x553: {  	v45 =	vld [tilespmem:$0x1FDB0];
	v31 =	vor.u32 $0x1, v27  }
0x554: {  	v25 =	vmul.f32 v25, v25;
	v13 =	vadd.f32 v13, v15;
	v15 =	vld.idx.msk [tilespmem:v28+s14+$0x0], $0xffff  }
0x555: {  	v10 =	vadd.f32 v18, v10;
	[tilespmem:v22+s22+$0x0] =	vst.idx.add.f32.msk $0xffff, v3  }
0x556: {  	[tilespmem:v11+s21+$0x0] =	vst.idx.add.f32.msk $0xffff, v25  }
0x557: {  	vm4 =	vgt.f32 v20, v24;
	v10 =	vadd.f32 v30, v10;
	v30 =	vld.idx.msk [tilespmem:v1+s14+$0x0], $0xffff  }
0x558: {  	v18 =	vsel vm4, $0x8, v2;
	v24 =	vld.idx.msk [tilespmem:v31+s14+$0x0], $0xffff  }
0x559: {  	v29 =	vor.u32 $0x4, v18;
	vm5 =	vgt.f32 v8, v15;
	v15 =	vld [tilespmem:$0x1FDC0]  }
0x55a: {  	v13 =	vadd.f32 v19, v13;
	v19 =	vld [tilespmem:s30+$0xFFFFFFE0]  }
0x55b: {  	v22 =	vsel vm5, v28, v23;
	v23 =	vld [tilespmem:$0x1FDD0]  }
0x55c: {  	v46 =	vld [tilespmem:$0x1FDF0];
	v13 =	vadd.f32 v43, v13  }
0x55d: {  	v47 =	vld [tilespmem:$0x1FE00];
	vm6 =	vgt.f32 v21, v24  }
0x55e: {  	v10 =	vadd.f32 v45, v10;
	v24 =	vld.idx.msk [tilespmem:v29+s14+$0x0], $0xffff;
	v13 =	vadd.f32 v15, v13;
	v15 =	vsel vm6, v31, v27  }
0x55f: {  	v28 =	vadd.s32 v4, v15;
	v15 =	vld [tilespmem:s30+$0xFFFFFFD0]  }
0x560: {  	vm7 =	vgt.f32 v19, v30;
	v10 =	vadd.f32 v23, v10;
	v23 =	vld [tilespmem:$0x1FDE0]  }
0x561: {  	v31 =	vsel vm7, $0x8, v2;
	[tilespmem:v11+s22+$0x0] =	vst.idx.add.f32.msk $0xffff, v3  }
0x562: {  	v34 =	vor.u32 $0x4, v31;
	v11 =	vld [tilespmem:$0x1FE10]  }
0x563: {  	v27 =	vor.u32 $0x2, v22;
	v48 =	vld [tilespmem:$0x1FE20]  }
0x564: {  	v33 =	vadd.f32 v46, v10;
	v10 =	vld [tilespmem:s1+$0xFFFFFFA0]  }
0x565: {  	v21 =	vsub.f32 v21, v44;
	v13 =	vadd.f32 v23, v13;
	v23 =	vld.idx.msk [tilespmem:v1+s14+$0x0], $0xffff  }
0x566: {  	vm9 =	vgt.f32 v15, v30;
	v30 =	vld [tilespmem:s0+$0x60]  }
0x567: {  	v49 =	vld.idx.msk [tilespmem:v34+s14+$0x0], $0xffff;
	v35 =	vadd.f32 v47, v13;
	v13 =	vmul.f32 v21, v21  }
0x568: {  	v21 =	vld.idx.msk [tilespmem:v27+s14+$0x0], $0xffff  }
0x569: {  	[tilespmem:v28+s21+$0x0] =	vst.idx.add.f32.msk $0xffff, v13  }
0x56a: {  	vm8 =	vgt.f32 v20, v24;
	v24 =	vld [tilespmem:$0x1FE30]  }
0x56b: {  	v44 =	vld [tilespmem:$0x1FE50]  }
0x56c: {  	v18 =	vsel vm8, v29, v18;
	v29 =	vsel vm9, $0x8, v2;
	v45 =	vld [tilespmem:$0x1FE60]  }
0x56d: {  	v37 =	vor.u32 $0x4, v29;
	v46 =	vld [tilespmem:$0x1FE80]  }
0x56e: {  	v47 =	vld [tilespmem:$0x1FE90]  }
0x56f: {  	v11 =	vadd.f32 v11, v33;
	v33 =	vadd.f32 v48, v35;
	vm10 =	vgt.f32 v10, v23;
	v48 =	vld [tilespmem:$0x1FEA0]  }
0x570: {  	v35 =	vor.u32 $0x2, v18;
	vm12 =	vgt.f32 v19, v49;
	v49 =	vld [tilespmem:$0x1FEB0];
	v38 =	vsel vm10, $0x8, v2  }
0x571: {  	v39 =	vor.u32 $0x4, v38;
	v24 =	vadd.f32 v24, v11;
	v11 =	vld [tilespmem:$0x1FE40]  }
0x572: {  	s2 =	simm.s32 $0x8480;
	v31 =	vsel vm12, v34, v31;
	v34 =	vld.idx.msk [tilespmem:v37+s14+$0x0], $0xffff  }
0x573: {  	vm11 =	vgt.f32 v8, v21;
	v21 =	vld [tilespmem:s2+$0xFFFFFF80]  }
0x574: {  	v27 =	vsel vm11, v27, v22;
	v22 =	vld [tilespmem:$0x1FE70]  }
0x575: {  	v42 =	vor.u32 $0x2, v31;
	v36 =	vld.idx.msk [tilespmem:v35+s14+$0x0], $0xffff  }
0x576: {  	v43 =	vld.idx.msk [tilespmem:v39+s14+$0x0], $0xffff;
	v33 =	vadd.f32 v11, v33  }
0x577: {  	v24 =	vadd.f32 v44, v24;
	v44 =	vld [tilespmem:s0+$0x20];
	vm14 =	vgt.f32 v15, v34  }
0x578: {  	v34 =	vsel vm14, v37, v29;
	v29 =	vld [tilespmem:$0x1FEF0];
	v33 =	vadd.f32 v45, v33  }
0x579: {  	v22 =	vadd.f32 v22, v24;
	v24 =	vld [tilespmem:s31+$0x40]  }
0x57a: {  	v41 =	vor.u32 $0x1, v27;
	vm13 =	vgt.f32 v20, v36;
	v36 =	vld.idx.msk [tilespmem:v42+s14+$0x0], $0xffff;
	v33 =	vadd.f32 v46, v33  }
0x57b: {  	v11 =	vld [tilespmem:s31+$0x60];
	v22 =	vadd.f32 v47, v22  }
0x57c: {  	v33 =	vadd.f32 v48, v33;
	v48 =	vld [tilespmem:$0x1FEC0]  }
0x57d: {  	v22 =	vadd.f32 v49, v22;
	v49 =	vld [tilespmem:$0x1FED0]  }
0x57e: {  	v35 =	vsel vm13, v35, v18;
	v18 =	vld [tilespmem:s1+$0xFFFFFF90]  }
0x57f: {  	v45 =	vld.idx.msk [tilespmem:v41+s14+$0x0], $0xffff;
	vm15 =	vgt.f32 v10, v43  }
0x580: {  	v43 =	vld.idx.msk [tilespmem:v1+s14+$0x0], $0xffff;
	v38 =	vsel vm15, v39, v38;
	v39 =	vor.u32 $0x2, v34  }
0x581: {  	v33 =	vadd.f32 v48, v33;
	v48 =	vld [tilespmem:$0x1FEE0]  }
0x582: {  	v46 =	vadd.f32 v49, v22;
	v22 =	vld [tilespmem:s29+$0xFFFFFFD0]  }
0x583: {  	v49 =	vld [tilespmem:$0x1FF00]  }
0x584: {  	vm5 =	vgt.f32 v19, v36;
	[tilespmem:v28+s22+$0x0] =	vst.idx.add.f32.msk $0xffff, v3;
	v28 =	vor.u32 $0x2, v38  }
0x585: {  	v37 =	vor.u32 $0x1, v35;
	v42 =	vsel vm5, v42, v31;
	v31 =	vld.idx.msk [tilespmem:v39+s14+$0x0], $0xffff  }
0x586: {  	v33 =	vadd.f32 v48, v33;
	v48 =	vld [tilespmem:$0x1FF10]  }
0x587: {  	vm4 =	vgt.f32 v8, v45;
	v8 =	vsub.f32 v8, v44;
	v29 =	vadd.f32 v29, v46;
	v46 =	vld [tilespmem:s7+$0xFFFFFF90]  }
0x588: {  	v33 =	vadd.f32 v49, v33;
	v49 =	vld [tilespmem:$0x1FF20]  }
0x589: {  	v27 =	vsel vm4, v41, v27;
	v45 =	vmul.f32 v8, v8;
	v8 =	vld.idx.msk [tilespmem:v28+s14+$0x0], $0xffff  }
0x58a: {  	v27 =	vadd.s32 v0, v27;
	v33 =	vadd.f32 v62, v33;
	v62 =	vld.idx.msk [tilespmem:v37+s14+$0x0], $0xffff  }
0x58b: {  	v41 =	vadd.f32 v48, v29;
	v29 =	vld [tilespmem:s9+$0x70]  }
0x58c: {  	v44 =	vor.u32 $0x1, v42;
	v48 =	vld [tilespmem:s29+$0x0];
	v33 =	vadd.f32 v60, v33  }
0x58d: {  	v41 =	vadd.f32 v49, v41;
	v49 =	vld [tilespmem:$0x1FF30]  }
0x58e: {  	v33 =	vadd.f32 v54, v33;
	v54 =	vld [tilespmem:$0x1FF40]  }
0x58f: {  	[tilespmem:v27+s21+$0x0] =	vst.idx.add.f32.msk $0xffff, v45  }
0x590: {  	[tilespmem:v27+s22+$0x0] =	vst.idx.add.f32.msk $0xffff, v3  }
0x591: {  	vm7 =	vgt.f32 v20, v62;
	v62 =	vld.idx.msk [tilespmem:v44+s14+$0x0], $0xffff  }
0x592: {  	vm6 =	vgt.f32 v29, v43;
	v43 =	vld [tilespmem:s0+$0x10]  }
0x593: {  	v60 =	vld [tilespmem:$0x1FF50]  }
0x594: {  	v35 =	vsel vm7, v37, v35;
	v37 =	vld [tilespmem:s29+$0xFFFFFFE0];
	v47 =	vsel vm6, $0x8, v2  }
0x595: {  	v33 =	vadd.f32 v50, v33;
	v50 =	vld [tilespmem:$0x1FF70];
	v41 =	vadd.f32 v49, v41;
	v27 =	vor.u32 $0x4, v47  }
0x596: {  	v49 =	vld [tilespmem:$0x1FF60]  }
0x597: {  	vm8 =	vgt.f32 v15, v31;
	vm9 =	vgt.f32 v10, v8;
	v31 =	vld [tilespmem:s31+$0x30];
	v41 =	vadd.f32 v54, v41  }
0x598: {  	v39 =	vsel vm8, v39, v34;
	v34 =	vsel vm9, v28, v38;
	v28 =	vld [tilespmem:$0x1FF80];
	v35 =	vadd.s32 v4, v35  }
0x599: {  	v54 =	vld.idx.msk [tilespmem:v1+s14+$0x0], $0xffff;
	v8 =	vsub.f32 v20, v43;
	v41 =	vadd.f32 v60, v41  }
0x59a: {  	v25 =	vadd.f32 v25, v33;
	vm10 =	vgt.f32 v19, v62;
	v20 =	vld.idx.msk [tilespmem:v27+s14+$0x0], $0xffff  }
0x59b: {  	v62 =	vsel vm10, v44, v42;
	v44 =	vld [tilespmem:s7+$0xFFFFFFA0];
	v8 =	vmul.f32 v8, v8;
	v36 =	vadd.f32 v49, v41  }
0x59c: {  	v25 =	vadd.f32 v50, v25;
	v43 =	vor.u32 $0x1, v34;
	v49 =	vld [tilespmem:s0+$0x30]  }
0x59d: {  	[tilespmem:v35+s21+$0x0] =	vst.idx.add.f32.msk $0xffff, v8;
	v60 =	vadd.f32 v28, v36;
	v36 =	vadd.s32 v0, v62  }
0x59e: {  	v19 =	vsub.f32 v19, v37;
	[tilespmem:v35+s22+$0x0] =	vst.idx.add.f32.msk $0xffff, v3  }
0x59f: {  	v25 =	vadd.f32 v63, v25;
	vm11 =	vgt.f32 v24, v54;
	vm12 =	vgt.f32 v29, v20;
	v20 =	vld [tilespmem:$0x1FF90]  }
0x5a0: {  	v38 =	vor.u32 $0x1, v39;
	v19 =	vmul.f32 v19, v19;
	v28 =	vld [tilespmem:s30+$0x0];
	v37 =	vsel vm11, $0x8, v2  }
0x5a1: {  	v25 =	vadd.f32 v59, v25;
	v63 =	vld.idx.msk [tilespmem:v43+s14+$0x0], $0xffff;
	v42 =	vor.u32 $0x4, v37  }
0x5a2: {  	vm13 =	vgt.f32 v31, v54;
	v27 =	vsel vm12, v27, v47;
	[tilespmem:v36+s21+$0x0] =	vst.idx.add.f32.msk $0xffff, v19  }
0x5a3: {  	v59 =	vsub.f32 v24, v40;
	v47 =	vsel vm13, $0x8, v2;
	v50 =	vor.u32 $0x2, v27;
	[tilespmem:v36+s22+$0x0] =	vst.idx.add.f32.msk $0xffff, v3  }
0x5a4: {  	v25 =	vadd.f32 v52, v25;
	v40 =	vor.u32 $0x4, v47;
	v20 =	vadd.f32 v20, v60;
	v60 =	vld [tilespmem:$0x1FFA0]  }
0x5a5: {  	vm14 =	vgt.f32 v18, v23;
	v35 =	vld.idx.msk [tilespmem:v38+s14+$0x0], $0xffff  }
0x5a6: {  	v23 =	vsel vm14, $0x8, v2;
	v25 =	vadd.f32 v26, v25;
	v62 =	vld.idx.msk [tilespmem:v42+s14+$0x0], $0xffff  }
0x5a7: {  	v52 =	vor.u32 $0x4, v23;
	v26 =	vsub.f32 v11, v30;
	v30 =	vmul.f32 v59, v59;
	v36 =	vld.idx.msk [tilespmem:v1+s14+$0x0], $0xffff  }
0x5a8: {  	v25 =	vadd.f32 v45, v25;
	vm15 =	vgt.f32 v10, v63;
	v10 =	vsub.f32 v10, v44;
	v41 =	vld.idx.msk [tilespmem:v50+s14+$0x0], $0xffff  }
0x5a9: {  	v33 =	vadd.f32 v60, v20;
	v20 =	vmul.f32 v26, v26;
	v26 =	vsel vm15, v43, v34;
	v34 =	vld.idx.msk [tilespmem:v40+s14+$0x0], $0xffff  }
0x5aa: {  	v25 =	vadd.f32 v30, v25;
	v60 =	vld [tilespmem:s29+$0x60]  }
0x5ab: {  	v10 =	vmul.f32 v10, v10;
	v54 =	vadd.s32 v0, v26;
	v63 =	vadd.f32 v58, v33;
	v33 =	vld [tilespmem:s30+$0xFFFFFFF0]  }
0x5ac: {  	vm5 =	vgt.f32 v24, v62;
	vm4 =	vgt.f32 v28, v36;
	v25 =	vadd.f32 v20, v25;
	v58 =	vld [tilespmem:s29+$0xFFFFFFF0]  }
0x5ad: {  	v59 =	vsel vm4, $0x8, v2;
	vm8 =	vgt.f32 v29, v41;
	v41 =	vld [tilespmem:s10+$0x70];
	v26 =	vadd.f32 v61, v63  }
0x5ae: {  	v37 =	vsel vm5, v42, v37;
	v42 =	vor.u32 $0x4, v59;
	v25 =	vadd.f32 v57, v25;
	v57 =	vld.idx.msk [tilespmem:v52+s14+$0x0], $0xffff  }
0x5af: {  	v43 =	vsel vm8, v50, v27;
	v44 =	vadd.f32 v56, v26;
	v26 =	vld [tilespmem:s1+$0xFFFFFFC0]  }
0x5b0: {  	vm6 =	vgt.f32 v31, v34;
	v34 =	vsub.f32 v31, v49;
	[tilespmem:v54+s21+$0x0] =	vst.idx.add.f32.msk $0xffff, v10;
	v56 =	vor.u32 $0x2, v37  }
0x5b1: {  	vm7 =	vgt.f32 v33, v36;
	[tilespmem:v54+s22+$0x0] =	vst.idx.add.f32.msk $0xffff, v3;
	v36 =	vsel vm6, v40, v47  }
0x5b2: {  	v25 =	vadd.f32 v51, v25;
	v45 =	vld.idx.msk [tilespmem:v1+s14+$0x0], $0xffff;
	v47 =	vsel vm7, $0x8, v2;
	v61 =	vor.u32 $0x2, v36  }
0x5b3: {  	v54 =	vld.idx.msk [tilespmem:v42+s14+$0x0], $0xffff;
	v49 =	vsub.f32 v29, v41;
	v51 =	vadd.f32 v55, v44;
	v27 =	vor.u32 $0x4, v47  }
0x5b4: {  	vm9 =	vgt.f32 v15, v35;
	v12 =	vadd.f32 v12, v25;
	v55 =	vsub.f32 v15, v22;
	v15 =	vld [tilespmem:s30+$0x60]  }
0x5b5: {  	v44 =	vor.u32 $0x1, v43;
	v22 =	vsub.f32 v18, v46;
	v25 =	vsel vm9, v38, v39;
	v46 =	vld.idx.msk [tilespmem:v56+s14+$0x0], $0xffff  }
0x5b6: {  	v41 =	vld [tilespmem:s7+$0xFFFFFFB0];
	v39 =	vadd.s32 v4, v25;
	v12 =	vadd.f32 v19, v12;
	v19 =	vadd.f32 v53, v51  }
0x5b7: {  	v35 =	vsub.f32 v28, v48;
	vm10 =	vgt.f32 v18, v57;
	v62 =	vld.idx.msk [tilespmem:v61+s14+$0x0], $0xffff;
	vm11 =	vgt.f32 v26, v45  }
0x5b8: {  	v40 =	vsel vm10, v52, v23;
	v23 =	vadd.f32 v32, v19;
	v57 =	vld.idx.msk [tilespmem:v27+s14+$0x0], $0xffff;
	v25 =	vsel vm11, $0x8, v2  }
0x5b9: {  	v32 =	vld [tilespmem:s1+$0xFFFFFFB0];
	v19 =	vmul.f32 v55, v55;
	vm12 =	vgt.f32 v28, v54;
	v51 =	vor.u32 $0x4, v25  }
0x5ba: {  	v38 =	vsub.f32 v33, v58;
	v50 =	vld.idx.msk [tilespmem:v44+s14+$0x0], $0xffff;
	v53 =	vsel vm12, v42, v59;
	vm13 =	vgt.f32 v24, v46  }
0x5bb: {  	v49 =	vmul.f32 v49, v49;
	[tilespmem:v39+s21+$0x0] =	vst.idx.add.f32.msk $0xffff, v19;
	v54 =	vor.u32 $0x2, v53;
	v48 =	vsel vm13, v56, v37  }
0x5bc: {  	v63 =	vadd.f32 v13, v23;
	v13 =	vsub.f32 v15, v60;
	v23 =	vld.idx.msk [tilespmem:v1+s14+$0x0], $0xffff;
	v52 =	vor.u32 $0x1, v48  }
0x5bd: {  	v42 =	vor.u32 $0x2, v40;
	[tilespmem:v39+s22+$0x0] =	vst.idx.add.f32.msk $0xffff, v3;
	vm15 =	vgt.f32 v31, v62;
	vm14 =	vgt.f32 v33, v57  }
0x5be: {  	s16 =	simm.s32 $0xC380;
	s9 =	simm.s32 $0x400;
	s10 =	simm.s32 $0x8580;
	v46 =	vsel vm15, v61, v36;
	v55 =	vld.idx.msk [tilespmem:v51+s14+$0x0], $0xffff;
	v47 =	vsel vm14, v27, v47;
	v27 =	vadd.f32 v49, v63  }
.LBB2_5:
0x5bf: {  	v37 =	vld [tilespmem:s10+$0xFFFFFF80];
	s9 =	sadd.s32 $0x100, s9;
	v36 =	vsub.f32 v32, v41;
	vm0 =	vgt.f32 v32, v45;
	v39 =	vor.u32 $0x1, v46  }
0x5c0: {  	v45 =	vor.u32 $0x2, v47;
	p0 =	slt.u32 s9, $0x3F00;
	v41 =	vsel vm0, $0x8, v2;
	v56 =	vld.idx.msk [tilespmem:v54+s14+$0x0], $0xffff;
	v27 =	vadd.f32 v16, v27;
	v16 =	vmovc v9  }
0x5c1: {  	vm0 =	vgt.f32 v29, v50;
	v9 =	vor.u32 $0x4, v41;
	v57 =	vld.idx.msk [tilespmem:v52+s14+$0x0], $0xffff  }
0x5c2: {  	v43 =	vsel vm0, v44, v43;
	v29 =	vld.idx.msk [tilespmem:v42+s14+$0x0], $0xffff;
	v27 =	vadd.f32 v14, v27;
	v14 =	vmov v7  }
0x5c3: {  	v43 =	vadd.s32 v4, v43;
	v7 =	vld [tilespmem:s29+$0x40]  }
0x5c4: {  	vm0 =	vgt.f32 v21, v23;
	vm1 =	vgt.f32 v26, v55;
	v23 =	vadd.f32 v17, v27;
	v27 =	vld.idx.msk [tilespmem:v39+s14+$0x0], $0xffff  }
0x5c5: {  	v44 =	vsel vm0, $0x8, v2;
	v50 =	vsel vm1, v51, v25;
	v17 =	vmov v19;
	v25 =	vld.idx.msk [tilespmem:v45+s14+$0x0], $0xffff  }
0x5c6: {  	v51 =	vor.u32 $0x4, v44;
	v58 =	vor.u32 $0x2, v50;
	vm0 =	vgt.f32 v28, v56;
	v55 =	vld.idx.msk [tilespmem:v9+s14+$0x0], $0xffff  }
0x5c7: {  	v53 =	vsel vm0, v54, v53;
	v19 =	vadd.f32 v6, v23;
	vm0 =	vgt.f32 v24, v57;
	v24 =	vld [tilespmem:s30+$0x40]  }
0x5c8: {  	vm1 =	vgt.f32 v18, v29;
	v6 =	vor.u32 $0x1, v53;
	v23 =	vsel vm0, v52, v48;
	[tilespmem:v43+s21+$0x0] =	vst.idx.add.f32.msk $0xffff, v49  }
0x5c9: {  	v23 =	vadd.s32 v0, v23;
	[tilespmem:v43+s22+$0x0] =	vst.idx.add.f32.msk $0xffff, v3  }
0x5ca: {  	vm0 =	vgt.f32 v31, v27;
	v43 =	vld [tilespmem:s29+$0x20]  }
0x5cb: {  	vm2 =	vgt.f32 v33, v25;
	v29 =	vsel vm0, v39, v46;
	v27 =	vld.idx.msk [tilespmem:v51+s14+$0x0], $0xffff  }
0x5cc: {  	vm0 =	vgt.f32 v32, v55;
	v31 =	vld.idx.msk [tilespmem:v58+s14+$0x0], $0xffff;
	v25 =	vsub.f32 v24, v7  }
0x5cd: {  	v39 =	vadd.s32 v4, v29;
	v7 =	vsel vm0, v9, v41;
	v9 =	vld.idx.msk [tilespmem:v6+s14+$0x0], $0xffff  }
0x5ce: {  	v41 =	vsel vm2, v45, v47;
	[tilespmem:v23+s21+$0x0] =	vst.idx.add.f32.msk $0xffff, v30  }
0x5cf: {  	v45 =	vor.u32 $0x1, v41;
	[tilespmem:v23+s22+$0x0] =	vst.idx.add.f32.msk $0xffff, v3  }
0x5d0: {  	v40 =	vsel vm1, v42, v40;
	v42 =	vor.u32 $0x2, v7;
	v23 =	vmul.f32 v34, v34;
	v30 =	vld.idx.msk [tilespmem:v1+s14+$0x0], $0xffff  }
0x5d1: {  	vm0 =	vgt.f32 v21, v27;
	v27 =	vor.u32 $0x1, v40;
	v29 =	vld [tilespmem:s31+$0x50]  }
0x5d2: {  	v34 =	vsel vm0, v51, v44;
	[tilespmem:v39+s21+$0x0] =	vst.idx.add.f32.msk $0xffff, v23  }
0x5d3: {  	vm0 =	vgt.f32 v26, v31;
	v44 =	vor.u32 $0x2, v34;
	vm1 =	vgt.f32 v28, v9;
	[tilespmem:v39+s22+$0x0] =	vst.idx.add.f32.msk $0xffff, v3  }
0x5d4: {  	v9 =	vsel vm0, v58, v50;
	v6 =	vsel vm1, v6, v53;
	v28 =	vld.idx.msk [tilespmem:v45+s14+$0x0], $0xffff  }
0x5d5: {  	v39 =	vor.u32 $0x1, v9;
	v6 =	vadd.s32 v0, v6;
	v31 =	vld.idx.msk [tilespmem:v42+s14+$0x0], $0xffff  }
0x5d6: {  	vm1 =	vgt.f32 v11, v30;
	v46 =	vld.idx.msk [tilespmem:v27+s14+$0x0], $0xffff;
	vm0 =	vgt.f32 v29, v30  }
0x5d7: {  	v48 =	vsel vm1, $0x8, v2;
	v30 =	vld [tilespmem:s30+$0x20];
	v47 =	vsel vm0, $0x8, v2  }
0x5d8: {  	v35 =	vmul.f32 v35, v35;
	v50 =	vor.u32 $0x4, v48;
	v49 =	vld.idx.msk [tilespmem:v44+s14+$0x0], $0xffff  }
0x5d9: {  	v51 =	vld [tilespmem:s7+$0xFFFFFFC0]  }
0x5da: {  	v53 =	vor.u32 $0x4, v47;
	vm0 =	vgt.f32 v33, v28;
	v28 =	vadd.f32 v35, v12;
	v52 =	vld.idx.msk [tilespmem:v39+s14+$0x0], $0xffff  }
0x5db: {  	vm1 =	vgt.f32 v32, v31;
	v12 =	vsel vm0, v45, v41;
	[tilespmem:v6+s21+$0x0] =	vst.idx.add.f32.msk $0xffff, v35  }
0x5dc: {  	vm0 =	vgt.f32 v18, v46;
	v12 =	vadd.s32 v4, v12;
	[tilespmem:v6+s22+$0x0] =	vst.idx.add.f32.msk $0xffff, v3  }
0x5dd: {  	v7 =	vsel vm1, v42, v7;
	v35 =	vsel vm0, v27, v40;
	v31 =	vsub.f32 v30, v43;
	v18 =	vld.idx.msk [tilespmem:v1+s14+$0x0], $0xffff  }
0x5de: {  	v27 =	vor.u32 $0x1, v7;
	vm0 =	vgt.f32 v21, v49;
	v33 =	vsub.f32 v26, v51;
	v40 =	vld.idx.msk [tilespmem:v50+s14+$0x0], $0xffff  }
0x5df: {  	v6 =	vmul.f32 v38, v38;
	v34 =	vsel vm0, v44, v34;
	v38 =	vld.idx.msk [tilespmem:v53+s14+$0x0], $0xffff  }
0x5e0: {  	v41 =	vor.u32 $0x1, v34;
	vm0 =	vgt.f32 v26, v52;
	v26 =	vld [tilespmem:s30+$0x10]  }
0x5e1: {  	v9 =	vsel vm0, v39, v9;
	[tilespmem:v12+s21+$0x0] =	vst.idx.add.f32.msk $0xffff, v6  }
0x5e2: {  	v9 =	vadd.s32 v0, v9;
	[tilespmem:v12+s22+$0x0] =	vst.idx.add.f32.msk $0xffff, v3  }
0x5e3: {  	vm0 =	vgt.f32 v30, v18;
	v39 =	vld.idx.msk [tilespmem:v27+s14+$0x0], $0xffff  }
0x5e4: {  	v12 =	vmul.f32 v33, v33;
	v42 =	vsel vm0, $0x8, v2;
	vm0 =	vgt.f32 v11, v40;
	v33 =	vld [tilespmem:s1+$0xFFFFFFE0]  }
0x5e5: {  	s7 =	sadd.s32 $0x100, s7;
	v43 =	vor.u32 $0x4, v42;
	vm1 =	vgt.f32 v29, v38;
	v38 =	vsel vm0, v50, v48;
	v40 =	vld.idx.msk [tilespmem:v41+s14+$0x0], $0xffff  }
0x5e6: {  	vm0 =	vgt.f32 v26, v18;
	v18 =	vsel vm1, v53, v47;
	v45 =	vor.u32 $0x2, v38;
	v44 =	vld [tilespmem:s7+$0xFFFFFF80]  }
0x5e7: {  	v46 =	vsel vm0, $0x8, v2;
	v47 =	vor.u32 $0x2, v18;
	[tilespmem:v9+s21+$0x0] =	vst.idx.add.f32.msk $0xffff, v12  }
0x5e8: {  	[tilespmem:v9+s22+$0x0] =	vst.idx.add.f32.msk $0xffff, v3;
	v9 =	vor.u32 $0x4, v46  }
0x5e9: {  	vm0 =	vgt.f32 v32, v39;
	v39 =	vld.idx.msk [tilespmem:v1+s14+$0x0], $0xffff  }
0x5ea: {  	v7 =	vsel vm0, v27, v7;
	v27 =	vld.idx.msk [tilespmem:v43+s14+$0x0], $0xffff  }
0x5eb: {  	vm0 =	vgt.f32 v21, v40;
	v40 =	vadd.s32 v4, v7;
	v44 =	vsub.f32 v21, v44;
	v48 =	vld.idx.msk [tilespmem:v45+s14+$0x0], $0xffff  }
0x5ec: {  	v7 =	vsel vm0, v41, v34;
	v21 =	vmov v37;
	v41 =	vld.idx.msk [tilespmem:v47+s14+$0x0], $0xffff  }
0x5ed: {  	v37 =	vadd.s32 v0, v7;
	v49 =	vld.idx.msk [tilespmem:v9+s14+$0x0], $0xffff  }
0x5ee: {  	v7 =	vmul.f32 v36, v36;
	v32 =	vld [tilespmem:s1+$0xFFFFFFD0]  }
0x5ef: {  	vm0 =	vgt.f32 v33, v39;
	v36 =	vld [tilespmem:s16+$0xFFFFFFD0]  }
0x5f0: {  	v34 =	vmul.f32 v44, v44;
	v44 =	vsel vm0, $0x8, v2;
	vm0 =	vgt.f32 v30, v27;
	[tilespmem:v40+s21+$0x0] =	vst.idx.add.f32.msk $0xffff, v7  }
0x5f1: {  	v42 =	vsel vm0, v43, v42;
	vm0 =	vgt.f32 v11, v48;
	[tilespmem:v40+s22+$0x0] =	vst.idx.add.f32.msk $0xffff, v3;
	v40 =	vor.u32 $0x4, v44  }
0x5f2: {  	v43 =	vor.u32 $0x2, v42;
	vm1 =	vgt.f32 v29, v41;
	v41 =	vsel vm0, v45, v38;
	[tilespmem:v37+s21+$0x0] =	vst.idx.add.f32.msk $0xffff, v34  }
0x5f3: {  	vm2 =	vgt.f32 v26, v49;
	[tilespmem:v37+s22+$0x0] =	vst.idx.add.f32.msk $0xffff, v3;
	vm0 =	vgt.f32 v32, v39;
	v37 =	vor.u32 $0x1, v41  }
0x5f4: {  	v45 =	vsel vm2, v9, v46;
	v46 =	vsel vm1, v47, v18;
	v39 =	vld.idx.msk [tilespmem:v1+s14+$0x0], $0xffff;
	v27 =	vsub.f32 v32, v36  }
0x5f5: {  	v47 =	vsel vm0, $0x8, v2;
	v48 =	vor.u32 $0x2, v45;
	v38 =	vld [tilespmem:s2+$0xFFFFFFA0]  }
0x5f6: {  	v49 =	vor.u32 $0x4, v47;
	v36 =	vld.idx.msk [tilespmem:v40+s14+$0x0], $0xffff  }
0x5f7: {  	v51 =	vor.u32 $0x1, v46;
	v50 =	vld.idx.msk [tilespmem:v43+s14+$0x0], $0xffff  }
0x5f8: {  	v52 =	vld.idx.msk [tilespmem:v37+s14+$0x0], $0xffff  }
0x5f9: {  	v35 =	vadd.s32 v4, v35;
	v18 =	vld [tilespmem:s2+$0xFFFFFF90]  }
0x5fa: {  	vm0 =	vgt.f32 v38, v39;
	v53 =	vld.idx.msk [tilespmem:v48+s14+$0x0], $0xffff  }
0x5fb: {  	v54 =	vsel vm0, $0x8, v2;
	v55 =	vld.idx.msk [tilespmem:v49+s14+$0x0], $0xffff  }
0x5fc: {  	v9 =	vmul.f32 v22, v22;
	vm0 =	vgt.f32 v33, v36;
	v56 =	vor.u32 $0x4, v54;
	v57 =	vld.idx.msk [tilespmem:v51+s14+$0x0], $0xffff  }
0x5fd: {  	v40 =	vsel vm0, v40, v44;
	vm0 =	vgt.f32 v30, v50;
	v22 =	vld [tilespmem:s7+$0xFFFFFF90]  }
0x5fe: {  	v44 =	vor.u32 $0x2, v40;
	v42 =	vsel vm0, v43, v42;
	vm0 =	vgt.f32 v11, v52;
	[tilespmem:v35+s21+$0x0] =	vst.idx.add.f32.msk $0xffff, v9  }
0x5ff: {  	vm1 =	vgt.f32 v18, v39;
	v41 =	vsel vm0, v37, v41;
	[tilespmem:v35+s22+$0x0] =	vst.idx.add.f32.msk $0xffff, v3;
	v35 =	vor.u32 $0x1, v42  }
0x600: {  	v11 =	vmovc v15;
	v36 =	vsel vm1, $0x8, v2;
	vm0 =	vgt.f32 v26, v53;
	v39 =	vadd.s32 v0, v41;
	v37 =	vld [tilespmem:s0+$0x50]  }
0x601: {  	vm1 =	vgt.f32 v32, v55;
	v41 =	vsel vm0, v48, v45;
	v15 =	vld.idx.msk [tilespmem:v56+s14+$0x0], $0xffff  }
0x602: {  	v43 =	vsel vm1, v49, v47;
	vm0 =	vgt.f32 v29, v57;
	v22 =	vsub.f32 v18, v22;
	v45 =	vld [tilespmem:s16+$0x0]  }
0x603: {  	v46 =	vsel vm0, v51, v46;
	v47 =	vld.idx.msk [tilespmem:v44+s14+$0x0], $0xffff  }
0x604: {  	v46 =	vadd.s32 v4, v46;
	v48 =	vld.idx.msk [tilespmem:v35+s14+$0x0], $0xffff  }
0x605: {  	v29 =	vsub.f32 v29, v37;
	[tilespmem:v39+s21+$0x0] =	vst.idx.add.f32.msk $0xffff, v20  }
0x606: {  	v49 =	vor.u32 $0x1, v41;
	[tilespmem:v39+s22+$0x0] =	vst.idx.add.f32.msk $0xffff, v3  }
0x607: {  	vm0 =	vgt.f32 v38, v15;
	v15 =	vor.u32 $0x2, v43;
	v37 =	vmul.f32 v29, v29;
	v20 =	vld.idx.msk [tilespmem:v1+s14+$0x0], $0xffff  }
0x608: {  	v39 =	vsel vm0, v56, v54;
	v29 =	vld [tilespmem:s31+$0x70];
	s31 =	smov.u32 s30;
	s30 =	smov.u32 s1;
	s1 =	smov.u32 s2  }
0x609: {  	v50 =	vor.u32 $0x2, v39;
	vm0 =	vgt.f32 v33, v47;
	s2 =	smov.u32 s10;
	[tilespmem:v46+s21+$0x0] =	vst.idx.add.f32.msk $0xffff, v37  }
0x60a: {  	v40 =	vsel vm0, v44, v40;
	vm0 =	vgt.f32 v30, v48;
	[tilespmem:v46+s22+$0x0] =	vst.idx.add.f32.msk $0xffff, v3  }
0x60b: {  	v44 =	vor.u32 $0x1, v40;
	v30 =	vsel vm0, v35, v42;
	v46 =	vld.idx.msk [tilespmem:v49+s14+$0x0], $0xffff  }
0x60c: {  	v31 =	vmul.f32 v31, v31;
	v42 =	vadd.s32 v0, v30;
	v35 =	vld.idx.msk [tilespmem:v15+s14+$0x0], $0xffff  }
0x60d: {  	v47 =	vld [tilespmem:s16+$0xFFFFFFE0];
	vm0 =	vgt.f32 v29, v20  }
0x60e: {  	v28 =	vadd.f32 v31, v28;
	v48 =	vld.idx.msk [tilespmem:v50+s14+$0x0], $0xffff;
	v51 =	vsel vm0, $0x8, v2  }
0x60f: {  	v30 =	vmul.f32 v25, v25;
	v52 =	vld [tilespmem:s29+$0x10];
	v25 =	vor.u32 $0x4, v51  }
0x610: {  	v20 =	vmul.f32 v13, v13;
	v53 =	vld.idx.msk [tilespmem:v44+s14+$0x0], $0xffff  }
0x611: {  	v13 =	vadd.f32 v30, v28;
	vm0 =	vgt.f32 v26, v46;
	[tilespmem:v42+s21+$0x0] =	vst.idx.add.f32.msk $0xffff, v31  }
0x612: {  	v28 =	vsel vm0, v49, v41;
	v46 =	vsub.f32 v33, v47;
	[tilespmem:v42+s22+$0x0] =	vst.idx.add.f32.msk $0xffff, v3  }
0x613: {  	v13 =	vadd.f32 v20, v13;
	vm0 =	vgt.f32 v32, v35;
	v35 =	vadd.s32 v4, v28;
	v41 =	vld.idx.msk [tilespmem:v1+s14+$0x0], $0xffff  }
0x614: {  	v15 =	vsel vm0, v15, v43;
	vm1 =	vgt.f32 v38, v48;
	v26 =	vsub.f32 v26, v52;
	v42 =	vld.idx.msk [tilespmem:v25+s14+$0x0], $0xffff  }
0x615: {  	v13 =	vadd.f32 v5, v13;
	v5 =	vmovc v34;
	v43 =	vor.u32 $0x1, v15;
	v39 =	vsel vm1, v50, v39;
	v31 =	vld [tilespmem:s31+$0x30]  }
0x616: {  	v47 =	vor.u32 $0x1, v39;
	vm0 =	vgt.f32 v33, v53;
	v48 =	vmul.f32 v26, v26;
	v26 =	vld [tilespmem:s29+$0x30]  }
0x617: {  	v10 =	vadd.f32 v10, v13;
	v13 =	vsel vm0, v44, v40;
	v28 =	vld [tilespmem:s30+$0x0]  }
0x618: {  	v13 =	vadd.s32 v0, v13;
	[tilespmem:v35+s21+$0x0] =	vst.idx.add.f32.msk $0xffff, v48  }
0x619: {  	v33 =	vmul.f32 v46, v46;
	vm0 =	vgt.f32 v24, v41;
	[tilespmem:v35+s22+$0x0] =	vst.idx.add.f32.msk $0xffff, v3  }
0x61a: {  	v40 =	vld.idx.msk [tilespmem:v43+s14+$0x0], $0xffff;
	vm1 =	vgt.f32 v31, v41;
	v41 =	vsel vm0, $0x8, v2;
	vm0 =	vgt.f32 v29, v42  }
0x61b: {  	v42 =	vld.idx.msk [tilespmem:v47+s14+$0x0], $0xffff;
	v34 =	vsub.f32 v31, v26;
	v44 =	vor.u32 $0x4, v41;
	v25 =	vsel vm0, v25, v51  }
0x61c: {  	v26 =	vld [tilespmem:s7+$0xFFFFFFA0];
	v35 =	vsub.f32 v28, v45;
	v45 =	vsel vm1, $0x8, v2;
	v46 =	vor.u32 $0x2, v25  }
0x61d: {  	v10 =	vadd.f32 v12, v10;
	[tilespmem:v13+s21+$0x0] =	vst.idx.add.f32.msk $0xffff, v33;
	v49 =	vor.u32 $0x4, v45  }
0x61e: {  	[tilespmem:v13+s22+$0x0] =	vst.idx.add.f32.msk $0xffff, v3  }
0x61f: {  	v12 =	vadd.f32 v33, v10;
	v13 =	vld.idx.msk [tilespmem:v1+s14+$0x0], $0xffff  }
0x620: {  	v50 =	vor.u32 $0x4, v36;
	vm0 =	vgt.f32 v32, v40;
	v32 =	vld.idx.msk [tilespmem:v44+s14+$0x0], $0xffff  }
0x621: {  	vm1 =	vgt.f32 v38, v42;
	v42 =	vsel vm0, v43, v15;
	v10 =	vsub.f32 v38, v26;
	v15 =	vld.idx.msk [tilespmem:v46+s14+$0x0], $0xffff  }
0x622: {  	v26 =	vsel vm1, v47, v39;
	v38 =	vld.idx.msk [tilespmem:v49+s14+$0x0], $0xffff  }
0x623: {  	v39 =	vadd.s32 v0, v26;
	v33 =	vld [tilespmem:s30+$0xFFFFFFF0]  }
0x624: {  	v40 =	vld [tilespmem:s16+$0xFFFFFFF0]  }
0x625: {  	vm0 =	vgt.f32 v28, v13;
	v47 =	vld.idx.msk [tilespmem:v50+s14+$0x0], $0xffff  }
0x626: {  	v10 =	vmul.f32 v10, v10;
	v52 =	vsel vm0, $0x8, v2;
	vm0 =	vgt.f32 v24, v32;
	v55 =	vld [tilespmem:s16+$0x60]  }
0x627: {  	v53 =	vor.u32 $0x4, v52;
	v56 =	vsel vm0, v44, v41;
	vm0 =	vgt.f32 v29, v15;
	v26 =	vld [tilespmem:s1+$0xFFFFFFC0]  }
0x628: {  	vm2 =	vgt.f32 v31, v38;
	v57 =	vor.u32 $0x2, v56;
	[tilespmem:v39+s21+$0x0] =	vst.idx.add.f32.msk $0xffff, v10;
	vm1 =	vgt.f32 v33, v13  }
0x629: {  	[tilespmem:v39+s22+$0x0] =	vst.idx.add.f32.msk $0xffff, v3;
	v38 =	vsub.f32 v33, v40;
	v39 =	vsel vm2, v49, v45  }
0x62a: {  	v43 =	vsel vm0, v46, v25;
	v58 =	vsel vm1, $0x8, v2;
	v45 =	vld.idx.msk [tilespmem:v1+s14+$0x0], $0xffff;
	v59 =	vor.u32 $0x2, v39  }
0x62b: {  	v44 =	vor.u32 $0x1, v43;
	vm0 =	vgt.f32 v18, v47;
	v46 =	vor.u32 $0x4, v58;
	v13 =	vld [tilespmem:s0+$0x70];
	s0 =	smov.u32 s29;
	s29 =	smov.u32 s16;
	s16 =	smov.u32 s7  }
0x62c: {  	v40 =	vsel vm0, v50, v36;
	v36 =	vld.idx.msk [tilespmem:v53+s14+$0x0], $0xffff  }
0x62d: {  	v47 =	vld.idx.msk [tilespmem:v57+s14+$0x0], $0xffff  }
0x62e: {  	v15 =	vld [tilespmem:s30+$0x60]  }
0x62f: {  	v19 =	vadd.f32 v8, v19;
	v8 =	vmov v48;
	v42 =	vadd.s32 v4, v42;
	v60 =	vld.idx.msk [tilespmem:v59+s14+$0x0], $0xffff  }
0x630: {  	vm0 =	vgt.f32 v26, v45;
	v61 =	vld.idx.msk [tilespmem:v46+s14+$0x0], $0xffff;
	v49 =	vsub.f32 v29, v13  }
0x631: {  	v25 =	vsel vm0, $0x8, v2;
	v13 =	vadd.f32 v23, v19;
	v50 =	vld.idx.msk [tilespmem:v44+s14+$0x0], $0xffff  }
0x632: {  	v19 =	vmul.f32 v27, v27;
	v51 =	vor.u32 $0x4, v25;
	vm0 =	vgt.f32 v28, v36;
	v32 =	vld [tilespmem:s1+$0xFFFFFFB0]  }
.Ltmp1:
0x633: {  	v53 =	vsel vm0, v53, v52;
	vm0 =	vgt.f32 v24, v47;
	v27 =	vadd.f32 v37, v13;
	v41 =	vld [tilespmem:s7+$0xFFFFFFB0];
	(pc) =	sbr.rel @p0 .LBB2_5-.Ltmp1, $4  }
0x634: {  	v54 =	vor.u32 $0x2, v53;
	v13 =	vsub.f32 v15, v55;
	v48 =	vsel vm0, v57, v56;
	[tilespmem:v42+s21+$0x0] =	vst.idx.add.f32.msk $0xffff, v19  }
0x635: {  	v49 =	vmul.f32 v49, v49;
	v52 =	vor.u32 $0x1, v48;
	[tilespmem:v42+s22+$0x0] =	vst.idx.add.f32.msk $0xffff, v3  }
0x636: {  	vm1 =	vgt.f32 v31, v60;
	v42 =	vor.u32 $0x2, v40;
	vm0 =	vgt.f32 v33, v61;
	v23 =	vld.idx.msk [tilespmem:v1+s14+$0x0], $0xffff  }
0x637: {  	s10 =	sadd.s32 $0x100, s10;
	v27 =	vadd.f32 v49, v27;
	v47 =	vsel vm0, v46, v58;
	v46 =	vsel vm1, v59, v39;
	v55 =	vld.idx.msk [tilespmem:v51+s14+$0x0], $0xffff  }
0x638: {  	_ =	sdelay $0x2  }
0x639: {  	vm0 =	vgt.f32 v21, v23  }
0x63a: {  	v23 =	vsel vm0, $0x8, v2  }
0x63b: {  	v36 =	vor.u32 $0x4, v23;
	_ =	sdelay $0x4  }
0x63c: {  	v37 =	vld.idx.msk [tilespmem:v36+s14+$0x0], $0xffff;
	_ =	sdelay $0x4  }
0x63d: {  	vm11 =	vgt.f32 v21, v37  }
0x63e: {  	v23 =	vsel vm11, v36, v23  }
0x63f: {  	v36 =	vor.u32 $0x2, v23;
	_ =	sdelay $0x4  }
0x640: {  	v60 =	vld.idx.msk [tilespmem:v36+s14+$0x0], $0xffff;
	_ =	sdelay $0x4  }
0x641: {  	vm12 =	vgt.f32 v21, v60  }
0x642: {  	v23 =	vsel vm12, v36, v23  }
0x643: {  	v36 =	vor.u32 $0x1, v23;
	_ =	sdelay $0x4  }
0x644: {  	s25 =	sadd.s32 $0x100, s7;
	v61 =	vld.idx.msk [tilespmem:v36+s14+$0x0], $0xffff  }
0x645: {  	v39 =	vld [tilespmem:s25+$0xFFFFFF80];
	_ =	sdelay $0x3  }
0x646: {  	vm13 =	vgt.f32 v21, v61  }
0x647: {  	v62 =	vsub.f32 v21, v39;
	v23 =	vsel vm13, v36, v23  }
0x648: {  	v23 =	vadd.s32 v0, v23  }
0x649: {  	v21 =	vmul.f32 v62, v62;
	_ =	sdelay $0x1  }
0x64a: {  	[tilespmem:$0x1FC80] =	vst v21  }
0x64b: {  	v63 =	vld [tilespmem:s2+$0xFFFFFFA0]  }
0x64c: {  	[tilespmem:v23+s21+$0x0] =	vst.idx.add.f32.msk $0xffff, v21  }
0x64d: {  	[tilespmem:v23+s22+$0x0] =	vst.idx.add.f32.msk $0xffff, v3  }
0x64e: {  	v37 =	vld.idx.msk [tilespmem:v1+s14+$0x0], $0xffff;
	_ =	sdelay $0x4  }
0x64f: {  	vm14 =	vgt.f32 v63, v37  }
0x650: {  	v21 =	vsel vm14, $0x8, v2  }
0x651: {  	v60 =	vor.u32 $0x4, v21;
	_ =	sdelay $0x4  }
0x652: {  	v56 =	vld.idx.msk [tilespmem:v60+s14+$0x0], $0xffff;
	_ =	sdelay $0x4  }
0x653: {  	vm15 =	vgt.f32 v63, v56  }
0x654: {  	v36 =	vsel vm15, v60, v21  }
0x655: {  	v39 =	vor.u32 $0x2, v36;
	_ =	sdelay $0x4  }
0x656: {  	v61 =	vld.idx.msk [tilespmem:v39+s14+$0x0], $0xffff;
	_ =	sdelay $0x4  }
0x657: {  	vm4 =	vgt.f32 v63, v61  }
0x658: {  	v36 =	vsel vm4, v39, v36  }
0x659: {  	v39 =	vor.u32 $0x1, v36;
	_ =	sdelay $0x4  }
0x65a: {  	v62 =	vld.idx.msk [tilespmem:v39+s14+$0x0], $0xffff  }
0x65b: {  	v57 =	vld [tilespmem:s25+$0xFFFFFFA0];
	_ =	sdelay $0x3  }
0x65c: {  	vm5 =	vgt.f32 v63, v62  }
0x65d: {  	v23 =	vsub.f32 v63, v57;
	v36 =	vsel vm5, v39, v36  }
0x65e: {  	v36 =	vadd.s32 v0, v36  }
0x65f: {  	v63 =	vmul.f32 v23, v23;
	_ =	sdelay $0x1  }
0x660: {  	[tilespmem:$0x1FC90] =	vst v63  }
0x661: {  	v56 =	vld [tilespmem:s2+$0xFFFFFFC0]  }
0x662: {  	[tilespmem:v36+s21+$0x0] =	vst.idx.add.f32.msk $0xffff, v63  }
0x663: {  	[tilespmem:v36+s22+$0x0] =	vst.idx.add.f32.msk $0xffff, v3  }
0x664: {  	v39 =	vld.idx.msk [tilespmem:v1+s14+$0x0], $0xffff;
	_ =	sdelay $0x4  }
0x665: {  	vm6 =	vgt.f32 v56, v39  }
0x666: {  	v23 =	vsel vm6, $0x8, v2  }
0x667: {  	v60 =	vor.u32 $0x4, v23;
	_ =	sdelay $0x4  }
0x668: {  	vm7 =	vgt.f32 v26, v55;
	v58 =	vld.idx.msk [tilespmem:v60+s14+$0x0], $0xffff  }
0x669: {  	v25 =	vsel vm7, v51, v25  }
0x66a: {  	v51 =	vor.u32 $0x2, v25;
	_ =	sdelay $0x2  }
0x66b: {  	vm8 =	vgt.f32 v56, v58  }
0x66c: {  	v36 =	vsel vm8, v60, v23  }
0x66d: {  	v62 =	vld.idx.msk [tilespmem:v51+s14+$0x0], $0xffff;
	v61 =	vor.u32 $0x2, v36;
	_ =	sdelay $0x4  }
0x66e: {  	vm9 =	vgt.f32 v26, v62;
	v63 =	vld.idx.msk [tilespmem:v61+s14+$0x0], $0xffff  }
0x66f: {  	v25 =	vsel vm9, v51, v25  }
0x670: {  	v51 =	vor.u32 $0x1, v25;
	_ =	sdelay $0x2  }
0x671: {  	vm10 =	vgt.f32 v56, v63  }
0x672: {  	v36 =	vsel vm10, v61, v36  }
0x673: {  	v21 =	vld.idx.msk [tilespmem:v51+s14+$0x0], $0xffff;
	v55 =	vor.u32 $0x1, v36;
	_ =	sdelay $0x1  }
0x674: {  	v23 =	vld [tilespmem:s7+$0xFFFFFFC0];
	_ =	sdelay $0x2  }
0x675: {  	vm11 =	vgt.f32 v26, v21;
	v59 =	vld.idx.msk [tilespmem:v55+s14+$0x0], $0xffff  }
0x676: {  	v25 =	vsel vm11, v51, v25;
	v60 =	vld [tilespmem:s25+$0xFFFFFFC0]  }
0x677: {  	v25 =	vadd.s32 v0, v25;
	v61 =	vsub.f32 v26, v23;
	_ =	sdelay $0x1  }
0x678: {  	v62 =	vmul.f32 v61, v61  }
0x679: {  	vm12 =	vgt.f32 v56, v59  }
0x67a: {  	[tilespmem:$0x1FC30] =	vst v62;
	v56 =	vsub.f32 v56, v60;
	v36 =	vsel vm12, v55, v36  }
0x67b: {  	[tilespmem:v25+s21+$0x0] =	vst.idx.add.f32.msk $0xffff, v62;
	v36 =	vadd.s32 v0, v36  }
0x67c: {  	[tilespmem:v25+s22+$0x0] =	vst.idx.add.f32.msk $0xffff, v3;
	v63 =	vmul.f32 v56, v56  }
0x67d: {  	v51 =	vld.idx.msk [tilespmem:v1+s14+$0x0], $0xffff  }
0x67e: {  	v55 =	vld [tilespmem:s1+$0xFFFFFFE0];
	[tilespmem:$0x1FCA0] =	vst v63  }
0x67f: {  	v56 =	vld [tilespmem:s2+$0xFFFFFFE0]  }
0x680: {  	[tilespmem:v36+s21+$0x0] =	vst.idx.add.f32.msk $0xffff, v63  }
0x681: {  	[tilespmem:v36+s22+$0x0] =	vst.idx.add.f32.msk $0xffff, v3  }
0x682: {  	v36 =	vld.idx.msk [tilespmem:v1+s14+$0x0], $0xffff;
	_ =	sdelay $0x1  }
0x683: {  	vm13 =	vgt.f32 v55, v51  }
0x684: {  	v25 =	vsel vm13, $0x8, v2  }
0x685: {  	v26 =	vor.u32 $0x4, v25  }
0x686: {  	vm14 =	vgt.f32 v56, v36  }
0x687: {  	v21 =	vsel vm14, $0x8, v2  }
0x688: {  	v60 =	vor.u32 $0x4, v21;
	_ =	sdelay $0x1  }
0x689: {  	v61 =	vld.idx.msk [tilespmem:v26+s14+$0x0], $0xffff;
	_ =	sdelay $0x2  }
0x68a: {  	v62 =	vld.idx.msk [tilespmem:v60+s14+$0x0], $0xffff;
	_ =	sdelay $0x1  }
0x68b: {  	vm15 =	vgt.f32 v55, v61  }
0x68c: {  	v57 =	vsel vm15, v26, v25  }
0x68d: {  	v58 =	vor.u32 $0x2, v57  }
0x68e: {  	v23 =	vld.idx.msk [tilespmem:v54+s14+$0x0], $0xffff;
	vm4 =	vgt.f32 v56, v62  }
0x68f: {  	v59 =	vsel vm4, v60, v21  }
0x690: {  	v60 =	vor.u32 $0x2, v59;
	_ =	sdelay $0x1  }
0x691: {  	v25 =	vld.idx.msk [tilespmem:v58+s14+$0x0], $0xffff  }
0x692: {  	vm5 =	vgt.f32 v28, v23  }
0x693: {  	v63 =	vld.idx.msk [tilespmem:v52+s14+$0x0], $0xffff;
	v53 =	vsel vm5, v54, v53  }
0x694: {  	v54 =	vor.u32 $0x1, v53;
	v26 =	vld.idx.msk [tilespmem:v60+s14+$0x0], $0xffff;
	_ =	sdelay $0x1  }
0x695: {  	vm6 =	vgt.f32 v55, v25  }
0x696: {  	v57 =	vsel vm6, v58, v57  }
0x697: {  	vm1 =	vgt.f32 v24, v63;
	v58 =	vor.u32 $0x1, v57  }
0x698: {  	v48 =	vsel vm1, v52, v48;
	v21 =	vld.idx.msk [tilespmem:v54+s14+$0x0], $0xffff;
	vm7 =	vgt.f32 v56, v26  }
0x699: {  	v24 =	vsel vm7, v60, v59;
	v59 =	vadd.s32 v0, v48;
	_ =	sdelay $0x1  }
0x69a: {  	v52 =	vor.u32 $0x1, v24  }
0x69b: {  	v23 =	vld.idx.msk [tilespmem:v58+s14+$0x0], $0xffff  }
0x69c: {  	v25 =	vld [tilespmem:s16+$0xFFFFFFE0];
	vm8 =	vgt.f32 v28, v21  }
0x69d: {  	v28 =	vsel vm8, v54, v53;
	[tilespmem:v59+s21+$0x0] =	vst.idx.add.f32.msk $0xffff, v30;
	v30 =	vmul.f32 v35, v35  }
0x69e: {  	v54 =	vld [tilespmem:s30+$0x20];
	v28 =	vadd.s32 v0, v28  }
0x69f: {  	v26 =	vld.idx.msk [tilespmem:v52+s14+$0x0], $0xffff;
	[tilespmem:$0x1FC10] =	vst v30  }
0x6a0: {  	vm9 =	vgt.f32 v55, v23;
	v62 =	vld [tilespmem:s25+$0xFFFFFFE0]  }
0x6a1: {  	v53 =	vsub.f32 v55, v25;
	v61 =	vsel vm9, v58, v57  }
0x6a2: {  	v35 =	vadd.s32 v0, v61  }
0x6a3: {  	v63 =	vmul.f32 v53, v53;
	[tilespmem:v28+s21+$0x0] =	vst.idx.add.f32.msk $0xffff, v30  }
0x6a4: {  	[tilespmem:v28+s22+$0x0] =	vst.idx.add.f32.msk $0xffff, v3;
	vm10 =	vgt.f32 v56, v26  }
0x6a5: {  	v57 =	vld.idx.msk [tilespmem:v1+s14+$0x0], $0xffff;
	[tilespmem:$0x1FC50] =	vst v63;
	v24 =	vsel vm10, v52, v24;
	v28 =	vsub.f32 v56, v62  }
0x6a6: {  	v55 =	vld [tilespmem:s1+$0x0];
	v52 =	vadd.s32 v0, v24  }
0x6a7: {  	[tilespmem:v35+s21+$0x0] =	vst.idx.add.f32.msk $0xffff, v63;
	v30 =	vmul.f32 v28, v28  }
0x6a8: {  	[tilespmem:v35+s22+$0x0] =	vst.idx.add.f32.msk $0xffff, v3  }
0x6a9: {  	v48 =	vld.idx.msk [tilespmem:v1+s14+$0x0], $0xffff;
	[tilespmem:$0x1FCB0] =	vst v30  }
0x6aa: {  	v53 =	vld [tilespmem:s2+$0x0]  }
0x6ab: {  	vm11 =	vgt.f32 v54, v57;
	[tilespmem:v52+s21+$0x0] =	vst.idx.add.f32.msk $0xffff, v30  }
0x6ac: {  	vm13 =	vgt.f32 v29, v50;
	v58 =	vor.u32 $0x2, v47;
	v56 =	vsel vm11, $0x8, v2;
	[tilespmem:v59+s22+$0x0] =	vst.idx.add.f32.msk $0xffff, v3  }
0x6ad: {  	vm12 =	vgt.f32 v32, v45;
	v43 =	vsel vm13, v44, v43;
	v45 =	vor.u32 $0x4, v56;
	[tilespmem:v52+s22+$0x0] =	vst.idx.add.f32.msk $0xffff, v3  }
0x6ae: {  	v50 =	vadd.s32 v4, v43;
	vm14 =	vgt.f32 v55, v48;
	v52 =	vsel vm12, $0x8, v2;
	v35 =	vld.idx.msk [tilespmem:v1+s14+$0x0], $0xffff  }
0x6af: {  	v59 =	vld.idx.msk [tilespmem:v1+s14+$0x0], $0xffff;
	v60 =	vsel vm14, $0x8, v2;
	v29 =	vor.u32 $0x4, v52  }
0x6b0: {  	v62 =	vor.u32 $0x4, v60  }
0x6b1: {  	v44 =	vld.idx.msk [tilespmem:v58+s14+$0x0], $0xffff  }
0x6b2: {  	v43 =	vld.idx.msk [tilespmem:v45+s14+$0x0], $0xffff  }
0x6b3: {  	[tilespmem:v50+s21+$0x0] =	vst.idx.add.f32.msk $0xffff, v49;
	vm15 =	vgt.f32 v53, v35  }
0x6b4: {  	v63 =	vor.u32 $0x1, v46;
	vm4 =	vgt.f32 v11, v59;
	v23 =	vld.idx.msk [tilespmem:v29+s14+$0x0], $0xffff;
	v26 =	vsel vm15, $0x8, v2  }
0x6b5: {  	v28 =	vsel vm4, $0x8, v2;
	v24 =	vld.idx.msk [tilespmem:v62+s14+$0x0], $0xffff;
	v21 =	vor.u32 $0x4, v26  }
0x6b6: {  	v49 =	vld [tilespmem:s31+$0x50];
	v25 =	vor.u32 $0x4, v28  }
0x6b7: {  	vm5 =	vgt.f32 v54, v43  }
0x6b8: {  	v61 =	vld.idx.msk [tilespmem:v42+s14+$0x0], $0xffff;
	vm6 =	vgt.f32 v33, v44;
	v45 =	vsel vm5, v45, v56  }
0x6b9: {  	v56 =	vld.idx.msk [tilespmem:v63+s14+$0x0], $0xffff;
	vm7 =	vgt.f32 v32, v23;
	v23 =	vsel vm6, v58, v47;
	v47 =	vor.u32 $0x2, v45  }
0x6ba: {  	vm8 =	vgt.f32 v55, v24;
	v29 =	vsel vm7, v29, v52;
	v58 =	vor.u32 $0x1, v23;
	v52 =	vld.idx.msk [tilespmem:v21+s14+$0x0], $0xffff  }
0x6bb: {  	vm9 =	vgt.f32 v49, v59;
	v59 =	vsel vm8, v62, v60;
	v60 =	vld.idx.msk [tilespmem:v25+s14+$0x0], $0xffff;
	v24 =	vor.u32 $0x2, v29  }
0x6bc: {  	[tilespmem:v50+s22+$0x0] =	vst.idx.add.f32.msk $0xffff, v3;
	v62 =	vor.u32 $0x2, v59  }
0x6bd: {  	v44 =	vld [tilespmem:s30+$0x40]  }
0x6be: {  	v50 =	vsel vm9, $0x8, v2;
	vm10 =	vgt.f32 v31, v56;
	v31 =	vld.idx.msk [tilespmem:v47+s14+$0x0], $0xffff  }
0x6bf: {  	v56 =	vor.u32 $0x4, v50;
	v46 =	vsel vm10, v63, v46;
	vm11 =	vgt.f32 v53, v52;
	v52 =	vld.idx.msk [tilespmem:v58+s14+$0x0], $0xffff  }
0x6c0: {  	v46 =	vadd.s32 v4, v46;
	vm13 =	vgt.f32 v11, v60;
	v21 =	vsel vm11, v21, v26;
	v26 =	vld.idx.msk [tilespmem:v24+s14+$0x0], $0xffff  }
0x6c1: {  	v34 =	vmul.f32 v34, v34;
	v25 =	vsel vm13, v25, v28;
	v28 =	vld.idx.msk [tilespmem:v62+s14+$0x0], $0xffff  }
0x6c2: {  	vm12 =	vgt.f32 v18, v61;
	v61 =	vld [tilespmem:s29+$0x20]  }
0x6c3: {  	v42 =	vsel vm12, v42, v40;
	v43 =	vld [tilespmem:s29+$0x40];
	[tilespmem:$0x1FC20] =	vst v34;
	v60 =	vor.u32 $0x2, v21;
	vm14 =	vgt.f32 v54, v31  }
0x6c4: {  	v63 =	vor.u32 $0x2, v25;
	v40 =	vld.idx.msk [tilespmem:v56+s14+$0x0], $0xffff;
	vm15 =	vgt.f32 v33, v52;
	v33 =	vsel vm14, v47, v45  }
0x6c5: {  	[tilespmem:v46+s21+$0x0] =	vst.idx.add.f32.msk $0xffff, v34;
	vm4 =	vgt.f32 v32, v26;
	v26 =	vor.u32 $0x1, v33  }
0x6c6: {  	v30 =	vor.u32 $0x1, v42;
	v31 =	vmul.f32 v38, v38;
	[tilespmem:v46+s22+$0x0] =	vst.idx.add.f32.msk $0xffff, v3;
	vm5 =	vgt.f32 v55, v28  }
0x6c7: {  	v52 =	vld [tilespmem:s30+$0x10];
	v23 =	vsel vm15, v58, v23;
	v38 =	vsel vm5, v62, v59  }
0x6c8: {  	v23 =	vadd.s32 v4, v23;
	v24 =	vsel vm4, v24, v29;
	v29 =	vld.idx.msk [tilespmem:v60+s14+$0x0], $0xffff;
	[tilespmem:$0x1FC40] =	vst v31  }
0x6c9: {  	vm6 =	vgt.f32 v49, v40;
	v40 =	vor.u32 $0x1, v38;
	v28 =	vld.idx.msk [tilespmem:v63+s14+$0x0], $0xffff  }
0x6ca: {  	v34 =	vld.idx.msk [tilespmem:v26+s14+$0x0], $0xffff  }
0x6cb: {  	v58 =	vld.idx.msk [tilespmem:v30+s14+$0x0], $0xffff  }
0x6cc: {  	v46 =	vor.u32 $0x1, v24;
	v50 =	vsel vm6, v56, v50;
	v45 =	vld [tilespmem:s1+$0xFFFFFFD0]  }
0x6cd: {  	vm7 =	vgt.f32 v52, v57;
	[tilespmem:v23+s21+$0x0] =	vst.idx.add.f32.msk $0xffff, v31;
	vm8 =	vgt.f32 v53, v29  }
0x6ce: {  	v57 =	vor.u32 $0x2, v50;
	v56 =	vsel vm7, $0x8, v2;
	v29 =	vld.idx.msk [tilespmem:v40+s14+$0x0], $0xffff;
	v21 =	vsel vm8, v60, v21  }
0x6cf: {  	[tilespmem:v23+s22+$0x0] =	vst.idx.add.f32.msk $0xffff, v3;
	vm9 =	vgt.f32 v11, v28;
	v28 =	vor.u32 $0x1, v21;
	vm10 =	vgt.f32 v54, v34  }
0x6d0: {  	v59 =	vor.u32 $0x4, v56;
	v25 =	vsel vm9, v63, v25;
	v26 =	vsel vm10, v26, v33;
	v33 =	vld [tilespmem:s16+$0x0]  }
0x6d1: {  	v23 =	vld.idx.msk [tilespmem:v46+s14+$0x0], $0xffff;
	v62 =	vor.u32 $0x1, v25  }
0x6d2: {  	v63 =	vld [tilespmem:s25+$0x0];
	v26 =	vadd.s32 v0, v26  }
0x6d3: {  	v60 =	vld.idx.msk [tilespmem:v57+s14+$0x0], $0xffff;
	v54 =	vsub.f32 v54, v61  }
0x6d4: {  	vm11 =	vgt.f32 v55, v29;
	v61 =	vld.idx.msk [tilespmem:v28+s14+$0x0], $0xffff  }
0x6d5: {  	v47 =	vld.idx.msk [tilespmem:v59+s14+$0x0], $0xffff;
	v29 =	vsel vm11, v40, v38;
	v38 =	vmul.f32 v54, v54;
	v33 =	vsub.f32 v55, v33  }
0x6d6: {  	v29 =	vadd.s32 v0, v29;
	v40 =	vld.idx.msk [tilespmem:v62+s14+$0x0], $0xffff  }
0x6d7: {  	[tilespmem:v26+s21+$0x0] =	vst.idx.add.f32.msk $0xffff, v38;
	v34 =	vmul.f32 v33, v33  }
0x6d8: {  	[tilespmem:v26+s22+$0x0] =	vst.idx.add.f32.msk $0xffff, v3  }
0x6d9: {  	v55 =	vsub.f32 v53, v63;
	vm12 =	vgt.f32 v53, v61;
	v26 =	vld.idx.msk [tilespmem:v1+s14+$0x0], $0xffff;
	[tilespmem:$0x1FC60] =	vst v34  }
0x6da: {  	v61 =	vsub.f32 v32, v41;
	v21 =	vsel vm12, v28, v21;
	v54 =	vld [tilespmem:s1+$0x20]  }
0x6db: {  	v63 =	vmul.f32 v55, v55;
	v21 =	vadd.s32 v0, v21;
	[tilespmem:v29+s21+$0x0] =	vst.idx.add.f32.msk $0xffff, v34  }
0x6dc: {  	vm13 =	vgt.f32 v32, v23;
	v33 =	vmul.f32 v61, v61;
	[tilespmem:v29+s22+$0x0] =	vst.idx.add.f32.msk $0xffff, v3  }
0x6dd: {  	v24 =	vsel vm13, v46, v24;
	vm14 =	vgt.f32 v52, v47;
	v47 =	vld.idx.msk [tilespmem:v1+s14+$0x0], $0xffff;
	[tilespmem:$0x1FCC0] =	vst v63  }
0x6de: {  	v24 =	vadd.s32 v4, v24;
	[tilespmem:$0x1FC70] =	vst v33  }
0x6df: {  	v41 =	vld [tilespmem:s2+$0x20]  }
0x6e0: {  	v23 =	vsel vm14, v59, v56;
	vm5 =	vgt.f32 v11, v40;
	[tilespmem:v21+s21+$0x0] =	vst.idx.add.f32.msk $0xffff, v63  }
0x6e1: {  	v46 =	vor.u32 $0x2, v23;
	v11 =	vsel vm5, v62, v25;
	vm4 =	vgt.f32 v44, v26;
	[tilespmem:v21+s22+$0x0] =	vst.idx.add.f32.msk $0xffff, v3  }
0x6e2: {  	vm15 =	vgt.f32 v45, v51;
	v11 =	vadd.s32 v0, v11;
	v55 =	vsel vm4, $0x8, v2;
	v40 =	vld.idx.msk [tilespmem:v1+s14+$0x0], $0xffff  }
0x6e3: {  	v28 =	vsel vm15, $0x8, v2;
	[tilespmem:v24+s21+$0x0] =	vst.idx.add.f32.msk $0xffff, v33;
	v21 =	vor.u32 $0x4, v55;
	vm6 =	vgt.f32 v54, v47  }
0x6e4: {  	v51 =	vor.u32 $0x4, v28;
	[tilespmem:v24+s22+$0x0] =	vst.idx.add.f32.msk $0xffff, v3;
	v24 =	vsel vm6, $0x8, v2  }
0x6e5: {  	v56 =	vor.u32 $0x4, v24  }
0x6e6: {  	v25 =	vld.idx.msk [tilespmem:v46+s14+$0x0], $0xffff  }
0x6e7: {  	[tilespmem:v11+s21+$0x0] =	vst.idx.add.f32.msk $0xffff, v20;
	vm7 =	vgt.f32 v41, v40  }
0x6e8: {  	v34 =	vld.idx.msk [tilespmem:v21+s14+$0x0], $0xffff;
	v20 =	vsel vm7, $0x8, v2  }
0x6e9: {  	vm8 =	vgt.f32 v49, v60;
	v59 =	vld.idx.msk [tilespmem:v51+s14+$0x0], $0xffff;
	v60 =	vor.u32 $0x4, v20  }
0x6ea: {  	v29 =	vsel vm8, v57, v50;
	v57 =	vld.idx.msk [tilespmem:v56+s14+$0x0], $0xffff  }
0x6eb: {  	vm9 =	vgt.f32 v18, v58;
	[tilespmem:v11+s22+$0x0] =	vst.idx.add.f32.msk $0xffff, v3  }
0x6ec: {  	v63 =	vsel vm9, v30, v42;
	v30 =	vor.u32 $0x1, v29;
	v42 =	vld.idx.msk [tilespmem:v1+s14+$0x0], $0xffff  }
0x6ed: {  	v58 =	vadd.s32 v4, v63;
	v53 =	vld [tilespmem:s31+$0x70];
	vm11 =	vgt.f32 v52, v25;
	vm10 =	vgt.f32 v44, v34  }
0x6ee: {  	vm12 =	vgt.f32 v45, v59;
	v34 =	vmul.f32 v22, v22;
	v21 =	vsel vm10, v21, v55;
	v18 =	vld.idx.msk [tilespmem:v60+s14+$0x0], $0xffff  }
0x6ef: {  	v50 =	vld [tilespmem:s30+$0x30];
	v22 =	vsel vm11, v46, v23;
	v23 =	vor.u32 $0x2, v21;
	vm13 =	vgt.f32 v54, v57  }
0x6f0: {  	v31 =	vld [tilespmem:s29+$0x10];
	v28 =	vsel vm12, v51, v28;
	v51 =	vor.u32 $0x1, v22;
	v24 =	vsel vm13, v56, v24  }
0x6f1: {  	v32 =	vld.idx.msk [tilespmem:v30+s14+$0x0], $0xffff;
	v56 =	vor.u32 $0x2, v24  }
0x6f2: {  	vm14 =	vgt.f32 v53, v42;
	v42 =	vld [tilespmem:s0+$0x50]  }
0x6f3: {  	v55 =	vor.u32 $0x2, v28;
	[tilespmem:v58+s21+$0x0] =	vst.idx.add.f32.msk $0xffff, v34;
	v57 =	vsel vm14, $0x8, v2;
	vm15 =	vgt.f32 v41, v18  }
0x6f4: {  	vm4 =	vgt.f32 v50, v26;
	v59 =	vor.u32 $0x4, v57;
	v25 =	vld.idx.msk [tilespmem:v23+s14+$0x0], $0xffff;
	v20 =	vsel vm15, v60, v20  }
0x6f5: {  	v62 =	vsel vm4, $0x8, v2;
	v26 =	vld.idx.msk [tilespmem:v51+s14+$0x0], $0xffff;
	v63 =	vor.u32 $0x2, v20  }
0x6f6: {  	v18 =	vor.u32 $0x4, v62;
	v33 =	vld.idx.msk [tilespmem:v56+s14+$0x0], $0xffff  }
0x6f7: {  	[tilespmem:v58+s22+$0x0] =	vst.idx.add.f32.msk $0xffff, v3  }
0x6f8: {  	vm5 =	vgt.f32 v49, v32;
	v60 =	vld.idx.msk [tilespmem:v55+s14+$0x0], $0xffff  }
0x6f9: {  	v29 =	vsel vm5, v30, v29;
	vm6 =	vgt.f32 v44, v25;
	v25 =	vld.idx.msk [tilespmem:v59+s14+$0x0], $0xffff  }
0x6fa: {  	v49 =	vsub.f32 v49, v42;
	v21 =	vsel vm6, v23, v21;
	v23 =	vadd.s32 v4, v29;
	v29 =	vld.idx.msk [tilespmem:v63+s14+$0x0], $0xffff  }
0x6fb: {  	vm7 =	vgt.f32 v52, v26;
	v26 =	vor.u32 $0x1, v21;
	vm9 =	vgt.f32 v54, v33;
	v33 =	vld.idx.msk [tilespmem:v18+s14+$0x0], $0xffff  }
0x6fc: {  	v61 =	vld [tilespmem:s16+$0xFFFFFFD0];
	v58 =	vsub.f32 v52, v31;
	v42 =	vmul.f32 v49, v49;
	v22 =	vsel vm7, v51, v22  }
0x6fd: {  	v32 =	vld [tilespmem:s16+$0x20];
	v30 =	vadd.s32 v4, v22;
	vm8 =	vgt.f32 v45, v60;
	v24 =	vsel vm9, v56, v24  }
0x6fe: {  	v28 =	vsel vm8, v55, v28;
	v55 =	vld [tilespmem:s1+$0xFFFFFFF0];
	vm10 =	vgt.f32 v53, v25;
	v25 =	vor.u32 $0x1, v24  }
0x6ff: {  	[tilespmem:v23+s21+$0x0] =	vst.idx.add.f32.msk $0xffff, v42;
	v51 =	vsel vm10, v59, v57;
	vm11 =	vgt.f32 v41, v29  }
0x700: {  	v52 =	vor.u32 $0x2, v51;
	v60 =	vld.idx.msk [tilespmem:v26+s14+$0x0], $0xffff;
	vm12 =	vgt.f32 v50, v33;
	v11 =	vsel vm11, v63, v20  }
0x701: {  	[tilespmem:v23+s22+$0x0] =	vst.idx.add.f32.msk $0xffff, v3;
	v23 =	vsel vm12, v18, v62;
	v18 =	vor.u32 $0x1, v11  }
0x702: {  	v49 =	vld [tilespmem:s1+$0x40];
	v22 =	vmul.f32 v58, v58;
	v31 =	vor.u32 $0x1, v28  }
0x703: {  	vm13 =	vgt.f32 v55, v48;
	v56 =	vor.u32 $0x2, v23;
	v63 =	vld.idx.msk [tilespmem:v25+s14+$0x0], $0xffff  }
0x704: {  	[tilespmem:v30+s21+$0x0] =	vst.idx.add.f32.msk $0xffff, v22;
	v29 =	vsel vm13, $0x8, v2  }
0x705: {  	v58 =	vor.u32 $0x4, v29;
	vm14 =	vgt.f32 v44, v60;
	v48 =	vld.idx.msk [tilespmem:v52+s14+$0x0], $0xffff  }
0x706: {  	v21 =	vsel vm14, v26, v21;
	v33 =	vld.idx.msk [tilespmem:v18+s14+$0x0], $0xffff  }
0x707: {  	v57 =	vld.idx.msk [tilespmem:v31+s14+$0x0], $0xffff;
	v21 =	vadd.s32 v0, v21  }
0x708: {  	v43 =	vsub.f32 v44, v43;
	vm15 =	vgt.f32 v54, v63;
	v60 =	vld.idx.msk [tilespmem:v56+s14+$0x0], $0xffff  }
0x709: {  	v63 =	vld [tilespmem:s25+$0x20];
	v20 =	vsel vm15, v25, v24  }
0x70a: {  	v44 =	vmul.f32 v43, v43;
	v24 =	vld.idx.msk [tilespmem:v58+s14+$0x0], $0xffff;
	vm5 =	vgt.f32 v53, v48;
	v25 =	vadd.s32 v0, v20  }
0x70b: {  	v54 =	vsub.f32 v54, v32;
	v26 =	vsel vm5, v52, v51;
	v52 =	vld [tilespmem:s2+$0x40];
	vm4 =	vgt.f32 v41, v33  }
0x70c: {  	[tilespmem:v21+s21+$0x0] =	vst.idx.add.f32.msk $0xffff, v44;
	v11 =	vsel vm4, v18, v11  }
0x70d: {  	v32 =	vmul.f32 v54, v54;
	[tilespmem:v21+s22+$0x0] =	vst.idx.add.f32.msk $0xffff, v3;
	v11 =	vadd.s32 v0, v11  }
0x70e: {  	v21 =	vld.idx.msk [tilespmem:v1+s14+$0x0], $0xffff;
	v62 =	vsub.f32 v41, v63  }
0x70f: {  	vm6 =	vgt.f32 v55, v24;
	[tilespmem:v25+s21+$0x0] =	vst.idx.add.f32.msk $0xffff, v32  }
0x710: {  	v33 =	vmul.f32 v62, v62;
	v24 =	vsel vm6, v58, v29;
	[tilespmem:v25+s22+$0x0] =	vst.idx.add.f32.msk $0xffff, v3;
	v25 =	vor.u32 $0x1, v26  }
0x711: {  	v29 =	vor.u32 $0x2, v24;
	v48 =	vld.idx.msk [tilespmem:v1+s14+$0x0], $0xffff  }
0x712: {  	[tilespmem:v11+s21+$0x0] =	vst.idx.add.f32.msk $0xffff, v33  }
0x713: {  	vm9 =	vgt.f32 v45, v57;
	[tilespmem:v11+s22+$0x0] =	vst.idx.add.f32.msk $0xffff, v3  }
0x714: {  	v28 =	vsel vm9, v31, v28;
	vm7 =	vgt.f32 v15, v21;
	v43 =	vld.idx.msk [tilespmem:v1+s14+$0x0], $0xffff  }
0x715: {  	v28 =	vadd.s32 v4, v28;
	v11 =	vsel vm7, $0x8, v2;
	v63 =	vld.idx.msk [tilespmem:v25+s14+$0x0], $0xffff  }
0x716: {  	v45 =	vsub.f32 v45, v61;
	v58 =	vor.u32 $0x4, v11;
	v31 =	vld.idx.msk [tilespmem:v29+s14+$0x0], $0xffff;
	vm8 =	vgt.f32 v49, v48  }
0x717: {  	[tilespmem:v30+s22+$0x0] =	vst.idx.add.f32.msk $0xffff, v3;
	v30 =	vsel vm8, $0x8, v2  }
0x718: {  	v54 =	vld [tilespmem:s2+$0xFFFFFFB0];
	vm10 =	vgt.f32 v50, v60;
	v41 =	vmul.f32 v45, v45;
	v57 =	vor.u32 $0x4, v30  }
0x719: {  	v18 =	vld [tilespmem:s0+$0x70];
	v23 =	vsel vm10, v56, v23  }
0x71a: {  	v56 =	vor.u32 $0x1, v23;
	[tilespmem:v28+s21+$0x0] =	vst.idx.add.f32.msk $0xffff, v41;
	vm11 =	vgt.f32 v52, v43  }
0x71b: {  	vm12 =	vgt.f32 v53, v63;
	v20 =	vld.idx.msk [tilespmem:v58+s14+$0x0], $0xffff;
	vm13 =	vgt.f32 v55, v31;
	v61 =	vsel vm11, $0x8, v2  }
0x71c: {  	[tilespmem:v28+s22+$0x0] =	vst.idx.add.f32.msk $0xffff, v3;
	v25 =	vsel vm12, v25, v26;
	v24 =	vsel vm13, v29, v24;
	v26 =	vor.u32 $0x4, v61  }
0x71d: {  	v28 =	vor.u32 $0x1, v24;
	v63 =	vld.idx.msk [tilespmem:v57+s14+$0x0], $0xffff  }
0x71e: {  	v46 =	vld [tilespmem:s2+$0xFFFFFF90]  }
0x71f: {  	v51 =	vld [tilespmem:s25+$0xFFFFFF90];
	vm14 =	vgt.f32 v54, v39;
	v18 =	vsub.f32 v53, v18  }
0x720: {  	v29 =	vsel vm14, $0x8, v2;
	v25 =	vadd.s32 v4, v25;
	vm15 =	vgt.f32 v15, v20;
	v20 =	vld.idx.msk [tilespmem:v56+s14+$0x0], $0xffff  }
0x721: {  	v53 =	vor.u32 $0x4, v29;
	v11 =	vsel vm15, v58, v11;
	v58 =	vld.idx.msk [tilespmem:v26+s14+$0x0], $0xffff  }
0x722: {  	v45 =	vmul.f32 v18, v18;
	v31 =	vor.u32 $0x2, v11;
	v18 =	vld.idx.msk [tilespmem:v28+s14+$0x0], $0xffff;
	vm4 =	vgt.f32 v49, v63  }
0x723: {  	v30 =	vsel vm4, v57, v30;
	v57 =	vld [tilespmem:s29+$0x30]  }
0x724: {  	v62 =	vld [tilespmem:s16+$0xFFFFFFF0];
	v60 =	vor.u32 $0x2, v30  }
0x725: {  	[tilespmem:v25+s21+$0x0] =	vst.idx.add.f32.msk $0xffff, v45;
	vm5 =	vgt.f32 v50, v20  }
0x726: {  	v23 =	vsel vm5, v56, v23;
	v56 =	vld.idx.msk [tilespmem:v53+s14+$0x0], $0xffff;
	vm6 =	vgt.f32 v52, v58  }
0x727: {  	v23 =	vadd.s32 v4, v23;
	v20 =	vld.idx.msk [tilespmem:v31+s14+$0x0], $0xffff;
	v26 =	vsel vm6, v26, v61  }
0x728: {  	[tilespmem:v25+s22+$0x0] =	vst.idx.add.f32.msk $0xffff, v3;
	vm8 =	vgt.f32 v55, v18;
	v63 =	vsub.f32 v50, v57;
	v25 =	vor.u32 $0x2, v26  }
0x729: {  	vm7 =	vgt.f32 v46, v37;
	v24 =	vsel vm8, v28, v24;
	v18 =	vld.idx.msk [tilespmem:v60+s14+$0x0], $0xffff  }
0x72a: {  	v58 =	vld [tilespmem:s30+$0x50];
	v50 =	vsel vm7, $0x8, v2;
	v24 =	vadd.s32 v4, v24;
	v39 =	vmul.f32 v63, v63  }
0x72b: {  	v62 =	vsub.f32 v55, v62;
	v28 =	vor.u32 $0x4, v50;
	vm9 =	vgt.f32 v54, v56;
	v56 =	vld [tilespmem:s1+$0x10]  }
0x72c: {  	v29 =	vsel vm9, v53, v29;
	vm10 =	vgt.f32 v15, v20;
	[tilespmem:v23+s21+$0x0] =	vst.idx.add.f32.msk $0xffff, v39  }
0x72d: {  	v37 =	vmul.f32 v62, v62;
	v53 =	vor.u32 $0x2, v29;
	v11 =	vsel vm10, v31, v11;
	v63 =	vld.idx.msk [tilespmem:v25+s14+$0x0], $0xffff  }
0x72e: {  	[tilespmem:v23+s22+$0x0] =	vst.idx.add.f32.msk $0xffff, v3;
	v23 =	vor.u32 $0x1, v11;
	vm11 =	vgt.f32 v49, v18  }
0x72f: {  	vm12 =	vgt.f32 v58, v21;
	[tilespmem:v24+s21+$0x0] =	vst.idx.add.f32.msk $0xffff, v37;
	v21 =	vsel vm11, v60, v30  }
0x730: {  	v18 =	vld.idx.msk [tilespmem:v28+s14+$0x0], $0xffff;
	v30 =	vsel vm12, $0x8, v2;
	vm13 =	vgt.f32 v56, v47;
	v47 =	vor.u32 $0x1, v21  }
0x731: {  	[tilespmem:v24+s22+$0x0] =	vst.idx.add.f32.msk $0xffff, v3;
	v57 =	vor.u32 $0x4, v30  }
0x732: {  	v24 =	vsel vm13, $0x8, v2;
	v31 =	vld.idx.msk [tilespmem:v53+s14+$0x0], $0xffff;
	vm14 =	vgt.f32 v52, v63  }
0x733: {  	v59 =	vor.u32 $0x4, v24;
	v20 =	vld.idx.msk [tilespmem:v23+s14+$0x0], $0xffff;
	v25 =	vsel vm14, v25, v26  }
0x734: {  	v55 =	vld [tilespmem:s2+$0xFFFFFFD0];
	v61 =	vor.u32 $0x1, v25  }
0x735: {  	vm15 =	vgt.f32 v46, v18;
	v62 =	vld.idx.msk [tilespmem:v47+s14+$0x0], $0xffff  }
0x736: {  	v28 =	vsel vm15, v28, v50;
	v18 =	vld.idx.msk [tilespmem:v57+s14+$0x0], $0xffff  }
0x737: {  	v60 =	vld [tilespmem:s16+$0x40];
	v26 =	vor.u32 $0x2, v28;
	vm4 =	vgt.f32 v54, v31  }
0x738: {  	v31 =	vld.idx.msk [tilespmem:v59+s14+$0x0], $0xffff;
	vm5 =	vgt.f32 v15, v20;
	v15 =	vsel vm4, v53, v29  }
0x739: {  	v11 =	vsel vm5, v23, v11;
	v23 =	vor.u32 $0x1, v15;
	v29 =	vld.idx.msk [tilespmem:v61+s14+$0x0], $0xffff  }
0x73a: {  	v53 =	vld [tilespmem:s1+$0x60];
	v11 =	vadd.s32 v0, v11;
	vm6 =	vgt.f32 v49, v62  }
0x73b: {  	vm7 =	vgt.f32 v58, v18;
	v18 =	vld [tilespmem:s25+$0x40];
	v21 =	vsel vm6, v47, v21  }
0x73c: {  	v60 =	vsub.f32 v49, v60;
	v20 =	vld.idx.msk [tilespmem:v26+s14+$0x0], $0xffff;
	v30 =	vsel vm7, v57, v30;
	v21 =	vadd.s32 v0, v21  }
0x73d: {  	v49 =	vmul.f32 v13, v13;
	v47 =	vld [tilespmem:s25+$0xFFFFFFB0];
	vm9 =	vgt.f32 v56, v31;
	v31 =	vor.u32 $0x2, v30  }
0x73e: {  	v24 =	vsel vm9, v59, v24;
	vm2 =	vgt.f32 v52, v29;
	v29 =	vld.idx.msk [tilespmem:v23+s14+$0x0], $0xffff  }
0x73f: {  	vm8 =	vgt.f32 v55, v36;
	v36 =	vmul.f32 v60, v60;
	v60 =	vor.u32 $0x2, v24;
	[tilespmem:v11+s21+$0x0] =	vst.idx.add.f32.msk $0xffff, v49  }
0x740: {  	v25 =	vsel vm2, v61, v25;
	[tilespmem:v11+s22+$0x0] =	vst.idx.add.f32.msk $0xffff, v3  }
0x741: {  	v11 =	vadd.s32 v0, v25;
	v25 =	vsel vm8, $0x8, v2;
	[tilespmem:v21+s21+$0x0] =	vst.idx.add.f32.msk $0xffff, v36  }
0x742: {  	v50 =	vsub.f32 v52, v18;
	v52 =	vor.u32 $0x4, v25;
	v57 =	vld.idx.msk [tilespmem:v31+s14+$0x0], $0xffff  }
0x743: {  	vm10 =	vgt.f32 v46, v20;
	[tilespmem:v21+s22+$0x0] =	vst.idx.add.f32.msk $0xffff, v3  }
0x744: {  	v20 =	vmul.f32 v50, v50;
	v21 =	vsel vm10, v26, v28;
	v18 =	vld.idx.msk [tilespmem:v60+s14+$0x0], $0xffff  }
0x745: {  	v59 =	vld.idx.msk [tilespmem:v1+s14+$0x0], $0xffff;
	v26 =	vor.u32 $0x1, v21  }
0x746: {  	[tilespmem:v11+s21+$0x0] =	vst.idx.add.f32.msk $0xffff, v20  }
0x747: {  	vm11 =	vgt.f32 v54, v29;
	v29 =	vld.idx.msk [tilespmem:v52+s14+$0x0], $0xffff  }
0x748: {  	v15 =	vsel vm11, v23, v15;
	[tilespmem:v11+s22+$0x0] =	vst.idx.add.f32.msk $0xffff, v3  }
0x749: {  	v23 =	vadd.s32 v4, v15;
	vm13 =	vgt.f32 v58, v57;
	v57 =	vld [tilespmem:s2+$0x60]  }
0x74a: {  	v63 =	vsub.f32 v54, v47;
	v30 =	vsel vm13, v31, v30;
	vm12 =	vgt.f32 v53, v59;
	v11 =	vld.idx.msk [tilespmem:v26+s14+$0x0], $0xffff  }
0x74b: {  	v50 =	vld.idx.msk [tilespmem:v1+s14+$0x0], $0xffff;
	v31 =	vor.u32 $0x1, v30;
	v61 =	vsel vm12, $0x8, v2  }
0x74c: {  	v13 =	vld.idx.msk [tilespmem:v1+s14+$0x0], $0xffff;
	vm14 =	vgt.f32 v56, v18;
	v18 =	vmul.f32 v63, v63;
	v47 =	vor.u32 $0x4, v61  }
0x74d: {  	v54 =	vld [tilespmem:s30+$0x70]  }
0x74e: {  	v24 =	vsel vm14, v60, v24;
	[tilespmem:v23+s21+$0x0] =	vst.idx.add.f32.msk $0xffff, v18  }
0x74f: {  	vm15 =	vgt.f32 v55, v29;
	v29 =	vor.u32 $0x1, v24;
	[tilespmem:v23+s22+$0x0] =	vst.idx.add.f32.msk $0xffff, v3;
	vm4 =	vgt.f32 v46, v11  }
0x750: {  	v25 =	vsel vm15, v52, v25;
	vm5 =	vgt.f32 v57, v50;
	v11 =	vsel vm4, v26, v21;
	v21 =	vld.idx.msk [tilespmem:v31+s14+$0x0], $0xffff  }
0x751: {  	v60 =	vor.u32 $0x2, v25;
	v26 =	vsel vm5, $0x8, v2;
	v52 =	vld.idx.msk [tilespmem:v47+s14+$0x0], $0xffff  }
0x752: {  	vm6 =	vgt.f32 v54, v13;
	v23 =	vld [tilespmem:s29+$0x50];
	v13 =	vor.u32 $0x4, v26  }
0x753: {  	v63 =	vsel vm6, $0x8, v2;
	v46 =	vsub.f32 v46, v51;
	v51 =	vld [tilespmem:s1+$0x30]  }
0x754: {  	v15 =	vor.u32 $0x4, v63;
	v62 =	vld.idx.msk [tilespmem:v29+s14+$0x0], $0xffff  }
0x755: {  	v28 =	vld [tilespmem:s16+$0x10];
	v11 =	vadd.s32 v4, v11  }
0x756: {  	vm8 =	vgt.f32 v58, v21;
	vm7 =	vgt.f32 v53, v52;
	v52 =	vld.idx.msk [tilespmem:v60+s14+$0x0], $0xffff  }
0x757: {  	v30 =	vsel vm8, v31, v30;
	v61 =	vsel vm7, v47, v61;
	v47 =	vld.idx.msk [tilespmem:v13+s14+$0x0], $0xffff  }
0x758: {  	v46 =	vmul.f32 v46, v46;
	v23 =	vsub.f32 v58, v23;
	v30 =	vadd.s32 v4, v30  }
0x759: {  	vm11 =	vgt.f32 v51, v48;
	v58 =	vld.idx.msk [tilespmem:v15+s14+$0x0], $0xffff;
	vm9 =	vgt.f32 v56, v62;
	v21 =	vor.u32 $0x2, v61  }
0x75a: {  	v48 =	vmul.f32 v23, v23;
	[tilespmem:v11+s21+$0x0] =	vst.idx.add.f32.msk $0xffff, v46;
	v24 =	vsel vm9, v29, v24  }
0x75b: {  	[tilespmem:v11+s22+$0x0] =	vst.idx.add.f32.msk $0xffff, v3;
	v24 =	vadd.s32 v4, v24;
	vm10 =	vgt.f32 v55, v52  }
0x75c: {  	v28 =	vsub.f32 v56, v28;
	v52 =	vld [tilespmem:s2+$0xFFFFFFF0];
	v11 =	vsel vm10, v60, v25;
	vm12 =	vgt.f32 v57, v47  }
0x75d: {  	[tilespmem:v30+s21+$0x0] =	vst.idx.add.f32.msk $0xffff, v48;
	v13 =	vsel vm12, v13, v26;
	v26 =	vor.u32 $0x1, v11  }
0x75e: {  	v47 =	vmul.f32 v28, v28;
	v62 =	vld.idx.msk [tilespmem:v21+s14+$0x0], $0xffff  }
0x75f: {  	v25 =	vsel vm11, $0x8, v2;
	[tilespmem:v30+s22+$0x0] =	vst.idx.add.f32.msk $0xffff, v3  }
0x760: {  	vm13 =	vgt.f32 v54, v58;
	v28 =	vor.u32 $0x4, v25;
	[tilespmem:v24+s21+$0x0] =	vst.idx.add.f32.msk $0xffff, v47  }
0x761: {  	v15 =	vsel vm13, v15, v63;
	v29 =	vor.u32 $0x2, v13;
	[tilespmem:v24+s22+$0x0] =	vst.idx.add.f32.msk $0xffff, v3;
	vm14 =	vgt.f32 v52, v35  }
0x762: {  	v24 =	vor.u32 $0x2, v15;
	v30 =	vsel vm14, $0x8, v2;
	v58 =	vld.idx.msk [tilespmem:v26+s14+$0x0], $0xffff  }
0x763: {  	v16 =	vadd.f32 v16, v27;
	v27 =	vld [tilespmem:s1+$0x50];
	vm15 =	vgt.f32 v53, v62;
	v31 =	vor.u32 $0x4, v30  }
0x764: {  	v23 =	vld [tilespmem:s25+$0xFFFFFFD0];
	v21 =	vsel vm15, v21, v61  }
0x765: {  	v35 =	vld.idx.msk [tilespmem:v28+s14+$0x0], $0xffff;
	v56 =	vor.u32 $0x1, v21  }
0x766: {  	v60 =	vld.idx.msk [tilespmem:v29+s14+$0x0], $0xffff  }
0x767: {  	v61 =	vld.idx.msk [tilespmem:v24+s14+$0x0], $0xffff;
	vm5 =	vgt.f32 v55, v58  }
0x768: {  	v62 =	vld.idx.msk [tilespmem:v31+s14+$0x0], $0xffff;
	v11 =	vsel vm5, v26, v11  }
0x769: {  	v55 =	vsub.f32 v55, v23;
	v23 =	vld [tilespmem:s25+$0x60];
	v11 =	vadd.s32 v4, v11  }
0x76a: {  	vm4 =	vgt.f32 v51, v35;
	v35 =	vld.idx.msk [tilespmem:v56+s14+$0x0], $0xffff  }
0x76b: {  	v25 =	vsel vm4, v28, v25;
	v28 =	vld [tilespmem:s16+$0x60];
	vm6 =	vgt.f32 v57, v60  }
0x76c: {  	v26 =	vld [tilespmem:s16+$0x30];
	v60 =	vadd.f32 v14, v16;
	v13 =	vsel vm6, v29, v13;
	v14 =	vmul.f32 v55, v55  }
0x76d: {  	v16 =	vld [tilespmem:s2+$0x10];
	vm7 =	vgt.f32 v54, v61;
	v29 =	vor.u32 $0x1, v13  }
0x76e: {  	vm10 =	vgt.f32 v27, v59;
	v58 =	vor.u32 $0x2, v25;
	v15 =	vsel vm7, v24, v15;
	[tilespmem:v11+s21+$0x0] =	vst.idx.add.f32.msk $0xffff, v14  }
0x76f: {  	v55 =	vsel vm10, $0x8, v2;
	vm9 =	vgt.f32 v53, v35;
	v35 =	vor.u32 $0x1, v15;
	v63 =	vld [tilespmem:$0x1FC10]  }
0x770: {  	v21 =	vsel vm9, v56, v21;
	[tilespmem:v11+s22+$0x0] =	vst.idx.add.f32.msk $0xffff, v3;
	v11 =	vor.u32 $0x4, v55  }
0x771: {  	v24 =	vld [tilespmem:s29+$0x70];
	vm8 =	vgt.f32 v52, v62;
	v21 =	vadd.s32 v0, v21  }
0x772: {  	v17 =	vadd.f32 v17, v60;
	v30 =	vsel vm8, v31, v30;
	v28 =	vsub.f32 v53, v28;
	v62 =	vld.idx.msk [tilespmem:v29+s14+$0x0], $0xffff  }
0x773: {  	v31 =	vld.idx.msk [tilespmem:v58+s14+$0x0], $0xffff;
	v53 =	vor.u32 $0x2, v30  }
0x774: {  	v6 =	vadd.f32 v6, v17;
	v17 =	vmul.f32 v28, v28;
	v28 =	vld.idx.msk [tilespmem:v35+s14+$0x0], $0xffff;
	v12 =	vadd.f32 v63, v12  }
0x775: {  	vm11 =	vgt.f32 v16, v40;
	v60 =	vld.idx.msk [tilespmem:v11+s14+$0x0], $0xffff  }
0x776: {  	[tilespmem:v21+s21+$0x0] =	vst.idx.add.f32.msk $0xffff, v17;
	v12 =	vadd.f32 v38, v12;
	v38 =	vsel vm11, $0x8, v2  }
0x777: {  	vm12 =	vgt.f32 v57, v62;
	[tilespmem:v21+s22+$0x0] =	vst.idx.add.f32.msk $0xffff, v3;
	v21 =	vor.u32 $0x4, v38  }
0x778: {  	v6 =	vadd.f32 v8, v6;
	v40 =	vld.idx.msk [tilespmem:v53+s14+$0x0], $0xffff;
	v59 =	vsel vm12, v29, v13;
	v8 =	vadd.f32 v44, v12  }
0x779: {  	v62 =	vadd.s32 v0, v59;
	v61 =	vld.idx.msk [tilespmem:v1+s14+$0x0], $0xffff;
	vm14 =	vgt.f32 v54, v28  }
0x77a: {  	v23 =	vsub.f32 v57, v23;
	v44 =	vld [tilespmem:$0x1FC20];
	v15 =	vsel vm14, v35, v15;
	v8 =	vadd.f32 v49, v8  }
0x77b: {  	v57 =	vsub.f32 v54, v24;
	v12 =	vld [tilespmem:s1+$0x70];
	vm15 =	vgt.f32 v27, v60;
	v56 =	vadd.s32 v4, v15  }
0x77c: {  	v11 =	vsel vm15, v11, v55;
	v63 =	vadd.f32 v5, v8;
	v49 =	vld.idx.msk [tilespmem:v21+s14+$0x0], $0xffff;
	v5 =	vmul.f32 v23, v23  }
0x77d: {  	v24 =	vor.u32 $0x2, v11;
	v8 =	vld [tilespmem:s2+$0x30]  }
0x77e: {  	vm13 =	vgt.f32 v51, v31;
	v15 =	vmul.f32 v57, v57;
	[tilespmem:v62+s21+$0x0] =	vst.idx.add.f32.msk $0xffff, v5  }
0x77f: {  	v25 =	vsel vm13, v58, v25;
	v6 =	vadd.f32 v44, v6;
	[tilespmem:v62+s22+$0x0] =	vst.idx.add.f32.msk $0xffff, v3  }
0x780: {  	v23 =	vor.u32 $0x1, v25;
	[tilespmem:v56+s21+$0x0] =	vst.idx.add.f32.msk $0xffff, v15  }
0x781: {  	v6 =	vadd.f32 v42, v6;
	v59 =	vld.idx.msk [tilespmem:v1+s14+$0x0], $0xffff  }
0x782: {  	vm4 =	vgt.f32 v12, v61;
	v61 =	vld.idx.msk [tilespmem:v24+s14+$0x0], $0xffff  }
0x783: {  	vm5 =	vgt.f32 v52, v40;
	v29 =	vsel vm4, $0x8, v2;
	v45 =	vadd.f32 v45, v6;
	v6 =	vld [tilespmem:s2+$0x50]  }
0x784: {  	v28 =	vsel vm5, v53, v30;
	v40 =	vor.u32 $0x4, v29;
	[tilespmem:v56+s22+$0x0] =	vst.idx.add.f32.msk $0xffff, v3;
	vm6 =	vgt.f32 v8, v43  }
0x785: {  	v42 =	vor.u32 $0x1, v28;
	v60 =	vld.idx.msk [tilespmem:v23+s14+$0x0], $0xffff;
	v31 =	vsel vm6, $0x8, v2  }
0x786: {  	v58 =	vadd.f32 v9, v45;
	v9 =	vld [tilespmem:s2+$0x70];
	v43 =	vor.u32 $0x4, v31  }
0x787: {  	v62 =	vld [tilespmem:$0x1FC30]  }
0x788: {  	v26 =	vsub.f32 v51, v26;
	vm7 =	vgt.f32 v16, v49;
	vm8 =	vgt.f32 v6, v50;
	v50 =	vld [tilespmem:$0x1FC40]  }
0x789: {  	v10 =	vadd.f32 v10, v63;
	v21 =	vsel vm7, v21, v38;
	v63 =	vld.idx.msk [tilespmem:v40+s14+$0x0], $0xffff;
	v7 =	vadd.f32 v7, v58  }
0x78a: {  	v26 =	vmul.f32 v26, v26;
	v13 =	vor.u32 $0x2, v21;
	v55 =	vld.idx.msk [tilespmem:v42+s14+$0x0], $0xffff;
	vm11 =	vgt.f32 v27, v61  }
0x78b: {  	v7 =	vadd.f32 v19, v7;
	v19 =	vsel vm8, $0x8, v2;
	vm9 =	vgt.f32 v9, v59;
	v57 =	vld.idx.msk [tilespmem:v43+s14+$0x0], $0xffff  }
0x78c: {  	vm10 =	vgt.f32 v51, v60;
	v35 =	vor.u32 $0x4, v19;
	v30 =	vsel vm9, $0x8, v2  }
0x78d: {  	v53 =	vld [tilespmem:s25+$0xFFFFFFF0];
	v11 =	vsel vm11, v24, v11;
	v49 =	vor.u32 $0x4, v30;
	v7 =	vadd.f32 v50, v7  }
0x78e: {  	v54 =	vld [tilespmem:$0x1FC50];
	v10 =	vadd.f32 v62, v10;
	v23 =	vsel vm10, v23, v25;
	v60 =	vor.u32 $0x1, v11  }
0x78f: {  	v58 =	vld [tilespmem:$0x1FC60];
	v56 =	vadd.s32 v4, v23;
	vm12 =	vgt.f32 v12, v63;
	v7 =	vadd.f32 v22, v7  }
0x790: {  	v59 =	vld.idx.msk [tilespmem:v13+s14+$0x0], $0xffff;
	vm13 =	vgt.f32 v52, v55;
	v29 =	vsel vm12, v40, v29;
	vm14 =	vgt.f32 v8, v57  }
0x791: {  	v63 =	vor.u32 $0x2, v29;
	v61 =	vld.idx.msk [tilespmem:v35+s14+$0x0], $0xffff;
	v50 =	vsel vm14, v43, v31;
	v7 =	vadd.f32 v39, v7  }
0x792: {  	v62 =	vsub.f32 v52, v53;
	v28 =	vsel vm13, v42, v28;
	v45 =	vld.idx.msk [tilespmem:v49+s14+$0x0], $0xffff;
	v52 =	vor.u32 $0x2, v50  }
0x793: {  	v10 =	vadd.f32 v54, v10;
	v51 =	vld.idx.msk [tilespmem:v60+s14+$0x0], $0xffff;
	v7 =	vadd.f32 v48, v7;
	v48 =	vadd.s32 v4, v28  }
0x794: {  	[tilespmem:v56+s21+$0x0] =	vst.idx.add.f32.msk $0xffff, v26  }
0x795: {  	v10 =	vadd.f32 v58, v10;
	vm15 =	vgt.f32 v16, v59;
	[tilespmem:v56+s22+$0x0] =	vst.idx.add.f32.msk $0xffff, v3  }
0x796: {  	v22 =	vmul.f32 v62, v62;
	v13 =	vsel vm15, v13, v21;
	v54 =	vld.idx.msk [tilespmem:v63+s14+$0x0], $0xffff;
	vm4 =	vgt.f32 v6, v61  }
0x797: {  	v53 =	vor.u32 $0x1, v13;
	v19 =	vsel vm4, v35, v19;
	vm5 =	vgt.f32 v9, v45;
	v58 =	vld.idx.msk [tilespmem:v52+s14+$0x0], $0xffff  }
0x798: {  	v35 =	vor.u32 $0x2, v19;
	v30 =	vsel vm5, v49, v30;
	[tilespmem:v48+s21+$0x0] =	vst.idx.add.f32.msk $0xffff, v22  }
0x799: {  	v56 =	vor.u32 $0x2, v30;
	v57 =	vld [tilespmem:$0x1FC70]  }
0x79a: {  	v38 =	vld [tilespmem:s25+$0x10];
	v7 =	vadd.f32 v15, v7  }
0x79b: {  	v55 =	vld [tilespmem:s16+$0x50];
	vm6 =	vgt.f32 v27, v51;
	vm7 =	vgt.f32 v12, v54  }
0x79c: {  	v59 =	vld.idx.msk [tilespmem:v53+s14+$0x0], $0xffff;
	v7 =	vadd.f32 v34, v7;
	v25 =	vsel vm7, v63, v29;
	vm8 =	vgt.f32 v8, v58  }
0x79d: {  	v11 =	vsel vm6, v60, v11;
	v62 =	vor.u32 $0x1, v25;
	v60 =	vld.idx.msk [tilespmem:v35+s14+$0x0], $0xffff;
	v21 =	vsel vm8, v52, v50  }
0x79e: {  	v63 =	vld.idx.msk [tilespmem:v56+s14+$0x0], $0xffff;
	v39 =	vor.u32 $0x1, v21;
	v7 =	vadd.f32 v57, v7  }
0x79f: {  	v51 =	vld [tilespmem:s25+$0x30]  }
0x7a0: {  	v61 =	vld [tilespmem:s16+$0x70];
	v11 =	vadd.s32 v4, v11;
	v7 =	vadd.f32 v41, v7  }
0x7a1: {  	v27 =	vsub.f32 v27, v55;
	[tilespmem:v48+s22+$0x0] =	vst.idx.add.f32.msk $0xffff, v3  }
0x7a2: {  	vm9 =	vgt.f32 v16, v59;
	v41 =	vld.idx.msk [tilespmem:v62+s14+$0x0], $0xffff;
	v7 =	vadd.f32 v37, v7  }
0x7a3: {  	vm10 =	vgt.f32 v6, v60;
	v37 =	vmul.f32 v27, v27;
	vm11 =	vgt.f32 v9, v63;
	v49 =	vld.idx.msk [tilespmem:v39+s14+$0x0], $0xffff  }
0x7a4: {  	v19 =	vsel vm10, v35, v19;
	v44 =	vsel vm11, v56, v30;
	v56 =	vld [tilespmem:s25+$0x50];
	v7 =	vadd.f32 v47, v7  }
0x7a5: {  	v10 =	vadd.f32 v32, v10;
	v13 =	vsel vm9, v53, v13;
	v42 =	vor.u32 $0x1, v19;
	[tilespmem:v11+s21+$0x0] =	vst.idx.add.f32.msk $0xffff, v37  }
0x7a6: {  	v40 =	vsub.f32 v12, v61;
	v13 =	vadd.s32 v4, v13;
	v45 =	vld [tilespmem:$0x1FC80];
	v7 =	vadd.f32 v26, v7  }
0x7a7: {  	v47 =	vsub.f32 v16, v38;
	v48 =	vor.u32 $0x1, v44;
	[tilespmem:v11+s22+$0x0] =	vst.idx.add.f32.msk $0xffff, v3  }
0x7a8: {  	v10 =	vadd.f32 v36, v10;
	v43 =	vmul.f32 v40, v40;
	v50 =	vld [tilespmem:$0x1FC90];
	v7 =	vadd.f32 v37, v7  }
0x7a9: {  	vm12 =	vgt.f32 v12, v41;
	v11 =	vmul.f32 v47, v47;
	v53 =	vld [tilespmem:$0x1FCA0]  }
0x7aa: {  	v10 =	vadd.f32 v17, v10;
	v17 =	vsel vm12, v62, v25;
	v52 =	vld.idx.msk [tilespmem:v42+s14+$0x0], $0xffff;
	v7 =	vadd.f32 v43, v7  }
0x7ab: {  	v17 =	vadd.s32 v4, v17;
	[tilespmem:v13+s21+$0x0] =	vst.idx.add.f32.msk $0xffff, v11  }
0x7ac: {  	vm13 =	vgt.f32 v8, v49;
	v54 =	vld.idx.msk [tilespmem:v48+s14+$0x0], $0xffff;
	v10 =	vadd.f32 v45, v10;
	v7 =	vadd.f32 v46, v7  }
0x7ad: {  	v8 =	vsub.f32 v8, v51;
	v57 =	vsel vm13, v39, v21;
	v55 =	vld [tilespmem:$0x1FCB0]  }
0x7ae: {  	[tilespmem:v13+s22+$0x0] =	vst.idx.add.f32.msk $0xffff, v3;
	v10 =	vadd.f32 v50, v10;
	v7 =	vadd.f32 v18, v7  }
0x7af: {  	v13 =	vadd.s32 v4, v57;
	v8 =	vmul.f32 v8, v8;
	v58 =	vld [tilespmem:$0x1FCC0]  }
0x7b0: {  	v59 =	vld [tilespmem:s25+$0x70];
	vm14 =	vgt.f32 v6, v52;
	v10 =	vadd.f32 v53, v10;
	v7 =	vadd.f32 v14, v7  }
0x7b1: {  	[tilespmem:v17+s21+$0x0] =	vst.idx.add.f32.msk $0xffff, v43;
	v60 =	vsel vm14, v42, v19;
	vm15 =	vgt.f32 v9, v54  }
0x7b2: {  	v10 =	vadd.f32 v55, v10;
	v14 =	vadd.s32 v4, v60;
	v7 =	vadd.f32 v22, v7  }
0x7b3: {  	v6 =	vsub.f32 v6, v56;
	[tilespmem:v17+s22+$0x0] =	vst.idx.add.f32.msk $0xffff, v3;
	v61 =	vsel vm15, v48, v44  }
0x7b4: {  	s28 =	sadd.s32 $0x1, s28;
	v62 =	vadd.s32 v4, v61;
	v10 =	vadd.f32 v58, v10;
	v7 =	vadd.f32 v11, v7  }
0x7b5: {  	p0 =	sne.s32 s28, $0x10;
	[tilespmem:v13+s21+$0x0] =	vst.idx.add.f32.msk $0xffff, v8;
	v6 =	vmul.f32 v6, v6;
	v9 =	vsub.f32 v9, v59  }
.Ltmp2:
0x7b6: {  	[tilespmem:v13+s22+$0x0] =	vst.idx.add.f32.msk $0xffff, v3;
	v10 =	vadd.f32 v33, v10;
	v7 =	vadd.f32 v8, v7;
	(pc) =	sbr.rel @p0 .LBB2_2-.Ltmp2, $4  }
0x7b7: {  	[tilespmem:v14+s21+$0x0] =	vst.idx.add.f32.msk $0xffff, v6;
	v8 =	vmul.f32 v9, v9  }
0x7b8: {  	v63 =	vadd.f32 v20, v10;
	[tilespmem:v14+s22+$0x0] =	vst.idx.add.f32.msk $0xffff, v3;
	v6 =	vadd.f32 v6, v7  }
0x7b9: {  	[tilespmem:v62+s21+$0x0] =	vst.idx.add.f32.msk $0xffff, v8  }
0x7ba: {  	v7 =	vadd.f32 v5, v63;
	[tilespmem:v62+s22+$0x0] =	vst.idx.add.f32.msk $0xffff, v3;
	v5 =	vadd.f32 v8, v6  }
0x7bb: {  	_ = 	snop  }
0x7bc: {  	v5 =	vadd.f32 v5, v7;
	_ =	sdelay $0x1  }
0x7bd: {  	s0 =	rddreg [dreg:$0x5];
	[tilespmem:$0x11080] =	vst v5  }
0x7be: {  	[hbm4b:s0+s3] =	stream.linear.scatter [tilespmem:s21], [sflag:$0x5], $0x800, $0x38;
	[tilespmem:$0x11100] =	vst v63  }
0x7bf: {  	_ =	swait.ge [sflag:s15], $0x800  }
0x7c0: {  	[sflag:s15] =	ssyncset.done $0x0  }
0x7c1: {  	[sflag:s15] =	ssyncadd.s32 $0xFFFFF800  }
0x7c2: {  	[hbm4b:s11+s3] =	stream.linear.scatter [tilespmem:s22], [sflag:$0x5], $0x800, $0x38;
	[tilespmem:$0x11100] =	vst v63  }
0x7c3: {  	s26 =	sadd.s32 $0x1, s26;
	_ =	swait.ge [sflag:s15], $0x800  }
0x7c4: {  	p0 =	sne.s32 s26, s13;
	[sflag:s15] =	ssyncset.done $0x0  }
.Ltmp3:
0x7c5: {  	s31 =	simm.s32 $0x11080;
	[sflag:s15] =	ssyncadd.s32 $0xFFFFF800;
	(pc) =	sbr.rel @p0 .LBB2_1-.Ltmp3, $4  }
0x7c6: {  	[hbm4b:s12+s3] =	stream.linear.scatter [tilespmem:s31], [sflag:$0x5], $0x80, $0x38;
	[tilespmem:$0x11100] =	vst v63  }
0x7c7: {  	_ =	swait.ge [sflag:s15], $0x80  }
0x7c8: {  	[sflag:s15] =	ssyncset.done $0x0  }
0x7c9: {  	[sflag:s15] =	ssyncadd.s32 $0xFFFFFF80  }
0x7ca: {  	_ =	sfence.sel $0x180000  }
0x7cb: {  	[bflag:$0x0] =	sbarrier.arrive $0xFFFF  }
0x7cc: {  	_ =	strace $0x9000004D  }
0x7cd: {  	s0 =	stileid.u32;
	[bflag:$0x2] =	sbarrier.arrive $0xFFFF  }
0x7ce: {  	p0 =	sne.s32 s0, $0x0;
	s0 =	rddreg [dreg:$0x2]  }
0x7cf: {  	s0 =	sadd.s32 @!p0 $0x100000, s0  }
0x7d0: {  	[sflag:s0] =	ssyncadd.tile.s32 @!p0 $0x1;
	_ =	shalt  }
.Lfunc_end2:
_tile_overlayer_lowered:
.L_overlay_start_2:
0x7d1: {  	(tag) =	ssettag $0x2  }
0x7d2: {  	s0 =	rddreg [dreg:$0x0];
	s2 =	stileid.u32  }
0x7d3: {  	s1 =	rddreg [dreg:$0x1];
	p0 =	sne.s32 s2, $0x0  }
0x7d4: {  	s3 =	rddreg [dreg:$0x2];
	[bflag:$0x3] =	sbarrier.arrive $0xFFFF;
	s2 =	simm.s32 @!p0 $0x1C05  }
0x7d5: {  	[timem:s3], [sflag:s2] =	dma.local @!p0 [hbm:s0], s1  }
0x7d6: {  	s0 =	simm.s32 @!p0 $0x5  }
0x7d7: {  	_ =	swait.ge @!p0 [sflag:s0], s1  }
0x7d8: {  	s1 =	ssub.s32 @!p0 $0x0, s1;
	[sflag:s0] =	ssyncset.done @!p0 $0x0  }
0x7d9: {  	[sflag:s0] =	ssyncadd.s32 @!p0 s1  }
0x7da: {  	[bflag:$0x3] =	sbarrier.arrive $0xFFFF  }
0x7db: {  	_ =	shalt  }

// kernel: sparse-core-data-format-call.1.cloned.1.call-start
scs
called_computation.1_lowered:
.L_overlay_start_0:
0x0: {  	s2 =	sld [smem:$0x3FD9]  }
0x1: {  	s3 =	sld [smem:$0x3FFE];
	_ =	sdelay $0x1  }
0x2: {  	s1 =	srdreg.scid  }
0x3: {  	s0 =	sand.u32 $0x1, s1  }
0x4: {  	s18 =	sshll.u32 s0, $0xA;
	s2 =	sadd.s32 s3, s2  }
0x5: {  	s2 =	sadd.s32 s2, s18  }
0x6: {  	[smem:$0x3FC5] =	sst s2  }
0x7: {  	_ = 	snop  }
0x8: {  	s2 =	sld [smem:$0x3FC9];
	(tm) =	ssettm $0x1  }
0x9: {  	s19 =	sld [smem:$0x3FFB];
	_ =	sdelay $0x3  }
0xa: {  	_ =	strace s19  }
0xb: {  	s3 =	sld [smem:$0x3FFC];
	_ =	sdelay $0x3  }
0xc: {  	_ =	strace s3  }
0xd: {  	s3 =	sld [smem:$0x3FFD];
	_ =	sdelay $0x3  }
0xe: {  	_ =	strace s3  }
0xf: {  	_ =	strace $0x8FFFFFFF  }
0x10: {  	s20 =	sld [smem:$0x3FDB];
	_ =	sdelay $0x1  }
0x11: {  	s4 =	simm.s32 $_scs_section_size  }
0x12: {  	s5 =	simm.s32 $_size__tile_overlayer_lowered;
	s6 =	simm.s32 $_tile_overlayer_lowered  }
0x13: {  	s23 =	simm.s32 $0x1BFF;
	s22 =	sshll.u32 s6, $0x1;
	s3 =	sadd.s32 s4, s20  }
0x14: {  	s7 =	simm.s32 $0x0;
	s21 =	sshll.u32 s5, $0x1;
	s5 =	sadd.s32 s22, s3  }
0x15: {  	[timem:s7], [sflag:s23] =	dma.local [hbm:s5], s21  }
0x16: {  	_ =	swait.ge [sflag:s23], s21  }
0x17: {  	s4 =	ssub.s32 $0x0, s21;
	[sflag:s23] =	ssyncset.done $0x0  }
0x18: {  	[sflag:s23] =	ssyncadd.s32 s4;
	_ =	sdelay $0x1  }
0x19: {  	s24 =	simm.s32 $0x1B8B  }
0x1a: {  	_ =	swait.ge [sflag:s24], $0x1  }
0x1b: {  	[sflag:s24] =	ssyncset.done $0x0  }
0x1c: {  	s26 =	simm.s32 $0x1B8E;
	s25 =	sld [smem:$0x3FFE];
	[sflag:s24] =	ssyncadd.s32 $0xFFFFFFFF  }
0x1d: {  	s27 =	simm.s32 $execute0_lowered;
	[smem:$0x3FD2] =	sst s26  }
0x1e: {  	s5 =	sshll.u32 s27, $0x1;
	_ =	strace $0x80000046;
	[dreg:$0x1] =	wrdreg $0xFFFFFFFF  }
0x1f: {  	s28 =	simm.s32 $_size_execute0_lowered;
	s3 =	sadd.s32 s3, s5;
	[dreg:$0x0] =	wrdreg $0x0  }
0x20: {  	s5 =	sshll.u32 s28, $0x1;
	[dreg:$0x2] =	wrdreg s3  }
0x21: {  	[dreg:$0x3] =	wrdreg s5  }
0x22: {  	[dreg:$0x4] =	wrdreg $0xC0  }
0x23: {  	_ =	task [dreg:s7], $0x5FFFF  }
0x24: {  	[dreg:$0x1] =	wrdreg $0xFFFFFFFF  }
0x25: {  	[dreg:$0x0] =	wrdreg $0x60  }
0x26: {  	[dreg:$0x2] =	wrdreg s2  }
0x27: {  	[dreg:$0x3] =	wrdreg s25  }
0x28: {  	[dreg:$0x4] =	wrdreg $0xA  }
0x29: {  	_ =	task.clear_ibuf [dreg:s7], $0x5FFFF;
	_ =	strace $0x90000046  }
0x2a: {  	s29 =	simm.s32 $0xA;
	_ =	strace $0x80000048  }
0x2b: {  	_ =	swait.ge [sflag:s29], $0x1  }
0x2c: {  	[sflag:s29] =	ssyncadd.s32 $0xFFFFFFFF  }
0x2d: {  	_ =	strace $0x90000048  }
0x2e: {  	_ =	sfence  }
0x2f: {  	s30 =	sld [smem:$0x0];
	_ =	sdelay $0x2  }
0x30: {  	s31 =	sshll.u32 s1, $0xD;
	s1 =	sshrl.u32 s1, $0x2  }
0x31: {  	s3 =	sand.u32 $0x4000, s31;
	s1 =	sadd.s32 s1, s30  }
0x32: {  	s0 =	sor.u32 s3, s0;
	s1 =	sshll.u32 s1, $0x11  }
0x33: {  	s0 =	sor.u32 s1, s0  }
0x34: {  	s0 =	sadd.s32 $0x8F2B, s0  }
0x35: {  	[sflag:s0] =	ssyncadd.remote.s32 $0x1  }
0x36: {  	_ =	sfence.sel $0xFFFF  }
0x37: {  	[dreg:$0x0] =	wrdreg $0xFFFFFFFF;
	(pc) =	sbr.abs _section_cstart, $3  }
0x38: {  	[dreg:$0x1] =	wrdreg $0xFFFFFFFF  }
0x39: {  	_ =	task.clear_ibuf [dreg:s7], $0x2FFFF;
	_ =	strace $0x9FFFFFFF  }
0x3a: {  	(tm) =	ssettm $0x7FFFFFFF  }
0x3b: {  	_ =	shalt  }
tec
execute0_lowered:
.L_overlay_start_1:
0x0: {  	(tag) =	ssettag $0x1  }
0x1: {  	s0 =	srdreg.scid  }
0x2: {  	s1 =	sshll.u32 s0, $0x4  }
0x3: {  	s2 =	rddreg [dreg:$0x0];
	s0 =	stileid.u32;
	s1 =	sand.u32 $0x10, s1  }
0x4: {  	s4 =	rddreg [dreg:$0x1];
	s7 =	simm.s32 $0x1;
	s1 =	sor.u32 s0, s1  }
0x5: {  	s8 =	simm.s32 $0x2;
	s9 =	simm.s32 $0x0;
	s3 =	sshll.u32 s1, $0x2  }
0x6: {  	s12 =	simm.s32 $0x0;
	s11 =	simm.s32 $0x0;
	s6 =	ssub.s32 $0x1000, s3  }
.Ltmp0:
0x7: {  	s4 =	sadd.s32 $0x1800, s4;
	s5 =	sand.u32 $0x7C, s6;
	(pc) =	sbr.rel .LBB1_1-.Ltmp0, $4  }
0x8: {  	s1 =	rddreg [dreg:$0x2];
	_ =	strace $0x80000047;
	p0 =	sne.s32 s5, $0x0  }
0x9: {  	s6 =	sshrl.u32 s6, $0x7;
	s5 =	simm.s32 $0x1;
	s7 =	simm.s32 @!p0 $0x0  }
0xa: {  	s10 =	smov.u32 s3;
	[sflag:s5] =	ssyncpa.u1 $0x0;
	s6 =	sadd.s32 s7, s6  }
0xb: {  	[sflag:s8] =	ssyncpa.u1 $0x0;
	s8 =	simm.s32 $0x0;
	s7 =	sadd.s32 $0x1, s6  }
.LBB1_9:
0xc: {  	s14 =	sadd.s32 $0x80, s10  }
0xd: {  	p1 =	sgt.s32 s14, $0xFFF  }
0xe: {  	s14 =	smov.u32 @p1 s3;
	p1 =	sne.s32 s11, s7  }
.Ltmp1:
0xf: {  	p0 =	slt.u32 s11, $0x2;
	(pc) =	sbr.rel @!p1 .LBB1_10-.Ltmp1, $4  }
0x10: {  	s13 =	simm.s32 @!p0 $0x2  }
0x11: {  	s15 =	sadd.s32 $0x1, s11;
	_ =	swait.ge @!p0 [sflag:s13], $0x4000  }
0x12: {  	s12 =	smov.u32 s10;
	s9 =	sadd.s32 $0x4000, s9;
	[sflag:s13] =	ssyncset.done @!p0 $0x0  }
0x13: {  	s11 =	smov.u32 s15;
	s10 =	smov.u32 s14;
	[sflag:s13] =	ssyncadd.s32 @!p0 $0xFFFFC000  }
.LBB1_1:
0x14: {  	p0 =	sge.u32 s11, s6  }
0x15: {  	s13 =	sxor.u32 @!p0 $0xFFFFFFFF, s11  }
0x16: {  	s31 =	sadd.s32 $0xFFFFFFFF, s11;
	s14 =	sshll.u32 @!p0 s10, $0x9;
	s13 =	sshll.u32 @!p0 s13, $0xE  }
0x17: {  	s15 =	simm.s32 @!p0 $0x0;
	s14 =	sadd.s32 @!p0 s2, s14;
	s13 =	sand.u32 @!p0 $0x4000, s13  }
0x18: {  	[tilespmem:s13], [sflag:$0x1] =	stream.linear.gather @!p0 [hbm4b:s14+s15], $0x4000, $0x38;
	[tilespmem:$0x10000] =	vst v63  }
0x19: {  	p0 =	sge.u32 s31, s6  }
.Ltmp2:
0x1a: {  	_ = 	snop;
	(pc) =	sbr.rel @p0 .LBB1_9-.Ltmp2, $1  }
0x1b: {  	_ =	sdelay $0x3  }
0x1c: {  	s14 =	sand.u32 $0x4000, s9  }
0x1d: {  	_ =	swait.ge [sflag:s5], $0x4000;
	s15 =	sshll.u32 s11, $0xE;
	s16 =	simm.s32 $0x0  }
0x1e: {  	s13 =	sor.u32 $0x40, s14;
	[sflag:s5] =	ssyncset.done $0x0;
	s15 =	sand.u32 $0x4000, s15  }
0x1f: {  	s14 =	sor.u32 $0x8040, s14;
	[sflag:s5] =	ssyncadd.s32 $0xFFFFC000;
	s15 =	sor.u32 $0x8000, s15  }
.LBB1_3:
0x20: {  	s17 =	smov.u32 s14;
	s18 =	smov.u32 s13;
	s19 =	simm.s32 $0x0  }
.LBB1_4:
0x21: {  	v0 =	vmov s17;
	v2 =	vld [tilespmem:s18+$0x30]  }
0x22: {  	v4 =	vld [tilespmem:s18+$0xFFFFFFD0]  }
0x23: {  	v6 =	vld [tilespmem:s18+$0xFFFFFFE0]  }
0x24: {  	v7 =	vld [tilespmem:s18+$0xFFFFFFF0]  }
0x25: {  	s20 =	simm.s32 $0x0;
	v1 =	vld [tilespmem:s18+$0x0]  }
0x26: {  	v3 =	vld [tilespmem:s18+$0x10];
	[tilespmem:v0+s20+$0x30 ss:$0x1] =	vst.idx.msk $0xffff, v2  }
0x27: {  	v5 =	vld [tilespmem:s18+$0x20];
	[tilespmem:v0+s20+$0xFFFFFFD0 ss:$0x1] =	vst.idx.msk $0xffff, v4  }
0x28: {  	s21 =	sadd.s32 $0x80, s18;
	v2 =	vld [tilespmem:s18+$0xFFFFFFC0];
	[tilespmem:v0+s20+$0xFFFFFFE0 ss:$0x1] =	vst.idx.msk $0xffff, v6  }
0x29: {  	s22 =	simm.s32 $0x800;
	s23 =	simm.s32 $0x1000;
	v4 =	vld [tilespmem:s21+$0x30];
	[tilespmem:v0+s20+$0xFFFFFFF0 ss:$0x1] =	vst.idx.msk $0xffff, v7  }
.LBB1_5:
0x2a: {  	p0 =	sne.s32 s23, $0x3800;
	v6 =	vld [tilespmem:s21+$0xFFFFFFD0];
	[tilespmem:v0+s20+$0x0 ss:$0x1] =	vst.idx.msk $0xffff, v1  }
0x2b: {  	v7 =	vld [tilespmem:s21+$0xFFFFFFE0];
	[tilespmem:v0+s20+$0x10 ss:$0x1] =	vst.idx.msk $0xffff, v3  }
0x2c: {  	v8 =	vld [tilespmem:s21+$0xFFFFFFF0];
	[tilespmem:v0+s20+$0x20 ss:$0x1] =	vst.idx.msk $0xffff, v5  }
.Ltmp3:
0x2d: {  	v1 =	vld [tilespmem:s21+$0x0];
	[tilespmem:v0+s20+$0xFFFFFFC0 ss:$0x1] =	vst.idx.msk $0xffff, v2;
	s20 =	sshra.s32 s22, $0x2;
	s22 =	smov.u32 s23;
	(pc) =	sbr.rel @p0 .LBB1_5-.Ltmp3, $4  }
0x2e: {  	v3 =	vld [tilespmem:s21+$0x10];
	[tilespmem:v0+s20+$0x30 ss:$0x1] =	vst.idx.msk $0xffff, v4  }
0x2f: {  	[tilespmem:v0+s20+$0xFFFFFFD0 ss:$0x1] =	vst.idx.msk $0xffff, v6;
	v5 =	vld [tilespmem:s21+$0x20]  }
0x30: {  	v2 =	vld [tilespmem:s21+$0xFFFFFFC0];
	[tilespmem:v0+s20+$0xFFFFFFE0 ss:$0x1] =	vst.idx.msk $0xffff, v7;
	s21 =	sadd.s32 $0x80, s21  }
0x31: {  	s23 =	sadd.s32 $0x800, s23;
	v4 =	vld [tilespmem:s21+$0x30];
	[tilespmem:v0+s20+$0xFFFFFFF0 ss:$0x1] =	vst.idx.msk $0xffff, v8  }
0x32: {  	_ =	sdelay $0x3  }
0x33: {  	v6 =	vld [tilespmem:s21+$0xFFFFFFD0];
	[tilespmem:v0+s20+$0x0 ss:$0x1] =	vst.idx.msk $0xffff, v1  }
0x34: {  	v58 =	vld [tilespmem:s21+$0xFFFFFFE0];
	[tilespmem:v0+s20+$0x10 ss:$0x1] =	vst.idx.msk $0xffff, v3  }
0x35: {  	v59 =	vld [tilespmem:s21+$0xFFFFFFF0];
	[tilespmem:v0+s20+$0x20 ss:$0x1] =	vst.idx.msk $0xffff, v5  }
0x36: {  	s22 =	sshra.s32 s22, $0x2;
	v60 =	vld [tilespmem:s21+$0x0];
	[tilespmem:v0+s20+$0xFFFFFFC0 ss:$0x1] =	vst.idx.msk $0xffff, v2  }
0x37: {  	v61 =	vld [tilespmem:s21+$0x10];
	[tilespmem:v0+s22+$0x30 ss:$0x1] =	vst.idx.msk $0xffff, v4  }
0x38: {  	v62 =	vld [tilespmem:s21+$0x20];
	s19 =	sadd.s32 $0x1, s19;
	[tilespmem:v0+s22+$0xFFFFFFD0 ss:$0x1] =	vst.idx.msk $0xffff, v6  }
0x39: {  	v63 =	vld [tilespmem:s21+$0xFFFFFFC0];
	p0 =	sne.s32 s19, $0x4;
	[tilespmem:v0+s22+$0xFFFFFFE0 ss:$0x1] =	vst.idx.msk $0xffff, v58  }
.Ltmp4:
0x3a: {  	[tilespmem:v0+s22+$0xFFFFFFF0 ss:$0x1] =	vst.idx.msk $0xffff, v59;
	(pc) =	sbr.rel @p0 .LBB1_4-.Ltmp4, $4  }
0x3b: {  	[tilespmem:v0+s22+$0x0 ss:$0x1] =	vst.idx.msk $0xffff, v60  }
0x3c: {  	[tilespmem:v0+s22+$0x10 ss:$0x1] =	vst.idx.msk $0xffff, v61  }
0x3d: {  	[tilespmem:v0+s22+$0x20 ss:$0x1] =	vst.idx.msk $0xffff, v62  }
0x3e: {  	s18 =	sadd.s32 $0x400, s18;
	s17 =	sadd.s32 $0x80, s17;
	[tilespmem:v0+s22+$0xFFFFFFC0 ss:$0x1] =	vst.idx.msk $0xffff, v63  }
0x3f: {  	s16 =	sadd.s32 $0x1, s16  }
0x40: {  	p0 =	sne.s32 s16, $0x4  }
.Ltmp5:
0x41: {  	_ = 	snop;
	(pc) =	sbr.rel @p0 .LBB1_3-.Ltmp5, $2  }
0x42: {  	_ =	sdelay $0x2  }
0x43: {  	s13 =	sadd.s32 $0x1000, s13;
	s14 =	sadd.s32 $0x1000, s14  }
.Ltmp6:
0x44: {  	(pc) =	sbr.rel .LBB1_9-.Ltmp6, $4  }
0x45: {  	_ = 	snop  }
0x46: {  	s12 =	sshll.u32 s12, $0x9  }
0x47: {  	s12 =	sadd.s32 s4, s12  }
0x48: {  	[hbm4b:s12+s8] =	stream.linear.scatter [tilespmem:s15], [sflag:$0x2], $0x4000, $0x38;
	[tilespmem:$0x10000] =	vst v63  }
.LBB1_10:
0x49: {  	_ =	sfence.sel $0x180000  }
0x4a: {  	s2 =	simm.s32 $0x1;
	[bflag:$0x0] =	sbarrier.arrive $0xFFFF  }
0x4b: {  	s31 =	simm.s32 $0x2;
	[sflag:s2] =	ssyncpa.u1 $0x1  }
0x4c: {  	[sflag:s31] =	ssyncpa.u1 $0x1  }
0x4d: {  	p0 =	sne.s32 s0, $0x0;
	_ =	strace $0x90000047  }
0x4e: {  	s0 =	sadd.s32 @!p0 $0x100000, s1;
	[bflag:$0x2] =	sbarrier.arrive $0xFFFF  }
0x4f: {  	[sflag:s0] =	ssyncadd.tile.s32 @!p0 $0x1;
	_ =	shalt  }
.Lfunc_end1:
_tile_overlayer_lowered:
.L_overlay_start_2:
0x50: {  	(tag) =	ssettag $0x2  }
0x51: {  	s0 =	rddreg [dreg:$0x0];
	s2 =	stileid.u32  }
0x52: {  	s1 =	rddreg [dreg:$0x1];
	p0 =	sne.s32 s2, $0x0  }
0x53: {  	s3 =	rddreg [dreg:$0x2];
	[bflag:$0x3] =	sbarrier.arrive $0xFFFF;
	s2 =	simm.s32 @!p0 $0x1C01  }
0x54: {  	[timem:s3], [sflag:s2] =	dma.local @!p0 [hbm:s0], s1  }
0x55: {  	s0 =	simm.s32 @!p0 $0x1  }
0x56: {  	_ =	swait.ge @!p0 [sflag:s0], s1  }
0x57: {  	s1 =	ssub.s32 @!p0 $0x0, s1;
	[sflag:s0] =	ssyncset.done @!p0 $0x0  }
0x58: {  	[sflag:s0] =	ssyncadd.s32 @!p0 s1  }
0x59: {  	[bflag:$0x3] =	sbarrier.arrive $0xFFFF  }
0x5a: {  	_ =	shalt  }

// kernel: sparse-core-data-format-call.cloned.1.call-start
scs
called_computation_lowered:
.L_overlay_start_0:
0x0: {  	s2 =	sld [smem:$0x3FD9]  }
0x1: {  	s3 =	sld [smem:$0x3FFE];
	_ =	sdelay $0x1  }
0x2: {  	s1 =	srdreg.scid  }
0x3: {  	s0 =	sand.u32 $0x1, s1  }
0x4: {  	s18 =	sshll.u32 s0, $0xA;
	s2 =	sadd.s32 s3, s2  }
0x5: {  	s2 =	sadd.s32 s2, s18  }
0x6: {  	[smem:$0x3FC5] =	sst s2  }
0x7: {  	_ = 	snop  }
0x8: {  	s19 =	sld [smem:$0x3FC8];
	(tm) =	ssettm $0x1  }
0x9: {  	s20 =	sld [smem:$0x3FFB];
	_ =	sdelay $0x3  }
0xa: {  	_ =	strace s20  }
0xb: {  	s2 =	sld [smem:$0x3FFC];
	_ =	sdelay $0x3  }
0xc: {  	_ =	strace s2  }
0xd: {  	s2 =	sld [smem:$0x3FFD];
	_ =	sdelay $0x3  }
0xe: {  	_ =	strace s2  }
0xf: {  	_ =	strace $0x8FFFFFFF  }
0x10: {  	s21 =	sld [smem:$0x3FDB];
	_ =	sdelay $0x1  }
0x11: {  	s4 =	simm.s32 $_scs_section_size  }
0x12: {  	s5 =	simm.s32 $_size__tile_overlayer_lowered;
	s6 =	simm.s32 $_tile_overlayer_lowered  }
0x13: {  	s7 =	simm.s32 $0x1BFF;
	s22 =	sshll.u32 s6, $0x1;
	s4 =	sadd.s32 s4, s21  }
0x14: {  	s23 =	simm.s32 $0x0;
	s5 =	sshll.u32 s5, $0x1;
	s6 =	sadd.s32 s22, s4  }
0x15: {  	[timem:s23], [sflag:s7] =	dma.local [hbm:s6], s5  }
0x16: {  	_ =	swait.ge [sflag:s7], s5  }
0x17: {  	s5 =	ssub.s32 $0x0, s5;
	[sflag:s7] =	ssyncset.done $0x0  }
0x18: {  	[sflag:s7] =	ssyncadd.s32 s5;
	_ =	sdelay $0x1  }
0x19: {  	s24 =	simm.s32 $0x1B8B  }
0x1a: {  	_ =	swait.ge [sflag:s24], $0x1  }
0x1b: {  	[sflag:s24] =	ssyncset.done $0x0  }
0x1c: {  	[sflag:s24] =	ssyncadd.s32 $0xFFFFFFFF  }
0x1d: {  	s5 =	sld [smem:$0x0]  }
0x1e: {  	s6 =	sand.u32 $0xFFFFFFFE, s1  }
0x1f: {  	p0 =	sne.s32 s1, s6  }
0x20: {  	s6 =	sshll.u32 @p0 s6, $0xE  }
0x21: {  	s6 =	sadd.s32 @p0 $0x11B8D, s6;
	s7 =	sshll.u32 @p0 s5, $0x11  }
0x22: {  	s6 =	sor.u32 @p0 s7, s6  }
0x23: {  	[sflag:s6] =	ssyncadd.remote.s32 @p0 $0x1;
	_ =	sdelay $0x1  }
0x24: {  	s6 =	simm.s32 @p0 $0x1B8D  }
0x25: {  	_ =	swait.eq @p0 [sflag:s6], $0x1  }
0x26: {  	[sflag:s6] =	ssyncadd.s32 @p0 $0xFFFFFFFF  }
0x27: {  	s7 =	sshll.u32 @!p0 s1, $0xE  }
0x28: {  	s7 =	sor.u32 @!p0 $0x4000, s7;
	s6 =	simm.s32 @!p0 $0x1B8D  }
0x29: {  	s5 =	sshll.u32 @!p0 s5, $0x11;
	s7 =	sadd.s32 @!p0 $0x11B8D, s7;
	_ =	swait.eq @!p0 [sflag:s6], $0x1  }
0x2a: {  	s5 =	sor.u32 @!p0 s5, s7;
	[sflag:s6] =	ssyncadd.s32 @!p0 $0xFFFFFFFF  }
0x2b: {  	s26 =	simm.s32 $0x1B8E;
	s25 =	sld [smem:$0x3FFE];
	[sflag:s5] =	ssyncadd.remote.s32 @!p0 $0x1  }
0x2c: {  	s27 =	simm.s32 $execute0_lowered;
	[smem:$0x3FD2] =	sst s26  }
0x2d: {  	s6 =	sshll.u32 s27, $0x1;
	_ =	strace $0x80000049;
	[dreg:$0x1] =	wrdreg $0xFFFFFFFF  }
0x2e: {  	s28 =	simm.s32 $_size_execute0_lowered;
	s4 =	sadd.s32 s4, s6;
	[dreg:$0x0] =	wrdreg $0x0  }
0x2f: {  	s6 =	sshll.u32 s28, $0x1;
	[dreg:$0x2] =	wrdreg s4  }
0x30: {  	[dreg:$0x3] =	wrdreg s6  }
0x31: {  	[dreg:$0x4] =	wrdreg $0xC0  }
0x32: {  	_ =	task [dreg:s23], $0x5FFFF  }
0x33: {  	[dreg:$0x1] =	wrdreg $0xFFFFFFFF  }
0x34: {  	[dreg:$0x0] =	wrdreg $0x60  }
0x35: {  	[dreg:$0x2] =	wrdreg s19  }
0x36: {  	[dreg:$0x3] =	wrdreg s25  }
0x37: {  	[dreg:$0x4] =	wrdreg $0x9  }
0x38: {  	_ =	task.clear_ibuf [dreg:s23], $0x5FFFF;
	_ =	strace $0x90000049  }
0x39: {  	s29 =	simm.s32 $0x9;
	_ =	strace $0x8000004B  }
0x3a: {  	_ =	swait.ge [sflag:s29], $0x1  }
0x3b: {  	[sflag:s29] =	ssyncadd.s32 $0xFFFFFFFF  }
0x3c: {  	_ =	strace $0x9000004B  }
0x3d: {  	_ =	sfence  }
0x3e: {  	s30 =	sld [smem:$0x0];
	_ =	sdelay $0x2  }
0x3f: {  	s31 =	sshll.u32 s1, $0xD;
	s1 =	sshrl.u32 s1, $0x2  }
0x40: {  	s4 =	sand.u32 $0x4000, s31;
	s1 =	sadd.s32 s1, s30  }
0x41: {  	s0 =	sor.u32 s4, s0;
	s1 =	sshll.u32 s1, $0x11  }
0x42: {  	s0 =	sor.u32 s1, s0  }
0x43: {  	s0 =	sadd.s32 $0x8F2B, s0  }
0x44: {  	[sflag:s0] =	ssyncadd.remote.s32 $0x1  }
0x45: {  	_ =	sfence.sel $0xFFFF  }
0x46: {  	[dreg:$0x0] =	wrdreg $0xFFFFFFFF;
	(pc) =	sbr.abs _section_cstart, $3  }
0x47: {  	[dreg:$0x1] =	wrdreg $0xFFFFFFFF  }
0x48: {  	_ =	task.clear_ibuf [dreg:s23], $0x2FFFF;
	_ =	strace $0x9FFFFFFF  }
0x49: {  	(tm) =	ssettm $0x7FFFFFFF  }
tec
execute0_lowered:
.L_overlay_start_1:
0x0: {  	(tag) =	ssettag $0x1  }
0x1: {  	s0 =	srdreg.scid  }
0x2: {  	s1 =	sshll.u32 s0, $0x4  }
0x3: {  	s2 =	rddreg [dreg:$0x0];
	s0 =	stileid.u32;
	s1 =	sand.u32 $0x10, s1  }
0x4: {  	s4 =	rddreg [dreg:$0x1];
	s7 =	simm.s32 $0x1;
	s1 =	sor.u32 s0, s1  }
0x5: {  	s8 =	simm.s32 $0x2;
	s9 =	simm.s32 $0x0;
	s3 =	sshll.u32 s1, $0x2  }
0x6: {  	s12 =	simm.s32 $0x0;
	s11 =	simm.s32 $0x0;
	s6 =	ssub.s32 $0x1000, s3  }
.Ltmp0:
0x7: {  	s4 =	sadd.s32 $0x201800, s4;
	s5 =	sand.u32 $0x7C, s6;
	(pc) =	sbr.rel .LBB1_1-.Ltmp0, $4  }
0x8: {  	s1 =	rddreg [dreg:$0x2];
	_ =	strace $0x8000004A;
	p0 =	sne.s32 s5, $0x0  }
0x9: {  	s6 =	sshrl.u32 s6, $0x7;
	s5 =	simm.s32 $0x1;
	s7 =	simm.s32 @!p0 $0x0  }
0xa: {  	s10 =	smov.u32 s3;
	[sflag:s5] =	ssyncpa.u1 $0x0;
	s6 =	sadd.s32 s7, s6  }
0xb: {  	[sflag:s8] =	ssyncpa.u1 $0x0;
	s8 =	simm.s32 $0x0;
	s7 =	sadd.s32 $0x1, s6  }
.LBB1_9:
0xc: {  	s14 =	sadd.s32 $0x80, s10  }
0xd: {  	p1 =	sgt.s32 s14, $0xFFF  }
0xe: {  	s14 =	smov.u32 @p1 s3;
	p1 =	sne.s32 s11, s7  }
.Ltmp1:
0xf: {  	p0 =	slt.u32 s11, $0x2;
	(pc) =	sbr.rel @!p1 .LBB1_10-.Ltmp1, $4  }
0x10: {  	s13 =	simm.s32 @!p0 $0x2  }
0x11: {  	s15 =	sadd.s32 $0x1, s11;
	_ =	swait.ge @!p0 [sflag:s13], $0x4000  }
0x12: {  	s12 =	smov.u32 s10;
	s9 =	sadd.s32 $0x4000, s9;
	[sflag:s13] =	ssyncset.done @!p0 $0x0  }
0x13: {  	s11 =	smov.u32 s15;
	s10 =	smov.u32 s14;
	[sflag:s13] =	ssyncadd.s32 @!p0 $0xFFFFC000  }
.LBB1_1:
0x14: {  	p0 =	sge.u32 s11, s6  }
0x15: {  	s13 =	sxor.u32 @!p0 $0xFFFFFFFF, s11  }
0x16: {  	s31 =	sadd.s32 $0xFFFFFFFF, s11;
	s14 =	sshll.u32 @!p0 s10, $0x9;
	s13 =	sshll.u32 @!p0 s13, $0xE  }
0x17: {  	s15 =	simm.s32 @!p0 $0x0;
	s14 =	sadd.s32 @!p0 s2, s14;
	s13 =	sand.u32 @!p0 $0x4000, s13  }
0x18: {  	[tilespmem:s13], [sflag:$0x1] =	stream.linear.gather @!p0 [hbm4b:s14+s15], $0x4000, $0x38;
	[tilespmem:$0x10000] =	vst v63  }
0x19: {  	p0 =	sge.u32 s31, s6  }
.Ltmp2:
0x1a: {  	_ = 	snop;
	(pc) =	sbr.rel @p0 .LBB1_9-.Ltmp2, $1  }
0x1b: {  	_ =	sdelay $0x3  }
0x1c: {  	s14 =	sand.u32 $0x4000, s9  }
0x1d: {  	_ =	swait.ge [sflag:s5], $0x4000;
	s15 =	sshll.u32 s11, $0xE;
	s16 =	simm.s32 $0x0  }
0x1e: {  	s13 =	sor.u32 $0x40, s14;
	[sflag:s5] =	ssyncset.done $0x0;
	s15 =	sand.u32 $0x4000, s15  }
0x1f: {  	s14 =	sor.u32 $0x8040, s14;
	[sflag:s5] =	ssyncadd.s32 $0xFFFFC000;
	s15 =	sor.u32 $0x8000, s15  }
.LBB1_3:
0x20: {  	s17 =	smov.u32 s14;
	s18 =	smov.u32 s13;
	s19 =	simm.s32 $0x0  }
.LBB1_4:
0x21: {  	v0 =	vmov s17;
	v2 =	vld [tilespmem:s18+$0x30]  }
0x22: {  	v4 =	vld [tilespmem:s18+$0xFFFFFFD0]  }
0x23: {  	v6 =	vld [tilespmem:s18+$0xFFFFFFE0]  }
0x24: {  	v7 =	vld [tilespmem:s18+$0xFFFFFFF0]  }
0x25: {  	s20 =	simm.s32 $0x0;
	v1 =	vld [tilespmem:s18+$0x0]  }
0x26: {  	v3 =	vld [tilespmem:s18+$0x10];
	[tilespmem:v0+s20+$0x30 ss:$0x1] =	vst.idx.msk $0xffff, v2  }
0x27: {  	v5 =	vld [tilespmem:s18+$0x20];
	[tilespmem:v0+s20+$0xFFFFFFD0 ss:$0x1] =	vst.idx.msk $0xffff, v4  }
0x28: {  	s21 =	sadd.s32 $0x80, s18;
	v2 =	vld [tilespmem:s18+$0xFFFFFFC0];
	[tilespmem:v0+s20+$0xFFFFFFE0 ss:$0x1] =	vst.idx.msk $0xffff, v6  }
0x29: {  	s22 =	simm.s32 $0x800;
	s23 =	simm.s32 $0x1000;
	v4 =	vld [tilespmem:s21+$0x30];
	[tilespmem:v0+s20+$0xFFFFFFF0 ss:$0x1] =	vst.idx.msk $0xffff, v7  }
.LBB1_5:
0x2a: {  	p0 =	sne.s32 s23, $0x3800;
	v6 =	vld [tilespmem:s21+$0xFFFFFFD0];
	[tilespmem:v0+s20+$0x0 ss:$0x1] =	vst.idx.msk $0xffff, v1  }
0x2b: {  	v7 =	vld [tilespmem:s21+$0xFFFFFFE0];
	[tilespmem:v0+s20+$0x10 ss:$0x1] =	vst.idx.msk $0xffff, v3  }
0x2c: {  	v8 =	vld [tilespmem:s21+$0xFFFFFFF0];
	[tilespmem:v0+s20+$0x20 ss:$0x1] =	vst.idx.msk $0xffff, v5  }
.Ltmp3:
0x2d: {  	v1 =	vld [tilespmem:s21+$0x0];
	[tilespmem:v0+s20+$0xFFFFFFC0 ss:$0x1] =	vst.idx.msk $0xffff, v2;
	s20 =	sshra.s32 s22, $0x2;
	s22 =	smov.u32 s23;
	(pc) =	sbr.rel @p0 .LBB1_5-.Ltmp3, $4  }
0x2e: {  	v3 =	vld [tilespmem:s21+$0x10];
	[tilespmem:v0+s20+$0x30 ss:$0x1] =	vst.idx.msk $0xffff, v4  }
0x2f: {  	[tilespmem:v0+s20+$0xFFFFFFD0 ss:$0x1] =	vst.idx.msk $0xffff, v6;
	v5 =	vld [tilespmem:s21+$0x20]  }
0x30: {  	v2 =	vld [tilespmem:s21+$0xFFFFFFC0];
	[tilespmem:v0+s20+$0xFFFFFFE0 ss:$0x1] =	vst.idx.msk $0xffff, v7;
	s21 =	sadd.s32 $0x80, s21  }
0x31: {  	s23 =	sadd.s32 $0x800, s23;
	v4 =	vld [tilespmem:s21+$0x30];
	[tilespmem:v0+s20+$0xFFFFFFF0 ss:$0x1] =	vst.idx.msk $0xffff, v8  }
0x32: {  	_ =	sdelay $0x3  }
0x33: {  	v6 =	vld [tilespmem:s21+$0xFFFFFFD0];
	[tilespmem:v0+s20+$0x0 ss:$0x1] =	vst.idx.msk $0xffff, v1  }
0x34: {  	v58 =	vld [tilespmem:s21+$0xFFFFFFE0];
	[tilespmem:v0+s20+$0x10 ss:$0x1] =	vst.idx.msk $0xffff, v3  }
0x35: {  	v59 =	vld [tilespmem:s21+$0xFFFFFFF0];
	[tilespmem:v0+s20+$0x20 ss:$0x1] =	vst.idx.msk $0xffff, v5  }
0x36: {  	s22 =	sshra.s32 s22, $0x2;
	v60 =	vld [tilespmem:s21+$0x0];
	[tilespmem:v0+s20+$0xFFFFFFC0 ss:$0x1] =	vst.idx.msk $0xffff, v2  }
0x37: {  	v61 =	vld [tilespmem:s21+$0x10];
	[tilespmem:v0+s22+$0x30 ss:$0x1] =	vst.idx.msk $0xffff, v4  }
0x38: {  	v62 =	vld [tilespmem:s21+$0x20];
	s19 =	sadd.s32 $0x1, s19;
	[tilespmem:v0+s22+$0xFFFFFFD0 ss:$0x1] =	vst.idx.msk $0xffff, v6  }
0x39: {  	v63 =	vld [tilespmem:s21+$0xFFFFFFC0];
	p0 =	sne.s32 s19, $0x4;
	[tilespmem:v0+s22+$0xFFFFFFE0 ss:$0x1] =	vst.idx.msk $0xffff, v58  }
.Ltmp4:
0x3a: {  	[tilespmem:v0+s22+$0xFFFFFFF0 ss:$0x1] =	vst.idx.msk $0xffff, v59;
	(pc) =	sbr.rel @p0 .LBB1_4-.Ltmp4, $4  }
0x3b: {  	[tilespmem:v0+s22+$0x0 ss:$0x1] =	vst.idx.msk $0xffff, v60  }
0x3c: {  	[tilespmem:v0+s22+$0x10 ss:$0x1] =	vst.idx.msk $0xffff, v61  }
0x3d: {  	[tilespmem:v0+s22+$0x20 ss:$0x1] =	vst.idx.msk $0xffff, v62  }
0x3e: {  	s18 =	sadd.s32 $0x400, s18;
	s17 =	sadd.s32 $0x80, s17;
	[tilespmem:v0+s22+$0xFFFFFFC0 ss:$0x1] =	vst.idx.msk $0xffff, v63  }
0x3f: {  	s16 =	sadd.s32 $0x1, s16  }
0x40: {  	p0 =	sne.s32 s16, $0x4  }
.Ltmp5:
0x41: {  	_ = 	snop;
	(pc) =	sbr.rel @p0 .LBB1_3-.Ltmp5, $2  }
0x42: {  	_ =	sdelay $0x2  }
0x43: {  	s13 =	sadd.s32 $0x1000, s13;
	s14 =	sadd.s32 $0x1000, s14  }
.Ltmp6:
0x44: {  	(pc) =	sbr.rel .LBB1_9-.Ltmp6, $4  }
0x45: {  	_ = 	snop  }
0x46: {  	s12 =	sshll.u32 s12, $0x9  }
0x47: {  	s12 =	sadd.s32 s4, s12  }
0x48: {  	[hbm4b:s12+s8] =	stream.linear.scatter [tilespmem:s15], [sflag:$0x2], $0x4000, $0x38;
	[tilespmem:$0x10000] =	vst v63  }
.LBB1_10:
0x49: {  	_ =	sfence.sel $0x180000  }
0x4a: {  	s2 =	simm.s32 $0x1;
	[bflag:$0x0] =	sbarrier.arrive $0xFFFF  }
0x4b: {  	s31 =	simm.s32 $0x2;
	[sflag:s2] =	ssyncpa.u1 $0x1  }
0x4c: {  	[sflag:s31] =	ssyncpa.u1 $0x1  }
0x4d: {  	p0 =	sne.s32 s0, $0x0;
	_ =	strace $0x9000004A  }
0x4e: {  	s0 =	sadd.s32 @!p0 $0x100000, s1;
	[bflag:$0x2] =	sbarrier.arrive $0xFFFF  }
0x4f: {  	[sflag:s0] =	ssyncadd.tile.s32 @!p0 $0x1;
	_ =	shalt  }
.Lfunc_end1:
_tile_overlayer_lowered:
.L_overlay_start_2:
0x50: {  	(tag) =	ssettag $0x2  }
0x51: {  	s0 =	rddreg [dreg:$0x0];
	s2 =	stileid.u32  }
0x52: {  	s1 =	rddreg [dreg:$0x1];
	p0 =	sne.s32 s2, $0x0  }
0x53: {  	s3 =	rddreg [dreg:$0x2];
	[bflag:$0x3] =	sbarrier.arrive $0xFFFF;
	s2 =	simm.s32 @!p0 $0x1C01  }
0x54: {  	[timem:s3], [sflag:s2] =	dma.local @!p0 [hbm:s0], s1  }
0x55: {  	s0 =	simm.s32 @!p0 $0x1  }
0x56: {  	_ =	swait.ge @!p0 [sflag:s0], s1  }
0x57: {  	s1 =	ssub.s32 @!p0 $0x0, s1;
	[sflag:s0] =	ssyncset.done @!p0 $0x0  }
0x58: {  	[sflag:s0] =	ssyncadd.s32 @!p0 s1  }
0x59: {  	[bflag:$0x3] =	sbarrier.arrive $0xFFFF  }
0x5a: {  	_ =	shalt  }

</sc_bundles>
